<compile_context>
chip_gen: v7x
topology: tpu7x:2x2x1
jax: 0.10.2.dev20260603
libtpu: 0.0.44.dev20260713+nightly
codegen_flags: <defaults>
</compile_context>

<pallas_src>
import functools

import jax
import jax.numpy as jnp
from jax import lax
from jax.experimental import pallas as pl
from jax.experimental.pallas import tpu as pltpu
from jax.experimental.pallas import tpu_sc as plsc

_WIN = 256
_NBUF = 4


def _make_pool(B, L, D):
    info = plsc.get_sparse_core_info()
    NC, NS, LN = info.num_cores, info.num_subcores, info.num_lanes
    NW = NC * NS
    bpw = B // NW
    rpw = bpw * L
    CH, NBUF = _WIN, _NBUF
    nstr = CH // LN
    nch = rpw // CH
    ngrp = nch // NBUF
    nvec = D // LN
    mesh = plsc.VectorSubcoreMesh(core_axis_name="c", subcore_axis_name="s")

    @functools.partial(
        pl.kernel,
        mesh=mesh,
        compiler_params=pltpu.CompilerParams(use_tc_tiling_on_sc=False),
        out_type=jax.ShapeDtypeStruct((B, D), jnp.float32),
        scratch_types=[
            pltpu.VMEM((nch, 1, CH), jnp.int32),
            pltpu.VMEM((1, 1, CH), jnp.int32),
            pltpu.VMEM((NBUF, CH, D), jnp.float32),
            pltpu.VMEM((bpw, D), jnp.float32),
            pltpu.VMEM_SHARED((NS * bpw, D), jnp.float32),
            pltpu.SemaphoreType.DMA((NBUF,)),
            pltpu.SemaphoreType.DMA((NBUF,)),
            pltpu.SemaphoreType.DMA,
        ],
    )
    def pool(x_hbm, dst_hbm, emb_hbm, out_hbm,
             idx_v, dst_v, rows_v, zero_v, acc, gsem, ssem, csem):
        cid = lax.axis_index("c")
        sid = lax.axis_index("s")
        wid = sid * NC + cid

        cp0 = pltpu.async_copy(x_hbm.at[wid], idx_v, csem)
        cp1 = pltpu.async_copy(dst_hbm.at[sid], dst_v, csem)

        zero = jnp.zeros((LN,), jnp.float32)

        def zbody(r, carry):
            for k in range(nvec):
                zero_v[r, pl.ds(LN * k, LN)] = zero
            return carry

        lax.fori_loop(0, bpw, zbody, 0)
        pltpu.sync_copy(zero_v, acc.at[pl.ds(sid * bpw, bpw)])
        cp0.wait()
        cp1.wait()

        def issue_window(c, b):
            for j in range(nstr):
                iv = idx_v[c, 0, pl.ds(LN * j, LN)]
                pltpu.async_copy(
                    emb_hbm.at[iv], rows_v.at[b, pl.ds(LN * j, LN)],
                    gsem.at[b])

        def drain_window(c, b):
            pltpu.make_async_copy(
                emb_hbm.at[idx_v.at[c, 0]], rows_v.at[b], gsem.at[b]).wait()

        for b in range(NBUF):
            issue_window(b, b)

        def grp(g, carry):
            c0 = g * NBUF
            cps = []
            for b in range(NBUF):
                drain_window(c0 + b, b)
                cps.append(pltpu.async_copy(
                    rows_v.at[b], acc.at[dst_v.at[0, 0]], ssem.at[b],
                    add=True))
            for b in range(NBUF):
                cps[b].wait()

                @pl.when(g < ngrp - 1)
                def _():
                    issue_window(c0 + NBUF + b, b)
            return carry

        lax.fori_loop(0, ngrp, grp, 0)
        pltpu.sync_copy(acc.at[pl.ds(sid * bpw, bpw)],
                        out_hbm.at[pl.ds(wid * bpw, bpw)])

    return pool


def _head(pooled, W, b2, scale):
    B, D = pooled.shape
    OUT = W.shape[1]

    def body(p_ref, w_ref, b_ref, o_ref):
        h = jnp.maximum(p_ref[...] * scale, 0.0)
        o_ref[...] = lax.dot_general(
            h, w_ref[...], (((1,), (0,)), ((), ())),
            preferred_element_type=jnp.float32) + b_ref[...]

    return pl.pallas_call(
        body,
        out_shape=jax.ShapeDtypeStruct((B, OUT), jnp.float32),
    )(pooled, W, b2)


def kernel(x, emb, W, b):
    B, L = x.shape
    D = emb.shape[1]
    info = plsc.get_sparse_core_info()
    NC, NS = info.num_cores, info.num_subcores
    NW = NC * NS
    bpw = B // NW
    rep = _WIN // bpw
    nch = bpw * L // _WIN

    x32 = (x.astype(jnp.int32).reshape(NW, bpw, L)
           .transpose(0, 2, 1).reshape(NW, nch, 1, _WIN))
    local = jnp.tile(jnp.arange(bpw, dtype=jnp.int32), rep)[None, None, :]
    dst = local + (jnp.arange(NS, dtype=jnp.int32) * bpw)[:, None, None, None]

    pooled = _make_pool(B, L, D)(x32, dst, emb)
    return _head(pooled, W, b.reshape(1, -1), 1.0 / L)

# --- scband reference (transcript-rebuilt; emitter-appended) ---
"""Pipeline reference for scband-fasttext-46797963657486 (READ-ONLY COPY).

The authoritative reference and input builder live on the scoring server;
editing this copy changes nothing except your own understanding.
"""

import jax, jax.numpy as jnp
import numpy as np

B, L = 4096, 200
VOCAB = 1000000
D = 64
OUT = 2

def setup_inputs(seed: int = 0) -> dict:
    key = jax.random.key(seed)
    k1, k2, k3, k4 = jax.random.split(key, 4)
    x = jax.random.randint(k1, (B, L), 0, VOCAB, dtype=jnp.int64)
    emb = jax.random.normal(k2, (VOCAB, D), dtype=jnp.float32) * 0.02
    W = jax.random.normal(k3, (D, OUT), dtype=jnp.float32) * 0.1
    b = jnp.zeros((OUT,), dtype=jnp.float32)
    return {"x": x, "emb": emb, "W": W, "b": b}

def reference(x, emb, W, b):
    # Embedding lookup: [B, L, D]
    out = jnp.take(emb, x, axis=0)
    # Mean over sequence dim
    out = jnp.mean(out, axis=1)
    # Dropout in eval mode = identity
    out = jax.nn.relu(out)
    # Linear label layer
    out = out @ W + b
    return out

if __name__ == "__main__":
    import jax
    _d = setup_inputs()
    print(jax.jit(kernel)(*tuple(_d.values())))

</pallas_src>

<mosaic_0001>
#map = affine_map<(d0, d1) -> (0, 0, 0, 0)>
#map1 = affine_map<(d0, d1) -> (0, 0)>
module attributes {stable_mosaic.version = 14 : i64} {
  func.func @pool(%arg0: i32, %arg1: i32, %arg2: memref<32x100x1x256xi32, #tpu.memory_space<hbm>>, %arg3: memref<16x1x1x256xi32, #tpu.memory_space<hbm>>, %arg4: memref<1000000x64xf32, #tpu.memory_space<hbm>>, %arg5: memref<4096x64xf32, #tpu.memory_space<hbm>>, %arg6: memref<100x1x256xi32, #tpu.memory_space<vmem>>, %arg7: memref<1x1x256xi32, #tpu.memory_space<vmem>>, %arg8: memref<4x256x64xf32, #tpu.memory_space<vmem>>, %arg9: memref<128x64xf32, #tpu.memory_space<vmem>>, %arg10: memref<2048x64xf32, #tpu.memory_space<vmem_shared>>, %arg11: memref<4x!tpu.dma_semaphore, #tpu.memory_space<semaphore_mem>>, %arg12: memref<4x!tpu.dma_semaphore, #tpu.memory_space<semaphore_mem>>, %arg13: memref<!tpu.dma_semaphore, #tpu.memory_space<semaphore_mem>>) attributes {dimension_semantics = [#tpu.dimension_semantics<core_parallel>, #tpu.dimension_semantics<subcore_parallel>], iteration_bounds = array<i64: 2, 16>, scalar_prefetch = 0 : i64, scratch_operands = 8 : i64, tpu.core_type = #tpu.core_type<sc_vector_subcore>, window_params = [{transform_indices = #map}, {transform_indices = #map}, {transform_indices = #map1}, {transform_indices = #map1}]} {
    %mul3A = arith.constant 2 : i32
    %mul3A_0 = arith.muli %arg1, %mul3A : i32
    %add3A = arith.addi %mul3A_0, %arg0 : i32
    %dma_start3A = arith.constant 0 : i32
    %dma_start3A_1 = arith.constant 0 : i32
    %dma_start3A_2 = arith.constant 0 : i32
    %dma_start3A_3 = tpu.memref_slice %arg2[%add3A, %dma_start3A, %dma_start3A_1, %dma_start3A_2] : memref<32x100x1x256xi32, #tpu.memory_space<hbm>> -> memref<1x100x1x256xi32, #tpu.memory_space<hbm>>
    %dma_start3A_4 = tpu.memref_squeeze %dma_start3A_3 : memref<1x100x1x256xi32, #tpu.memory_space<hbm>> -> memref<100x1x256xi32, #tpu.memory_space<hbm>>
    %dma_start3A_5 = arith.constant 0 : i32
    %dma_start3A_6 = arith.constant 0 : i32
    %dma_start3A_7 = arith.constant 0 : i32
    %dma_start3A_8 = tpu.memref_slice %arg2[%add3A, %dma_start3A_5, %dma_start3A_6, %dma_start3A_7] : memref<32x100x1x256xi32, #tpu.memory_space<hbm>> -> memref<1x100x1x256xi32, #tpu.memory_space<hbm>>
    %dma_start3A_9 = tpu.memref_squeeze %dma_start3A_8 : memref<1x100x1x256xi32, #tpu.memory_space<hbm>> -> memref<100x1x256xi32, #tpu.memory_space<hbm>>
    tpu.enqueue_dma source(%dma_start3A_9 : memref<100x1x256xi32, #tpu.memory_space<hbm>>) target(%arg6 : memref<100x1x256xi32, #tpu.memory_space<vmem>>) target_semaphore(%arg13 : memref<!tpu.dma_semaphore, #tpu.memory_space<semaphore_mem>>)
    %dma_start3A_10 = arith.constant 0 : i32
    %dma_start3A_11 = arith.constant 0 : i32
    %dma_start3A_12 = arith.constant 0 : i32
    %dma_start3A_13 = tpu.memref_slice %arg3[%arg1, %dma_start3A_10, %dma_start3A_11, %dma_start3A_12] : memref<16x1x1x256xi32, #tpu.memory_space<hbm>> -> memref<1x1x1x256xi32, #tpu.memory_space<hbm>>
    %dma_start3A_14 = tpu.memref_squeeze %dma_start3A_13 : memref<1x1x1x256xi32, #tpu.memory_space<hbm>> -> memref<1x1x256xi32, #tpu.memory_space<hbm>>
    %dma_start3A_15 = arith.constant 0 : i32
    %dma_start3A_16 = arith.constant 0 : i32
    %dma_start3A_17 = arith.constant 0 : i32
    %dma_start3A_18 = tpu.memref_slice %arg3[%arg1, %dma_start3A_15, %dma_start3A_16, %dma_start3A_17] : memref<16x1x1x256xi32, #tpu.memory_space<hbm>> -> memref<1x1x1x256xi32, #tpu.memory_space<hbm>>
    %dma_start3A_19 = tpu.memref_squeeze %dma_start3A_18 : memref<1x1x1x256xi32, #tpu.memory_space<hbm>> -> memref<1x1x256xi32, #tpu.memory_space<hbm>>
    tpu.enqueue_dma source(%dma_start3A_19 : memref<1x1x256xi32, #tpu.memory_space<hbm>>) target(%arg7 : memref<1x1x256xi32, #tpu.memory_space<vmem>>) target_semaphore(%arg13 : memref<!tpu.dma_semaphore, #tpu.memory_space<semaphore_mem>>)
    %broadcast_in_dim3A = arith.constant 0.000000e+00 : f32
    %broadcast_in_dim3A_20 = vector.broadcast %broadcast_in_dim3A : f32 to vector<16xf32>
    %scan3A = arith.constant 0 : i32
    %scan3A_21 = arith.constant 0 : i32
    %scan3A_22 = arith.constant 128 : i32
    %scan3A_23 = arith.addi %scan3A_21, %scan3A_22 : i32
    %scan3A_24 = arith.constant 1 : i32
    scf.for %scan3A_1208 = %scan3A_21 to %scan3A_23 step %scan3A_24  : i32 {
      %swap3A = arith.index_cast %scan3A_1208 : i32 to index
      %swap3A_1209 = arith.constant 0 : index
      %swap3A_1210 = tpu.vector_load %arg9[%swap3A, %swap3A_1209] {strides = array<i32>} : memref<128x64xf32, #tpu.memory_space<vmem>>, vector<1x16xf32>,
      %swap3A_1211 = vector.shape_cast %swap3A_1210 : vector<1x16xf32> to vector<16xf32>
      %swap3A_1212 = vector.shape_cast %broadcast_in_dim3A_20 : vector<16xf32> to vector<1x16xf32>
      tpu.vector_store %arg9[%swap3A, %swap3A_1209], %swap3A_1212 {strides = array<i32>} : memref<128x64xf32, #tpu.memory_space<vmem>>, vector<1x16xf32>,
      %swap3A_1213 = arith.index_cast %scan3A_1208 : i32 to index
      %swap3A_1214 = arith.constant 16 : index
      %swap3A_1215 = tpu.vector_load %arg9[%swap3A_1213, %swap3A_1214] {strides = array<i32>} : memref<128x64xf32, #tpu.memory_space<vmem>>, vector<1x16xf32>,
      %swap3A_1216 = vector.shape_cast %swap3A_1215 : vector<1x16xf32> to vector<16xf32>
      %swap3A_1217 = vector.shape_cast %broadcast_in_dim3A_20 : vector<16xf32> to vector<1x16xf32>
      tpu.vector_store %arg9[%swap3A_1213, %swap3A_1214], %swap3A_1217 {strides = array<i32>} : memref<128x64xf32, #tpu.memory_space<vmem>>, vector<1x16xf32>,
      %swap3A_1218 = arith.index_cast %scan3A_1208 : i32 to index
      %swap3A_1219 = arith.constant 32 : index
      %swap3A_1220 = tpu.vector_load %arg9[%swap3A_1218, %swap3A_1219] {strides = array<i32>} : memref<128x64xf32, #tpu.memory_space<vmem>>, vector<1x16xf32>,
      %swap3A_1221 = vector.shape_cast %swap3A_1220 : vector<1x16xf32> to vector<16xf32>
      %swap3A_1222 = vector.shape_cast %broadcast_in_dim3A_20 : vector<16xf32> to vector<1x16xf32>
      tpu.vector_store %arg9[%swap3A_1218, %swap3A_1219], %swap3A_1222 {strides = array<i32>} : memref<128x64xf32, #tpu.memory_space<vmem>>, vector<1x16xf32>,
      %swap3A_1223 = arith.index_cast %scan3A_1208 : i32 to index
      %swap3A_1224 = arith.constant 48 : index
      %swap3A_1225 = tpu.vector_load %arg9[%swap3A_1223, %swap3A_1224] {strides = array<i32>} : memref<128x64xf32, #tpu.memory_space<vmem>>, vector<1x16xf32>,
      %swap3A_1226 = vector.shape_cast %swap3A_1225 : vector<1x16xf32> to vector<16xf32>
      %swap3A_1227 = vector.shape_cast %broadcast_in_dim3A_20 : vector<16xf32> to vector<1x16xf32>
      tpu.vector_store %arg9[%swap3A_1223, %swap3A_1224], %swap3A_1227 {strides = array<i32>} : memref<128x64xf32, #tpu.memory_space<vmem>>, vector<1x16xf32>,
    }
    %scan3A_25 = arith.constant 128 : i32
    %mul3A_26 = arith.constant 128 : i32
    %mul3A_27 = arith.muli %arg1, %mul3A_26 : i32
    "tpu.region"() ({
      %run_scoped3A = tpu.sem_alloc : memref<!tpu.dma_semaphore, #tpu.memory_space<semaphore_mem>>
      %dma_start3A_1208 = arith.constant 0 : i32
      %dma_start3A_1209 = tpu.memref_slice %arg10[%mul3A_27, %dma_start3A_1208] : memref<2048x64xf32, #tpu.memory_space<vmem_shared>> -> memref<128x64xf32, #tpu.memory_space<vmem_shared>>
      %dma_start3A_1210 = arith.constant 0 : i32
      %dma_start3A_1211 = tpu.memref_slice %arg10[%mul3A_27, %dma_start3A_1210] : memref<2048x64xf32, #tpu.memory_space<vmem_shared>> -> memref<128x64xf32, #tpu.memory_space<vmem_shared>>
      tpu.enqueue_dma source(%arg9 : memref<128x64xf32, #tpu.memory_space<vmem>>) target(%dma_start3A_1211 : memref<128x64xf32, #tpu.memory_space<vmem_shared>>) target_semaphore(%run_scoped3A : memref<!tpu.dma_semaphore, #tpu.memory_space<semaphore_mem>>)
      %dma_wait3A_1212 = arith.constant 0 : i32
      %dma_wait3A_1213 = tpu.memref_slice %arg10[%mul3A_27, %dma_wait3A_1212] : memref<2048x64xf32, #tpu.memory_space<vmem_shared>> -> memref<128x64xf32, #tpu.memory_space<vmem_shared>>
      %dma_wait3A_1214 = arith.constant 0 : i32
      %dma_wait3A_1215 = tpu.memref_slice %arg10[%mul3A_27, %dma_wait3A_1214] : memref<2048x64xf32, #tpu.memory_space<vmem_shared>> -> memref<128x64xf32, #tpu.memory_space<vmem_shared>>
      tpu.wait_dma2 semaphore(%run_scoped3A : memref<!tpu.dma_semaphore, #tpu.memory_space<semaphore_mem>>) src(%arg9 : memref<128x64xf32, #tpu.memory_space<vmem>>) dst(%dma_wait3A_1215 : memref<128x64xf32, #tpu.memory_space<vmem_shared>>)
      tpu.yield
    }) : () -> ()
    %dma_wait3A = arith.constant 0 : i32
    %dma_wait3A_28 = arith.constant 0 : i32
    %dma_wait3A_29 = arith.constant 0 : i32
    %dma_wait3A_30 = tpu.memref_slice %arg2[%add3A, %dma_wait3A, %dma_wait3A_28, %dma_wait3A_29] : memref<32x100x1x256xi32, #tpu.memory_space<hbm>> -> memref<1x100x1x256xi32, #tpu.memory_space<hbm>>
    %dma_wait3A_31 = tpu.memref_squeeze %dma_wait3A_30 : memref<1x100x1x256xi32, #tpu.memory_space<hbm>> -> memref<100x1x256xi32, #tpu.memory_space<hbm>>
    %dma_wait3A_32 = arith.constant 0 : i32
    %dma_wait3A_33 = arith.constant 0 : i32
    %dma_wait3A_34 = arith.constant 0 : i32
    %dma_wait3A_35 = tpu.memref_slice %arg2[%add3A, %dma_wait3A_32, %dma_wait3A_33, %dma_wait3A_34] : memref<32x100x1x256xi32, #tpu.memory_space<hbm>> -> memref<1x100x1x256xi32, #tpu.memory_space<hbm>>
    %dma_wait3A_36 = tpu.memref_squeeze %dma_wait3A_35 : memref<1x100x1x256xi32, #tpu.memory_space<hbm>> -> memref<100x1x256xi32, #tpu.memory_space<hbm>>
    tpu.wait_dma2 semaphore(%arg13 : memref<!tpu.dma_semaphore, #tpu.memory_space<semaphore_mem>>) src(%dma_wait3A_36 : memref<100x1x256xi32, #tpu.memory_space<hbm>>) dst(%arg6 : memref<100x1x256xi32, #tpu.memory_space<vmem>>)
    %dma_wait3A_37 = arith.constant 0 : i32
    %dma_wait3A_38 = arith.constant 0 : i32
    %dma_wait3A_39 = arith.constant 0 : i32
    %dma_wait3A_40 = tpu.memref_slice %arg3[%arg1, %dma_wait3A_37, %dma_wait3A_38, %dma_wait3A_39] : memref<16x1x1x256xi32, #tpu.memory_space<hbm>> -> memref<1x1x1x256xi32, #tpu.memory_space<hbm>>
    %dma_wait3A_41 = tpu.memref_squeeze %dma_wait3A_40 : memref<1x1x1x256xi32, #tpu.memory_space<hbm>> -> memref<1x1x256xi32, #tpu.memory_space<hbm>>
    %dma_wait3A_42 = arith.constant 0 : i32
    %dma_wait3A_43 = arith.constant 0 : i32
    %dma_wait3A_44 = arith.constant 0 : i32
    %dma_wait3A_45 = tpu.memref_slice %arg3[%arg1, %dma_wait3A_42, %dma_wait3A_43, %dma_wait3A_44] : memref<16x1x1x256xi32, #tpu.memory_space<hbm>> -> memref<1x1x1x256xi32, #tpu.memory_space<hbm>>
    %dma_wait3A_46 = tpu.memref_squeeze %dma_wait3A_45 : memref<1x1x1x256xi32, #tpu.memory_space<hbm>> -> memref<1x1x256xi32, #tpu.memory_space<hbm>>
    tpu.wait_dma2 semaphore(%arg13 : memref<!tpu.dma_semaphore, #tpu.memory_space<semaphore_mem>>) src(%dma_wait3A_46 : memref<1x1x256xi32, #tpu.memory_space<hbm>>) dst(%arg7 : memref<1x1x256xi32, #tpu.memory_space<vmem>>)
    %get3A = arith.constant 0 : i32
    %get3A_47 = arith.constant 0 : i32
    %get3A_48 = arith.index_cast %get3A : i32 to index
    %get3A_49 = arith.index_cast %get3A_47 : i32 to index
    %get3A_50 = arith.constant 0 : index
    %get3A_51 = tpu.vector_load %arg6[%get3A_48, %get3A_49, %get3A_50] {strides = array<i32>} : memref<100x1x256xi32, #tpu.memory_space<vmem>>, vector<1x1x16xi32>,
    %get3A_52 = vector.shape_cast %get3A_51 : vector<1x1x16xi32> to vector<16xi32>
    %dma_start3A_53 = arith.constant 0 : i32
    %dma_start3A_54 = arith.constant 0 : i32
    %dma_start3A_55 = arith.constant 0 : i32
    %dma_start3A_56 = arith.constant 0 : i32
    %dma_start3A_57 = tpu.memref_slice %arg8[%dma_start3A_53, %dma_start3A_55, %dma_start3A_56] : memref<4x256x64xf32, #tpu.memory_space<vmem>> -> memref<1x16x64xf32, #tpu.memory_space<vmem>>
    %dma_start3A_58 = tpu.memref_squeeze %dma_start3A_57 : memref<1x16x64xf32, #tpu.memory_space<vmem>> -> memref<16x64xf32, #tpu.memory_space<vmem>>
    %dma_start3A_59 = arith.constant 0 : i32
    %dma_start3A_60 = arith.constant 0 : i32
    %dma_start3A_61 = tpu.memref_slice %arg4[%dma_start3A_59, %dma_start3A_60] : memref<1000000x64xf32, #tpu.memory_space<hbm>> -> memref<1000000x64xf32, #tpu.memory_space<hbm>>
    %dma_start3A_62 = tpu.memref_slice %arg11[%dma_start3A_54] : memref<4x!tpu.dma_semaphore, #tpu.memory_space<semaphore_mem>> -> memref<1x!tpu.dma_semaphore, #tpu.memory_space<semaphore_mem>>
    %dma_start3A_63 = tpu.memref_squeeze %dma_start3A_62 : memref<1x!tpu.dma_semaphore, #tpu.memory_space<semaphore_mem>> -> memref<!tpu.dma_semaphore, #tpu.memory_space<semaphore_mem>>
    tpu.enqueue_indirect_dma source(%dma_start3A_61 : memref<1000000x64xf32, #tpu.memory_space<hbm>>) target(%dma_start3A_58 : memref<16x64xf32, #tpu.memory_space<vmem>>) offsets(%get3A_52 : vector<16xi32>) semaphore(%dma_start3A_63 : memref<!tpu.dma_semaphore, #tpu.memory_space<semaphore_mem>>)
    %get3A_64 = arith.constant 0 : i32
    %get3A_65 = arith.constant 0 : i32
    %get3A_66 = arith.index_cast %get3A_64 : i32 to index
    %get3A_67 = arith.index_cast %get3A_65 : i32 to index
    %get3A_68 = arith.constant 16 : index
    %get3A_69 = tpu.vector_load %arg6[%get3A_66, %get3A_67, %get3A_68] {strides = array<i32>} : memref<100x1x256xi32, #tpu.memory_space<vmem>>, vector<1x1x16xi32>,
    %get3A_70 = vector.shape_cast %get3A_69 : vector<1x1x16xi32> to vector<16xi32>
    %dma_start3A_71 = arith.constant 0 : i32
    %dma_start3A_72 = arith.constant 0 : i32
    %dma_start3A_73 = arith.constant 16 : i32
    %dma_start3A_74 = arith.constant 0 : i32
    %dma_start3A_75 = tpu.memref_slice %arg8[%dma_start3A_71, %dma_start3A_73, %dma_start3A_74] : memref<4x256x64xf32, #tpu.memory_space<vmem>> -> memref<1x16x64xf32, #tpu.memory_space<vmem>>
    %dma_start3A_76 = tpu.memref_squeeze %dma_start3A_75 : memref<1x16x64xf32, #tpu.memory_space<vmem>> -> memref<16x64xf32, #tpu.memory_space<vmem>>
    %dma_start3A_77 = arith.constant 0 : i32
    %dma_start3A_78 = arith.constant 0 : i32
    %dma_start3A_79 = tpu.memref_slice %arg4[%dma_start3A_77, %dma_start3A_78] : memref<1000000x64xf32, #tpu.memory_space<hbm>> -> memref<1000000x64xf32, #tpu.memory_space<hbm>>
    %dma_start3A_80 = tpu.memref_slice %arg11[%dma_start3A_72] : memref<4x!tpu.dma_semaphore, #tpu.memory_space<semaphore_mem>> -> memref<1x!tpu.dma_semaphore, #tpu.memory_space<semaphore_mem>>
    %dma_start3A_81 = tpu.memref_squeeze %dma_start3A_80 : memref<1x!tpu.dma_semaphore, #tpu.memory_space<semaphore_mem>> -> memref<!tpu.dma_semaphore, #tpu.memory_space<semaphore_mem>>
    tpu.enqueue_indirect_dma source(%dma_start3A_79 : memref<1000000x64xf32, #tpu.memory_space<hbm>>) target(%dma_start3A_76 : memref<16x64xf32, #tpu.memory_space<vmem>>) offsets(%get3A_70 : vector<16xi32>) semaphore(%dma_start3A_81 : memref<!tpu.dma_semaphore, #tpu.memory_space<semaphore_mem>>)
    %get3A_82 = arith.constant 0 : i32
    %get3A_83 = arith.constant 0 : i32
    %get3A_84 = arith.index_cast %get3A_82 : i32 to index
    %get3A_85 = arith.index_cast %get3A_83 : i32 to index
    %get3A_86 = arith.constant 32 : index
    %get3A_87 = tpu.vector_load %arg6[%get3A_84, %get3A_85, %get3A_86] {strides = array<i32>} : memref<100x1x256xi32, #tpu.memory_space<vmem>>, vector<1x1x16xi32>,
    %get3A_88 = vector.shape_cast %get3A_87 : vector<1x1x16xi32> to vector<16xi32>
    %dma_start3A_89 = arith.constant 0 : i32
    %dma_start3A_90 = arith.constant 0 : i32
    %dma_start3A_91 = arith.constant 32 : i32
    %dma_start3A_92 = arith.constant 0 : i32
    %dma_start3A_93 = tpu.memref_slice %arg8[%dma_start3A_89, %dma_start3A_91, %dma_start3A_92] : memref<4x256x64xf32, #tpu.memory_space<vmem>> -> memref<1x16x64xf32, #tpu.memory_space<vmem>>
    %dma_start3A_94 = tpu.memref_squeeze %dma_start3A_93 : memref<1x16x64xf32, #tpu.memory_space<vmem>> -> memref<16x64xf32, #tpu.memory_space<vmem>>
    %dma_start3A_95 = arith.constant 0 : i32
    %dma_start3A_96 = arith.constant 0 : i32
    %dma_start3A_97 = tpu.memref_slice %arg4[%dma_start3A_95, %dma_start3A_96] : memref<1000000x64xf32, #tpu.memory_space<hbm>> -> memref<1000000x64xf32, #tpu.memory_space<hbm>>
    %dma_start3A_98 = tpu.memref_slice %arg11[%dma_start3A_90] : memref<4x!tpu.dma_semaphore, #tpu.memory_space<semaphore_mem>> -> memref<1x!tpu.dma_semaphore, #tpu.memory_space<semaphore_mem>>
    %dma_start3A_99 = tpu.memref_squeeze %dma_start3A_98 : memref<1x!tpu.dma_semaphore, #tpu.memory_space<semaphore_mem>> -> memref<!tpu.dma_semaphore, #tpu.memory_space<semaphore_mem>>
    tpu.enqueue_indirect_dma source(%dma_start3A_97 : memref<1000000x64xf32, #tpu.memory_space<hbm>>) target(%dma_start3A_94 : memref<16x64xf32, #tpu.memory_space<vmem>>) offsets(%get3A_88 : vector<16xi32>) semaphore(%dma_start3A_99 : memref<!tpu.dma_semaphore, #tpu.memory_space<semaphore_mem>>)
    %get3A_100 = arith.constant 0 : i32
    %get3A_101 = arith.constant 0 : i32
    %get3A_102 = arith.index_cast %get3A_100 : i32 to index
    %get3A_103 = arith.index_cast %get3A_101 : i32 to index
    %get3A_104 = arith.constant 48 : index
    %get3A_105 = tpu.vector_load %arg6[%get3A_102, %get3A_103, %get3A_104] {strides = array<i32>} : memref<100x1x256xi32, #tpu.memory_space<vmem>>, vector<1x1x16xi32>,
    %get3A_106 = vector.shape_cast %get3A_105 : vector<1x1x16xi32> to vector<16xi32>
    %dma_start3A_107 = arith.constant 0 : i32
    %dma_start3A_108 = arith.constant 0 : i32
    %dma_start3A_109 = arith.constant 48 : i32
    %dma_start3A_110 = arith.constant 0 : i32
    %dma_start3A_111 = tpu.memref_slice %arg8[%dma_start3A_107, %dma_start3A_109, %dma_start3A_110] : memref<4x256x64xf32, #tpu.memory_space<vmem>> -> memref<1x16x64xf32, #tpu.memory_space<vmem>>
    %dma_start3A_112 = tpu.memref_squeeze %dma_start3A_111 : memref<1x16x64xf32, #tpu.memory_space<vmem>> -> memref<16x64xf32, #tpu.memory_space<vmem>>
    %dma_start3A_113 = arith.constant 0 : i32
    %dma_start3A_114 = arith.constant 0 : i32
    %dma_start3A_115 = tpu.memref_slice %arg4[%dma_start3A_113, %dma_start3A_114] : memref<1000000x64xf32, #tpu.memory_space<hbm>> -> memref<1000000x64xf32, #tpu.memory_space<hbm>>
    %dma_start3A_116 = tpu.memref_slice %arg11[%dma_start3A_108] : memref<4x!tpu.dma_semaphore, #tpu.memory_space<semaphore_mem>> -> memref<1x!tpu.dma_semaphore, #tpu.memory_space<semaphore_mem>>
    %dma_start3A_117 = tpu.memref_squeeze %dma_start3A_116 : memref<1x!tpu.dma_semaphore, #tpu.memory_space<semaphore_mem>> -> memref<!tpu.dma_semaphore, #tpu.memory_space<semaphore_mem>>
    tpu.enqueue_indirect_dma source(%dma_start3A_115 : memref<1000000x64xf32, #tpu.memory_space<hbm>>) target(%dma_start3A_112 : memref<16x64xf32, #tpu.memory_space<vmem>>) offsets(%get3A_106 : vector<16xi32>) semaphore(%dma_start3A_117 : memref<!tpu.dma_semaphore, #tpu.memory_space<semaphore_mem>>)
    %get3A_118 = arith.constant 0 : i32
    %get3A_119 = arith.constant 0 : i32
    %get3A_120 = arith.index_cast %get3A_118 : i32 to index
    %get3A_121 = arith.index_cast %get3A_119 : i32 to index
    %get3A_122 = arith.constant 64 : index
    %get3A_123 = tpu.vector_load %arg6[%get3A_120, %get3A_121, %get3A_122] {strides = array<i32>} : memref<100x1x256xi32, #tpu.memory_space<vmem>>, vector<1x1x16xi32>,
    %get3A_124 = vector.shape_cast %get3A_123 : vector<1x1x16xi32> to vector<16xi32>
    %dma_start3A_125 = arith.constant 0 : i32
    %dma_start3A_126 = arith.constant 0 : i32
    %dma_start3A_127 = arith.constant 64 : i32
    %dma_start3A_128 = arith.constant 0 : i32
    %dma_start3A_129 = tpu.memref_slice %arg8[%dma_start3A_125, %dma_start3A_127, %dma_start3A_128] : memref<4x256x64xf32, #tpu.memory_space<vmem>> -> memref<1x16x64xf32, #tpu.memory_space<vmem>>
    %dma_start3A_130 = tpu.memref_squeeze %dma_start3A_129 : memref<1x16x64xf32, #tpu.memory_space<vmem>> -> memref<16x64xf32, #tpu.memory_space<vmem>>
    %dma_start3A_131 = arith.constant 0 : i32
    %dma_start3A_132 = arith.constant 0 : i32
    %dma_start3A_133 = tpu.memref_slice %arg4[%dma_start3A_131, %dma_start3A_132] : memref<1000000x64xf32, #tpu.memory_space<hbm>> -> memref<1000000x64xf32, #tpu.memory_space<hbm>>
    %dma_start3A_134 = tpu.memref_slice %arg11[%dma_start3A_126] : memref<4x!tpu.dma_semaphore, #tpu.memory_space<semaphore_mem>> -> memref<1x!tpu.dma_semaphore, #tpu.memory_space<semaphore_mem>>
    %dma_start3A_135 = tpu.memref_squeeze %dma_start3A_134 : memref<1x!tpu.dma_semaphore, #tpu.memory_space<semaphore_mem>> -> memref<!tpu.dma_semaphore, #tpu.memory_space<semaphore_mem>>
    tpu.enqueue_indirect_dma source(%dma_start3A_133 : memref<1000000x64xf32, #tpu.memory_space<hbm>>) target(%dma_start3A_130 : memref<16x64xf32, #tpu.memory_space<vmem>>) offsets(%get3A_124 : vector<16xi32>) semaphore(%dma_start3A_135 : memref<!tpu.dma_semaphore, #tpu.memory_space<semaphore_mem>>)
    %get3A_136 = arith.constant 0 : i32
    %get3A_137 = arith.constant 0 : i32
    %get3A_138 = arith.index_cast %get3A_136 : i32 to index
    %get3A_139 = arith.index_cast %get3A_137 : i32 to index
    %get3A_140 = arith.constant 80 : index
    %get3A_141 = tpu.vector_load %arg6[%get3A_138, %get3A_139, %get3A_140] {strides = array<i32>} : memref<100x1x256xi32, #tpu.memory_space<vmem>>, vector<1x1x16xi32>,
    %get3A_142 = vector.shape_cast %get3A_141 : vector<1x1x16xi32> to vector<16xi32>
    %dma_start3A_143 = arith.constant 0 : i32
    %dma_start3A_144 = arith.constant 0 : i32
    %dma_start3A_145 = arith.constant 80 : i32
    %dma_start3A_146 = arith.constant 0 : i32
    %dma_start3A_147 = tpu.memref_slice %arg8[%dma_start3A_143, %dma_start3A_145, %dma_start3A_146] : memref<4x256x64xf32, #tpu.memory_space<vmem>> -> memref<1x16x64xf32, #tpu.memory_space<vmem>>
    %dma_start3A_148 = tpu.memref_squeeze %dma_start3A_147 : memref<1x16x64xf32, #tpu.memory_space<vmem>> -> memref<16x64xf32, #tpu.memory_space<vmem>>
    %dma_start3A_149 = arith.constant 0 : i32
    %dma_start3A_150 = arith.constant 0 : i32
    %dma_start3A_151 = tpu.memref_slice %arg4[%dma_start3A_149, %dma_start3A_150] : memref<1000000x64xf32, #tpu.memory_space<hbm>> -> memref<1000000x64xf32, #tpu.memory_space<hbm>>
    %dma_start3A_152 = tpu.memref_slice %arg11[%dma_start3A_144] : memref<4x!tpu.dma_semaphore, #tpu.memory_space<semaphore_mem>> -> memref<1x!tpu.dma_semaphore, #tpu.memory_space<semaphore_mem>>
    %dma_start3A_153 = tpu.memref_squeeze %dma_start3A_152 : memref<1x!tpu.dma_semaphore, #tpu.memory_space<semaphore_mem>> -> memref<!tpu.dma_semaphore, #tpu.memory_space<semaphore_mem>>
    tpu.enqueue_indirect_dma source(%dma_start3A_151 : memref<1000000x64xf32, #tpu.memory_space<hbm>>) target(%dma_start3A_148 : memref<16x64xf32, #tpu.memory_space<vmem>>) offsets(%get3A_142 : vector<16xi32>) semaphore(%dma_start3A_153 : memref<!tpu.dma_semaphore, #tpu.memory_space<semaphore_mem>>)
    %get3A_154 = arith.constant 0 : i32
    %get3A_155 = arith.constant 0 : i32
    %get3A_156 = arith.index_cast %get3A_154 : i32 to index
    %get3A_157 = arith.index_cast %get3A_155 : i32 to index
    %get3A_158 = arith.constant 96 : index
    %get3A_159 = tpu.vector_load %arg6[%get3A_156, %get3A_157, %get3A_158] {strides = array<i32>} : memref<100x1x256xi32, #tpu.memory_space<vmem>>, vector<1x1x16xi32>,
    %get3A_160 = vector.shape_cast %get3A_159 : vector<1x1x16xi32> to vector<16xi32>
    %dma_start3A_161 = arith.constant 0 : i32
    %dma_start3A_162 = arith.constant 0 : i32
    %dma_start3A_163 = arith.constant 96 : i32
    %dma_start3A_164 = arith.constant 0 : i32
    %dma_start3A_165 = tpu.memref_slice %arg8[%dma_start3A_161, %dma_start3A_163, %dma_start3A_164] : memref<4x256x64xf32, #tpu.memory_space<vmem>> -> memref<1x16x64xf32, #tpu.memory_space<vmem>>
    %dma_start3A_166 = tpu.memref_squeeze %dma_start3A_165 : memref<1x16x64xf32, #tpu.memory_space<vmem>> -> memref<16x64xf32, #tpu.memory_space<vmem>>
    %dma_start3A_167 = arith.constant 0 : i32
    %dma_start3A_168 = arith.constant 0 : i32
    %dma_start3A_169 = tpu.memref_slice %arg4[%dma_start3A_167, %dma_start3A_168] : memref<1000000x64xf32, #tpu.memory_space<hbm>> -> memref<1000000x64xf32, #tpu.memory_space<hbm>>
    %dma_start3A_170 = tpu.memref_slice %arg11[%dma_start3A_162] : memref<4x!tpu.dma_semaphore, #tpu.memory_space<semaphore_mem>> -> memref<1x!tpu.dma_semaphore, #tpu.memory_space<semaphore_mem>>
    %dma_start3A_171 = tpu.memref_squeeze %dma_start3A_170 : memref<1x!tpu.dma_semaphore, #tpu.memory_space<semaphore_mem>> -> memref<!tpu.dma_semaphore, #tpu.memory_space<semaphore_mem>>
    tpu.enqueue_indirect_dma source(%dma_start3A_169 : memref<1000000x64xf32, #tpu.memory_space<hbm>>) target(%dma_start3A_166 : memref<16x64xf32, #tpu.memory_space<vmem>>) offsets(%get3A_160 : vector<16xi32>) semaphore(%dma_start3A_171 : memref<!tpu.dma_semaphore, #tpu.memory_space<semaphore_mem>>)
    %get3A_172 = arith.constant 0 : i32
    %get3A_173 = arith.constant 0 : i32
    %get3A_174 = arith.index_cast %get3A_172 : i32 to index
    %get3A_175 = arith.index_cast %get3A_173 : i32 to index
    %get3A_176 = arith.constant 112 : index
    %get3A_177 = tpu.vector_load %arg6[%get3A_174, %get3A_175, %get3A_176] {strides = array<i32>} : memref<100x1x256xi32, #tpu.memory_space<vmem>>, vector<1x1x16xi32>,
    %get3A_178 = vector.shape_cast %get3A_177 : vector<1x1x16xi32> to vector<16xi32>
    %dma_start3A_179 = arith.constant 0 : i32
    %dma_start3A_180 = arith.constant 0 : i32
    %dma_start3A_181 = arith.constant 112 : i32
    %dma_start3A_182 = arith.constant 0 : i32
    %dma_start3A_183 = tpu.memref_slice %arg8[%dma_start3A_179, %dma_start3A_181, %dma_start3A_182] : memref<4x256x64xf32, #tpu.memory_space<vmem>> -> memref<1x16x64xf32, #tpu.memory_space<vmem>>
    %dma_start3A_184 = tpu.memref_squeeze %dma_start3A_183 : memref<1x16x64xf32, #tpu.memory_space<vmem>> -> memref<16x64xf32, #tpu.memory_space<vmem>>
    %dma_start3A_185 = arith.constant 0 : i32
    %dma_start3A_186 = arith.constant 0 : i32
    %dma_start3A_187 = tpu.memref_slice %arg4[%dma_start3A_185, %dma_start3A_186] : memref<1000000x64xf32, #tpu.memory_space<hbm>> -> memref<1000000x64xf32, #tpu.memory_space<hbm>>
    %dma_start3A_188 = tpu.memref_slice %arg11[%dma_start3A_180] : memref<4x!tpu.dma_semaphore, #tpu.memory_space<semaphore_mem>> -> memref<1x!tpu.dma_semaphore, #tpu.memory_space<semaphore_mem>>
    %dma_start3A_189 = tpu.memref_squeeze %dma_start3A_188 : memref<1x!tpu.dma_semaphore, #tpu.memory_space<semaphore_mem>> -> memref<!tpu.dma_semaphore, #tpu.memory_space<semaphore_mem>>
    tpu.enqueue_indirect_dma source(%dma_start3A_187 : memref<1000000x64xf32, #tpu.memory_space<hbm>>) target(%dma_start3A_184 : memref<16x64xf32, #tpu.memory_space<vmem>>) offsets(%get3A_178 : vector<16xi32>) semaphore(%dma_start3A_189 : memref<!tpu.dma_semaphore, #tpu.memory_space<semaphore_mem>>)
    %get3A_190 = arith.constant 0 : i32
    %get3A_191 = arith.constant 0 : i32
    %get3A_192 = arith.index_cast %get3A_190 : i32 to index
    %get3A_193 = arith.index_cast %get3A_191 : i32 to index
    %get3A_194 = arith.constant 128 : index
    %get3A_195 = tpu.vector_load %arg6[%get3A_192, %get3A_193, %get3A_194] {strides = array<i32>} : memref<100x1x256xi32, #tpu.memory_space<vmem>>, vector<1x1x16xi32>,
    %get3A_196 = vector.shape_cast %get3A_195 : vector<1x1x16xi32> to vector<16xi32>
    %dma_start3A_197 = arith.constant 0 : i32
    %dma_start3A_198 = arith.constant 0 : i32
    %dma_start3A_199 = arith.constant 128 : i32
    %dma_start3A_200 = arith.constant 0 : i32
    %dma_start3A_201 = tpu.memref_slice %arg8[%dma_start3A_197, %dma_start3A_199, %dma_start3A_200] : memref<4x256x64xf32, #tpu.memory_space<vmem>> -> memref<1x16x64xf32, #tpu.memory_space<vmem>>
    %dma_start3A_202 = tpu.memref_squeeze %dma_start3A_201 : memref<1x16x64xf32, #tpu.memory_space<vmem>> -> memref<16x64xf32, #tpu.memory_space<vmem>>
    %dma_start3A_203 = arith.constant 0 : i32
    %dma_start3A_204 = arith.constant 0 : i32
    %dma_start3A_205 = tpu.memref_slice %arg4[%dma_start3A_203, %dma_start3A_204] : memref<1000000x64xf32, #tpu.memory_space<hbm>> -> memref<1000000x64xf32, #tpu.memory_space<hbm>>
    %dma_start3A_206 = tpu.memref_slice %arg11[%dma_start3A_198] : memref<4x!tpu.dma_semaphore, #tpu.memory_space<semaphore_mem>> -> memref<1x!tpu.dma_semaphore, #tpu.memory_space<semaphore_mem>>
    %dma_start3A_207 = tpu.memref_squeeze %dma_start3A_206 : memref<1x!tpu.dma_semaphore, #tpu.memory_space<semaphore_mem>> -> memref<!tpu.dma_semaphore, #tpu.memory_space<semaphore_mem>>
    tpu.enqueue_indirect_dma source(%dma_start3A_205 : memref<1000000x64xf32, #tpu.memory_space<hbm>>) target(%dma_start3A_202 : memref<16x64xf32, #tpu.memory_space<vmem>>) offsets(%get3A_196 : vector<16xi32>) semaphore(%dma_start3A_207 : memref<!tpu.dma_semaphore, #tpu.memory_space<semaphore_mem>>)
    %get3A_208 = arith.constant 0 : i32
    %get3A_209 = arith.constant 0 : i32
    %get3A_210 = arith.index_cast %get3A_208 : i32 to index
    %get3A_211 = arith.index_cast %get3A_209 : i32 to index
    %get3A_212 = arith.constant 144 : index
    %get3A_213 = tpu.vector_load %arg6[%get3A_210, %get3A_211, %get3A_212] {strides = array<i32>} : memref<100x1x256xi32, #tpu.memory_space<vmem>>, vector<1x1x16xi32>,
    %get3A_214 = vector.shape_cast %get3A_213 : vector<1x1x16xi32> to vector<16xi32>
    %dma_start3A_215 = arith.constant 0 : i32
    %dma_start3A_216 = arith.constant 0 : i32
    %dma_start3A_217 = arith.constant 144 : i32
    %dma_start3A_218 = arith.constant 0 : i32
    %dma_start3A_219 = tpu.memref_slice %arg8[%dma_start3A_215, %dma_start3A_217, %dma_start3A_218] : memref<4x256x64xf32, #tpu.memory_space<vmem>> -> memref<1x16x64xf32, #tpu.memory_space<vmem>>
    %dma_start3A_220 = tpu.memref_squeeze %dma_start3A_219 : memref<1x16x64xf32, #tpu.memory_space<vmem>> -> memref<16x64xf32, #tpu.memory_space<vmem>>
    %dma_start3A_221 = arith.constant 0 : i32
    %dma_start3A_222 = arith.constant 0 : i32
    %dma_start3A_223 = tpu.memref_slice %arg4[%dma_start3A_221, %dma_start3A_222] : memref<1000000x64xf32, #tpu.memory_space<hbm>> -> memref<1000000x64xf32, #tpu.memory_space<hbm>>
    %dma_start3A_224 = tpu.memref_slice %arg11[%dma_start3A_216] : memref<4x!tpu.dma_semaphore, #tpu.memory_space<semaphore_mem>> -> memref<1x!tpu.dma_semaphore, #tpu.memory_space<semaphore_mem>>
    %dma_start3A_225 = tpu.memref_squeeze %dma_start3A_224 : memref<1x!tpu.dma_semaphore, #tpu.memory_space<semaphore_mem>> -> memref<!tpu.dma_semaphore, #tpu.memory_space<semaphore_mem>>
    tpu.enqueue_indirect_dma source(%dma_start3A_223 : memref<1000000x64xf32, #tpu.memory_space<hbm>>) target(%dma_start3A_220 : memref<16x64xf32, #tpu.memory_space<vmem>>) offsets(%get3A_214 : vector<16xi32>) semaphore(%dma_start3A_225 : memref<!tpu.dma_semaphore, #tpu.memory_space<semaphore_mem>>)
    %get3A_226 = arith.constant 0 : i32
    %get3A_227 = arith.constant 0 : i32
    %get3A_228 = arith.index_cast %get3A_226 : i32 to index
    %get3A_229 = arith.index_cast %get3A_227 : i32 to index
    %get3A_230 = arith.constant 160 : index
    %get3A_231 = tpu.vector_load %arg6[%get3A_228, %get3A_229, %get3A_230] {strides = array<i32>} : memref<100x1x256xi32, #tpu.memory_space<vmem>>, vector<1x1x16xi32>,
    %get3A_232 = vector.shape_cast %get3A_231 : vector<1x1x16xi32> to vector<16xi32>
    %dma_start3A_233 = arith.constant 0 : i32
    %dma_start3A_234 = arith.constant 0 : i32
    %dma_start3A_235 = arith.constant 160 : i32
    %dma_start3A_236 = arith.constant 0 : i32
    %dma_start3A_237 = tpu.memref_slice %arg8[%dma_start3A_233, %dma_start3A_235, %dma_start3A_236] : memref<4x256x64xf32, #tpu.memory_space<vmem>> -> memref<1x16x64xf32, #tpu.memory_space<vmem>>
    %dma_start3A_238 = tpu.memref_squeeze %dma_start3A_237 : memref<1x16x64xf32, #tpu.memory_space<vmem>> -> memref<16x64xf32, #tpu.memory_space<vmem>>
    %dma_start3A_239 = arith.constant 0 : i32
    %dma_start3A_240 = arith.constant 0 : i32
    %dma_start3A_241 = tpu.memref_slice %arg4[%dma_start3A_239, %dma_start3A_240] : memref<1000000x64xf32, #tpu.memory_space<hbm>> -> memref<1000000x64xf32, #tpu.memory_space<hbm>>
    %dma_start3A_242 = tpu.memref_slice %arg11[%dma_start3A_234] : memref<4x!tpu.dma_semaphore, #tpu.memory_space<semaphore_mem>> -> memref<1x!tpu.dma_semaphore, #tpu.memory_space<semaphore_mem>>
    %dma_start3A_243 = tpu.memref_squeeze %dma_start3A_242 : memref<1x!tpu.dma_semaphore, #tpu.memory_space<semaphore_mem>> -> memref<!tpu.dma_semaphore, #tpu.memory_space<semaphore_mem>>
    tpu.enqueue_indirect_dma source(%dma_start3A_241 : memref<1000000x64xf32, #tpu.memory_space<hbm>>) target(%dma_start3A_238 : memref<16x64xf32, #tpu.memory_space<vmem>>) offsets(%get3A_232 : vector<16xi32>) semaphore(%dma_start3A_243 : memref<!tpu.dma_semaphore, #tpu.memory_space<semaphore_mem>>)
    %get3A_244 = arith.constant 0 : i32
    %get3A_245 = arith.constant 0 : i32
    %get3A_246 = arith.index_cast %get3A_244 : i32 to index
    %get3A_247 = arith.index_cast %get3A_245 : i32 to index
    %get3A_248 = arith.constant 176 : index
    %get3A_249 = tpu.vector_load %arg6[%get3A_246, %get3A_247, %get3A_248] {strides = array<i32>} : memref<100x1x256xi32, #tpu.memory_space<vmem>>, vector<1x1x16xi32>,
    %get3A_250 = vector.shape_cast %get3A_249 : vector<1x1x16xi32> to vector<16xi32>
    %dma_start3A_251 = arith.constant 0 : i32
    %dma_start3A_252 = arith.constant 0 : i32
    %dma_start3A_253 = arith.constant 176 : i32
    %dma_start3A_254 = arith.constant 0 : i32
    %dma_start3A_255 = tpu.memref_slice %arg8[%dma_start3A_251, %dma_start3A_253, %dma_start3A_254] : memref<4x256x64xf32, #tpu.memory_space<vmem>> -> memref<1x16x64xf32, #tpu.memory_space<vmem>>
    %dma_start3A_256 = tpu.memref_squeeze %dma_start3A_255 : memref<1x16x64xf32, #tpu.memory_space<vmem>> -> memref<16x64xf32, #tpu.memory_space<vmem>>
    %dma_start3A_257 = arith.constant 0 : i32
    %dma_start3A_258 = arith.constant 0 : i32
    %dma_start3A_259 = tpu.memref_slice %arg4[%dma_start3A_257, %dma_start3A_258] : memref<1000000x64xf32, #tpu.memory_space<hbm>> -> memref<1000000x64xf32, #tpu.memory_space<hbm>>
    %dma_start3A_260 = tpu.memref_slice %arg11[%dma_start3A_252] : memref<4x!tpu.dma_semaphore, #tpu.memory_space<semaphore_mem>> -> memref<1x!tpu.dma_semaphore, #tpu.memory_space<semaphore_mem>>
    %dma_start3A_261 = tpu.memref_squeeze %dma_start3A_260 : memref<1x!tpu.dma_semaphore, #tpu.memory_space<semaphore_mem>> -> memref<!tpu.dma_semaphore, #tpu.memory_space<semaphore_mem>>
    tpu.enqueue_indirect_dma source(%dma_start3A_259 : memref<1000000x64xf32, #tpu.memory_space<hbm>>) target(%dma_start3A_256 : memref<16x64xf32, #tpu.memory_space<vmem>>) offsets(%get3A_250 : vector<16xi32>) semaphore(%dma_start3A_261 : memref<!tpu.dma_semaphore, #tpu.memory_space<semaphore_mem>>)
    %get3A_262 = arith.constant 0 : i32
    %get3A_263 = arith.constant 0 : i32
    %get3A_264 = arith.index_cast %get3A_262 : i32 to index
    %get3A_265 = arith.index_cast %get3A_263 : i32 to index
    %get3A_266 = arith.constant 192 : index
    %get3A_267 = tpu.vector_load %arg6[%get3A_264, %get3A_265, %get3A_266] {strides = array<i32>} : memref<100x1x256xi32, #tpu.memory_space<vmem>>, vector<1x1x16xi32>,
    %get3A_268 = vector.shape_cast %get3A_267 : vector<1x1x16xi32> to vector<16xi32>
    %dma_start3A_269 = arith.constant 0 : i32
    %dma_start3A_270 = arith.constant 0 : i32
    %dma_start3A_271 = arith.constant 192 : i32
    %dma_start3A_272 = arith.constant 0 : i32
    %dma_start3A_273 = tpu.memref_slice %arg8[%dma_start3A_269, %dma_start3A_271, %dma_start3A_272] : memref<4x256x64xf32, #tpu.memory_space<vmem>> -> memref<1x16x64xf32, #tpu.memory_space<vmem>>
    %dma_start3A_274 = tpu.memref_squeeze %dma_start3A_273 : memref<1x16x64xf32, #tpu.memory_space<vmem>> -> memref<16x64xf32, #tpu.memory_space<vmem>>
    %dma_start3A_275 = arith.constant 0 : i32
    %dma_start3A_276 = arith.constant 0 : i32
    %dma_start3A_277 = tpu.memref_slice %arg4[%dma_start3A_275, %dma_start3A_276] : memref<1000000x64xf32, #tpu.memory_space<hbm>> -> memref<1000000x64xf32, #tpu.memory_space<hbm>>
    %dma_start3A_278 = tpu.memref_slice %arg11[%dma_start3A_270] : memref<4x!tpu.dma_semaphore, #tpu.memory_space<semaphore_mem>> -> memref<1x!tpu.dma_semaphore, #tpu.memory_space<semaphore_mem>>
    %dma_start3A_279 = tpu.memref_squeeze %dma_start3A_278 : memref<1x!tpu.dma_semaphore, #tpu.memory_space<semaphore_mem>> -> memref<!tpu.dma_semaphore, #tpu.memory_space<semaphore_mem>>
    tpu.enqueue_indirect_dma source(%dma_start3A_277 : memref<1000000x64xf32, #tpu.memory_space<hbm>>) target(%dma_start3A_274 : memref<16x64xf32, #tpu.memory_space<vmem>>) offsets(%get3A_268 : vector<16xi32>) semaphore(%dma_start3A_279 : memref<!tpu.dma_semaphore, #tpu.memory_space<semaphore_mem>>)
    %get3A_280 = arith.constant 0 : i32
    %get3A_281 = arith.constant 0 : i32
    %get3A_282 = arith.index_cast %get3A_280 : i32 to index
    %get3A_283 = arith.index_cast %get3A_281 : i32 to index
    %get3A_284 = arith.constant 208 : index
    %get3A_285 = tpu.vector_load %arg6[%get3A_282, %get3A_283, %get3A_284] {strides = array<i32>} : memref<100x1x256xi32, #tpu.memory_space<vmem>>, vector<1x1x16xi32>,
    %get3A_286 = vector.shape_cast %get3A_285 : vector<1x1x16xi32> to vector<16xi32>
    %dma_start3A_287 = arith.constant 0 : i32
    %dma_start3A_288 = arith.constant 0 : i32
    %dma_start3A_289 = arith.constant 208 : i32
    %dma_start3A_290 = arith.constant 0 : i32
    %dma_start3A_291 = tpu.memref_slice %arg8[%dma_start3A_287, %dma_start3A_289, %dma_start3A_290] : memref<4x256x64xf32, #tpu.memory_space<vmem>> -> memref<1x16x64xf32, #tpu.memory_space<vmem>>
    %dma_start3A_292 = tpu.memref_squeeze %dma_start3A_291 : memref<1x16x64xf32, #tpu.memory_space<vmem>> -> memref<16x64xf32, #tpu.memory_space<vmem>>
    %dma_start3A_293 = arith.constant 0 : i32
    %dma_start3A_294 = arith.constant 0 : i32
    %dma_start3A_295 = tpu.memref_slice %arg4[%dma_start3A_293, %dma_start3A_294] : memref<1000000x64xf32, #tpu.memory_space<hbm>> -> memref<1000000x64xf32, #tpu.memory_space<hbm>>
    %dma_start3A_296 = tpu.memref_slice %arg11[%dma_start3A_288] : memref<4x!tpu.dma_semaphore, #tpu.memory_space<semaphore_mem>> -> memref<1x!tpu.dma_semaphore, #tpu.memory_space<semaphore_mem>>
    %dma_start3A_297 = tpu.memref_squeeze %dma_start3A_296 : memref<1x!tpu.dma_semaphore, #tpu.memory_space<semaphore_mem>> -> memref<!tpu.dma_semaphore, #tpu.memory_space<semaphore_mem>>
    tpu.enqueue_indirect_dma source(%dma_start3A_295 : memref<1000000x64xf32, #tpu.memory_space<hbm>>) target(%dma_start3A_292 : memref<16x64xf32, #tpu.memory_space<vmem>>) offsets(%get3A_286 : vector<16xi32>) semaphore(%dma_start3A_297 : memref<!tpu.dma_semaphore, #tpu.memory_space<semaphore_mem>>)
    %get3A_298 = arith.constant 0 : i32
    %get3A_299 = arith.constant 0 : i32
    %get3A_300 = arith.index_cast %get3A_298 : i32 to index
    %get3A_301 = arith.index_cast %get3A_299 : i32 to index
    %get3A_302 = arith.constant 224 : index
    %get3A_303 = tpu.vector_load %arg6[%get3A_300, %get3A_301, %get3A_302] {strides = array<i32>} : memref<100x1x256xi32, #tpu.memory_space<vmem>>, vector<1x1x16xi32>,
    %get3A_304 = vector.shape_cast %get3A_303 : vector<1x1x16xi32> to vector<16xi32>
    %dma_start3A_305 = arith.constant 0 : i32
    %dma_start3A_306 = arith.constant 0 : i32
    %dma_start3A_307 = arith.constant 224 : i32
    %dma_start3A_308 = arith.constant 0 : i32
    %dma_start3A_309 = tpu.memref_slice %arg8[%dma_start3A_305, %dma_start3A_307, %dma_start3A_308] : memref<4x256x64xf32, #tpu.memory_space<vmem>> -> memref<1x16x64xf32, #tpu.memory_space<vmem>>
    %dma_start3A_310 = tpu.memref_squeeze %dma_start3A_309 : memref<1x16x64xf32, #tpu.memory_space<vmem>> -> memref<16x64xf32, #tpu.memory_space<vmem>>
    %dma_start3A_311 = arith.constant 0 : i32
    %dma_start3A_312 = arith.constant 0 : i32
    %dma_start3A_313 = tpu.memref_slice %arg4[%dma_start3A_311, %dma_start3A_312] : memref<1000000x64xf32, #tpu.memory_space<hbm>> -> memref<1000000x64xf32, #tpu.memory_space<hbm>>
    %dma_start3A_314 = tpu.memref_slice %arg11[%dma_start3A_306] : memref<4x!tpu.dma_semaphore, #tpu.memory_space<semaphore_mem>> -> memref<1x!tpu.dma_semaphore, #tpu.memory_space<semaphore_mem>>
    %dma_start3A_315 = tpu.memref_squeeze %dma_start3A_314 : memref<1x!tpu.dma_semaphore, #tpu.memory_space<semaphore_mem>> -> memref<!tpu.dma_semaphore, #tpu.memory_space<semaphore_mem>>
    tpu.enqueue_indirect_dma source(%dma_start3A_313 : memref<1000000x64xf32, #tpu.memory_space<hbm>>) target(%dma_start3A_310 : memref<16x64xf32, #tpu.memory_space<vmem>>) offsets(%get3A_304 : vector<16xi32>) semaphore(%dma_start3A_315 : memref<!tpu.dma_semaphore, #tpu.memory_space<semaphore_mem>>)
    %get3A_316 = arith.constant 0 : i32
    %get3A_317 = arith.constant 0 : i32
    %get3A_318 = arith.index_cast %get3A_316 : i32 to index
    %get3A_319 = arith.index_cast %get3A_317 : i32 to index
    %get3A_320 = arith.constant 240 : index
    %get3A_321 = tpu.vector_load %arg6[%get3A_318, %get3A_319, %get3A_320] {strides = array<i32>} : memref<100x1x256xi32, #tpu.memory_space<vmem>>, vector<1x1x16xi32>,
    %get3A_322 = vector.shape_cast %get3A_321 : vector<1x1x16xi32> to vector<16xi32>
    %dma_start3A_323 = arith.constant 0 : i32
    %dma_start3A_324 = arith.constant 0 : i32
    %dma_start3A_325 = arith.constant 240 : i32
    %dma_start3A_326 = arith.constant 0 : i32
    %dma_start3A_327 = tpu.memref_slice %arg8[%dma_start3A_323, %dma_start3A_325, %dma_start3A_326] : memref<4x256x64xf32, #tpu.memory_space<vmem>> -> memref<1x16x64xf32, #tpu.memory_space<vmem>>
    %dma_start3A_328 = tpu.memref_squeeze %dma_start3A_327 : memref<1x16x64xf32, #tpu.memory_space<vmem>> -> memref<16x64xf32, #tpu.memory_space<vmem>>
    %dma_start3A_329 = arith.constant 0 : i32
    %dma_start3A_330 = arith.constant 0 : i32
    %dma_start3A_331 = tpu.memref_slice %arg4[%dma_start3A_329, %dma_start3A_330] : memref<1000000x64xf32, #tpu.memory_space<hbm>> -> memref<1000000x64xf32, #tpu.memory_space<hbm>>
    %dma_start3A_332 = tpu.memref_slice %arg11[%dma_start3A_324] : memref<4x!tpu.dma_semaphore, #tpu.memory_space<semaphore_mem>> -> memref<1x!tpu.dma_semaphore, #tpu.memory_space<semaphore_mem>>
    %dma_start3A_333 = tpu.memref_squeeze %dma_start3A_332 : memref<1x!tpu.dma_semaphore, #tpu.memory_space<semaphore_mem>> -> memref<!tpu.dma_semaphore, #tpu.memory_space<semaphore_mem>>
    tpu.enqueue_indirect_dma source(%dma_start3A_331 : memref<1000000x64xf32, #tpu.memory_space<hbm>>) target(%dma_start3A_328 : memref<16x64xf32, #tpu.memory_space<vmem>>) offsets(%get3A_322 : vector<16xi32>) semaphore(%dma_start3A_333 : memref<!tpu.dma_semaphore, #tpu.memory_space<semaphore_mem>>)
    %get3A_334 = arith.constant 1 : i32
    %get3A_335 = arith.constant 0 : i32
    %get3A_336 = arith.index_cast %get3A_334 : i32 to index
    %get3A_337 = arith.index_cast %get3A_335 : i32 to index
    %get3A_338 = arith.constant 0 : index
    %get3A_339 = tpu.vector_load %arg6[%get3A_336, %get3A_337, %get3A_338] {strides = array<i32>} : memref<100x1x256xi32, #tpu.memory_space<vmem>>, vector<1x1x16xi32>,
    %get3A_340 = vector.shape_cast %get3A_339 : vector<1x1x16xi32> to vector<16xi32>
    %dma_start3A_341 = arith.constant 1 : i32
    %dma_start3A_342 = arith.constant 1 : i32
    %dma_start3A_343 = arith.constant 0 : i32
    %dma_start3A_344 = arith.constant 0 : i32
    %dma_start3A_345 = tpu.memref_slice %arg8[%dma_start3A_341, %dma_start3A_343, %dma_start3A_344] : memref<4x256x64xf32, #tpu.memory_space<vmem>> -> memref<1x16x64xf32, #tpu.memory_space<vmem>>
    %dma_start3A_346 = tpu.memref_squeeze %dma_start3A_345 : memref<1x16x64xf32, #tpu.memory_space<vmem>> -> memref<16x64xf32, #tpu.memory_space<vmem>>
    %dma_start3A_347 = arith.constant 0 : i32
    %dma_start3A_348 = arith.constant 0 : i32
    %dma_start3A_349 = tpu.memref_slice %arg4[%dma_start3A_347, %dma_start3A_348] : memref<1000000x64xf32, #tpu.memory_space<hbm>> -> memref<1000000x64xf32, #tpu.memory_space<hbm>>
    %dma_start3A_350 = tpu.memref_slice %arg11[%dma_start3A_342] : memref<4x!tpu.dma_semaphore, #tpu.memory_space<semaphore_mem>> -> memref<1x!tpu.dma_semaphore, #tpu.memory_space<semaphore_mem>>
    %dma_start3A_351 = tpu.memref_squeeze %dma_start3A_350 : memref<1x!tpu.dma_semaphore, #tpu.memory_space<semaphore_mem>> -> memref<!tpu.dma_semaphore, #tpu.memory_space<semaphore_mem>>
    tpu.enqueue_indirect_dma source(%dma_start3A_349 : memref<1000000x64xf32, #tpu.memory_space<hbm>>) target(%dma_start3A_346 : memref<16x64xf32, #tpu.memory_space<vmem>>) offsets(%get3A_340 : vector<16xi32>) semaphore(%dma_start3A_351 : memref<!tpu.dma_semaphore, #tpu.memory_space<semaphore_mem>>)
    %get3A_352 = arith.constant 1 : i32
    %get3A_353 = arith.constant 0 : i32
    %get3A_354 = arith.index_cast %get3A_352 : i32 to index
    %get3A_355 = arith.index_cast %get3A_353 : i32 to index
    %get3A_356 = arith.constant 16 : index
    %get3A_357 = tpu.vector_load %arg6[%get3A_354, %get3A_355, %get3A_356] {strides = array<i32>} : memref<100x1x256xi32, #tpu.memory_space<vmem>>, vector<1x1x16xi32>,
    %get3A_358 = vector.shape_cast %get3A_357 : vector<1x1x16xi32> to vector<16xi32>
    %dma_start3A_359 = arith.constant 1 : i32
    %dma_start3A_360 = arith.constant 1 : i32
    %dma_start3A_361 = arith.constant 16 : i32
    %dma_start3A_362 = arith.constant 0 : i32
    %dma_start3A_363 = tpu.memref_slice %arg8[%dma_start3A_359, %dma_start3A_361, %dma_start3A_362] : memref<4x256x64xf32, #tpu.memory_space<vmem>> -> memref<1x16x64xf32, #tpu.memory_space<vmem>>
    %dma_start3A_364 = tpu.memref_squeeze %dma_start3A_363 : memref<1x16x64xf32, #tpu.memory_space<vmem>> -> memref<16x64xf32, #tpu.memory_space<vmem>>
    %dma_start3A_365 = arith.constant 0 : i32
    %dma_start3A_366 = arith.constant 0 : i32
    %dma_start3A_367 = tpu.memref_slice %arg4[%dma_start3A_365, %dma_start3A_366] : memref<1000000x64xf32, #tpu.memory_space<hbm>> -> memref<1000000x64xf32, #tpu.memory_space<hbm>>
    %dma_start3A_368 = tpu.memref_slice %arg11[%dma_start3A_360] : memref<4x!tpu.dma_semaphore, #tpu.memory_space<semaphore_mem>> -> memref<1x!tpu.dma_semaphore, #tpu.memory_space<semaphore_mem>>
    %dma_start3A_369 = tpu.memref_squeeze %dma_start3A_368 : memref<1x!tpu.dma_semaphore, #tpu.memory_space<semaphore_mem>> -> memref<!tpu.dma_semaphore, #tpu.memory_space<semaphore_mem>>
    tpu.enqueue_indirect_dma source(%dma_start3A_367 : memref<1000000x64xf32, #tpu.memory_space<hbm>>) target(%dma_start3A_364 : memref<16x64xf32, #tpu.memory_space<vmem>>) offsets(%get3A_358 : vector<16xi32>) semaphore(%dma_start3A_369 : memref<!tpu.dma_semaphore, #tpu.memory_space<semaphore_mem>>)
    %get3A_370 = arith.constant 1 : i32
    %get3A_371 = arith.constant 0 : i32
    %get3A_372 = arith.index_cast %get3A_370 : i32 to index
    %get3A_373 = arith.index_cast %get3A_371 : i32 to index
    %get3A_374 = arith.constant 32 : index
    %get3A_375 = tpu.vector_load %arg6[%get3A_372, %get3A_373, %get3A_374] {strides = array<i32>} : memref<100x1x256xi32, #tpu.memory_space<vmem>>, vector<1x1x16xi32>,
    %get3A_376 = vector.shape_cast %get3A_375 : vector<1x1x16xi32> to vector<16xi32>
    %dma_start3A_377 = arith.constant 1 : i32
    %dma_start3A_378 = arith.constant 1 : i32
    %dma_start3A_379 = arith.constant 32 : i32
    %dma_start3A_380 = arith.constant 0 : i32
    %dma_start3A_381 = tpu.memref_slice %arg8[%dma_start3A_377, %dma_start3A_379, %dma_start3A_380] : memref<4x256x64xf32, #tpu.memory_space<vmem>> -> memref<1x16x64xf32, #tpu.memory_space<vmem>>
    %dma_start3A_382 = tpu.memref_squeeze %dma_start3A_381 : memref<1x16x64xf32, #tpu.memory_space<vmem>> -> memref<16x64xf32, #tpu.memory_space<vmem>>
    %dma_start3A_383 = arith.constant 0 : i32
    %dma_start3A_384 = arith.constant 0 : i32
    %dma_start3A_385 = tpu.memref_slice %arg4[%dma_start3A_383, %dma_start3A_384] : memref<1000000x64xf32, #tpu.memory_space<hbm>> -> memref<1000000x64xf32, #tpu.memory_space<hbm>>
    %dma_start3A_386 = tpu.memref_slice %arg11[%dma_start3A_378] : memref<4x!tpu.dma_semaphore, #tpu.memory_space<semaphore_mem>> -> memref<1x!tpu.dma_semaphore, #tpu.memory_space<semaphore_mem>>
    %dma_start3A_387 = tpu.memref_squeeze %dma_start3A_386 : memref<1x!tpu.dma_semaphore, #tpu.memory_space<semaphore_mem>> -> memref<!tpu.dma_semaphore, #tpu.memory_space<semaphore_mem>>
    tpu.enqueue_indirect_dma source(%dma_start3A_385 : memref<1000000x64xf32, #tpu.memory_space<hbm>>) target(%dma_start3A_382 : memref<16x64xf32, #tpu.memory_space<vmem>>) offsets(%get3A_376 : vector<16xi32>) semaphore(%dma_start3A_387 : memref<!tpu.dma_semaphore, #tpu.memory_space<semaphore_mem>>)
    %get3A_388 = arith.constant 1 : i32
    %get3A_389 = arith.constant 0 : i32
    %get3A_390 = arith.index_cast %get3A_388 : i32 to index
    %get3A_391 = arith.index_cast %get3A_389 : i32 to index
    %get3A_392 = arith.constant 48 : index
    %get3A_393 = tpu.vector_load %arg6[%get3A_390, %get3A_391, %get3A_392] {strides = array<i32>} : memref<100x1x256xi32, #tpu.memory_space<vmem>>, vector<1x1x16xi32>,
    %get3A_394 = vector.shape_cast %get3A_393 : vector<1x1x16xi32> to vector<16xi32>
    %dma_start3A_395 = arith.constant 1 : i32
    %dma_start3A_396 = arith.constant 1 : i32
    %dma_start3A_397 = arith.constant 48 : i32
    %dma_start3A_398 = arith.constant 0 : i32
    %dma_start3A_399 = tpu.memref_slice %arg8[%dma_start3A_395, %dma_start3A_397, %dma_start3A_398] : memref<4x256x64xf32, #tpu.memory_space<vmem>> -> memref<1x16x64xf32, #tpu.memory_space<vmem>>
    %dma_start3A_400 = tpu.memref_squeeze %dma_start3A_399 : memref<1x16x64xf32, #tpu.memory_space<vmem>> -> memref<16x64xf32, #tpu.memory_space<vmem>>
    %dma_start3A_401 = arith.constant 0 : i32
    %dma_start3A_402 = arith.constant 0 : i32
    %dma_start3A_403 = tpu.memref_slice %arg4[%dma_start3A_401, %dma_start3A_402] : memref<1000000x64xf32, #tpu.memory_space<hbm>> -> memref<1000000x64xf32, #tpu.memory_space<hbm>>
    %dma_start3A_404 = tpu.memref_slice %arg11[%dma_start3A_396] : memref<4x!tpu.dma_semaphore, #tpu.memory_space<semaphore_mem>> -> memref<1x!tpu.dma_semaphore, #tpu.memory_space<semaphore_mem>>
    %dma_start3A_405 = tpu.memref_squeeze %dma_start3A_404 : memref<1x!tpu.dma_semaphore, #tpu.memory_space<semaphore_mem>> -> memref<!tpu.dma_semaphore, #tpu.memory_space<semaphore_mem>>
    tpu.enqueue_indirect_dma source(%dma_start3A_403 : memref<1000000x64xf32, #tpu.memory_space<hbm>>) target(%dma_start3A_400 : memref<16x64xf32, #tpu.memory_space<vmem>>) offsets(%get3A_394 : vector<16xi32>) semaphore(%dma_start3A_405 : memref<!tpu.dma_semaphore, #tpu.memory_space<semaphore_mem>>)
    %get3A_406 = arith.constant 1 : i32
    %get3A_407 = arith.constant 0 : i32
    %get3A_408 = arith.index_cast %get3A_406 : i32 to index
    %get3A_409 = arith.index_cast %get3A_407 : i32 to index
    %get3A_410 = arith.constant 64 : index
    %get3A_411 = tpu.vector_load %arg6[%get3A_408, %get3A_409, %get3A_410] {strides = array<i32>} : memref<100x1x256xi32, #tpu.memory_space<vmem>>, vector<1x1x16xi32>,
    %get3A_412 = vector.shape_cast %get3A_411 : vector<1x1x16xi32> to vector<16xi32>
    %dma_start3A_413 = arith.constant 1 : i32
    %dma_start3A_414 = arith.constant 1 : i32
    %dma_start3A_415 = arith.constant 64 : i32
    %dma_start3A_416 = arith.constant 0 : i32
    %dma_start3A_417 = tpu.memref_slice %arg8[%dma_start3A_413, %dma_start3A_415, %dma_start3A_416] : memref<4x256x64xf32, #tpu.memory_space<vmem>> -> memref<1x16x64xf32, #tpu.memory_space<vmem>>
    %dma_start3A_418 = tpu.memref_squeeze %dma_start3A_417 : memref<1x16x64xf32, #tpu.memory_space<vmem>> -> memref<16x64xf32, #tpu.memory_space<vmem>>
    %dma_start3A_419 = arith.constant 0 : i32
    %dma_start3A_420 = arith.constant 0 : i32
    %dma_start3A_421 = tpu.memref_slice %arg4[%dma_start3A_419, %dma_start3A_420] : memref<1000000x64xf32, #tpu.memory_space<hbm>> -> memref<1000000x64xf32, #tpu.memory_space<hbm>>
    %dma_start3A_422 = tpu.memref_slice %arg11[%dma_start3A_414] : memref<4x!tpu.dma_semaphore, #tpu.memory_space<semaphore_mem>> -> memref<1x!tpu.dma_semaphore, #tpu.memory_space<semaphore_mem>>
    %dma_start3A_423 = tpu.memref_squeeze %dma_start3A_422 : memref<1x!tpu.dma_semaphore, #tpu.memory_space<semaphore_mem>> -> memref<!tpu.dma_semaphore, #tpu.memory_space<semaphore_mem>>
    tpu.enqueue_indirect_dma source(%dma_start3A_421 : memref<1000000x64xf32, #tpu.memory_space<hbm>>) target(%dma_start3A_418 : memref<16x64xf32, #tpu.memory_space<vmem>>) offsets(%get3A_412 : vector<16xi32>) semaphore(%dma_start3A_423 : memref<!tpu.dma_semaphore, #tpu.memory_space<semaphore_mem>>)
    %get3A_424 = arith.constant 1 : i32
    %get3A_425 = arith.constant 0 : i32
    %get3A_426 = arith.index_cast %get3A_424 : i32 to index
    %get3A_427 = arith.index_cast %get3A_425 : i32 to index
    %get3A_428 = arith.constant 80 : index
    %get3A_429 = tpu.vector_load %arg6[%get3A_426, %get3A_427, %get3A_428] {strides = array<i32>} : memref<100x1x256xi32, #tpu.memory_space<vmem>>, vector<1x1x16xi32>,
    %get3A_430 = vector.shape_cast %get3A_429 : vector<1x1x16xi32> to vector<16xi32>
    %dma_start3A_431 = arith.constant 1 : i32
    %dma_start3A_432 = arith.constant 1 : i32
    %dma_start3A_433 = arith.constant 80 : i32
    %dma_start3A_434 = arith.constant 0 : i32
    %dma_start3A_435 = tpu.memref_slice %arg8[%dma_start3A_431, %dma_start3A_433, %dma_start3A_434] : memref<4x256x64xf32, #tpu.memory_space<vmem>> -> memref<1x16x64xf32, #tpu.memory_space<vmem>>
    %dma_start3A_436 = tpu.memref_squeeze %dma_start3A_435 : memref<1x16x64xf32, #tpu.memory_space<vmem>> -> memref<16x64xf32, #tpu.memory_space<vmem>>
    %dma_start3A_437 = arith.constant 0 : i32
    %dma_start3A_438 = arith.constant 0 : i32
    %dma_start3A_439 = tpu.memref_slice %arg4[%dma_start3A_437, %dma_start3A_438] : memref<1000000x64xf32, #tpu.memory_space<hbm>> -> memref<1000000x64xf32, #tpu.memory_space<hbm>>
    %dma_start3A_440 = tpu.memref_slice %arg11[%dma_start3A_432] : memref<4x!tpu.dma_semaphore, #tpu.memory_space<semaphore_mem>> -> memref<1x!tpu.dma_semaphore, #tpu.memory_space<semaphore_mem>>
    %dma_start3A_441 = tpu.memref_squeeze %dma_start3A_440 : memref<1x!tpu.dma_semaphore, #tpu.memory_space<semaphore_mem>> -> memref<!tpu.dma_semaphore, #tpu.memory_space<semaphore_mem>>
    tpu.enqueue_indirect_dma source(%dma_start3A_439 : memref<1000000x64xf32, #tpu.memory_space<hbm>>) target(%dma_start3A_436 : memref<16x64xf32, #tpu.memory_space<vmem>>) offsets(%get3A_430 : vector<16xi32>) semaphore(%dma_start3A_441 : memref<!tpu.dma_semaphore, #tpu.memory_space<semaphore_mem>>)
    %get3A_442 = arith.constant 1 : i32
    %get3A_443 = arith.constant 0 : i32
    %get3A_444 = arith.index_cast %get3A_442 : i32 to index
    %get3A_445 = arith.index_cast %get3A_443 : i32 to index
    %get3A_446 = arith.constant 96 : index
    %get3A_447 = tpu.vector_load %arg6[%get3A_444, %get3A_445, %get3A_446] {strides = array<i32>} : memref<100x1x256xi32, #tpu.memory_space<vmem>>, vector<1x1x16xi32>,
    %get3A_448 = vector.shape_cast %get3A_447 : vector<1x1x16xi32> to vector<16xi32>
    %dma_start3A_449 = arith.constant 1 : i32
    %dma_start3A_450 = arith.constant 1 : i32
    %dma_start3A_451 = arith.constant 96 : i32
    %dma_start3A_452 = arith.constant 0 : i32
    %dma_start3A_453 = tpu.memref_slice %arg8[%dma_start3A_449, %dma_start3A_451, %dma_start3A_452] : memref<4x256x64xf32, #tpu.memory_space<vmem>> -> memref<1x16x64xf32, #tpu.memory_space<vmem>>
    %dma_start3A_454 = tpu.memref_squeeze %dma_start3A_453 : memref<1x16x64xf32, #tpu.memory_space<vmem>> -> memref<16x64xf32, #tpu.memory_space<vmem>>
    %dma_start3A_455 = arith.constant 0 : i32
    %dma_start3A_456 = arith.constant 0 : i32
    %dma_start3A_457 = tpu.memref_slice %arg4[%dma_start3A_455, %dma_start3A_456] : memref<1000000x64xf32, #tpu.memory_space<hbm>> -> memref<1000000x64xf32, #tpu.memory_space<hbm>>
    %dma_start3A_458 = tpu.memref_slice %arg11[%dma_start3A_450] : memref<4x!tpu.dma_semaphore, #tpu.memory_space<semaphore_mem>> -> memref<1x!tpu.dma_semaphore, #tpu.memory_space<semaphore_mem>>
    %dma_start3A_459 = tpu.memref_squeeze %dma_start3A_458 : memref<1x!tpu.dma_semaphore, #tpu.memory_space<semaphore_mem>> -> memref<!tpu.dma_semaphore, #tpu.memory_space<semaphore_mem>>
    tpu.enqueue_indirect_dma source(%dma_start3A_457 : memref<1000000x64xf32, #tpu.memory_space<hbm>>) target(%dma_start3A_454 : memref<16x64xf32, #tpu.memory_space<vmem>>) offsets(%get3A_448 : vector<16xi32>) semaphore(%dma_start3A_459 : memref<!tpu.dma_semaphore, #tpu.memory_space<semaphore_mem>>)
    %get3A_460 = arith.constant 1 : i32
    %get3A_461 = arith.constant 0 : i32
    %get3A_462 = arith.index_cast %get3A_460 : i32 to index
    %get3A_463 = arith.index_cast %get3A_461 : i32 to index
    %get3A_464 = arith.constant 112 : index
    %get3A_465 = tpu.vector_load %arg6[%get3A_462, %get3A_463, %get3A_464] {strides = array<i32>} : memref<100x1x256xi32, #tpu.memory_space<vmem>>, vector<1x1x16xi32>,
    %get3A_466 = vector.shape_cast %get3A_465 : vector<1x1x16xi32> to vector<16xi32>
    %dma_start3A_467 = arith.constant 1 : i32
    %dma_start3A_468 = arith.constant 1 : i32
    %dma_start3A_469 = arith.constant 112 : i32
    %dma_start3A_470 = arith.constant 0 : i32
    %dma_start3A_471 = tpu.memref_slice %arg8[%dma_start3A_467, %dma_start3A_469, %dma_start3A_470] : memref<4x256x64xf32, #tpu.memory_space<vmem>> -> memref<1x16x64xf32, #tpu.memory_space<vmem>>
    %dma_start3A_472 = tpu.memref_squeeze %dma_start3A_471 : memref<1x16x64xf32, #tpu.memory_space<vmem>> -> memref<16x64xf32, #tpu.memory_space<vmem>>
    %dma_start3A_473 = arith.constant 0 : i32
    %dma_start3A_474 = arith.constant 0 : i32
    %dma_start3A_475 = tpu.memref_slice %arg4[%dma_start3A_473, %dma_start3A_474] : memref<1000000x64xf32, #tpu.memory_space<hbm>> -> memref<1000000x64xf32, #tpu.memory_space<hbm>>
    %dma_start3A_476 = tpu.memref_slice %arg11[%dma_start3A_468] : memref<4x!tpu.dma_semaphore, #tpu.memory_space<semaphore_mem>> -> memref<1x!tpu.dma_semaphore, #tpu.memory_space<semaphore_mem>>
    %dma_start3A_477 = tpu.memref_squeeze %dma_start3A_476 : memref<1x!tpu.dma_semaphore, #tpu.memory_space<semaphore_mem>> -> memref<!tpu.dma_semaphore, #tpu.memory_space<semaphore_mem>>
    tpu.enqueue_indirect_dma source(%dma_start3A_475 : memref<1000000x64xf32, #tpu.memory_space<hbm>>) target(%dma_start3A_472 : memref<16x64xf32, #tpu.memory_space<vmem>>) offsets(%get3A_466 : vector<16xi32>) semaphore(%dma_start3A_477 : memref<!tpu.dma_semaphore, #tpu.memory_space<semaphore_mem>>)
    %get3A_478 = arith.constant 1 : i32
    %get3A_479 = arith.constant 0 : i32
    %get3A_480 = arith.index_cast %get3A_478 : i32 to index
    %get3A_481 = arith.index_cast %get3A_479 : i32 to index
    %get3A_482 = arith.constant 128 : index
    %get3A_483 = tpu.vector_load %arg6[%get3A_480, %get3A_481, %get3A_482] {strides = array<i32>} : memref<100x1x256xi32, #tpu.memory_space<vmem>>, vector<1x1x16xi32>,
    %get3A_484 = vector.shape_cast %get3A_483 : vector<1x1x16xi32> to vector<16xi32>
    %dma_start3A_485 = arith.constant 1 : i32
    %dma_start3A_486 = arith.constant 1 : i32
    %dma_start3A_487 = arith.constant 128 : i32
    %dma_start3A_488 = arith.constant 0 : i32
    %dma_start3A_489 = tpu.memref_slice %arg8[%dma_start3A_485, %dma_start3A_487, %dma_start3A_488] : memref<4x256x64xf32, #tpu.memory_space<vmem>> -> memref<1x16x64xf32, #tpu.memory_space<vmem>>
    %dma_start3A_490 = tpu.memref_squeeze %dma_start3A_489 : memref<1x16x64xf32, #tpu.memory_space<vmem>> -> memref<16x64xf32, #tpu.memory_space<vmem>>
    %dma_start3A_491 = arith.constant 0 : i32
    %dma_start3A_492 = arith.constant 0 : i32
    %dma_start3A_493 = tpu.memref_slice %arg4[%dma_start3A_491, %dma_start3A_492] : memref<1000000x64xf32, #tpu.memory_space<hbm>> -> memref<1000000x64xf32, #tpu.memory_space<hbm>>
    %dma_start3A_494 = tpu.memref_slice %arg11[%dma_start3A_486] : memref<4x!tpu.dma_semaphore, #tpu.memory_space<semaphore_mem>> -> memref<1x!tpu.dma_semaphore, #tpu.memory_space<semaphore_mem>>
    %dma_start3A_495 = tpu.memref_squeeze %dma_start3A_494 : memref<1x!tpu.dma_semaphore, #tpu.memory_space<semaphore_mem>> -> memref<!tpu.dma_semaphore, #tpu.memory_space<semaphore_mem>>
    tpu.enqueue_indirect_dma source(%dma_start3A_493 : memref<1000000x64xf32, #tpu.memory_space<hbm>>) target(%dma_start3A_490 : memref<16x64xf32, #tpu.memory_space<vmem>>) offsets(%get3A_484 : vector<16xi32>) semaphore(%dma_start3A_495 : memref<!tpu.dma_semaphore, #tpu.memory_space<semaphore_mem>>)
    %get3A_496 = arith.constant 1 : i32
    %get3A_497 = arith.constant 0 : i32
    %get3A_498 = arith.index_cast %get3A_496 : i32 to index
    %get3A_499 = arith.index_cast %get3A_497 : i32 to index
    %get3A_500 = arith.constant 144 : index
    %get3A_501 = tpu.vector_load %arg6[%get3A_498, %get3A_499, %get3A_500] {strides = array<i32>} : memref<100x1x256xi32, #tpu.memory_space<vmem>>, vector<1x1x16xi32>,
    %get3A_502 = vector.shape_cast %get3A_501 : vector<1x1x16xi32> to vector<16xi32>
    %dma_start3A_503 = arith.constant 1 : i32
    %dma_start3A_504 = arith.constant 1 : i32
    %dma_start3A_505 = arith.constant 144 : i32
    %dma_start3A_506 = arith.constant 0 : i32
    %dma_start3A_507 = tpu.memref_slice %arg8[%dma_start3A_503, %dma_start3A_505, %dma_start3A_506] : memref<4x256x64xf32, #tpu.memory_space<vmem>> -> memref<1x16x64xf32, #tpu.memory_space<vmem>>
    %dma_start3A_508 = tpu.memref_squeeze %dma_start3A_507 : memref<1x16x64xf32, #tpu.memory_space<vmem>> -> memref<16x64xf32, #tpu.memory_space<vmem>>
    %dma_start3A_509 = arith.constant 0 : i32
    %dma_start3A_510 = arith.constant 0 : i32
    %dma_start3A_511 = tpu.memref_slice %arg4[%dma_start3A_509, %dma_start3A_510] : memref<1000000x64xf32, #tpu.memory_space<hbm>> -> memref<1000000x64xf32, #tpu.memory_space<hbm>>
    %dma_start3A_512 = tpu.memref_slice %arg11[%dma_start3A_504] : memref<4x!tpu.dma_semaphore, #tpu.memory_space<semaphore_mem>> -> memref<1x!tpu.dma_semaphore, #tpu.memory_space<semaphore_mem>>
    %dma_start3A_513 = tpu.memref_squeeze %dma_start3A_512 : memref<1x!tpu.dma_semaphore, #tpu.memory_space<semaphore_mem>> -> memref<!tpu.dma_semaphore, #tpu.memory_space<semaphore_mem>>
    tpu.enqueue_indirect_dma source(%dma_start3A_511 : memref<1000000x64xf32, #tpu.memory_space<hbm>>) target(%dma_start3A_508 : memref<16x64xf32, #tpu.memory_space<vmem>>) offsets(%get3A_502 : vector<16xi32>) semaphore(%dma_start3A_513 : memref<!tpu.dma_semaphore, #tpu.memory_space<semaphore_mem>>)
    %get3A_514 = arith.constant 1 : i32
    %get3A_515 = arith.constant 0 : i32
    %get3A_516 = arith.index_cast %get3A_514 : i32 to index
    %get3A_517 = arith.index_cast %get3A_515 : i32 to index
    %get3A_518 = arith.constant 160 : index
    %get3A_519 = tpu.vector_load %arg6[%get3A_516, %get3A_517, %get3A_518] {strides = array<i32>} : memref<100x1x256xi32, #tpu.memory_space<vmem>>, vector<1x1x16xi32>,
    %get3A_520 = vector.shape_cast %get3A_519 : vector<1x1x16xi32> to vector<16xi32>
    %dma_start3A_521 = arith.constant 1 : i32
    %dma_start3A_522 = arith.constant 1 : i32
    %dma_start3A_523 = arith.constant 160 : i32
    %dma_start3A_524 = arith.constant 0 : i32
    %dma_start3A_525 = tpu.memref_slice %arg8[%dma_start3A_521, %dma_start3A_523, %dma_start3A_524] : memref<4x256x64xf32, #tpu.memory_space<vmem>> -> memref<1x16x64xf32, #tpu.memory_space<vmem>>
    %dma_start3A_526 = tpu.memref_squeeze %dma_start3A_525 : memref<1x16x64xf32, #tpu.memory_space<vmem>> -> memref<16x64xf32, #tpu.memory_space<vmem>>
    %dma_start3A_527 = arith.constant 0 : i32
    %dma_start3A_528 = arith.constant 0 : i32
    %dma_start3A_529 = tpu.memref_slice %arg4[%dma_start3A_527, %dma_start3A_528] : memref<1000000x64xf32, #tpu.memory_space<hbm>> -> memref<1000000x64xf32, #tpu.memory_space<hbm>>
    %dma_start3A_530 = tpu.memref_slice %arg11[%dma_start3A_522] : memref<4x!tpu.dma_semaphore, #tpu.memory_space<semaphore_mem>> -> memref<1x!tpu.dma_semaphore, #tpu.memory_space<semaphore_mem>>
    %dma_start3A_531 = tpu.memref_squeeze %dma_start3A_530 : memref<1x!tpu.dma_semaphore, #tpu.memory_space<semaphore_mem>> -> memref<!tpu.dma_semaphore, #tpu.memory_space<semaphore_mem>>
    tpu.enqueue_indirect_dma source(%dma_start3A_529 : memref<1000000x64xf32, #tpu.memory_space<hbm>>) target(%dma_start3A_526 : memref<16x64xf32, #tpu.memory_space<vmem>>) offsets(%get3A_520 : vector<16xi32>) semaphore(%dma_start3A_531 : memref<!tpu.dma_semaphore, #tpu.memory_space<semaphore_mem>>)
    %get3A_532 = arith.constant 1 : i32
    %get3A_533 = arith.constant 0 : i32
    %get3A_534 = arith.index_cast %get3A_532 : i32 to index
    %get3A_535 = arith.index_cast %get3A_533 : i32 to index
    %get3A_536 = arith.constant 176 : index
    %get3A_537 = tpu.vector_load %arg6[%get3A_534, %get3A_535, %get3A_536] {strides = array<i32>} : memref<100x1x256xi32, #tpu.memory_space<vmem>>, vector<1x1x16xi32>,
    %get3A_538 = vector.shape_cast %get3A_537 : vector<1x1x16xi32> to vector<16xi32>
    %dma_start3A_539 = arith.constant 1 : i32
    %dma_start3A_540 = arith.constant 1 : i32
    %dma_start3A_541 = arith.constant 176 : i32
    %dma_start3A_542 = arith.constant 0 : i32
    %dma_start3A_543 = tpu.memref_slice %arg8[%dma_start3A_539, %dma_start3A_541, %dma_start3A_542] : memref<4x256x64xf32, #tpu.memory_space<vmem>> -> memref<1x16x64xf32, #tpu.memory_space<vmem>>
    %dma_start3A_544 = tpu.memref_squeeze %dma_start3A_543 : memref<1x16x64xf32, #tpu.memory_space<vmem>> -> memref<16x64xf32, #tpu.memory_space<vmem>>
    %dma_start3A_545 = arith.constant 0 : i32
    %dma_start3A_546 = arith.constant 0 : i32
    %dma_start3A_547 = tpu.memref_slice %arg4[%dma_start3A_545, %dma_start3A_546] : memref<1000000x64xf32, #tpu.memory_space<hbm>> -> memref<1000000x64xf32, #tpu.memory_space<hbm>>
    %dma_start3A_548 = tpu.memref_slice %arg11[%dma_start3A_540] : memref<4x!tpu.dma_semaphore, #tpu.memory_space<semaphore_mem>> -> memref<1x!tpu.dma_semaphore, #tpu.memory_space<semaphore_mem>>
    %dma_start3A_549 = tpu.memref_squeeze %dma_start3A_548 : memref<1x!tpu.dma_semaphore, #tpu.memory_space<semaphore_mem>> -> memref<!tpu.dma_semaphore, #tpu.memory_space<semaphore_mem>>
    tpu.enqueue_indirect_dma source(%dma_start3A_547 : memref<1000000x64xf32, #tpu.memory_space<hbm>>) target(%dma_start3A_544 : memref<16x64xf32, #tpu.memory_space<vmem>>) offsets(%get3A_538 : vector<16xi32>) semaphore(%dma_start3A_549 : memref<!tpu.dma_semaphore, #tpu.memory_space<semaphore_mem>>)
    %get3A_550 = arith.constant 1 : i32
    %get3A_551 = arith.constant 0 : i32
    %get3A_552 = arith.index_cast %get3A_550 : i32 to index
    %get3A_553 = arith.index_cast %get3A_551 : i32 to index
    %get3A_554 = arith.constant 192 : index
    %get3A_555 = tpu.vector_load %arg6[%get3A_552, %get3A_553, %get3A_554] {strides = array<i32>} : memref<100x1x256xi32, #tpu.memory_space<vmem>>, vector<1x1x16xi32>,
    %get3A_556 = vector.shape_cast %get3A_555 : vector<1x1x16xi32> to vector<16xi32>
    %dma_start3A_557 = arith.constant 1 : i32
    %dma_start3A_558 = arith.constant 1 : i32
    %dma_start3A_559 = arith.constant 192 : i32
    %dma_start3A_560 = arith.constant 0 : i32
    %dma_start3A_561 = tpu.memref_slice %arg8[%dma_start3A_557, %dma_start3A_559, %dma_start3A_560] : memref<4x256x64xf32, #tpu.memory_space<vmem>> -> memref<1x16x64xf32, #tpu.memory_space<vmem>>
    %dma_start3A_562 = tpu.memref_squeeze %dma_start3A_561 : memref<1x16x64xf32, #tpu.memory_space<vmem>> -> memref<16x64xf32, #tpu.memory_space<vmem>>
    %dma_start3A_563 = arith.constant 0 : i32
    %dma_start3A_564 = arith.constant 0 : i32
    %dma_start3A_565 = tpu.memref_slice %arg4[%dma_start3A_563, %dma_start3A_564] : memref<1000000x64xf32, #tpu.memory_space<hbm>> -> memref<1000000x64xf32, #tpu.memory_space<hbm>>
    %dma_start3A_566 = tpu.memref_slice %arg11[%dma_start3A_558] : memref<4x!tpu.dma_semaphore, #tpu.memory_space<semaphore_mem>> -> memref<1x!tpu.dma_semaphore, #tpu.memory_space<semaphore_mem>>
    %dma_start3A_567 = tpu.memref_squeeze %dma_start3A_566 : memref<1x!tpu.dma_semaphore, #tpu.memory_space<semaphore_mem>> -> memref<!tpu.dma_semaphore, #tpu.memory_space<semaphore_mem>>
    tpu.enqueue_indirect_dma source(%dma_start3A_565 : memref<1000000x64xf32, #tpu.memory_space<hbm>>) target(%dma_start3A_562 : memref<16x64xf32, #tpu.memory_space<vmem>>) offsets(%get3A_556 : vector<16xi32>) semaphore(%dma_start3A_567 : memref<!tpu.dma_semaphore, #tpu.memory_space<semaphore_mem>>)
    %get3A_568 = arith.constant 1 : i32
    %get3A_569 = arith.constant 0 : i32
    %get3A_570 = arith.index_cast %get3A_568 : i32 to index
    %get3A_571 = arith.index_cast %get3A_569 : i32 to index
    %get3A_572 = arith.constant 208 : index
    %get3A_573 = tpu.vector_load %arg6[%get3A_570, %get3A_571, %get3A_572] {strides = array<i32>} : memref<100x1x256xi32, #tpu.memory_space<vmem>>, vector<1x1x16xi32>,
    %get3A_574 = vector.shape_cast %get3A_573 : vector<1x1x16xi32> to vector<16xi32>
    %dma_start3A_575 = arith.constant 1 : i32
    %dma_start3A_576 = arith.constant 1 : i32
    %dma_start3A_577 = arith.constant 208 : i32
    %dma_start3A_578 = arith.constant 0 : i32
    %dma_start3A_579 = tpu.memref_slice %arg8[%dma_start3A_575, %dma_start3A_577, %dma_start3A_578] : memref<4x256x64xf32, #tpu.memory_space<vmem>> -> memref<1x16x64xf32, #tpu.memory_space<vmem>>
    %dma_start3A_580 = tpu.memref_squeeze %dma_start3A_579 : memref<1x16x64xf32, #tpu.memory_space<vmem>> -> memref<16x64xf32, #tpu.memory_space<vmem>>
    %dma_start3A_581 = arith.constant 0 : i32
    %dma_start3A_582 = arith.constant 0 : i32
    %dma_start3A_583 = tpu.memref_slice %arg4[%dma_start3A_581, %dma_start3A_582] : memref<1000000x64xf32, #tpu.memory_space<hbm>> -> memref<1000000x64xf32, #tpu.memory_space<hbm>>
    %dma_start3A_584 = tpu.memref_slice %arg11[%dma_start3A_576] : memref<4x!tpu.dma_semaphore, #tpu.memory_space<semaphore_mem>> -> memref<1x!tpu.dma_semaphore, #tpu.memory_space<semaphore_mem>>
    %dma_start3A_585 = tpu.memref_squeeze %dma_start3A_584 : memref<1x!tpu.dma_semaphore, #tpu.memory_space<semaphore_mem>> -> memref<!tpu.dma_semaphore, #tpu.memory_space<semaphore_mem>>
    tpu.enqueue_indirect_dma source(%dma_start3A_583 : memref<1000000x64xf32, #tpu.memory_space<hbm>>) target(%dma_start3A_580 : memref<16x64xf32, #tpu.memory_space<vmem>>) offsets(%get3A_574 : vector<16xi32>) semaphore(%dma_start3A_585 : memref<!tpu.dma_semaphore, #tpu.memory_space<semaphore_mem>>)
    %get3A_586 = arith.constant 1 : i32
    %get3A_587 = arith.constant 0 : i32
    %get3A_588 = arith.index_cast %get3A_586 : i32 to index
    %get3A_589 = arith.index_cast %get3A_587 : i32 to index
    %get3A_590 = arith.constant 224 : index
    %get3A_591 = tpu.vector_load %arg6[%get3A_588, %get3A_589, %get3A_590] {strides = array<i32>} : memref<100x1x256xi32, #tpu.memory_space<vmem>>, vector<1x1x16xi32>,
    %get3A_592 = vector.shape_cast %get3A_591 : vector<1x1x16xi32> to vector<16xi32>
    %dma_start3A_593 = arith.constant 1 : i32
    %dma_start3A_594 = arith.constant 1 : i32
    %dma_start3A_595 = arith.constant 224 : i32
    %dma_start3A_596 = arith.constant 0 : i32
    %dma_start3A_597 = tpu.memref_slice %arg8[%dma_start3A_593, %dma_start3A_595, %dma_start3A_596] : memref<4x256x64xf32, #tpu.memory_space<vmem>> -> memref<1x16x64xf32, #tpu.memory_space<vmem>>
    %dma_start3A_598 = tpu.memref_squeeze %dma_start3A_597 : memref<1x16x64xf32, #tpu.memory_space<vmem>> -> memref<16x64xf32, #tpu.memory_space<vmem>>
    %dma_start3A_599 = arith.constant 0 : i32
    %dma_start3A_600 = arith.constant 0 : i32
    %dma_start3A_601 = tpu.memref_slice %arg4[%dma_start3A_599, %dma_start3A_600] : memref<1000000x64xf32, #tpu.memory_space<hbm>> -> memref<1000000x64xf32, #tpu.memory_space<hbm>>
    %dma_start3A_602 = tpu.memref_slice %arg11[%dma_start3A_594] : memref<4x!tpu.dma_semaphore, #tpu.memory_space<semaphore_mem>> -> memref<1x!tpu.dma_semaphore, #tpu.memory_space<semaphore_mem>>
    %dma_start3A_603 = tpu.memref_squeeze %dma_start3A_602 : memref<1x!tpu.dma_semaphore, #tpu.memory_space<semaphore_mem>> -> memref<!tpu.dma_semaphore, #tpu.memory_space<semaphore_mem>>
    tpu.enqueue_indirect_dma source(%dma_start3A_601 : memref<1000000x64xf32, #tpu.memory_space<hbm>>) target(%dma_start3A_598 : memref<16x64xf32, #tpu.memory_space<vmem>>) offsets(%get3A_592 : vector<16xi32>) semaphore(%dma_start3A_603 : memref<!tpu.dma_semaphore, #tpu.memory_space<semaphore_mem>>)
    %get3A_604 = arith.constant 1 : i32
    %get3A_605 = arith.constant 0 : i32
    %get3A_606 = arith.index_cast %get3A_604 : i32 to index
    %get3A_607 = arith.index_cast %get3A_605 : i32 to index
    %get3A_608 = arith.constant 240 : index
    %get3A_609 = tpu.vector_load %arg6[%get3A_606, %get3A_607, %get3A_608] {strides = array<i32>} : memref<100x1x256xi32, #tpu.memory_space<vmem>>, vector<1x1x16xi32>,
    %get3A_610 = vector.shape_cast %get3A_609 : vector<1x1x16xi32> to vector<16xi32>
    %dma_start3A_611 = arith.constant 1 : i32
    %dma_start3A_612 = arith.constant 1 : i32
    %dma_start3A_613 = arith.constant 240 : i32
    %dma_start3A_614 = arith.constant 0 : i32
    %dma_start3A_615 = tpu.memref_slice %arg8[%dma_start3A_611, %dma_start3A_613, %dma_start3A_614] : memref<4x256x64xf32, #tpu.memory_space<vmem>> -> memref<1x16x64xf32, #tpu.memory_space<vmem>>
    %dma_start3A_616 = tpu.memref_squeeze %dma_start3A_615 : memref<1x16x64xf32, #tpu.memory_space<vmem>> -> memref<16x64xf32, #tpu.memory_space<vmem>>
    %dma_start3A_617 = arith.constant 0 : i32
    %dma_start3A_618 = arith.constant 0 : i32
    %dma_start3A_619 = tpu.memref_slice %arg4[%dma_start3A_617, %dma_start3A_618] : memref<1000000x64xf32, #tpu.memory_space<hbm>> -> memref<1000000x64xf32, #tpu.memory_space<hbm>>
    %dma_start3A_620 = tpu.memref_slice %arg11[%dma_start3A_612] : memref<4x!tpu.dma_semaphore, #tpu.memory_space<semaphore_mem>> -> memref<1x!tpu.dma_semaphore, #tpu.memory_space<semaphore_mem>>
    %dma_start3A_621 = tpu.memref_squeeze %dma_start3A_620 : memref<1x!tpu.dma_semaphore, #tpu.memory_space<semaphore_mem>> -> memref<!tpu.dma_semaphore, #tpu.memory_space<semaphore_mem>>
    tpu.enqueue_indirect_dma source(%dma_start3A_619 : memref<1000000x64xf32, #tpu.memory_space<hbm>>) target(%dma_start3A_616 : memref<16x64xf32, #tpu.memory_space<vmem>>) offsets(%get3A_610 : vector<16xi32>) semaphore(%dma_start3A_621 : memref<!tpu.dma_semaphore, #tpu.memory_space<semaphore_mem>>)
    %get3A_622 = arith.constant 2 : i32
    %get3A_623 = arith.constant 0 : i32
    %get3A_624 = arith.index_cast %get3A_622 : i32 to index
    %get3A_625 = arith.index_cast %get3A_623 : i32 to index
    %get3A_626 = arith.constant 0 : index
    %get3A_627 = tpu.vector_load %arg6[%get3A_624, %get3A_625, %get3A_626] {strides = array<i32>} : memref<100x1x256xi32, #tpu.memory_space<vmem>>, vector<1x1x16xi32>,
    %get3A_628 = vector.shape_cast %get3A_627 : vector<1x1x16xi32> to vector<16xi32>
    %dma_start3A_629 = arith.constant 2 : i32
    %dma_start3A_630 = arith.constant 2 : i32
    %dma_start3A_631 = arith.constant 0 : i32
    %dma_start3A_632 = arith.constant 0 : i32
    %dma_start3A_633 = tpu.memref_slice %arg8[%dma_start3A_629, %dma_start3A_631, %dma_start3A_632] : memref<4x256x64xf32, #tpu.memory_space<vmem>> -> memref<1x16x64xf32, #tpu.memory_space<vmem>>
    %dma_start3A_634 = tpu.memref_squeeze %dma_start3A_633 : memref<1x16x64xf32, #tpu.memory_space<vmem>> -> memref<16x64xf32, #tpu.memory_space<vmem>>
    %dma_start3A_635 = arith.constant 0 : i32
    %dma_start3A_636 = arith.constant 0 : i32
    %dma_start3A_637 = tpu.memref_slice %arg4[%dma_start3A_635, %dma_start3A_636] : memref<1000000x64xf32, #tpu.memory_space<hbm>> -> memref<1000000x64xf32, #tpu.memory_space<hbm>>
    %dma_start3A_638 = tpu.memref_slice %arg11[%dma_start3A_630] : memref<4x!tpu.dma_semaphore, #tpu.memory_space<semaphore_mem>> -> memref<1x!tpu.dma_semaphore, #tpu.memory_space<semaphore_mem>>
    %dma_start3A_639 = tpu.memref_squeeze %dma_start3A_638 : memref<1x!tpu.dma_semaphore, #tpu.memory_space<semaphore_mem>> -> memref<!tpu.dma_semaphore, #tpu.memory_space<semaphore_mem>>
    tpu.enqueue_indirect_dma source(%dma_start3A_637 : memref<1000000x64xf32, #tpu.memory_space<hbm>>) target(%dma_start3A_634 : memref<16x64xf32, #tpu.memory_space<vmem>>) offsets(%get3A_628 : vector<16xi32>) semaphore(%dma_start3A_639 : memref<!tpu.dma_semaphore, #tpu.memory_space<semaphore_mem>>)
    %get3A_640 = arith.constant 2 : i32
    %get3A_641 = arith.constant 0 : i32
    %get3A_642 = arith.index_cast %get3A_640 : i32 to index
    %get3A_643 = arith.index_cast %get3A_641 : i32 to index
    %get3A_644 = arith.constant 16 : index
    %get3A_645 = tpu.vector_load %arg6[%get3A_642, %get3A_643, %get3A_644] {strides = array<i32>} : memref<100x1x256xi32, #tpu.memory_space<vmem>>, vector<1x1x16xi32>,
    %get3A_646 = vector.shape_cast %get3A_645 : vector<1x1x16xi32> to vector<16xi32>
    %dma_start3A_647 = arith.constant 2 : i32
    %dma_start3A_648 = arith.constant 2 : i32
    %dma_start3A_649 = arith.constant 16 : i32
    %dma_start3A_650 = arith.constant 0 : i32
    %dma_start3A_651 = tpu.memref_slice %arg8[%dma_start3A_647, %dma_start3A_649, %dma_start3A_650] : memref<4x256x64xf32, #tpu.memory_space<vmem>> -> memref<1x16x64xf32, #tpu.memory_space<vmem>>
    %dma_start3A_652 = tpu.memref_squeeze %dma_start3A_651 : memref<1x16x64xf32, #tpu.memory_space<vmem>> -> memref<16x64xf32, #tpu.memory_space<vmem>>
    %dma_start3A_653 = arith.constant 0 : i32
    %dma_start3A_654 = arith.constant 0 : i32
    %dma_start3A_655 = tpu.memref_slice %arg4[%dma_start3A_653, %dma_start3A_654] : memref<1000000x64xf32, #tpu.memory_space<hbm>> -> memref<1000000x64xf32, #tpu.memory_space<hbm>>
    %dma_start3A_656 = tpu.memref_slice %arg11[%dma_start3A_648] : memref<4x!tpu.dma_semaphore, #tpu.memory_space<semaphore_mem>> -> memref<1x!tpu.dma_semaphore, #tpu.memory_space<semaphore_mem>>
    %dma_start3A_657 = tpu.memref_squeeze %dma_start3A_656 : memref<1x!tpu.dma_semaphore, #tpu.memory_space<semaphore_mem>> -> memref<!tpu.dma_semaphore, #tpu.memory_space<semaphore_mem>>
    tpu.enqueue_indirect_dma source(%dma_start3A_655 : memref<1000000x64xf32, #tpu.memory_space<hbm>>) target(%dma_start3A_652 : memref<16x64xf32, #tpu.memory_space<vmem>>) offsets(%get3A_646 : vector<16xi32>) semaphore(%dma_start3A_657 : memref<!tpu.dma_semaphore, #tpu.memory_space<semaphore_mem>>)
    %get3A_658 = arith.constant 2 : i32
    %get3A_659 = arith.constant 0 : i32
    %get3A_660 = arith.index_cast %get3A_658 : i32 to index
    %get3A_661 = arith.index_cast %get3A_659 : i32 to index
    %get3A_662 = arith.constant 32 : index
    %get3A_663 = tpu.vector_load %arg6[%get3A_660, %get3A_661, %get3A_662] {strides = array<i32>} : memref<100x1x256xi32, #tpu.memory_space<vmem>>, vector<1x1x16xi32>,
    %get3A_664 = vector.shape_cast %get3A_663 : vector<1x1x16xi32> to vector<16xi32>
    %dma_start3A_665 = arith.constant 2 : i32
    %dma_start3A_666 = arith.constant 2 : i32
    %dma_start3A_667 = arith.constant 32 : i32
    %dma_start3A_668 = arith.constant 0 : i32
    %dma_start3A_669 = tpu.memref_slice %arg8[%dma_start3A_665, %dma_start3A_667, %dma_start3A_668] : memref<4x256x64xf32, #tpu.memory_space<vmem>> -> memref<1x16x64xf32, #tpu.memory_space<vmem>>
    %dma_start3A_670 = tpu.memref_squeeze %dma_start3A_669 : memref<1x16x64xf32, #tpu.memory_space<vmem>> -> memref<16x64xf32, #tpu.memory_space<vmem>>
    %dma_start3A_671 = arith.constant 0 : i32
    %dma_start3A_672 = arith.constant 0 : i32
    %dma_start3A_673 = tpu.memref_slice %arg4[%dma_start3A_671, %dma_start3A_672] : memref<1000000x64xf32, #tpu.memory_space<hbm>> -> memref<1000000x64xf32, #tpu.memory_space<hbm>>
    %dma_start3A_674 = tpu.memref_slice %arg11[%dma_start3A_666] : memref<4x!tpu.dma_semaphore, #tpu.memory_space<semaphore_mem>> -> memref<1x!tpu.dma_semaphore, #tpu.memory_space<semaphore_mem>>
    %dma_start3A_675 = tpu.memref_squeeze %dma_start3A_674 : memref<1x!tpu.dma_semaphore, #tpu.memory_space<semaphore_mem>> -> memref<!tpu.dma_semaphore, #tpu.memory_space<semaphore_mem>>
    tpu.enqueue_indirect_dma source(%dma_start3A_673 : memref<1000000x64xf32, #tpu.memory_space<hbm>>) target(%dma_start3A_670 : memref<16x64xf32, #tpu.memory_space<vmem>>) offsets(%get3A_664 : vector<16xi32>) semaphore(%dma_start3A_675 : memref<!tpu.dma_semaphore, #tpu.memory_space<semaphore_mem>>)
    %get3A_676 = arith.constant 2 : i32
    %get3A_677 = arith.constant 0 : i32
    %get3A_678 = arith.index_cast %get3A_676 : i32 to index
    %get3A_679 = arith.index_cast %get3A_677 : i32 to index
    %get3A_680 = arith.constant 48 : index
    %get3A_681 = tpu.vector_load %arg6[%get3A_678, %get3A_679, %get3A_680] {strides = array<i32>} : memref<100x1x256xi32, #tpu.memory_space<vmem>>, vector<1x1x16xi32>,
    %get3A_682 = vector.shape_cast %get3A_681 : vector<1x1x16xi32> to vector<16xi32>
    %dma_start3A_683 = arith.constant 2 : i32
    %dma_start3A_684 = arith.constant 2 : i32
    %dma_start3A_685 = arith.constant 48 : i32
    %dma_start3A_686 = arith.constant 0 : i32
    %dma_start3A_687 = tpu.memref_slice %arg8[%dma_start3A_683, %dma_start3A_685, %dma_start3A_686] : memref<4x256x64xf32, #tpu.memory_space<vmem>> -> memref<1x16x64xf32, #tpu.memory_space<vmem>>
    %dma_start3A_688 = tpu.memref_squeeze %dma_start3A_687 : memref<1x16x64xf32, #tpu.memory_space<vmem>> -> memref<16x64xf32, #tpu.memory_space<vmem>>
    %dma_start3A_689 = arith.constant 0 : i32
    %dma_start3A_690 = arith.constant 0 : i32
    %dma_start3A_691 = tpu.memref_slice %arg4[%dma_start3A_689, %dma_start3A_690] : memref<1000000x64xf32, #tpu.memory_space<hbm>> -> memref<1000000x64xf32, #tpu.memory_space<hbm>>
    %dma_start3A_692 = tpu.memref_slice %arg11[%dma_start3A_684] : memref<4x!tpu.dma_semaphore, #tpu.memory_space<semaphore_mem>> -> memref<1x!tpu.dma_semaphore, #tpu.memory_space<semaphore_mem>>
    %dma_start3A_693 = tpu.memref_squeeze %dma_start3A_692 : memref<1x!tpu.dma_semaphore, #tpu.memory_space<semaphore_mem>> -> memref<!tpu.dma_semaphore, #tpu.memory_space<semaphore_mem>>
    tpu.enqueue_indirect_dma source(%dma_start3A_691 : memref<1000000x64xf32, #tpu.memory_space<hbm>>) target(%dma_start3A_688 : memref<16x64xf32, #tpu.memory_space<vmem>>) offsets(%get3A_682 : vector<16xi32>) semaphore(%dma_start3A_693 : memref<!tpu.dma_semaphore, #tpu.memory_space<semaphore_mem>>)
    %get3A_694 = arith.constant 2 : i32
    %get3A_695 = arith.constant 0 : i32
    %get3A_696 = arith.index_cast %get3A_694 : i32 to index
    %get3A_697 = arith.index_cast %get3A_695 : i32 to index
    %get3A_698 = arith.constant 64 : index
    %get3A_699 = tpu.vector_load %arg6[%get3A_696, %get3A_697, %get3A_698] {strides = array<i32>} : memref<100x1x256xi32, #tpu.memory_space<vmem>>, vector<1x1x16xi32>,
    %get3A_700 = vector.shape_cast %get3A_699 : vector<1x1x16xi32> to vector<16xi32>
    %dma_start3A_701 = arith.constant 2 : i32
    %dma_start3A_702 = arith.constant 2 : i32
    %dma_start3A_703 = arith.constant 64 : i32
    %dma_start3A_704 = arith.constant 0 : i32
    %dma_start3A_705 = tpu.memref_slice %arg8[%dma_start3A_701, %dma_start3A_703, %dma_start3A_704] : memref<4x256x64xf32, #tpu.memory_space<vmem>> -> memref<1x16x64xf32, #tpu.memory_space<vmem>>
    %dma_start3A_706 = tpu.memref_squeeze %dma_start3A_705 : memref<1x16x64xf32, #tpu.memory_space<vmem>> -> memref<16x64xf32, #tpu.memory_space<vmem>>
    %dma_start3A_707 = arith.constant 0 : i32
    %dma_start3A_708 = arith.constant 0 : i32
    %dma_start3A_709 = tpu.memref_slice %arg4[%dma_start3A_707, %dma_start3A_708] : memref<1000000x64xf32, #tpu.memory_space<hbm>> -> memref<1000000x64xf32, #tpu.memory_space<hbm>>
    %dma_start3A_710 = tpu.memref_slice %arg11[%dma_start3A_702] : memref<4x!tpu.dma_semaphore, #tpu.memory_space<semaphore_mem>> -> memref<1x!tpu.dma_semaphore, #tpu.memory_space<semaphore_mem>>
    %dma_start3A_711 = tpu.memref_squeeze %dma_start3A_710 : memref<1x!tpu.dma_semaphore, #tpu.memory_space<semaphore_mem>> -> memref<!tpu.dma_semaphore, #tpu.memory_space<semaphore_mem>>
    tpu.enqueue_indirect_dma source(%dma_start3A_709 : memref<1000000x64xf32, #tpu.memory_space<hbm>>) target(%dma_start3A_706 : memref<16x64xf32, #tpu.memory_space<vmem>>) offsets(%get3A_700 : vector<16xi32>) semaphore(%dma_start3A_711 : memref<!tpu.dma_semaphore, #tpu.memory_space<semaphore_mem>>)
    %get3A_712 = arith.constant 2 : i32
    %get3A_713 = arith.constant 0 : i32
    %get3A_714 = arith.index_cast %get3A_712 : i32 to index
    %get3A_715 = arith.index_cast %get3A_713 : i32 to index
    %get3A_716 = arith.constant 80 : index
    %get3A_717 = tpu.vector_load %arg6[%get3A_714, %get3A_715, %get3A_716] {strides = array<i32>} : memref<100x1x256xi32, #tpu.memory_space<vmem>>, vector<1x1x16xi32>,
    %get3A_718 = vector.shape_cast %get3A_717 : vector<1x1x16xi32> to vector<16xi32>
    %dma_start3A_719 = arith.constant 2 : i32
    %dma_start3A_720 = arith.constant 2 : i32
    %dma_start3A_721 = arith.constant 80 : i32
    %dma_start3A_722 = arith.constant 0 : i32
    %dma_start3A_723 = tpu.memref_slice %arg8[%dma_start3A_719, %dma_start3A_721, %dma_start3A_722] : memref<4x256x64xf32, #tpu.memory_space<vmem>> -> memref<1x16x64xf32, #tpu.memory_space<vmem>>
    %dma_start3A_724 = tpu.memref_squeeze %dma_start3A_723 : memref<1x16x64xf32, #tpu.memory_space<vmem>> -> memref<16x64xf32, #tpu.memory_space<vmem>>
    %dma_start3A_725 = arith.constant 0 : i32
    %dma_start3A_726 = arith.constant 0 : i32
    %dma_start3A_727 = tpu.memref_slice %arg4[%dma_start3A_725, %dma_start3A_726] : memref<1000000x64xf32, #tpu.memory_space<hbm>> -> memref<1000000x64xf32, #tpu.memory_space<hbm>>
    %dma_start3A_728 = tpu.memref_slice %arg11[%dma_start3A_720] : memref<4x!tpu.dma_semaphore, #tpu.memory_space<semaphore_mem>> -> memref<1x!tpu.dma_semaphore, #tpu.memory_space<semaphore_mem>>
    %dma_start3A_729 = tpu.memref_squeeze %dma_start3A_728 : memref<1x!tpu.dma_semaphore, #tpu.memory_space<semaphore_mem>> -> memref<!tpu.dma_semaphore, #tpu.memory_space<semaphore_mem>>
    tpu.enqueue_indirect_dma source(%dma_start3A_727 : memref<1000000x64xf32, #tpu.memory_space<hbm>>) target(%dma_start3A_724 : memref<16x64xf32, #tpu.memory_space<vmem>>) offsets(%get3A_718 : vector<16xi32>) semaphore(%dma_start3A_729 : memref<!tpu.dma_semaphore, #tpu.memory_space<semaphore_mem>>)
    %get3A_730 = arith.constant 2 : i32
    %get3A_731 = arith.constant 0 : i32
    %get3A_732 = arith.index_cast %get3A_730 : i32 to index
    %get3A_733 = arith.index_cast %get3A_731 : i32 to index
    %get3A_734 = arith.constant 96 : index
    %get3A_735 = tpu.vector_load %arg6[%get3A_732, %get3A_733, %get3A_734] {strides = array<i32>} : memref<100x1x256xi32, #tpu.memory_space<vmem>>, vector<1x1x16xi32>,
    %get3A_736 = vector.shape_cast %get3A_735 : vector<1x1x16xi32> to vector<16xi32>
    %dma_start3A_737 = arith.constant 2 : i32
    %dma_start3A_738 = arith.constant 2 : i32
    %dma_start3A_739 = arith.constant 96 : i32
    %dma_start3A_740 = arith.constant 0 : i32
    %dma_start3A_741 = tpu.memref_slice %arg8[%dma_start3A_737, %dma_start3A_739, %dma_start3A_740] : memref<4x256x64xf32, #tpu.memory_space<vmem>> -> memref<1x16x64xf32, #tpu.memory_space<vmem>>
    %dma_start3A_742 = tpu.memref_squeeze %dma_start3A_741 : memref<1x16x64xf32, #tpu.memory_space<vmem>> -> memref<16x64xf32, #tpu.memory_space<vmem>>
    %dma_start3A_743 = arith.constant 0 : i32
    %dma_start3A_744 = arith.constant 0 : i32
    %dma_start3A_745 = tpu.memref_slice %arg4[%dma_start3A_743, %dma_start3A_744] : memref<1000000x64xf32, #tpu.memory_space<hbm>> -> memref<1000000x64xf32, #tpu.memory_space<hbm>>
    %dma_start3A_746 = tpu.memref_slice %arg11[%dma_start3A_738] : memref<4x!tpu.dma_semaphore, #tpu.memory_space<semaphore_mem>> -> memref<1x!tpu.dma_semaphore, #tpu.memory_space<semaphore_mem>>
    %dma_start3A_747 = tpu.memref_squeeze %dma_start3A_746 : memref<1x!tpu.dma_semaphore, #tpu.memory_space<semaphore_mem>> -> memref<!tpu.dma_semaphore, #tpu.memory_space<semaphore_mem>>
    tpu.enqueue_indirect_dma source(%dma_start3A_745 : memref<1000000x64xf32, #tpu.memory_space<hbm>>) target(%dma_start3A_742 : memref<16x64xf32, #tpu.memory_space<vmem>>) offsets(%get3A_736 : vector<16xi32>) semaphore(%dma_start3A_747 : memref<!tpu.dma_semaphore, #tpu.memory_space<semaphore_mem>>)
    %get3A_748 = arith.constant 2 : i32
    %get3A_749 = arith.constant 0 : i32
    %get3A_750 = arith.index_cast %get3A_748 : i32 to index
    %get3A_751 = arith.index_cast %get3A_749 : i32 to index
    %get3A_752 = arith.constant 112 : index
    %get3A_753 = tpu.vector_load %arg6[%get3A_750, %get3A_751, %get3A_752] {strides = array<i32>} : memref<100x1x256xi32, #tpu.memory_space<vmem>>, vector<1x1x16xi32>,
    %get3A_754 = vector.shape_cast %get3A_753 : vector<1x1x16xi32> to vector<16xi32>
    %dma_start3A_755 = arith.constant 2 : i32
    %dma_start3A_756 = arith.constant 2 : i32
    %dma_start3A_757 = arith.constant 112 : i32
    %dma_start3A_758 = arith.constant 0 : i32
    %dma_start3A_759 = tpu.memref_slice %arg8[%dma_start3A_755, %dma_start3A_757, %dma_start3A_758] : memref<4x256x64xf32, #tpu.memory_space<vmem>> -> memref<1x16x64xf32, #tpu.memory_space<vmem>>
    %dma_start3A_760 = tpu.memref_squeeze %dma_start3A_759 : memref<1x16x64xf32, #tpu.memory_space<vmem>> -> memref<16x64xf32, #tpu.memory_space<vmem>>
    %dma_start3A_761 = arith.constant 0 : i32
    %dma_start3A_762 = arith.constant 0 : i32
    %dma_start3A_763 = tpu.memref_slice %arg4[%dma_start3A_761, %dma_start3A_762] : memref<1000000x64xf32, #tpu.memory_space<hbm>> -> memref<1000000x64xf32, #tpu.memory_space<hbm>>
    %dma_start3A_764 = tpu.memref_slice %arg11[%dma_start3A_756] : memref<4x!tpu.dma_semaphore, #tpu.memory_space<semaphore_mem>> -> memref<1x!tpu.dma_semaphore, #tpu.memory_space<semaphore_mem>>
    %dma_start3A_765 = tpu.memref_squeeze %dma_start3A_764 : memref<1x!tpu.dma_semaphore, #tpu.memory_space<semaphore_mem>> -> memref<!tpu.dma_semaphore, #tpu.memory_space<semaphore_mem>>
    tpu.enqueue_indirect_dma source(%dma_start3A_763 : memref<1000000x64xf32, #tpu.memory_space<hbm>>) target(%dma_start3A_760 : memref<16x64xf32, #tpu.memory_space<vmem>>) offsets(%get3A_754 : vector<16xi32>) semaphore(%dma_start3A_765 : memref<!tpu.dma_semaphore, #tpu.memory_space<semaphore_mem>>)
    %get3A_766 = arith.constant 2 : i32
    %get3A_767 = arith.constant 0 : i32
    %get3A_768 = arith.index_cast %get3A_766 : i32 to index
    %get3A_769 = arith.index_cast %get3A_767 : i32 to index
    %get3A_770 = arith.constant 128 : index
    %get3A_771 = tpu.vector_load %arg6[%get3A_768, %get3A_769, %get3A_770] {strides = array<i32>} : memref<100x1x256xi32, #tpu.memory_space<vmem>>, vector<1x1x16xi32>,
    %get3A_772 = vector.shape_cast %get3A_771 : vector<1x1x16xi32> to vector<16xi32>
    %dma_start3A_773 = arith.constant 2 : i32
    %dma_start3A_774 = arith.constant 2 : i32
    %dma_start3A_775 = arith.constant 128 : i32
    %dma_start3A_776 = arith.constant 0 : i32
    %dma_start3A_777 = tpu.memref_slice %arg8[%dma_start3A_773, %dma_start3A_775, %dma_start3A_776] : memref<4x256x64xf32, #tpu.memory_space<vmem>> -> memref<1x16x64xf32, #tpu.memory_space<vmem>>
    %dma_start3A_778 = tpu.memref_squeeze %dma_start3A_777 : memref<1x16x64xf32, #tpu.memory_space<vmem>> -> memref<16x64xf32, #tpu.memory_space<vmem>>
    %dma_start3A_779 = arith.constant 0 : i32
    %dma_start3A_780 = arith.constant 0 : i32
    %dma_start3A_781 = tpu.memref_slice %arg4[%dma_start3A_779, %dma_start3A_780] : memref<1000000x64xf32, #tpu.memory_space<hbm>> -> memref<1000000x64xf32, #tpu.memory_space<hbm>>
    %dma_start3A_782 = tpu.memref_slice %arg11[%dma_start3A_774] : memref<4x!tpu.dma_semaphore, #tpu.memory_space<semaphore_mem>> -> memref<1x!tpu.dma_semaphore, #tpu.memory_space<semaphore_mem>>
    %dma_start3A_783 = tpu.memref_squeeze %dma_start3A_782 : memref<1x!tpu.dma_semaphore, #tpu.memory_space<semaphore_mem>> -> memref<!tpu.dma_semaphore, #tpu.memory_space<semaphore_mem>>
    tpu.enqueue_indirect_dma source(%dma_start3A_781 : memref<1000000x64xf32, #tpu.memory_space<hbm>>) target(%dma_start3A_778 : memref<16x64xf32, #tpu.memory_space<vmem>>) offsets(%get3A_772 : vector<16xi32>) semaphore(%dma_start3A_783 : memref<!tpu.dma_semaphore, #tpu.memory_space<semaphore_mem>>)
    %get3A_784 = arith.constant 2 : i32
    %get3A_785 = arith.constant 0 : i32
    %get3A_786 = arith.index_cast %get3A_784 : i32 to index
    %get3A_787 = arith.index_cast %get3A_785 : i32 to index
    %get3A_788 = arith.constant 144 : index
    %get3A_789 = tpu.vector_load %arg6[%get3A_786, %get3A_787, %get3A_788] {strides = array<i32>} : memref<100x1x256xi32, #tpu.memory_space<vmem>>, vector<1x1x16xi32>,
    %get3A_790 = vector.shape_cast %get3A_789 : vector<1x1x16xi32> to vector<16xi32>
    %dma_start3A_791 = arith.constant 2 : i32
    %dma_start3A_792 = arith.constant 2 : i32
    %dma_start3A_793 = arith.constant 144 : i32
    %dma_start3A_794 = arith.constant 0 : i32
    %dma_start3A_795 = tpu.memref_slice %arg8[%dma_start3A_791, %dma_start3A_793, %dma_start3A_794] : memref<4x256x64xf32, #tpu.memory_space<vmem>> -> memref<1x16x64xf32, #tpu.memory_space<vmem>>
    %dma_start3A_796 = tpu.memref_squeeze %dma_start3A_795 : memref<1x16x64xf32, #tpu.memory_space<vmem>> -> memref<16x64xf32, #tpu.memory_space<vmem>>
    %dma_start3A_797 = arith.constant 0 : i32
    %dma_start3A_798 = arith.constant 0 : i32
    %dma_start3A_799 = tpu.memref_slice %arg4[%dma_start3A_797, %dma_start3A_798] : memref<1000000x64xf32, #tpu.memory_space<hbm>> -> memref<1000000x64xf32, #tpu.memory_space<hbm>>
    %dma_start3A_800 = tpu.memref_slice %arg11[%dma_start3A_792] : memref<4x!tpu.dma_semaphore, #tpu.memory_space<semaphore_mem>> -> memref<1x!tpu.dma_semaphore, #tpu.memory_space<semaphore_mem>>
    %dma_start3A_801 = tpu.memref_squeeze %dma_start3A_800 : memref<1x!tpu.dma_semaphore, #tpu.memory_space<semaphore_mem>> -> memref<!tpu.dma_semaphore, #tpu.memory_space<semaphore_mem>>
    tpu.enqueue_indirect_dma source(%dma_start3A_799 : memref<1000000x64xf32, #tpu.memory_space<hbm>>) target(%dma_start3A_796 : memref<16x64xf32, #tpu.memory_space<vmem>>) offsets(%get3A_790 : vector<16xi32>) semaphore(%dma_start3A_801 : memref<!tpu.dma_semaphore, #tpu.memory_space<semaphore_mem>>)
    %get3A_802 = arith.constant 2 : i32
    %get3A_803 = arith.constant 0 : i32
    %get3A_804 = arith.index_cast %get3A_802 : i32 to index
    %get3A_805 = arith.index_cast %get3A_803 : i32 to index
    %get3A_806 = arith.constant 160 : index
    %get3A_807 = tpu.vector_load %arg6[%get3A_804, %get3A_805, %get3A_806] {strides = array<i32>} : memref<100x1x256xi32, #tpu.memory_space<vmem>>, vector<1x1x16xi32>,
    %get3A_808 = vector.shape_cast %get3A_807 : vector<1x1x16xi32> to vector<16xi32>
    %dma_start3A_809 = arith.constant 2 : i32
    %dma_start3A_810 = arith.constant 2 : i32
    %dma_start3A_811 = arith.constant 160 : i32
    %dma_start3A_812 = arith.constant 0 : i32
    %dma_start3A_813 = tpu.memref_slice %arg8[%dma_start3A_809, %dma_start3A_811, %dma_start3A_812] : memref<4x256x64xf32, #tpu.memory_space<vmem>> -> memref<1x16x64xf32, #tpu.memory_space<vmem>>
    %dma_start3A_814 = tpu.memref_squeeze %dma_start3A_813 : memref<1x16x64xf32, #tpu.memory_space<vmem>> -> memref<16x64xf32, #tpu.memory_space<vmem>>
    %dma_start3A_815 = arith.constant 0 : i32
    %dma_start3A_816 = arith.constant 0 : i32
    %dma_start3A_817 = tpu.memref_slice %arg4[%dma_start3A_815, %dma_start3A_816] : memref<1000000x64xf32, #tpu.memory_space<hbm>> -> memref<1000000x64xf32, #tpu.memory_space<hbm>>
    %dma_start3A_818 = tpu.memref_slice %arg11[%dma_start3A_810] : memref<4x!tpu.dma_semaphore, #tpu.memory_space<semaphore_mem>> -> memref<1x!tpu.dma_semaphore, #tpu.memory_space<semaphore_mem>>
    %dma_start3A_819 = tpu.memref_squeeze %dma_start3A_818 : memref<1x!tpu.dma_semaphore, #tpu.memory_space<semaphore_mem>> -> memref<!tpu.dma_semaphore, #tpu.memory_space<semaphore_mem>>
    tpu.enqueue_indirect_dma source(%dma_start3A_817 : memref<1000000x64xf32, #tpu.memory_space<hbm>>) target(%dma_start3A_814 : memref<16x64xf32, #tpu.memory_space<vmem>>) offsets(%get3A_808 : vector<16xi32>) semaphore(%dma_start3A_819 : memref<!tpu.dma_semaphore, #tpu.memory_space<semaphore_mem>>)
    %get3A_820 = arith.constant 2 : i32
    %get3A_821 = arith.constant 0 : i32
    %get3A_822 = arith.index_cast %get3A_820 : i32 to index
    %get3A_823 = arith.index_cast %get3A_821 : i32 to index
    %get3A_824 = arith.constant 176 : index
    %get3A_825 = tpu.vector_load %arg6[%get3A_822, %get3A_823, %get3A_824] {strides = array<i32>} : memref<100x1x256xi32, #tpu.memory_space<vmem>>, vector<1x1x16xi32>,
    %get3A_826 = vector.shape_cast %get3A_825 : vector<1x1x16xi32> to vector<16xi32>
    %dma_start3A_827 = arith.constant 2 : i32
    %dma_start3A_828 = arith.constant 2 : i32
    %dma_start3A_829 = arith.constant 176 : i32
    %dma_start3A_830 = arith.constant 0 : i32
    %dma_start3A_831 = tpu.memref_slice %arg8[%dma_start3A_827, %dma_start3A_829, %dma_start3A_830] : memref<4x256x64xf32, #tpu.memory_space<vmem>> -> memref<1x16x64xf32, #tpu.memory_space<vmem>>
    %dma_start3A_832 = tpu.memref_squeeze %dma_start3A_831 : memref<1x16x64xf32, #tpu.memory_space<vmem>> -> memref<16x64xf32, #tpu.memory_space<vmem>>
    %dma_start3A_833 = arith.constant 0 : i32
    %dma_start3A_834 = arith.constant 0 : i32
    %dma_start3A_835 = tpu.memref_slice %arg4[%dma_start3A_833, %dma_start3A_834] : memref<1000000x64xf32, #tpu.memory_space<hbm>> -> memref<1000000x64xf32, #tpu.memory_space<hbm>>
    %dma_start3A_836 = tpu.memref_slice %arg11[%dma_start3A_828] : memref<4x!tpu.dma_semaphore, #tpu.memory_space<semaphore_mem>> -> memref<1x!tpu.dma_semaphore, #tpu.memory_space<semaphore_mem>>
    %dma_start3A_837 = tpu.memref_squeeze %dma_start3A_836 : memref<1x!tpu.dma_semaphore, #tpu.memory_space<semaphore_mem>> -> memref<!tpu.dma_semaphore, #tpu.memory_space<semaphore_mem>>
    tpu.enqueue_indirect_dma source(%dma_start3A_835 : memref<1000000x64xf32, #tpu.memory_space<hbm>>) target(%dma_start3A_832 : memref<16x64xf32, #tpu.memory_space<vmem>>) offsets(%get3A_826 : vector<16xi32>) semaphore(%dma_start3A_837 : memref<!tpu.dma_semaphore, #tpu.memory_space<semaphore_mem>>)
    %get3A_838 = arith.constant 2 : i32
    %get3A_839 = arith.constant 0 : i32
    %get3A_840 = arith.index_cast %get3A_838 : i32 to index
    %get3A_841 = arith.index_cast %get3A_839 : i32 to index
    %get3A_842 = arith.constant 192 : index
    %get3A_843 = tpu.vector_load %arg6[%get3A_840, %get3A_841, %get3A_842] {strides = array<i32>} : memref<100x1x256xi32, #tpu.memory_space<vmem>>, vector<1x1x16xi32>,
    %get3A_844 = vector.shape_cast %get3A_843 : vector<1x1x16xi32> to vector<16xi32>
    %dma_start3A_845 = arith.constant 2 : i32
    %dma_start3A_846 = arith.constant 2 : i32
    %dma_start3A_847 = arith.constant 192 : i32
    %dma_start3A_848 = arith.constant 0 : i32
    %dma_start3A_849 = tpu.memref_slice %arg8[%dma_start3A_845, %dma_start3A_847, %dma_start3A_848] : memref<4x256x64xf32, #tpu.memory_space<vmem>> -> memref<1x16x64xf32, #tpu.memory_space<vmem>>
    %dma_start3A_850 = tpu.memref_squeeze %dma_start3A_849 : memref<1x16x64xf32, #tpu.memory_space<vmem>> -> memref<16x64xf32, #tpu.memory_space<vmem>>
    %dma_start3A_851 = arith.constant 0 : i32
    %dma_start3A_852 = arith.constant 0 : i32
    %dma_start3A_853 = tpu.memref_slice %arg4[%dma_start3A_851, %dma_start3A_852] : memref<1000000x64xf32, #tpu.memory_space<hbm>> -> memref<1000000x64xf32, #tpu.memory_space<hbm>>
    %dma_start3A_854 = tpu.memref_slice %arg11[%dma_start3A_846] : memref<4x!tpu.dma_semaphore, #tpu.memory_space<semaphore_mem>> -> memref<1x!tpu.dma_semaphore, #tpu.memory_space<semaphore_mem>>
    %dma_start3A_855 = tpu.memref_squeeze %dma_start3A_854 : memref<1x!tpu.dma_semaphore, #tpu.memory_space<semaphore_mem>> -> memref<!tpu.dma_semaphore, #tpu.memory_space<semaphore_mem>>
    tpu.enqueue_indirect_dma source(%dma_start3A_853 : memref<1000000x64xf32, #tpu.memory_space<hbm>>) target(%dma_start3A_850 : memref<16x64xf32, #tpu.memory_space<vmem>>) offsets(%get3A_844 : vector<16xi32>) semaphore(%dma_start3A_855 : memref<!tpu.dma_semaphore, #tpu.memory_space<semaphore_mem>>)
    %get3A_856 = arith.constant 2 : i32
    %get3A_857 = arith.constant 0 : i32
    %get3A_858 = arith.index_cast %get3A_856 : i32 to index
    %get3A_859 = arith.index_cast %get3A_857 : i32 to index
    %get3A_860 = arith.constant 208 : index
    %get3A_861 = tpu.vector_load %arg6[%get3A_858, %get3A_859, %get3A_860] {strides = array<i32>} : memref<100x1x256xi32, #tpu.memory_space<vmem>>, vector<1x1x16xi32>,
    %get3A_862 = vector.shape_cast %get3A_861 : vector<1x1x16xi32> to vector<16xi32>
    %dma_start3A_863 = arith.constant 2 : i32
    %dma_start3A_864 = arith.constant 2 : i32
    %dma_start3A_865 = arith.constant 208 : i32
    %dma_start3A_866 = arith.constant 0 : i32
    %dma_start3A_867 = tpu.memref_slice %arg8[%dma_start3A_863, %dma_start3A_865, %dma_start3A_866] : memref<4x256x64xf32, #tpu.memory_space<vmem>> -> memref<1x16x64xf32, #tpu.memory_space<vmem>>
    %dma_start3A_868 = tpu.memref_squeeze %dma_start3A_867 : memref<1x16x64xf32, #tpu.memory_space<vmem>> -> memref<16x64xf32, #tpu.memory_space<vmem>>
    %dma_start3A_869 = arith.constant 0 : i32
    %dma_start3A_870 = arith.constant 0 : i32
    %dma_start3A_871 = tpu.memref_slice %arg4[%dma_start3A_869, %dma_start3A_870] : memref<1000000x64xf32, #tpu.memory_space<hbm>> -> memref<1000000x64xf32, #tpu.memory_space<hbm>>
    %dma_start3A_872 = tpu.memref_slice %arg11[%dma_start3A_864] : memref<4x!tpu.dma_semaphore, #tpu.memory_space<semaphore_mem>> -> memref<1x!tpu.dma_semaphore, #tpu.memory_space<semaphore_mem>>
    %dma_start3A_873 = tpu.memref_squeeze %dma_start3A_872 : memref<1x!tpu.dma_semaphore, #tpu.memory_space<semaphore_mem>> -> memref<!tpu.dma_semaphore, #tpu.memory_space<semaphore_mem>>
    tpu.enqueue_indirect_dma source(%dma_start3A_871 : memref<1000000x64xf32, #tpu.memory_space<hbm>>) target(%dma_start3A_868 : memref<16x64xf32, #tpu.memory_space<vmem>>) offsets(%get3A_862 : vector<16xi32>) semaphore(%dma_start3A_873 : memref<!tpu.dma_semaphore, #tpu.memory_space<semaphore_mem>>)
    %get3A_874 = arith.constant 2 : i32
    %get3A_875 = arith.constant 0 : i32
    %get3A_876 = arith.index_cast %get3A_874 : i32 to index
    %get3A_877 = arith.index_cast %get3A_875 : i32 to index
    %get3A_878 = arith.constant 224 : index
    %get3A_879 = tpu.vector_load %arg6[%get3A_876, %get3A_877, %get3A_878] {strides = array<i32>} : memref<100x1x256xi32, #tpu.memory_space<vmem>>, vector<1x1x16xi32>,
    %get3A_880 = vector.shape_cast %get3A_879 : vector<1x1x16xi32> to vector<16xi32>
    %dma_start3A_881 = arith.constant 2 : i32
    %dma_start3A_882 = arith.constant 2 : i32
    %dma_start3A_883 = arith.constant 224 : i32
    %dma_start3A_884 = arith.constant 0 : i32
    %dma_start3A_885 = tpu.memref_slice %arg8[%dma_start3A_881, %dma_start3A_883, %dma_start3A_884] : memref<4x256x64xf32, #tpu.memory_space<vmem>> -> memref<1x16x64xf32, #tpu.memory_space<vmem>>
    %dma_start3A_886 = tpu.memref_squeeze %dma_start3A_885 : memref<1x16x64xf32, #tpu.memory_space<vmem>> -> memref<16x64xf32, #tpu.memory_space<vmem>>
    %dma_start3A_887 = arith.constant 0 : i32
    %dma_start3A_888 = arith.constant 0 : i32
    %dma_start3A_889 = tpu.memref_slice %arg4[%dma_start3A_887, %dma_start3A_888] : memref<1000000x64xf32, #tpu.memory_space<hbm>> -> memref<1000000x64xf32, #tpu.memory_space<hbm>>
    %dma_start3A_890 = tpu.memref_slice %arg11[%dma_start3A_882] : memref<4x!tpu.dma_semaphore, #tpu.memory_space<semaphore_mem>> -> memref<1x!tpu.dma_semaphore, #tpu.memory_space<semaphore_mem>>
    %dma_start3A_891 = tpu.memref_squeeze %dma_start3A_890 : memref<1x!tpu.dma_semaphore, #tpu.memory_space<semaphore_mem>> -> memref<!tpu.dma_semaphore, #tpu.memory_space<semaphore_mem>>
    tpu.enqueue_indirect_dma source(%dma_start3A_889 : memref<1000000x64xf32, #tpu.memory_space<hbm>>) target(%dma_start3A_886 : memref<16x64xf32, #tpu.memory_space<vmem>>) offsets(%get3A_880 : vector<16xi32>) semaphore(%dma_start3A_891 : memref<!tpu.dma_semaphore, #tpu.memory_space<semaphore_mem>>)
    %get3A_892 = arith.constant 2 : i32
    %get3A_893 = arith.constant 0 : i32
    %get3A_894 = arith.index_cast %get3A_892 : i32 to index
    %get3A_895 = arith.index_cast %get3A_893 : i32 to index
    %get3A_896 = arith.constant 240 : index
    %get3A_897 = tpu.vector_load %arg6[%get3A_894, %get3A_895, %get3A_896] {strides = array<i32>} : memref<100x1x256xi32, #tpu.memory_space<vmem>>, vector<1x1x16xi32>,
    %get3A_898 = vector.shape_cast %get3A_897 : vector<1x1x16xi32> to vector<16xi32>
    %dma_start3A_899 = arith.constant 2 : i32
    %dma_start3A_900 = arith.constant 2 : i32
    %dma_start3A_901 = arith.constant 240 : i32
    %dma_start3A_902 = arith.constant 0 : i32
    %dma_start3A_903 = tpu.memref_slice %arg8[%dma_start3A_899, %dma_start3A_901, %dma_start3A_902] : memref<4x256x64xf32, #tpu.memory_space<vmem>> -> memref<1x16x64xf32, #tpu.memory_space<vmem>>
    %dma_start3A_904 = tpu.memref_squeeze %dma_start3A_903 : memref<1x16x64xf32, #tpu.memory_space<vmem>> -> memref<16x64xf32, #tpu.memory_space<vmem>>
    %dma_start3A_905 = arith.constant 0 : i32
    %dma_start3A_906 = arith.constant 0 : i32
    %dma_start3A_907 = tpu.memref_slice %arg4[%dma_start3A_905, %dma_start3A_906] : memref<1000000x64xf32, #tpu.memory_space<hbm>> -> memref<1000000x64xf32, #tpu.memory_space<hbm>>
    %dma_start3A_908 = tpu.memref_slice %arg11[%dma_start3A_900] : memref<4x!tpu.dma_semaphore, #tpu.memory_space<semaphore_mem>> -> memref<1x!tpu.dma_semaphore, #tpu.memory_space<semaphore_mem>>
    %dma_start3A_909 = tpu.memref_squeeze %dma_start3A_908 : memref<1x!tpu.dma_semaphore, #tpu.memory_space<semaphore_mem>> -> memref<!tpu.dma_semaphore, #tpu.memory_space<semaphore_mem>>
    tpu.enqueue_indirect_dma source(%dma_start3A_907 : memref<1000000x64xf32, #tpu.memory_space<hbm>>) target(%dma_start3A_904 : memref<16x64xf32, #tpu.memory_space<vmem>>) offsets(%get3A_898 : vector<16xi32>) semaphore(%dma_start3A_909 : memref<!tpu.dma_semaphore, #tpu.memory_space<semaphore_mem>>)
    %get3A_910 = arith.constant 3 : i32
    %get3A_911 = arith.constant 0 : i32
    %get3A_912 = arith.index_cast %get3A_910 : i32 to index
    %get3A_913 = arith.index_cast %get3A_911 : i32 to index
    %get3A_914 = arith.constant 0 : index
    %get3A_915 = tpu.vector_load %arg6[%get3A_912, %get3A_913, %get3A_914] {strides = array<i32>} : memref<100x1x256xi32, #tpu.memory_space<vmem>>, vector<1x1x16xi32>,
    %get3A_916 = vector.shape_cast %get3A_915 : vector<1x1x16xi32> to vector<16xi32>
    %dma_start3A_917 = arith.constant 3 : i32
    %dma_start3A_918 = arith.constant 3 : i32
    %dma_start3A_919 = arith.constant 0 : i32
    %dma_start3A_920 = arith.constant 0 : i32
    %dma_start3A_921 = tpu.memref_slice %arg8[%dma_start3A_917, %dma_start3A_919, %dma_start3A_920] : memref<4x256x64xf32, #tpu.memory_space<vmem>> -> memref<1x16x64xf32, #tpu.memory_space<vmem>>
    %dma_start3A_922 = tpu.memref_squeeze %dma_start3A_921 : memref<1x16x64xf32, #tpu.memory_space<vmem>> -> memref<16x64xf32, #tpu.memory_space<vmem>>
    %dma_start3A_923 = arith.constant 0 : i32
    %dma_start3A_924 = arith.constant 0 : i32
    %dma_start3A_925 = tpu.memref_slice %arg4[%dma_start3A_923, %dma_start3A_924] : memref<1000000x64xf32, #tpu.memory_space<hbm>> -> memref<1000000x64xf32, #tpu.memory_space<hbm>>
    %dma_start3A_926 = tpu.memref_slice %arg11[%dma_start3A_918] : memref<4x!tpu.dma_semaphore, #tpu.memory_space<semaphore_mem>> -> memref<1x!tpu.dma_semaphore, #tpu.memory_space<semaphore_mem>>
    %dma_start3A_927 = tpu.memref_squeeze %dma_start3A_926 : memref<1x!tpu.dma_semaphore, #tpu.memory_space<semaphore_mem>> -> memref<!tpu.dma_semaphore, #tpu.memory_space<semaphore_mem>>
    tpu.enqueue_indirect_dma source(%dma_start3A_925 : memref<1000000x64xf32, #tpu.memory_space<hbm>>) target(%dma_start3A_922 : memref<16x64xf32, #tpu.memory_space<vmem>>) offsets(%get3A_916 : vector<16xi32>) semaphore(%dma_start3A_927 : memref<!tpu.dma_semaphore, #tpu.memory_space<semaphore_mem>>)
    %get3A_928 = arith.constant 3 : i32
    %get3A_929 = arith.constant 0 : i32
    %get3A_930 = arith.index_cast %get3A_928 : i32 to index
    %get3A_931 = arith.index_cast %get3A_929 : i32 to index
    %get3A_932 = arith.constant 16 : index
    %get3A_933 = tpu.vector_load %arg6[%get3A_930, %get3A_931, %get3A_932] {strides = array<i32>} : memref<100x1x256xi32, #tpu.memory_space<vmem>>, vector<1x1x16xi32>,
    %get3A_934 = vector.shape_cast %get3A_933 : vector<1x1x16xi32> to vector<16xi32>
    %dma_start3A_935 = arith.constant 3 : i32
    %dma_start3A_936 = arith.constant 3 : i32
    %dma_start3A_937 = arith.constant 16 : i32
    %dma_start3A_938 = arith.constant 0 : i32
    %dma_start3A_939 = tpu.memref_slice %arg8[%dma_start3A_935, %dma_start3A_937, %dma_start3A_938] : memref<4x256x64xf32, #tpu.memory_space<vmem>> -> memref<1x16x64xf32, #tpu.memory_space<vmem>>
    %dma_start3A_940 = tpu.memref_squeeze %dma_start3A_939 : memref<1x16x64xf32, #tpu.memory_space<vmem>> -> memref<16x64xf32, #tpu.memory_space<vmem>>
    %dma_start3A_941 = arith.constant 0 : i32
    %dma_start3A_942 = arith.constant 0 : i32
    %dma_start3A_943 = tpu.memref_slice %arg4[%dma_start3A_941, %dma_start3A_942] : memref<1000000x64xf32, #tpu.memory_space<hbm>> -> memref<1000000x64xf32, #tpu.memory_space<hbm>>
    %dma_start3A_944 = tpu.memref_slice %arg11[%dma_start3A_936] : memref<4x!tpu.dma_semaphore, #tpu.memory_space<semaphore_mem>> -> memref<1x!tpu.dma_semaphore, #tpu.memory_space<semaphore_mem>>
    %dma_start3A_945 = tpu.memref_squeeze %dma_start3A_944 : memref<1x!tpu.dma_semaphore, #tpu.memory_space<semaphore_mem>> -> memref<!tpu.dma_semaphore, #tpu.memory_space<semaphore_mem>>
    tpu.enqueue_indirect_dma source(%dma_start3A_943 : memref<1000000x64xf32, #tpu.memory_space<hbm>>) target(%dma_start3A_940 : memref<16x64xf32, #tpu.memory_space<vmem>>) offsets(%get3A_934 : vector<16xi32>) semaphore(%dma_start3A_945 : memref<!tpu.dma_semaphore, #tpu.memory_space<semaphore_mem>>)
    %get3A_946 = arith.constant 3 : i32
    %get3A_947 = arith.constant 0 : i32
    %get3A_948 = arith.index_cast %get3A_946 : i32 to index
    %get3A_949 = arith.index_cast %get3A_947 : i32 to index
    %get3A_950 = arith.constant 32 : index
    %get3A_951 = tpu.vector_load %arg6[%get3A_948, %get3A_949, %get3A_950] {strides = array<i32>} : memref<100x1x256xi32, #tpu.memory_space<vmem>>, vector<1x1x16xi32>,
    %get3A_952 = vector.shape_cast %get3A_951 : vector<1x1x16xi32> to vector<16xi32>
    %dma_start3A_953 = arith.constant 3 : i32
    %dma_start3A_954 = arith.constant 3 : i32
    %dma_start3A_955 = arith.constant 32 : i32
    %dma_start3A_956 = arith.constant 0 : i32
    %dma_start3A_957 = tpu.memref_slice %arg8[%dma_start3A_953, %dma_start3A_955, %dma_start3A_956] : memref<4x256x64xf32, #tpu.memory_space<vmem>> -> memref<1x16x64xf32, #tpu.memory_space<vmem>>
    %dma_start3A_958 = tpu.memref_squeeze %dma_start3A_957 : memref<1x16x64xf32, #tpu.memory_space<vmem>> -> memref<16x64xf32, #tpu.memory_space<vmem>>
    %dma_start3A_959 = arith.constant 0 : i32
    %dma_start3A_960 = arith.constant 0 : i32
    %dma_start3A_961 = tpu.memref_slice %arg4[%dma_start3A_959, %dma_start3A_960] : memref<1000000x64xf32, #tpu.memory_space<hbm>> -> memref<1000000x64xf32, #tpu.memory_space<hbm>>
    %dma_start3A_962 = tpu.memref_slice %arg11[%dma_start3A_954] : memref<4x!tpu.dma_semaphore, #tpu.memory_space<semaphore_mem>> -> memref<1x!tpu.dma_semaphore, #tpu.memory_space<semaphore_mem>>
    %dma_start3A_963 = tpu.memref_squeeze %dma_start3A_962 : memref<1x!tpu.dma_semaphore, #tpu.memory_space<semaphore_mem>> -> memref<!tpu.dma_semaphore, #tpu.memory_space<semaphore_mem>>
    tpu.enqueue_indirect_dma source(%dma_start3A_961 : memref<1000000x64xf32, #tpu.memory_space<hbm>>) target(%dma_start3A_958 : memref<16x64xf32, #tpu.memory_space<vmem>>) offsets(%get3A_952 : vector<16xi32>) semaphore(%dma_start3A_963 : memref<!tpu.dma_semaphore, #tpu.memory_space<semaphore_mem>>)
    %get3A_964 = arith.constant 3 : i32
    %get3A_965 = arith.constant 0 : i32
    %get3A_966 = arith.index_cast %get3A_964 : i32 to index
    %get3A_967 = arith.index_cast %get3A_965 : i32 to index
    %get3A_968 = arith.constant 48 : index
    %get3A_969 = tpu.vector_load %arg6[%get3A_966, %get3A_967, %get3A_968] {strides = array<i32>} : memref<100x1x256xi32, #tpu.memory_space<vmem>>, vector<1x1x16xi32>,
    %get3A_970 = vector.shape_cast %get3A_969 : vector<1x1x16xi32> to vector<16xi32>
    %dma_start3A_971 = arith.constant 3 : i32
    %dma_start3A_972 = arith.constant 3 : i32
    %dma_start3A_973 = arith.constant 48 : i32
    %dma_start3A_974 = arith.constant 0 : i32
    %dma_start3A_975 = tpu.memref_slice %arg8[%dma_start3A_971, %dma_start3A_973, %dma_start3A_974] : memref<4x256x64xf32, #tpu.memory_space<vmem>> -> memref<1x16x64xf32, #tpu.memory_space<vmem>>
    %dma_start3A_976 = tpu.memref_squeeze %dma_start3A_975 : memref<1x16x64xf32, #tpu.memory_space<vmem>> -> memref<16x64xf32, #tpu.memory_space<vmem>>
    %dma_start3A_977 = arith.constant 0 : i32
    %dma_start3A_978 = arith.constant 0 : i32
    %dma_start3A_979 = tpu.memref_slice %arg4[%dma_start3A_977, %dma_start3A_978] : memref<1000000x64xf32, #tpu.memory_space<hbm>> -> memref<1000000x64xf32, #tpu.memory_space<hbm>>
    %dma_start3A_980 = tpu.memref_slice %arg11[%dma_start3A_972] : memref<4x!tpu.dma_semaphore, #tpu.memory_space<semaphore_mem>> -> memref<1x!tpu.dma_semaphore, #tpu.memory_space<semaphore_mem>>
    %dma_start3A_981 = tpu.memref_squeeze %dma_start3A_980 : memref<1x!tpu.dma_semaphore, #tpu.memory_space<semaphore_mem>> -> memref<!tpu.dma_semaphore, #tpu.memory_space<semaphore_mem>>
    tpu.enqueue_indirect_dma source(%dma_start3A_979 : memref<1000000x64xf32, #tpu.memory_space<hbm>>) target(%dma_start3A_976 : memref<16x64xf32, #tpu.memory_space<vmem>>) offsets(%get3A_970 : vector<16xi32>) semaphore(%dma_start3A_981 : memref<!tpu.dma_semaphore, #tpu.memory_space<semaphore_mem>>)
    %get3A_982 = arith.constant 3 : i32
    %get3A_983 = arith.constant 0 : i32
    %get3A_984 = arith.index_cast %get3A_982 : i32 to index
    %get3A_985 = arith.index_cast %get3A_983 : i32 to index
    %get3A_986 = arith.constant 64 : index
    %get3A_987 = tpu.vector_load %arg6[%get3A_984, %get3A_985, %get3A_986] {strides = array<i32>} : memref<100x1x256xi32, #tpu.memory_space<vmem>>, vector<1x1x16xi32>,
    %get3A_988 = vector.shape_cast %get3A_987 : vector<1x1x16xi32> to vector<16xi32>
    %dma_start3A_989 = arith.constant 3 : i32
    %dma_start3A_990 = arith.constant 3 : i32
    %dma_start3A_991 = arith.constant 64 : i32
    %dma_start3A_992 = arith.constant 0 : i32
    %dma_start3A_993 = tpu.memref_slice %arg8[%dma_start3A_989, %dma_start3A_991, %dma_start3A_992] : memref<4x256x64xf32, #tpu.memory_space<vmem>> -> memref<1x16x64xf32, #tpu.memory_space<vmem>>
    %dma_start3A_994 = tpu.memref_squeeze %dma_start3A_993 : memref<1x16x64xf32, #tpu.memory_space<vmem>> -> memref<16x64xf32, #tpu.memory_space<vmem>>
    %dma_start3A_995 = arith.constant 0 : i32
    %dma_start3A_996 = arith.constant 0 : i32
    %dma_start3A_997 = tpu.memref_slice %arg4[%dma_start3A_995, %dma_start3A_996] : memref<1000000x64xf32, #tpu.memory_space<hbm>> -> memref<1000000x64xf32, #tpu.memory_space<hbm>>
    %dma_start3A_998 = tpu.memref_slice %arg11[%dma_start3A_990] : memref<4x!tpu.dma_semaphore, #tpu.memory_space<semaphore_mem>> -> memref<1x!tpu.dma_semaphore, #tpu.memory_space<semaphore_mem>>
    %dma_start3A_999 = tpu.memref_squeeze %dma_start3A_998 : memref<1x!tpu.dma_semaphore, #tpu.memory_space<semaphore_mem>> -> memref<!tpu.dma_semaphore, #tpu.memory_space<semaphore_mem>>
    tpu.enqueue_indirect_dma source(%dma_start3A_997 : memref<1000000x64xf32, #tpu.memory_space<hbm>>) target(%dma_start3A_994 : memref<16x64xf32, #tpu.memory_space<vmem>>) offsets(%get3A_988 : vector<16xi32>) semaphore(%dma_start3A_999 : memref<!tpu.dma_semaphore, #tpu.memory_space<semaphore_mem>>)
    %get3A_1000 = arith.constant 3 : i32
    %get3A_1001 = arith.constant 0 : i32
    %get3A_1002 = arith.index_cast %get3A_1000 : i32 to index
    %get3A_1003 = arith.index_cast %get3A_1001 : i32 to index
    %get3A_1004 = arith.constant 80 : index
    %get3A_1005 = tpu.vector_load %arg6[%get3A_1002, %get3A_1003, %get3A_1004] {strides = array<i32>} : memref<100x1x256xi32, #tpu.memory_space<vmem>>, vector<1x1x16xi32>,
    %get3A_1006 = vector.shape_cast %get3A_1005 : vector<1x1x16xi32> to vector<16xi32>
    %dma_start3A_1007 = arith.constant 3 : i32
    %dma_start3A_1008 = arith.constant 3 : i32
    %dma_start3A_1009 = arith.constant 80 : i32
    %dma_start3A_1010 = arith.constant 0 : i32
    %dma_start3A_1011 = tpu.memref_slice %arg8[%dma_start3A_1007, %dma_start3A_1009, %dma_start3A_1010] : memref<4x256x64xf32, #tpu.memory_space<vmem>> -> memref<1x16x64xf32, #tpu.memory_space<vmem>>
    %dma_start3A_1012 = tpu.memref_squeeze %dma_start3A_1011 : memref<1x16x64xf32, #tpu.memory_space<vmem>> -> memref<16x64xf32, #tpu.memory_space<vmem>>
    %dma_start3A_1013 = arith.constant 0 : i32
    %dma_start3A_1014 = arith.constant 0 : i32
    %dma_start3A_1015 = tpu.memref_slice %arg4[%dma_start3A_1013, %dma_start3A_1014] : memref<1000000x64xf32, #tpu.memory_space<hbm>> -> memref<1000000x64xf32, #tpu.memory_space<hbm>>
    %dma_start3A_1016 = tpu.memref_slice %arg11[%dma_start3A_1008] : memref<4x!tpu.dma_semaphore, #tpu.memory_space<semaphore_mem>> -> memref<1x!tpu.dma_semaphore, #tpu.memory_space<semaphore_mem>>
    %dma_start3A_1017 = tpu.memref_squeeze %dma_start3A_1016 : memref<1x!tpu.dma_semaphore, #tpu.memory_space<semaphore_mem>> -> memref<!tpu.dma_semaphore, #tpu.memory_space<semaphore_mem>>
    tpu.enqueue_indirect_dma source(%dma_start3A_1015 : memref<1000000x64xf32, #tpu.memory_space<hbm>>) target(%dma_start3A_1012 : memref<16x64xf32, #tpu.memory_space<vmem>>) offsets(%get3A_1006 : vector<16xi32>) semaphore(%dma_start3A_1017 : memref<!tpu.dma_semaphore, #tpu.memory_space<semaphore_mem>>)
    %get3A_1018 = arith.constant 3 : i32
    %get3A_1019 = arith.constant 0 : i32
    %get3A_1020 = arith.index_cast %get3A_1018 : i32 to index
    %get3A_1021 = arith.index_cast %get3A_1019 : i32 to index
    %get3A_1022 = arith.constant 96 : index
    %get3A_1023 = tpu.vector_load %arg6[%get3A_1020, %get3A_1021, %get3A_1022] {strides = array<i32>} : memref<100x1x256xi32, #tpu.memory_space<vmem>>, vector<1x1x16xi32>,
    %get3A_1024 = vector.shape_cast %get3A_1023 : vector<1x1x16xi32> to vector<16xi32>
    %dma_start3A_1025 = arith.constant 3 : i32
    %dma_start3A_1026 = arith.constant 3 : i32
    %dma_start3A_1027 = arith.constant 96 : i32
    %dma_start3A_1028 = arith.constant 0 : i32
    %dma_start3A_1029 = tpu.memref_slice %arg8[%dma_start3A_1025, %dma_start3A_1027, %dma_start3A_1028] : memref<4x256x64xf32, #tpu.memory_space<vmem>> -> memref<1x16x64xf32, #tpu.memory_space<vmem>>
    %dma_start3A_1030 = tpu.memref_squeeze %dma_start3A_1029 : memref<1x16x64xf32, #tpu.memory_space<vmem>> -> memref<16x64xf32, #tpu.memory_space<vmem>>
    %dma_start3A_1031 = arith.constant 0 : i32
    %dma_start3A_1032 = arith.constant 0 : i32
    %dma_start3A_1033 = tpu.memref_slice %arg4[%dma_start3A_1031, %dma_start3A_1032] : memref<1000000x64xf32, #tpu.memory_space<hbm>> -> memref<1000000x64xf32, #tpu.memory_space<hbm>>
    %dma_start3A_1034 = tpu.memref_slice %arg11[%dma_start3A_1026] : memref<4x!tpu.dma_semaphore, #tpu.memory_space<semaphore_mem>> -> memref<1x!tpu.dma_semaphore, #tpu.memory_space<semaphore_mem>>
    %dma_start3A_1035 = tpu.memref_squeeze %dma_start3A_1034 : memref<1x!tpu.dma_semaphore, #tpu.memory_space<semaphore_mem>> -> memref<!tpu.dma_semaphore, #tpu.memory_space<semaphore_mem>>
    tpu.enqueue_indirect_dma source(%dma_start3A_1033 : memref<1000000x64xf32, #tpu.memory_space<hbm>>) target(%dma_start3A_1030 : memref<16x64xf32, #tpu.memory_space<vmem>>) offsets(%get3A_1024 : vector<16xi32>) semaphore(%dma_start3A_1035 : memref<!tpu.dma_semaphore, #tpu.memory_space<semaphore_mem>>)
    %get3A_1036 = arith.constant 3 : i32
    %get3A_1037 = arith.constant 0 : i32
    %get3A_1038 = arith.index_cast %get3A_1036 : i32 to index
    %get3A_1039 = arith.index_cast %get3A_1037 : i32 to index
    %get3A_1040 = arith.constant 112 : index
    %get3A_1041 = tpu.vector_load %arg6[%get3A_1038, %get3A_1039, %get3A_1040] {strides = array<i32>} : memref<100x1x256xi32, #tpu.memory_space<vmem>>, vector<1x1x16xi32>,
    %get3A_1042 = vector.shape_cast %get3A_1041 : vector<1x1x16xi32> to vector<16xi32>
    %dma_start3A_1043 = arith.constant 3 : i32
    %dma_start3A_1044 = arith.constant 3 : i32
    %dma_start3A_1045 = arith.constant 112 : i32
    %dma_start3A_1046 = arith.constant 0 : i32
    %dma_start3A_1047 = tpu.memref_slice %arg8[%dma_start3A_1043, %dma_start3A_1045, %dma_start3A_1046] : memref<4x256x64xf32, #tpu.memory_space<vmem>> -> memref<1x16x64xf32, #tpu.memory_space<vmem>>
    %dma_start3A_1048 = tpu.memref_squeeze %dma_start3A_1047 : memref<1x16x64xf32, #tpu.memory_space<vmem>> -> memref<16x64xf32, #tpu.memory_space<vmem>>
    %dma_start3A_1049 = arith.constant 0 : i32
    %dma_start3A_1050 = arith.constant 0 : i32
    %dma_start3A_1051 = tpu.memref_slice %arg4[%dma_start3A_1049, %dma_start3A_1050] : memref<1000000x64xf32, #tpu.memory_space<hbm>> -> memref<1000000x64xf32, #tpu.memory_space<hbm>>
    %dma_start3A_1052 = tpu.memref_slice %arg11[%dma_start3A_1044] : memref<4x!tpu.dma_semaphore, #tpu.memory_space<semaphore_mem>> -> memref<1x!tpu.dma_semaphore, #tpu.memory_space<semaphore_mem>>
    %dma_start3A_1053 = tpu.memref_squeeze %dma_start3A_1052 : memref<1x!tpu.dma_semaphore, #tpu.memory_space<semaphore_mem>> -> memref<!tpu.dma_semaphore, #tpu.memory_space<semaphore_mem>>
    tpu.enqueue_indirect_dma source(%dma_start3A_1051 : memref<1000000x64xf32, #tpu.memory_space<hbm>>) target(%dma_start3A_1048 : memref<16x64xf32, #tpu.memory_space<vmem>>) offsets(%get3A_1042 : vector<16xi32>) semaphore(%dma_start3A_1053 : memref<!tpu.dma_semaphore, #tpu.memory_space<semaphore_mem>>)
    %get3A_1054 = arith.constant 3 : i32
    %get3A_1055 = arith.constant 0 : i32
    %get3A_1056 = arith.index_cast %get3A_1054 : i32 to index
    %get3A_1057 = arith.index_cast %get3A_1055 : i32 to index
    %get3A_1058 = arith.constant 128 : index
    %get3A_1059 = tpu.vector_load %arg6[%get3A_1056, %get3A_1057, %get3A_1058] {strides = array<i32>} : memref<100x1x256xi32, #tpu.memory_space<vmem>>, vector<1x1x16xi32>,
    %get3A_1060 = vector.shape_cast %get3A_1059 : vector<1x1x16xi32> to vector<16xi32>
    %dma_start3A_1061 = arith.constant 3 : i32
    %dma_start3A_1062 = arith.constant 3 : i32
    %dma_start3A_1063 = arith.constant 128 : i32
    %dma_start3A_1064 = arith.constant 0 : i32
    %dma_start3A_1065 = tpu.memref_slice %arg8[%dma_start3A_1061, %dma_start3A_1063, %dma_start3A_1064] : memref<4x256x64xf32, #tpu.memory_space<vmem>> -> memref<1x16x64xf32, #tpu.memory_space<vmem>>
    %dma_start3A_1066 = tpu.memref_squeeze %dma_start3A_1065 : memref<1x16x64xf32, #tpu.memory_space<vmem>> -> memref<16x64xf32, #tpu.memory_space<vmem>>
    %dma_start3A_1067 = arith.constant 0 : i32
    %dma_start3A_1068 = arith.constant 0 : i32
    %dma_start3A_1069 = tpu.memref_slice %arg4[%dma_start3A_1067, %dma_start3A_1068] : memref<1000000x64xf32, #tpu.memory_space<hbm>> -> memref<1000000x64xf32, #tpu.memory_space<hbm>>
    %dma_start3A_1070 = tpu.memref_slice %arg11[%dma_start3A_1062] : memref<4x!tpu.dma_semaphore, #tpu.memory_space<semaphore_mem>> -> memref<1x!tpu.dma_semaphore, #tpu.memory_space<semaphore_mem>>
    %dma_start3A_1071 = tpu.memref_squeeze %dma_start3A_1070 : memref<1x!tpu.dma_semaphore, #tpu.memory_space<semaphore_mem>> -> memref<!tpu.dma_semaphore, #tpu.memory_space<semaphore_mem>>
    tpu.enqueue_indirect_dma source(%dma_start3A_1069 : memref<1000000x64xf32, #tpu.memory_space<hbm>>) target(%dma_start3A_1066 : memref<16x64xf32, #tpu.memory_space<vmem>>) offsets(%get3A_1060 : vector<16xi32>) semaphore(%dma_start3A_1071 : memref<!tpu.dma_semaphore, #tpu.memory_space<semaphore_mem>>)
    %get3A_1072 = arith.constant 3 : i32
    %get3A_1073 = arith.constant 0 : i32
    %get3A_1074 = arith.index_cast %get3A_1072 : i32 to index
    %get3A_1075 = arith.index_cast %get3A_1073 : i32 to index
    %get3A_1076 = arith.constant 144 : index
    %get3A_1077 = tpu.vector_load %arg6[%get3A_1074, %get3A_1075, %get3A_1076] {strides = array<i32>} : memref<100x1x256xi32, #tpu.memory_space<vmem>>, vector<1x1x16xi32>,
    %get3A_1078 = vector.shape_cast %get3A_1077 : vector<1x1x16xi32> to vector<16xi32>
    %dma_start3A_1079 = arith.constant 3 : i32
    %dma_start3A_1080 = arith.constant 3 : i32
    %dma_start3A_1081 = arith.constant 144 : i32
    %dma_start3A_1082 = arith.constant 0 : i32
    %dma_start3A_1083 = tpu.memref_slice %arg8[%dma_start3A_1079, %dma_start3A_1081, %dma_start3A_1082] : memref<4x256x64xf32, #tpu.memory_space<vmem>> -> memref<1x16x64xf32, #tpu.memory_space<vmem>>
    %dma_start3A_1084 = tpu.memref_squeeze %dma_start3A_1083 : memref<1x16x64xf32, #tpu.memory_space<vmem>> -> memref<16x64xf32, #tpu.memory_space<vmem>>
    %dma_start3A_1085 = arith.constant 0 : i32
    %dma_start3A_1086 = arith.constant 0 : i32
    %dma_start3A_1087 = tpu.memref_slice %arg4[%dma_start3A_1085, %dma_start3A_1086] : memref<1000000x64xf32, #tpu.memory_space<hbm>> -> memref<1000000x64xf32, #tpu.memory_space<hbm>>
    %dma_start3A_1088 = tpu.memref_slice %arg11[%dma_start3A_1080] : memref<4x!tpu.dma_semaphore, #tpu.memory_space<semaphore_mem>> -> memref<1x!tpu.dma_semaphore, #tpu.memory_space<semaphore_mem>>
    %dma_start3A_1089 = tpu.memref_squeeze %dma_start3A_1088 : memref<1x!tpu.dma_semaphore, #tpu.memory_space<semaphore_mem>> -> memref<!tpu.dma_semaphore, #tpu.memory_space<semaphore_mem>>
    tpu.enqueue_indirect_dma source(%dma_start3A_1087 : memref<1000000x64xf32, #tpu.memory_space<hbm>>) target(%dma_start3A_1084 : memref<16x64xf32, #tpu.memory_space<vmem>>) offsets(%get3A_1078 : vector<16xi32>) semaphore(%dma_start3A_1089 : memref<!tpu.dma_semaphore, #tpu.memory_space<semaphore_mem>>)
    %get3A_1090 = arith.constant 3 : i32
    %get3A_1091 = arith.constant 0 : i32
    %get3A_1092 = arith.index_cast %get3A_1090 : i32 to index
    %get3A_1093 = arith.index_cast %get3A_1091 : i32 to index
    %get3A_1094 = arith.constant 160 : index
    %get3A_1095 = tpu.vector_load %arg6[%get3A_1092, %get3A_1093, %get3A_1094] {strides = array<i32>} : memref<100x1x256xi32, #tpu.memory_space<vmem>>, vector<1x1x16xi32>,
    %get3A_1096 = vector.shape_cast %get3A_1095 : vector<1x1x16xi32> to vector<16xi32>
    %dma_start3A_1097 = arith.constant 3 : i32
    %dma_start3A_1098 = arith.constant 3 : i32
    %dma_start3A_1099 = arith.constant 160 : i32
    %dma_start3A_1100 = arith.constant 0 : i32
    %dma_start3A_1101 = tpu.memref_slice %arg8[%dma_start3A_1097, %dma_start3A_1099, %dma_start3A_1100] : memref<4x256x64xf32, #tpu.memory_space<vmem>> -> memref<1x16x64xf32, #tpu.memory_space<vmem>>
    %dma_start3A_1102 = tpu.memref_squeeze %dma_start3A_1101 : memref<1x16x64xf32, #tpu.memory_space<vmem>> -> memref<16x64xf32, #tpu.memory_space<vmem>>
    %dma_start3A_1103 = arith.constant 0 : i32
    %dma_start3A_1104 = arith.constant 0 : i32
    %dma_start3A_1105 = tpu.memref_slice %arg4[%dma_start3A_1103, %dma_start3A_1104] : memref<1000000x64xf32, #tpu.memory_space<hbm>> -> memref<1000000x64xf32, #tpu.memory_space<hbm>>
    %dma_start3A_1106 = tpu.memref_slice %arg11[%dma_start3A_1098] : memref<4x!tpu.dma_semaphore, #tpu.memory_space<semaphore_mem>> -> memref<1x!tpu.dma_semaphore, #tpu.memory_space<semaphore_mem>>
    %dma_start3A_1107 = tpu.memref_squeeze %dma_start3A_1106 : memref<1x!tpu.dma_semaphore, #tpu.memory_space<semaphore_mem>> -> memref<!tpu.dma_semaphore, #tpu.memory_space<semaphore_mem>>
    tpu.enqueue_indirect_dma source(%dma_start3A_1105 : memref<1000000x64xf32, #tpu.memory_space<hbm>>) target(%dma_start3A_1102 : memref<16x64xf32, #tpu.memory_space<vmem>>) offsets(%get3A_1096 : vector<16xi32>) semaphore(%dma_start3A_1107 : memref<!tpu.dma_semaphore, #tpu.memory_space<semaphore_mem>>)
    %get3A_1108 = arith.constant 3 : i32
    %get3A_1109 = arith.constant 0 : i32
    %get3A_1110 = arith.index_cast %get3A_1108 : i32 to index
    %get3A_1111 = arith.index_cast %get3A_1109 : i32 to index
    %get3A_1112 = arith.constant 176 : index
    %get3A_1113 = tpu.vector_load %arg6[%get3A_1110, %get3A_1111, %get3A_1112] {strides = array<i32>} : memref<100x1x256xi32, #tpu.memory_space<vmem>>, vector<1x1x16xi32>,
    %get3A_1114 = vector.shape_cast %get3A_1113 : vector<1x1x16xi32> to vector<16xi32>
    %dma_start3A_1115 = arith.constant 3 : i32
    %dma_start3A_1116 = arith.constant 3 : i32
    %dma_start3A_1117 = arith.constant 176 : i32
    %dma_start3A_1118 = arith.constant 0 : i32
    %dma_start3A_1119 = tpu.memref_slice %arg8[%dma_start3A_1115, %dma_start3A_1117, %dma_start3A_1118] : memref<4x256x64xf32, #tpu.memory_space<vmem>> -> memref<1x16x64xf32, #tpu.memory_space<vmem>>
    %dma_start3A_1120 = tpu.memref_squeeze %dma_start3A_1119 : memref<1x16x64xf32, #tpu.memory_space<vmem>> -> memref<16x64xf32, #tpu.memory_space<vmem>>
    %dma_start3A_1121 = arith.constant 0 : i32
    %dma_start3A_1122 = arith.constant 0 : i32
    %dma_start3A_1123 = tpu.memref_slice %arg4[%dma_start3A_1121, %dma_start3A_1122] : memref<1000000x64xf32, #tpu.memory_space<hbm>> -> memref<1000000x64xf32, #tpu.memory_space<hbm>>
    %dma_start3A_1124 = tpu.memref_slice %arg11[%dma_start3A_1116] : memref<4x!tpu.dma_semaphore, #tpu.memory_space<semaphore_mem>> -> memref<1x!tpu.dma_semaphore, #tpu.memory_space<semaphore_mem>>
    %dma_start3A_1125 = tpu.memref_squeeze %dma_start3A_1124 : memref<1x!tpu.dma_semaphore, #tpu.memory_space<semaphore_mem>> -> memref<!tpu.dma_semaphore, #tpu.memory_space<semaphore_mem>>
    tpu.enqueue_indirect_dma source(%dma_start3A_1123 : memref<1000000x64xf32, #tpu.memory_space<hbm>>) target(%dma_start3A_1120 : memref<16x64xf32, #tpu.memory_space<vmem>>) offsets(%get3A_1114 : vector<16xi32>) semaphore(%dma_start3A_1125 : memref<!tpu.dma_semaphore, #tpu.memory_space<semaphore_mem>>)
    %get3A_1126 = arith.constant 3 : i32
    %get3A_1127 = arith.constant 0 : i32
    %get3A_1128 = arith.index_cast %get3A_1126 : i32 to index
    %get3A_1129 = arith.index_cast %get3A_1127 : i32 to index
    %get3A_1130 = arith.constant 192 : index
    %get3A_1131 = tpu.vector_load %arg6[%get3A_1128, %get3A_1129, %get3A_1130] {strides = array<i32>} : memref<100x1x256xi32, #tpu.memory_space<vmem>>, vector<1x1x16xi32>,
    %get3A_1132 = vector.shape_cast %get3A_1131 : vector<1x1x16xi32> to vector<16xi32>
    %dma_start3A_1133 = arith.constant 3 : i32
    %dma_start3A_1134 = arith.constant 3 : i32
    %dma_start3A_1135 = arith.constant 192 : i32
    %dma_start3A_1136 = arith.constant 0 : i32
    %dma_start3A_1137 = tpu.memref_slice %arg8[%dma_start3A_1133, %dma_start3A_1135, %dma_start3A_1136] : memref<4x256x64xf32, #tpu.memory_space<vmem>> -> memref<1x16x64xf32, #tpu.memory_space<vmem>>
    %dma_start3A_1138 = tpu.memref_squeeze %dma_start3A_1137 : memref<1x16x64xf32, #tpu.memory_space<vmem>> -> memref<16x64xf32, #tpu.memory_space<vmem>>
    %dma_start3A_1139 = arith.constant 0 : i32
    %dma_start3A_1140 = arith.constant 0 : i32
    %dma_start3A_1141 = tpu.memref_slice %arg4[%dma_start3A_1139, %dma_start3A_1140] : memref<1000000x64xf32, #tpu.memory_space<hbm>> -> memref<1000000x64xf32, #tpu.memory_space<hbm>>
    %dma_start3A_1142 = tpu.memref_slice %arg11[%dma_start3A_1134] : memref<4x!tpu.dma_semaphore, #tpu.memory_space<semaphore_mem>> -> memref<1x!tpu.dma_semaphore, #tpu.memory_space<semaphore_mem>>
    %dma_start3A_1143 = tpu.memref_squeeze %dma_start3A_1142 : memref<1x!tpu.dma_semaphore, #tpu.memory_space<semaphore_mem>> -> memref<!tpu.dma_semaphore, #tpu.memory_space<semaphore_mem>>
    tpu.enqueue_indirect_dma source(%dma_start3A_1141 : memref<1000000x64xf32, #tpu.memory_space<hbm>>) target(%dma_start3A_1138 : memref<16x64xf32, #tpu.memory_space<vmem>>) offsets(%get3A_1132 : vector<16xi32>) semaphore(%dma_start3A_1143 : memref<!tpu.dma_semaphore, #tpu.memory_space<semaphore_mem>>)
    %get3A_1144 = arith.constant 3 : i32
    %get3A_1145 = arith.constant 0 : i32
    %get3A_1146 = arith.index_cast %get3A_1144 : i32 to index
    %get3A_1147 = arith.index_cast %get3A_1145 : i32 to index
    %get3A_1148 = arith.constant 208 : index
    %get3A_1149 = tpu.vector_load %arg6[%get3A_1146, %get3A_1147, %get3A_1148] {strides = array<i32>} : memref<100x1x256xi32, #tpu.memory_space<vmem>>, vector<1x1x16xi32>,
    %get3A_1150 = vector.shape_cast %get3A_1149 : vector<1x1x16xi32> to vector<16xi32>
    %dma_start3A_1151 = arith.constant 3 : i32
    %dma_start3A_1152 = arith.constant 3 : i32
    %dma_start3A_1153 = arith.constant 208 : i32
    %dma_start3A_1154 = arith.constant 0 : i32
    %dma_start3A_1155 = tpu.memref_slice %arg8[%dma_start3A_1151, %dma_start3A_1153, %dma_start3A_1154] : memref<4x256x64xf32, #tpu.memory_space<vmem>> -> memref<1x16x64xf32, #tpu.memory_space<vmem>>
    %dma_start3A_1156 = tpu.memref_squeeze %dma_start3A_1155 : memref<1x16x64xf32, #tpu.memory_space<vmem>> -> memref<16x64xf32, #tpu.memory_space<vmem>>
    %dma_start3A_1157 = arith.constant 0 : i32
    %dma_start3A_1158 = arith.constant 0 : i32
    %dma_start3A_1159 = tpu.memref_slice %arg4[%dma_start3A_1157, %dma_start3A_1158] : memref<1000000x64xf32, #tpu.memory_space<hbm>> -> memref<1000000x64xf32, #tpu.memory_space<hbm>>
    %dma_start3A_1160 = tpu.memref_slice %arg11[%dma_start3A_1152] : memref<4x!tpu.dma_semaphore, #tpu.memory_space<semaphore_mem>> -> memref<1x!tpu.dma_semaphore, #tpu.memory_space<semaphore_mem>>
    %dma_start3A_1161 = tpu.memref_squeeze %dma_start3A_1160 : memref<1x!tpu.dma_semaphore, #tpu.memory_space<semaphore_mem>> -> memref<!tpu.dma_semaphore, #tpu.memory_space<semaphore_mem>>
    tpu.enqueue_indirect_dma source(%dma_start3A_1159 : memref<1000000x64xf32, #tpu.memory_space<hbm>>) target(%dma_start3A_1156 : memref<16x64xf32, #tpu.memory_space<vmem>>) offsets(%get3A_1150 : vector<16xi32>) semaphore(%dma_start3A_1161 : memref<!tpu.dma_semaphore, #tpu.memory_space<semaphore_mem>>)
    %get3A_1162 = arith.constant 3 : i32
    %get3A_1163 = arith.constant 0 : i32
    %get3A_1164 = arith.index_cast %get3A_1162 : i32 to index
    %get3A_1165 = arith.index_cast %get3A_1163 : i32 to index
    %get3A_1166 = arith.constant 224 : index
    %get3A_1167 = tpu.vector_load %arg6[%get3A_1164, %get3A_1165, %get3A_1166] {strides = array<i32>} : memref<100x1x256xi32, #tpu.memory_space<vmem>>, vector<1x1x16xi32>,
    %get3A_1168 = vector.shape_cast %get3A_1167 : vector<1x1x16xi32> to vector<16xi32>
    %dma_start3A_1169 = arith.constant 3 : i32
    %dma_start3A_1170 = arith.constant 3 : i32
    %dma_start3A_1171 = arith.constant 224 : i32
    %dma_start3A_1172 = arith.constant 0 : i32
    %dma_start3A_1173 = tpu.memref_slice %arg8[%dma_start3A_1169, %dma_start3A_1171, %dma_start3A_1172] : memref<4x256x64xf32, #tpu.memory_space<vmem>> -> memref<1x16x64xf32, #tpu.memory_space<vmem>>
    %dma_start3A_1174 = tpu.memref_squeeze %dma_start3A_1173 : memref<1x16x64xf32, #tpu.memory_space<vmem>> -> memref<16x64xf32, #tpu.memory_space<vmem>>
    %dma_start3A_1175 = arith.constant 0 : i32
    %dma_start3A_1176 = arith.constant 0 : i32
    %dma_start3A_1177 = tpu.memref_slice %arg4[%dma_start3A_1175, %dma_start3A_1176] : memref<1000000x64xf32, #tpu.memory_space<hbm>> -> memref<1000000x64xf32, #tpu.memory_space<hbm>>
    %dma_start3A_1178 = tpu.memref_slice %arg11[%dma_start3A_1170] : memref<4x!tpu.dma_semaphore, #tpu.memory_space<semaphore_mem>> -> memref<1x!tpu.dma_semaphore, #tpu.memory_space<semaphore_mem>>
    %dma_start3A_1179 = tpu.memref_squeeze %dma_start3A_1178 : memref<1x!tpu.dma_semaphore, #tpu.memory_space<semaphore_mem>> -> memref<!tpu.dma_semaphore, #tpu.memory_space<semaphore_mem>>
    tpu.enqueue_indirect_dma source(%dma_start3A_1177 : memref<1000000x64xf32, #tpu.memory_space<hbm>>) target(%dma_start3A_1174 : memref<16x64xf32, #tpu.memory_space<vmem>>) offsets(%get3A_1168 : vector<16xi32>) semaphore(%dma_start3A_1179 : memref<!tpu.dma_semaphore, #tpu.memory_space<semaphore_mem>>)
    %get3A_1180 = arith.constant 3 : i32
    %get3A_1181 = arith.constant 0 : i32
    %get3A_1182 = arith.index_cast %get3A_1180 : i32 to index
    %get3A_1183 = arith.index_cast %get3A_1181 : i32 to index
    %get3A_1184 = arith.constant 240 : index
    %get3A_1185 = tpu.vector_load %arg6[%get3A_1182, %get3A_1183, %get3A_1184] {strides = array<i32>} : memref<100x1x256xi32, #tpu.memory_space<vmem>>, vector<1x1x16xi32>,
    %get3A_1186 = vector.shape_cast %get3A_1185 : vector<1x1x16xi32> to vector<16xi32>
    %dma_start3A_1187 = arith.constant 3 : i32
    %dma_start3A_1188 = arith.constant 3 : i32
    %dma_start3A_1189 = arith.constant 240 : i32
    %dma_start3A_1190 = arith.constant 0 : i32
    %dma_start3A_1191 = tpu.memref_slice %arg8[%dma_start3A_1187, %dma_start3A_1189, %dma_start3A_1190] : memref<4x256x64xf32, #tpu.memory_space<vmem>> -> memref<1x16x64xf32, #tpu.memory_space<vmem>>
    %dma_start3A_1192 = tpu.memref_squeeze %dma_start3A_1191 : memref<1x16x64xf32, #tpu.memory_space<vmem>> -> memref<16x64xf32, #tpu.memory_space<vmem>>
    %dma_start3A_1193 = arith.constant 0 : i32
    %dma_start3A_1194 = arith.constant 0 : i32
    %dma_start3A_1195 = tpu.memref_slice %arg4[%dma_start3A_1193, %dma_start3A_1194] : memref<1000000x64xf32, #tpu.memory_space<hbm>> -> memref<1000000x64xf32, #tpu.memory_space<hbm>>
    %dma_start3A_1196 = tpu.memref_slice %arg11[%dma_start3A_1188] : memref<4x!tpu.dma_semaphore, #tpu.memory_space<semaphore_mem>> -> memref<1x!tpu.dma_semaphore, #tpu.memory_space<semaphore_mem>>
    %dma_start3A_1197 = tpu.memref_squeeze %dma_start3A_1196 : memref<1x!tpu.dma_semaphore, #tpu.memory_space<semaphore_mem>> -> memref<!tpu.dma_semaphore, #tpu.memory_space<semaphore_mem>>
    tpu.enqueue_indirect_dma source(%dma_start3A_1195 : memref<1000000x64xf32, #tpu.memory_space<hbm>>) target(%dma_start3A_1192 : memref<16x64xf32, #tpu.memory_space<vmem>>) offsets(%get3A_1186 : vector<16xi32>) semaphore(%dma_start3A_1197 : memref<!tpu.dma_semaphore, #tpu.memory_space<semaphore_mem>>)
    %scan3A_1198 = arith.constant 0 : i32
    %scan3A_1199 = arith.constant 0 : i32
    %scan3A_1200 = arith.constant 25 : i32
    %scan3A_1201 = arith.addi %scan3A_1199, %scan3A_1200 : i32
    %scan3A_1202 = arith.constant 1 : i32
    scf.for %scan3A_1208 = %scan3A_1199 to %scan3A_1201 step %scan3A_1202  : i32 {
      %mul3A_1209 = arith.constant 4 : i32
      %mul3A_1210 = arith.muli %scan3A_1208, %mul3A_1209 : i32
      %add3A_1211 = arith.constant 0 : i32
      %add3A_1212 = arith.addi %mul3A_1210, %add3A_1211 : i32
      %dma_wait3A_1213 = arith.constant 0 : i32
      %dma_wait3A_1214 = arith.constant 0 : i32
      %dma_wait3A_1215 = arith.constant 0 : i32
      %dma_wait3A_1216 = arith.constant 0 : i32
      %dma_wait3A_1217 = arith.constant 0 : i32
      %dma_wait3A_1218 = tpu.memref_slice %arg8[%dma_wait3A_1214, %dma_wait3A_1216, %dma_wait3A_1217] : memref<4x256x64xf32, #tpu.memory_space<vmem>> -> memref<1x256x64xf32, #tpu.memory_space<vmem>>
      %dma_wait3A_1219 = tpu.memref_squeeze %dma_wait3A_1218 : memref<1x256x64xf32, #tpu.memory_space<vmem>> -> memref<256x64xf32, #tpu.memory_space<vmem>>
      %dma_wait3A_1220 = arith.constant 0 : i32
      %dma_wait3A_1221 = tpu.memref_slice %arg6[%add3A_1212, %dma_wait3A_1213, %dma_wait3A_1220] : memref<100x1x256xi32, #tpu.memory_space<vmem>> -> memref<1x1x256xi32, #tpu.memory_space<vmem>>
      %dma_wait3A_1222 = tpu.memref_squeeze %dma_wait3A_1221 : memref<1x1x256xi32, #tpu.memory_space<vmem>> -> memref<256xi32, #tpu.memory_space<vmem>>
      %dma_wait3A_1223 = arith.constant 0 : i32
      %dma_wait3A_1224 = arith.constant 0 : i32
      %dma_wait3A_1225 = tpu.memref_slice %arg4[%dma_wait3A_1223, %dma_wait3A_1224] : memref<1000000x64xf32, #tpu.memory_space<hbm>> -> memref<1000000x64xf32, #tpu.memory_space<hbm>>
      %dma_wait3A_1226 = tpu.memref_slice %arg11[%dma_wait3A_1215] : memref<4x!tpu.dma_semaphore, #tpu.memory_space<semaphore_mem>> -> memref<1x!tpu.dma_semaphore, #tpu.memory_space<semaphore_mem>>
      %dma_wait3A_1227 = tpu.memref_squeeze %dma_wait3A_1226 : memref<1x!tpu.dma_semaphore, #tpu.memory_space<semaphore_mem>> -> memref<!tpu.dma_semaphore, #tpu.memory_space<semaphore_mem>>
      tpu.wait_indirect_dma semaphore(%dma_wait3A_1227 : memref<!tpu.dma_semaphore, #tpu.memory_space<semaphore_mem>>) src(%dma_wait3A_1225 : memref<1000000x64xf32, #tpu.memory_space<hbm>>) dst(%dma_wait3A_1219 : memref<256x64xf32, #tpu.memory_space<vmem>>)
      %dma_start3A_1228 = arith.constant 0 : i32
      %dma_start3A_1229 = arith.constant 0 : i32
      %dma_start3A_1230 = arith.constant 0 : i32
      %dma_start3A_1231 = arith.constant 0 : i32
      %dma_start3A_1232 = arith.constant 0 : i32
      %dma_start3A_1233 = arith.constant 0 : i32
      %dma_start3A_1234 = tpu.memref_slice %arg8[%dma_start3A_1228, %dma_start3A_1232, %dma_start3A_1233] : memref<4x256x64xf32, #tpu.memory_space<vmem>> -> memref<1x256x64xf32, #tpu.memory_space<vmem>>
      %dma_start3A_1235 = tpu.memref_squeeze %dma_start3A_1234 : memref<1x256x64xf32, #tpu.memory_space<vmem>> -> memref<256x64xf32, #tpu.memory_space<vmem>>
      %dma_start3A_1236 = arith.constant 0 : i32
      %dma_start3A_1237 = tpu.memref_slice %arg7[%dma_start3A_1229, %dma_start3A_1230, %dma_start3A_1236] : memref<1x1x256xi32, #tpu.memory_space<vmem>> -> memref<1x1x256xi32, #tpu.memory_space<vmem>>
      %dma_start3A_1238 = tpu.memref_squeeze %dma_start3A_1237 : memref<1x1x256xi32, #tpu.memory_space<vmem>> -> memref<256xi32, #tpu.memory_space<vmem>>
      %dma_start3A_1239 = arith.constant 0 : i32
      %dma_start3A_1240 = arith.constant 0 : i32
      %dma_start3A_1241 = tpu.memref_slice %arg10[%dma_start3A_1239, %dma_start3A_1240] : memref<2048x64xf32, #tpu.memory_space<vmem_shared>> -> memref<2048x64xf32, #tpu.memory_space<vmem_shared>>
      %dma_start3A_1242 = tpu.memref_slice %arg12[%dma_start3A_1231] : memref<4x!tpu.dma_semaphore, #tpu.memory_space<semaphore_mem>> -> memref<1x!tpu.dma_semaphore, #tpu.memory_space<semaphore_mem>>
      %dma_start3A_1243 = tpu.memref_squeeze %dma_start3A_1242 : memref<1x!tpu.dma_semaphore, #tpu.memory_space<semaphore_mem>> -> memref<!tpu.dma_semaphore, #tpu.memory_space<semaphore_mem>>
      tpu.enqueue_indirect_dma source(%dma_start3A_1235 : memref<256x64xf32, #tpu.memory_space<vmem>>) target(%dma_start3A_1241 : memref<2048x64xf32, #tpu.memory_space<vmem_shared>>) offsets(%dma_start3A_1238 : memref<256xi32, #tpu.memory_space<vmem>>) semaphore(%dma_start3A_1243 : memref<!tpu.dma_semaphore, #tpu.memory_space<semaphore_mem>>) {add = true}
      %add3A_1244 = arith.constant 1 : i32
      %add3A_1245 = arith.addi %mul3A_1210, %add3A_1244 : i32
      %dma_wait3A_1246 = arith.constant 0 : i32
      %dma_wait3A_1247 = arith.constant 1 : i32
      %dma_wait3A_1248 = arith.constant 1 : i32
      %dma_wait3A_1249 = arith.constant 0 : i32
      %dma_wait3A_1250 = arith.constant 0 : i32
      %dma_wait3A_1251 = tpu.memref_slice %arg8[%dma_wait3A_1247, %dma_wait3A_1249, %dma_wait3A_1250] : memref<4x256x64xf32, #tpu.memory_space<vmem>> -> memref<1x256x64xf32, #tpu.memory_space<vmem>>
      %dma_wait3A_1252 = tpu.memref_squeeze %dma_wait3A_1251 : memref<1x256x64xf32, #tpu.memory_space<vmem>> -> memref<256x64xf32, #tpu.memory_space<vmem>>
      %dma_wait3A_1253 = arith.constant 0 : i32
      %dma_wait3A_1254 = tpu.memref_slice %arg6[%add3A_1245, %dma_wait3A_1246, %dma_wait3A_1253] : memref<100x1x256xi32, #tpu.memory_space<vmem>> -> memref<1x1x256xi32, #tpu.memory_space<vmem>>
      %dma_wait3A_1255 = tpu.memref_squeeze %dma_wait3A_1254 : memref<1x1x256xi32, #tpu.memory_space<vmem>> -> memref<256xi32, #tpu.memory_space<vmem>>
      %dma_wait3A_1256 = arith.constant 0 : i32
      %dma_wait3A_1257 = arith.constant 0 : i32
      %dma_wait3A_1258 = tpu.memref_slice %arg4[%dma_wait3A_1256, %dma_wait3A_1257] : memref<1000000x64xf32, #tpu.memory_space<hbm>> -> memref<1000000x64xf32, #tpu.memory_space<hbm>>
      %dma_wait3A_1259 = tpu.memref_slice %arg11[%dma_wait3A_1248] : memref<4x!tpu.dma_semaphore, #tpu.memory_space<semaphore_mem>> -> memref<1x!tpu.dma_semaphore, #tpu.memory_space<semaphore_mem>>
      %dma_wait3A_1260 = tpu.memref_squeeze %dma_wait3A_1259 : memref<1x!tpu.dma_semaphore, #tpu.memory_space<semaphore_mem>> -> memref<!tpu.dma_semaphore, #tpu.memory_space<semaphore_mem>>
      tpu.wait_indirect_dma semaphore(%dma_wait3A_1260 : memref<!tpu.dma_semaphore, #tpu.memory_space<semaphore_mem>>) src(%dma_wait3A_1258 : memref<1000000x64xf32, #tpu.memory_space<hbm>>) dst(%dma_wait3A_1252 : memref<256x64xf32, #tpu.memory_space<vmem>>)
      %dma_start3A_1261 = arith.constant 1 : i32
      %dma_start3A_1262 = arith.constant 0 : i32
      %dma_start3A_1263 = arith.constant 0 : i32
      %dma_start3A_1264 = arith.constant 1 : i32
      %dma_start3A_1265 = arith.constant 0 : i32
      %dma_start3A_1266 = arith.constant 0 : i32
      %dma_start3A_1267 = tpu.memref_slice %arg8[%dma_start3A_1261, %dma_start3A_1265, %dma_start3A_1266] : memref<4x256x64xf32, #tpu.memory_space<vmem>> -> memref<1x256x64xf32, #tpu.memory_space<vmem>>
      %dma_start3A_1268 = tpu.memref_squeeze %dma_start3A_1267 : memref<1x256x64xf32, #tpu.memory_space<vmem>> -> memref<256x64xf32, #tpu.memory_space<vmem>>
      %dma_start3A_1269 = arith.constant 0 : i32
      %dma_start3A_1270 = tpu.memref_slice %arg7[%dma_start3A_1262, %dma_start3A_1263, %dma_start3A_1269] : memref<1x1x256xi32, #tpu.memory_space<vmem>> -> memref<1x1x256xi32, #tpu.memory_space<vmem>>
      %dma_start3A_1271 = tpu.memref_squeeze %dma_start3A_1270 : memref<1x1x256xi32, #tpu.memory_space<vmem>> -> memref<256xi32, #tpu.memory_space<vmem>>
      %dma_start3A_1272 = arith.constant 0 : i32
      %dma_start3A_1273 = arith.constant 0 : i32
      %dma_start3A_1274 = tpu.memref_slice %arg10[%dma_start3A_1272, %dma_start3A_1273] : memref<2048x64xf32, #tpu.memory_space<vmem_shared>> -> memref<2048x64xf32, #tpu.memory_space<vmem_shared>>
      %dma_start3A_1275 = tpu.memref_slice %arg12[%dma_start3A_1264] : memref<4x!tpu.dma_semaphore, #tpu.memory_space<semaphore_mem>> -> memref<1x!tpu.dma_semaphore, #tpu.memory_space<semaphore_mem>>
      %dma_start3A_1276 = tpu.memref_squeeze %dma_start3A_1275 : memref<1x!tpu.dma_semaphore, #tpu.memory_space<semaphore_mem>> -> memref<!tpu.dma_semaphore, #tpu.memory_space<semaphore_mem>>
      tpu.enqueue_indirect_dma source(%dma_start3A_1268 : memref<256x64xf32, #tpu.memory_space<vmem>>) target(%dma_start3A_1274 : memref<2048x64xf32, #tpu.memory_space<vmem_shared>>) offsets(%dma_start3A_1271 : memref<256xi32, #tpu.memory_space<vmem>>) semaphore(%dma_start3A_1276 : memref<!tpu.dma_semaphore, #tpu.memory_space<semaphore_mem>>) {add = true}
      %add3A_1277 = arith.constant 2 : i32
      %add3A_1278 = arith.addi %mul3A_1210, %add3A_1277 : i32
      %dma_wait3A_1279 = arith.constant 0 : i32
      %dma_wait3A_1280 = arith.constant 2 : i32
      %dma_wait3A_1281 = arith.constant 2 : i32
      %dma_wait3A_1282 = arith.constant 0 : i32
      %dma_wait3A_1283 = arith.constant 0 : i32
      %dma_wait3A_1284 = tpu.memref_slice %arg8[%dma_wait3A_1280, %dma_wait3A_1282, %dma_wait3A_1283] : memref<4x256x64xf32, #tpu.memory_space<vmem>> -> memref<1x256x64xf32, #tpu.memory_space<vmem>>
      %dma_wait3A_1285 = tpu.memref_squeeze %dma_wait3A_1284 : memref<1x256x64xf32, #tpu.memory_space<vmem>> -> memref<256x64xf32, #tpu.memory_space<vmem>>
      %dma_wait3A_1286 = arith.constant 0 : i32
      %dma_wait3A_1287 = tpu.memref_slice %arg6[%add3A_1278, %dma_wait3A_1279, %dma_wait3A_1286] : memref<100x1x256xi32, #tpu.memory_space<vmem>> -> memref<1x1x256xi32, #tpu.memory_space<vmem>>
      %dma_wait3A_1288 = tpu.memref_squeeze %dma_wait3A_1287 : memref<1x1x256xi32, #tpu.memory_space<vmem>> -> memref<256xi32, #tpu.memory_space<vmem>>
      %dma_wait3A_1289 = arith.constant 0 : i32
      %dma_wait3A_1290 = arith.constant 0 : i32
      %dma_wait3A_1291 = tpu.memref_slice %arg4[%dma_wait3A_1289, %dma_wait3A_1290] : memref<1000000x64xf32, #tpu.memory_space<hbm>> -> memref<1000000x64xf32, #tpu.memory_space<hbm>>
      %dma_wait3A_1292 = tpu.memref_slice %arg11[%dma_wait3A_1281] : memref<4x!tpu.dma_semaphore, #tpu.memory_space<semaphore_mem>> -> memref<1x!tpu.dma_semaphore, #tpu.memory_space<semaphore_mem>>
      %dma_wait3A_1293 = tpu.memref_squeeze %dma_wait3A_1292 : memref<1x!tpu.dma_semaphore, #tpu.memory_space<semaphore_mem>> -> memref<!tpu.dma_semaphore, #tpu.memory_space<semaphore_mem>>
      tpu.wait_indirect_dma semaphore(%dma_wait3A_1293 : memref<!tpu.dma_semaphore, #tpu.memory_space<semaphore_mem>>) src(%dma_wait3A_1291 : memref<1000000x64xf32, #tpu.memory_space<hbm>>) dst(%dma_wait3A_1285 : memref<256x64xf32, #tpu.memory_space<vmem>>)
      %dma_start3A_1294 = arith.constant 2 : i32
      %dma_start3A_1295 = arith.constant 0 : i32
      %dma_start3A_1296 = arith.constant 0 : i32
      %dma_start3A_1297 = arith.constant 2 : i32
      %dma_start3A_1298 = arith.constant 0 : i32
      %dma_start3A_1299 = arith.constant 0 : i32
      %dma_start3A_1300 = tpu.memref_slice %arg8[%dma_start3A_1294, %dma_start3A_1298, %dma_start3A_1299] : memref<4x256x64xf32, #tpu.memory_space<vmem>> -> memref<1x256x64xf32, #tpu.memory_space<vmem>>
      %dma_start3A_1301 = tpu.memref_squeeze %dma_start3A_1300 : memref<1x256x64xf32, #tpu.memory_space<vmem>> -> memref<256x64xf32, #tpu.memory_space<vmem>>
      %dma_start3A_1302 = arith.constant 0 : i32
      %dma_start3A_1303 = tpu.memref_slice %arg7[%dma_start3A_1295, %dma_start3A_1296, %dma_start3A_1302] : memref<1x1x256xi32, #tpu.memory_space<vmem>> -> memref<1x1x256xi32, #tpu.memory_space<vmem>>
      %dma_start3A_1304 = tpu.memref_squeeze %dma_start3A_1303 : memref<1x1x256xi32, #tpu.memory_space<vmem>> -> memref<256xi32, #tpu.memory_space<vmem>>
      %dma_start3A_1305 = arith.constant 0 : i32
      %dma_start3A_1306 = arith.constant 0 : i32
      %dma_start3A_1307 = tpu.memref_slice %arg10[%dma_start3A_1305, %dma_start3A_1306] : memref<2048x64xf32, #tpu.memory_space<vmem_shared>> -> memref<2048x64xf32, #tpu.memory_space<vmem_shared>>
      %dma_start3A_1308 = tpu.memref_slice %arg12[%dma_start3A_1297] : memref<4x!tpu.dma_semaphore, #tpu.memory_space<semaphore_mem>> -> memref<1x!tpu.dma_semaphore, #tpu.memory_space<semaphore_mem>>
      %dma_start3A_1309 = tpu.memref_squeeze %dma_start3A_1308 : memref<1x!tpu.dma_semaphore, #tpu.memory_space<semaphore_mem>> -> memref<!tpu.dma_semaphore, #tpu.memory_space<semaphore_mem>>
      tpu.enqueue_indirect_dma source(%dma_start3A_1301 : memref<256x64xf32, #tpu.memory_space<vmem>>) target(%dma_start3A_1307 : memref<2048x64xf32, #tpu.memory_space<vmem_shared>>) offsets(%dma_start3A_1304 : memref<256xi32, #tpu.memory_space<vmem>>) semaphore(%dma_start3A_1309 : memref<!tpu.dma_semaphore, #tpu.memory_space<semaphore_mem>>) {add = true}
      %add3A_1310 = arith.constant 3 : i32
      %add3A_1311 = arith.addi %mul3A_1210, %add3A_1310 : i32
      %dma_wait3A_1312 = arith.constant 0 : i32
      %dma_wait3A_1313 = arith.constant 3 : i32
      %dma_wait3A_1314 = arith.constant 3 : i32
      %dma_wait3A_1315 = arith.constant 0 : i32
      %dma_wait3A_1316 = arith.constant 0 : i32
      %dma_wait3A_1317 = tpu.memref_slice %arg8[%dma_wait3A_1313, %dma_wait3A_1315, %dma_wait3A_1316] : memref<4x256x64xf32, #tpu.memory_space<vmem>> -> memref<1x256x64xf32, #tpu.memory_space<vmem>>
      %dma_wait3A_1318 = tpu.memref_squeeze %dma_wait3A_1317 : memref<1x256x64xf32, #tpu.memory_space<vmem>> -> memref<256x64xf32, #tpu.memory_space<vmem>>
      %dma_wait3A_1319 = arith.constant 0 : i32
      %dma_wait3A_1320 = tpu.memref_slice %arg6[%add3A_1311, %dma_wait3A_1312, %dma_wait3A_1319] : memref<100x1x256xi32, #tpu.memory_space<vmem>> -> memref<1x1x256xi32, #tpu.memory_space<vmem>>
      %dma_wait3A_1321 = tpu.memref_squeeze %dma_wait3A_1320 : memref<1x1x256xi32, #tpu.memory_space<vmem>> -> memref<256xi32, #tpu.memory_space<vmem>>
      %dma_wait3A_1322 = arith.constant 0 : i32
      %dma_wait3A_1323 = arith.constant 0 : i32
      %dma_wait3A_1324 = tpu.memref_slice %arg4[%dma_wait3A_1322, %dma_wait3A_1323] : memref<1000000x64xf32, #tpu.memory_space<hbm>> -> memref<1000000x64xf32, #tpu.memory_space<hbm>>
      %dma_wait3A_1325 = tpu.memref_slice %arg11[%dma_wait3A_1314] : memref<4x!tpu.dma_semaphore, #tpu.memory_space<semaphore_mem>> -> memref<1x!tpu.dma_semaphore, #tpu.memory_space<semaphore_mem>>
      %dma_wait3A_1326 = tpu.memref_squeeze %dma_wait3A_1325 : memref<1x!tpu.dma_semaphore, #tpu.memory_space<semaphore_mem>> -> memref<!tpu.dma_semaphore, #tpu.memory_space<semaphore_mem>>
      tpu.wait_indirect_dma semaphore(%dma_wait3A_1326 : memref<!tpu.dma_semaphore, #tpu.memory_space<semaphore_mem>>) src(%dma_wait3A_1324 : memref<1000000x64xf32, #tpu.memory_space<hbm>>) dst(%dma_wait3A_1318 : memref<256x64xf32, #tpu.memory_space<vmem>>)
      %dma_start3A_1327 = arith.constant 3 : i32
      %dma_start3A_1328 = arith.constant 0 : i32
      %dma_start3A_1329 = arith.constant 0 : i32
      %dma_start3A_1330 = arith.constant 3 : i32
      %dma_start3A_1331 = arith.constant 0 : i32
      %dma_start3A_1332 = arith.constant 0 : i32
      %dma_start3A_1333 = tpu.memref_slice %arg8[%dma_start3A_1327, %dma_start3A_1331, %dma_start3A_1332] : memref<4x256x64xf32, #tpu.memory_space<vmem>> -> memref<1x256x64xf32, #tpu.memory_space<vmem>>
      %dma_start3A_1334 = tpu.memref_squeeze %dma_start3A_1333 : memref<1x256x64xf32, #tpu.memory_space<vmem>> -> memref<256x64xf32, #tpu.memory_space<vmem>>
      %dma_start3A_1335 = arith.constant 0 : i32
      %dma_start3A_1336 = tpu.memref_slice %arg7[%dma_start3A_1328, %dma_start3A_1329, %dma_start3A_1335] : memref<1x1x256xi32, #tpu.memory_space<vmem>> -> memref<1x1x256xi32, #tpu.memory_space<vmem>>
      %dma_start3A_1337 = tpu.memref_squeeze %dma_start3A_1336 : memref<1x1x256xi32, #tpu.memory_space<vmem>> -> memref<256xi32, #tpu.memory_space<vmem>>
      %dma_start3A_1338 = arith.constant 0 : i32
      %dma_start3A_1339 = arith.constant 0 : i32
      %dma_start3A_1340 = tpu.memref_slice %arg10[%dma_start3A_1338, %dma_start3A_1339] : memref<2048x64xf32, #tpu.memory_space<vmem_shared>> -> memref<2048x64xf32, #tpu.memory_space<vmem_shared>>
      %dma_start3A_1341 = tpu.memref_slice %arg12[%dma_start3A_1330] : memref<4x!tpu.dma_semaphore, #tpu.memory_space<semaphore_mem>> -> memref<1x!tpu.dma_semaphore, #tpu.memory_space<semaphore_mem>>
      %dma_start3A_1342 = tpu.memref_squeeze %dma_start3A_1341 : memref<1x!tpu.dma_semaphore, #tpu.memory_space<semaphore_mem>> -> memref<!tpu.dma_semaphore, #tpu.memory_space<semaphore_mem>>
      tpu.enqueue_indirect_dma source(%dma_start3A_1334 : memref<256x64xf32, #tpu.memory_space<vmem>>) target(%dma_start3A_1340 : memref<2048x64xf32, #tpu.memory_space<vmem_shared>>) offsets(%dma_start3A_1337 : memref<256xi32, #tpu.memory_space<vmem>>) semaphore(%dma_start3A_1342 : memref<!tpu.dma_semaphore, #tpu.memory_space<semaphore_mem>>) {add = true}
      %dma_wait3A_1343 = arith.constant 0 : i32
      %dma_wait3A_1344 = arith.constant 0 : i32
      %dma_wait3A_1345 = arith.constant 0 : i32
      %dma_wait3A_1346 = arith.constant 0 : i32
      %dma_wait3A_1347 = arith.constant 0 : i32
      %dma_wait3A_1348 = arith.constant 0 : i32
      %dma_wait3A_1349 = tpu.memref_slice %arg8[%dma_wait3A_1343, %dma_wait3A_1347, %dma_wait3A_1348] : memref<4x256x64xf32, #tpu.memory_space<vmem>> -> memref<1x256x64xf32, #tpu.memory_space<vmem>>
      %dma_wait3A_1350 = tpu.memref_squeeze %dma_wait3A_1349 : memref<1x256x64xf32, #tpu.memory_space<vmem>> -> memref<256x64xf32, #tpu.memory_space<vmem>>
      %dma_wait3A_1351 = arith.constant 0 : i32
      %dma_wait3A_1352 = tpu.memref_slice %arg7[%dma_wait3A_1344, %dma_wait3A_1345, %dma_wait3A_1351] : memref<1x1x256xi32, #tpu.memory_space<vmem>> -> memref<1x1x256xi32, #tpu.memory_space<vmem>>
      %dma_wait3A_1353 = tpu.memref_squeeze %dma_wait3A_1352 : memref<1x1x256xi32, #tpu.memory_space<vmem>> -> memref<256xi32, #tpu.memory_space<vmem>>
      %dma_wait3A_1354 = arith.constant 0 : i32
      %dma_wait3A_1355 = arith.constant 0 : i32
      %dma_wait3A_1356 = tpu.memref_slice %arg10[%dma_wait3A_1354, %dma_wait3A_1355] : memref<2048x64xf32, #tpu.memory_space<vmem_shared>> -> memref<2048x64xf32, #tpu.memory_space<vmem_shared>>
      %dma_wait3A_1357 = tpu.memref_slice %arg12[%dma_wait3A_1346] : memref<4x!tpu.dma_semaphore, #tpu.memory_space<semaphore_mem>> -> memref<1x!tpu.dma_semaphore, #tpu.memory_space<semaphore_mem>>
      %dma_wait3A_1358 = tpu.memref_squeeze %dma_wait3A_1357 : memref<1x!tpu.dma_semaphore, #tpu.memory_space<semaphore_mem>> -> memref<!tpu.dma_semaphore, #tpu.memory_space<semaphore_mem>>
      tpu.wait_indirect_dma semaphore(%dma_wait3A_1358 : memref<!tpu.dma_semaphore, #tpu.memory_space<semaphore_mem>>) src(%dma_wait3A_1350 : memref<256x64xf32, #tpu.memory_space<vmem>>) dst(%dma_wait3A_1356 : memref<2048x64xf32, #tpu.memory_space<vmem_shared>>)
      %lt3A = arith.constant 24 : i32
      %lt3A_1359 = arith.cmpi slt, %scan3A_1208, %lt3A : i32
      %convert_element_type3A = arith.extui %lt3A_1359 : i1 to i32
      %cond3A = arith.constant 0 : i32
      %cond3A_1360 = arith.cmpi ne, %convert_element_type3A, %cond3A : i32
      scf.if %cond3A_1360 {
        %add3A_1424 = arith.constant 4 : i32
        %add3A_1425 = arith.addi %mul3A_1210, %add3A_1424 : i32
        %add3A_1426 = arith.constant 0 : i32
        %add3A_1427 = arith.addi %add3A_1425, %add3A_1426 : i32
        %get3A_1428 = arith.constant 0 : i32
        %get3A_1429 = arith.index_cast %add3A_1427 : i32 to index
        %get3A_1430 = arith.index_cast %get3A_1428 : i32 to index
        %get3A_1431 = arith.constant 0 : index
        %get3A_1432 = tpu.vector_load %arg6[%get3A_1429, %get3A_1430, %get3A_1431] {strides = array<i32>} : memref<100x1x256xi32, #tpu.memory_space<vmem>>, vector<1x1x16xi32>,
        %get3A_1433 = vector.shape_cast %get3A_1432 : vector<1x1x16xi32> to vector<16xi32>
        %dma_start3A_1434 = arith.constant 0 : i32
        %dma_start3A_1435 = arith.constant 0 : i32
        %dma_start3A_1436 = arith.constant 0 : i32
        %dma_start3A_1437 = arith.constant 0 : i32
        %dma_start3A_1438 = tpu.memref_slice %arg8[%dma_start3A_1434, %dma_start3A_1436, %dma_start3A_1437] : memref<4x256x64xf32, #tpu.memory_space<vmem>> -> memref<1x16x64xf32, #tpu.memory_space<vmem>>
        %dma_start3A_1439 = tpu.memref_squeeze %dma_start3A_1438 : memref<1x16x64xf32, #tpu.memory_space<vmem>> -> memref<16x64xf32, #tpu.memory_space<vmem>>
        %dma_start3A_1440 = arith.constant 0 : i32
        %dma_start3A_1441 = arith.constant 0 : i32
        %dma_start3A_1442 = tpu.memref_slice %arg4[%dma_start3A_1440, %dma_start3A_1441] : memref<1000000x64xf32, #tpu.memory_space<hbm>> -> memref<1000000x64xf32, #tpu.memory_space<hbm>>
        %dma_start3A_1443 = tpu.memref_slice %arg11[%dma_start3A_1435] : memref<4x!tpu.dma_semaphore, #tpu.memory_space<semaphore_mem>> -> memref<1x!tpu.dma_semaphore, #tpu.memory_space<semaphore_mem>>
        %dma_start3A_1444 = tpu.memref_squeeze %dma_start3A_1443 : memref<1x!tpu.dma_semaphore, #tpu.memory_space<semaphore_mem>> -> memref<!tpu.dma_semaphore, #tpu.memory_space<semaphore_mem>>
        tpu.enqueue_indirect_dma source(%dma_start3A_1442 : memref<1000000x64xf32, #tpu.memory_space<hbm>>) target(%dma_start3A_1439 : memref<16x64xf32, #tpu.memory_space<vmem>>) offsets(%get3A_1433 : vector<16xi32>) semaphore(%dma_start3A_1444 : memref<!tpu.dma_semaphore, #tpu.memory_space<semaphore_mem>>)
        %get3A_1445 = arith.constant 0 : i32
        %get3A_1446 = arith.index_cast %add3A_1427 : i32 to index
        %get3A_1447 = arith.index_cast %get3A_1445 : i32 to index
        %get3A_1448 = arith.constant 16 : index
        %get3A_1449 = tpu.vector_load %arg6[%get3A_1446, %get3A_1447, %get3A_1448] {strides = array<i32>} : memref<100x1x256xi32, #tpu.memory_space<vmem>>, vector<1x1x16xi32>,
        %get3A_1450 = vector.shape_cast %get3A_1449 : vector<1x1x16xi32> to vector<16xi32>
        %dma_start3A_1451 = arith.constant 0 : i32
        %dma_start3A_1452 = arith.constant 0 : i32
        %dma_start3A_1453 = arith.constant 16 : i32
        %dma_start3A_1454 = arith.constant 0 : i32
        %dma_start3A_1455 = tpu.memref_slice %arg8[%dma_start3A_1451, %dma_start3A_1453, %dma_start3A_1454] : memref<4x256x64xf32, #tpu.memory_space<vmem>> -> memref<1x16x64xf32, #tpu.memory_space<vmem>>
        %dma_start3A_1456 = tpu.memref_squeeze %dma_start3A_1455 : memref<1x16x64xf32, #tpu.memory_space<vmem>> -> memref<16x64xf32, #tpu.memory_space<vmem>>
        %dma_start3A_1457 = arith.constant 0 : i32
        %dma_start3A_1458 = arith.constant 0 : i32
        %dma_start3A_1459 = tpu.memref_slice %arg4[%dma_start3A_1457, %dma_start3A_1458] : memref<1000000x64xf32, #tpu.memory_space<hbm>> -> memref<1000000x64xf32, #tpu.memory_space<hbm>>
        %dma_start3A_1460 = tpu.memref_slice %arg11[%dma_start3A_1452] : memref<4x!tpu.dma_semaphore, #tpu.memory_space<semaphore_mem>> -> memref<1x!tpu.dma_semaphore, #tpu.memory_space<semaphore_mem>>
        %dma_start3A_1461 = tpu.memref_squeeze %dma_start3A_1460 : memref<1x!tpu.dma_semaphore, #tpu.memory_space<semaphore_mem>> -> memref<!tpu.dma_semaphore, #tpu.memory_space<semaphore_mem>>
        tpu.enqueue_indirect_dma source(%dma_start3A_1459 : memref<1000000x64xf32, #tpu.memory_space<hbm>>) target(%dma_start3A_1456 : memref<16x64xf32, #tpu.memory_space<vmem>>) offsets(%get3A_1450 : vector<16xi32>) semaphore(%dma_start3A_1461 : memref<!tpu.dma_semaphore, #tpu.memory_space<semaphore_mem>>)
        %get3A_1462 = arith.constant 0 : i32
        %get3A_1463 = arith.index_cast %add3A_1427 : i32 to index
        %get3A_1464 = arith.index_cast %get3A_1462 : i32 to index
        %get3A_1465 = arith.constant 32 : index
        %get3A_1466 = tpu.vector_load %arg6[%get3A_1463, %get3A_1464, %get3A_1465] {strides = array<i32>} : memref<100x1x256xi32, #tpu.memory_space<vmem>>, vector<1x1x16xi32>,
        %get3A_1467 = vector.shape_cast %get3A_1466 : vector<1x1x16xi32> to vector<16xi32>
        %dma_start3A_1468 = arith.constant 0 : i32
        %dma_start3A_1469 = arith.constant 0 : i32
        %dma_start3A_1470 = arith.constant 32 : i32
        %dma_start3A_1471 = arith.constant 0 : i32
        %dma_start3A_1472 = tpu.memref_slice %arg8[%dma_start3A_1468, %dma_start3A_1470, %dma_start3A_1471] : memref<4x256x64xf32, #tpu.memory_space<vmem>> -> memref<1x16x64xf32, #tpu.memory_space<vmem>>
        %dma_start3A_1473 = tpu.memref_squeeze %dma_start3A_1472 : memref<1x16x64xf32, #tpu.memory_space<vmem>> -> memref<16x64xf32, #tpu.memory_space<vmem>>
        %dma_start3A_1474 = arith.constant 0 : i32
        %dma_start3A_1475 = arith.constant 0 : i32
        %dma_start3A_1476 = tpu.memref_slice %arg4[%dma_start3A_1474, %dma_start3A_1475] : memref<1000000x64xf32, #tpu.memory_space<hbm>> -> memref<1000000x64xf32, #tpu.memory_space<hbm>>
        %dma_start3A_1477 = tpu.memref_slice %arg11[%dma_start3A_1469] : memref<4x!tpu.dma_semaphore, #tpu.memory_space<semaphore_mem>> -> memref<1x!tpu.dma_semaphore, #tpu.memory_space<semaphore_mem>>
        %dma_start3A_1478 = tpu.memref_squeeze %dma_start3A_1477 : memref<1x!tpu.dma_semaphore, #tpu.memory_space<semaphore_mem>> -> memref<!tpu.dma_semaphore, #tpu.memory_space<semaphore_mem>>
        tpu.enqueue_indirect_dma source(%dma_start3A_1476 : memref<1000000x64xf32, #tpu.memory_space<hbm>>) target(%dma_start3A_1473 : memref<16x64xf32, #tpu.memory_space<vmem>>) offsets(%get3A_1467 : vector<16xi32>) semaphore(%dma_start3A_1478 : memref<!tpu.dma_semaphore, #tpu.memory_space<semaphore_mem>>)
        %get3A_1479 = arith.constant 0 : i32
        %get3A_1480 = arith.index_cast %add3A_1427 : i32 to index
        %get3A_1481 = arith.index_cast %get3A_1479 : i32 to index
        %get3A_1482 = arith.constant 48 : index
        %get3A_1483 = tpu.vector_load %arg6[%get3A_1480, %get3A_1481, %get3A_1482] {strides = array<i32>} : memref<100x1x256xi32, #tpu.memory_space<vmem>>, vector<1x1x16xi32>,
        %get3A_1484 = vector.shape_cast %get3A_1483 : vector<1x1x16xi32> to vector<16xi32>
        %dma_start3A_1485 = arith.constant 0 : i32
        %dma_start3A_1486 = arith.constant 0 : i32
        %dma_start3A_1487 = arith.constant 48 : i32
        %dma_start3A_1488 = arith.constant 0 : i32
        %dma_start3A_1489 = tpu.memref_slice %arg8[%dma_start3A_1485, %dma_start3A_1487, %dma_start3A_1488] : memref<4x256x64xf32, #tpu.memory_space<vmem>> -> memref<1x16x64xf32, #tpu.memory_space<vmem>>
        %dma_start3A_1490 = tpu.memref_squeeze %dma_start3A_1489 : memref<1x16x64xf32, #tpu.memory_space<vmem>> -> memref<16x64xf32, #tpu.memory_space<vmem>>
        %dma_start3A_1491 = arith.constant 0 : i32
        %dma_start3A_1492 = arith.constant 0 : i32
        %dma_start3A_1493 = tpu.memref_slice %arg4[%dma_start3A_1491, %dma_start3A_1492] : memref<1000000x64xf32, #tpu.memory_space<hbm>> -> memref<1000000x64xf32, #tpu.memory_space<hbm>>
        %dma_start3A_1494 = tpu.memref_slice %arg11[%dma_start3A_1486] : memref<4x!tpu.dma_semaphore, #tpu.memory_space<semaphore_mem>> -> memref<1x!tpu.dma_semaphore, #tpu.memory_space<semaphore_mem>>
        %dma_start3A_1495 = tpu.memref_squeeze %dma_start3A_1494 : memref<1x!tpu.dma_semaphore, #tpu.memory_space<semaphore_mem>> -> memref<!tpu.dma_semaphore, #tpu.memory_space<semaphore_mem>>
        tpu.enqueue_indirect_dma source(%dma_start3A_1493 : memref<1000000x64xf32, #tpu.memory_space<hbm>>) target(%dma_start3A_1490 : memref<16x64xf32, #tpu.memory_space<vmem>>) offsets(%get3A_1484 : vector<16xi32>) semaphore(%dma_start3A_1495 : memref<!tpu.dma_semaphore, #tpu.memory_space<semaphore_mem>>)
        %get3A_1496 = arith.constant 0 : i32
        %get3A_1497 = arith.index_cast %add3A_1427 : i32 to index
        %get3A_1498 = arith.index_cast %get3A_1496 : i32 to index
        %get3A_1499 = arith.constant 64 : index
        %get3A_1500 = tpu.vector_load %arg6[%get3A_1497, %get3A_1498, %get3A_1499] {strides = array<i32>} : memref<100x1x256xi32, #tpu.memory_space<vmem>>, vector<1x1x16xi32>,
        %get3A_1501 = vector.shape_cast %get3A_1500 : vector<1x1x16xi32> to vector<16xi32>
        %dma_start3A_1502 = arith.constant 0 : i32
        %dma_start3A_1503 = arith.constant 0 : i32
        %dma_start3A_1504 = arith.constant 64 : i32
        %dma_start3A_1505 = arith.constant 0 : i32
        %dma_start3A_1506 = tpu.memref_slice %arg8[%dma_start3A_1502, %dma_start3A_1504, %dma_start3A_1505] : memref<4x256x64xf32, #tpu.memory_space<vmem>> -> memref<1x16x64xf32, #tpu.memory_space<vmem>>
        %dma_start3A_1507 = tpu.memref_squeeze %dma_start3A_1506 : memref<1x16x64xf32, #tpu.memory_space<vmem>> -> memref<16x64xf32, #tpu.memory_space<vmem>>
        %dma_start3A_1508 = arith.constant 0 : i32
        %dma_start3A_1509 = arith.constant 0 : i32
        %dma_start3A_1510 = tpu.memref_slice %arg4[%dma_start3A_1508, %dma_start3A_1509] : memref<1000000x64xf32, #tpu.memory_space<hbm>> -> memref<1000000x64xf32, #tpu.memory_space<hbm>>
        %dma_start3A_1511 = tpu.memref_slice %arg11[%dma_start3A_1503] : memref<4x!tpu.dma_semaphore, #tpu.memory_space<semaphore_mem>> -> memref<1x!tpu.dma_semaphore, #tpu.memory_space<semaphore_mem>>
        %dma_start3A_1512 = tpu.memref_squeeze %dma_start3A_1511 : memref<1x!tpu.dma_semaphore, #tpu.memory_space<semaphore_mem>> -> memref<!tpu.dma_semaphore, #tpu.memory_space<semaphore_mem>>
        tpu.enqueue_indirect_dma source(%dma_start3A_1510 : memref<1000000x64xf32, #tpu.memory_space<hbm>>) target(%dma_start3A_1507 : memref<16x64xf32, #tpu.memory_space<vmem>>) offsets(%get3A_1501 : vector<16xi32>) semaphore(%dma_start3A_1512 : memref<!tpu.dma_semaphore, #tpu.memory_space<semaphore_mem>>)
        %get3A_1513 = arith.constant 0 : i32
        %get3A_1514 = arith.index_cast %add3A_1427 : i32 to index
        %get3A_1515 = arith.index_cast %get3A_1513 : i32 to index
        %get3A_1516 = arith.constant 80 : index
        %get3A_1517 = tpu.vector_load %arg6[%get3A_1514, %get3A_1515, %get3A_1516] {strides = array<i32>} : memref<100x1x256xi32, #tpu.memory_space<vmem>>, vector<1x1x16xi32>,
        %get3A_1518 = vector.shape_cast %get3A_1517 : vector<1x1x16xi32> to vector<16xi32>
        %dma_start3A_1519 = arith.constant 0 : i32
        %dma_start3A_1520 = arith.constant 0 : i32
        %dma_start3A_1521 = arith.constant 80 : i32
        %dma_start3A_1522 = arith.constant 0 : i32
        %dma_start3A_1523 = tpu.memref_slice %arg8[%dma_start3A_1519, %dma_start3A_1521, %dma_start3A_1522] : memref<4x256x64xf32, #tpu.memory_space<vmem>> -> memref<1x16x64xf32, #tpu.memory_space<vmem>>
        %dma_start3A_1524 = tpu.memref_squeeze %dma_start3A_1523 : memref<1x16x64xf32, #tpu.memory_space<vmem>> -> memref<16x64xf32, #tpu.memory_space<vmem>>
        %dma_start3A_1525 = arith.constant 0 : i32
        %dma_start3A_1526 = arith.constant 0 : i32
        %dma_start3A_1527 = tpu.memref_slice %arg4[%dma_start3A_1525, %dma_start3A_1526] : memref<1000000x64xf32, #tpu.memory_space<hbm>> -> memref<1000000x64xf32, #tpu.memory_space<hbm>>
        %dma_start3A_1528 = tpu.memref_slice %arg11[%dma_start3A_1520] : memref<4x!tpu.dma_semaphore, #tpu.memory_space<semaphore_mem>> -> memref<1x!tpu.dma_semaphore, #tpu.memory_space<semaphore_mem>>
        %dma_start3A_1529 = tpu.memref_squeeze %dma_start3A_1528 : memref<1x!tpu.dma_semaphore, #tpu.memory_space<semaphore_mem>> -> memref<!tpu.dma_semaphore, #tpu.memory_space<semaphore_mem>>
        tpu.enqueue_indirect_dma source(%dma_start3A_1527 : memref<1000000x64xf32, #tpu.memory_space<hbm>>) target(%dma_start3A_1524 : memref<16x64xf32, #tpu.memory_space<vmem>>) offsets(%get3A_1518 : vector<16xi32>) semaphore(%dma_start3A_1529 : memref<!tpu.dma_semaphore, #tpu.memory_space<semaphore_mem>>)
        %get3A_1530 = arith.constant 0 : i32
        %get3A_1531 = arith.index_cast %add3A_1427 : i32 to index
        %get3A_1532 = arith.index_cast %get3A_1530 : i32 to index
        %get3A_1533 = arith.constant 96 : index
        %get3A_1534 = tpu.vector_load %arg6[%get3A_1531, %get3A_1532, %get3A_1533] {strides = array<i32>} : memref<100x1x256xi32, #tpu.memory_space<vmem>>, vector<1x1x16xi32>,
        %get3A_1535 = vector.shape_cast %get3A_1534 : vector<1x1x16xi32> to vector<16xi32>
        %dma_start3A_1536 = arith.constant 0 : i32
        %dma_start3A_1537 = arith.constant 0 : i32
        %dma_start3A_1538 = arith.constant 96 : i32
        %dma_start3A_1539 = arith.constant 0 : i32
        %dma_start3A_1540 = tpu.memref_slice %arg8[%dma_start3A_1536, %dma_start3A_1538, %dma_start3A_1539] : memref<4x256x64xf32, #tpu.memory_space<vmem>> -> memref<1x16x64xf32, #tpu.memory_space<vmem>>
        %dma_start3A_1541 = tpu.memref_squeeze %dma_start3A_1540 : memref<1x16x64xf32, #tpu.memory_space<vmem>> -> memref<16x64xf32, #tpu.memory_space<vmem>>
        %dma_start3A_1542 = arith.constant 0 : i32
        %dma_start3A_1543 = arith.constant 0 : i32
        %dma_start3A_1544 = tpu.memref_slice %arg4[%dma_start3A_1542, %dma_start3A_1543] : memref<1000000x64xf32, #tpu.memory_space<hbm>> -> memref<1000000x64xf32, #tpu.memory_space<hbm>>
        %dma_start3A_1545 = tpu.memref_slice %arg11[%dma_start3A_1537] : memref<4x!tpu.dma_semaphore, #tpu.memory_space<semaphore_mem>> -> memref<1x!tpu.dma_semaphore, #tpu.memory_space<semaphore_mem>>
        %dma_start3A_1546 = tpu.memref_squeeze %dma_start3A_1545 : memref<1x!tpu.dma_semaphore, #tpu.memory_space<semaphore_mem>> -> memref<!tpu.dma_semaphore, #tpu.memory_space<semaphore_mem>>
        tpu.enqueue_indirect_dma source(%dma_start3A_1544 : memref<1000000x64xf32, #tpu.memory_space<hbm>>) target(%dma_start3A_1541 : memref<16x64xf32, #tpu.memory_space<vmem>>) offsets(%get3A_1535 : vector<16xi32>) semaphore(%dma_start3A_1546 : memref<!tpu.dma_semaphore, #tpu.memory_space<semaphore_mem>>)
        %get3A_1547 = arith.constant 0 : i32
        %get3A_1548 = arith.index_cast %add3A_1427 : i32 to index
        %get3A_1549 = arith.index_cast %get3A_1547 : i32 to index
        %get3A_1550 = arith.constant 112 : index
        %get3A_1551 = tpu.vector_load %arg6[%get3A_1548, %get3A_1549, %get3A_1550] {strides = array<i32>} : memref<100x1x256xi32, #tpu.memory_space<vmem>>, vector<1x1x16xi32>,
        %get3A_1552 = vector.shape_cast %get3A_1551 : vector<1x1x16xi32> to vector<16xi32>
        %dma_start3A_1553 = arith.constant 0 : i32
        %dma_start3A_1554 = arith.constant 0 : i32
        %dma_start3A_1555 = arith.constant 112 : i32
        %dma_start3A_1556 = arith.constant 0 : i32
        %dma_start3A_1557 = tpu.memref_slice %arg8[%dma_start3A_1553, %dma_start3A_1555, %dma_start3A_1556] : memref<4x256x64xf32, #tpu.memory_space<vmem>> -> memref<1x16x64xf32, #tpu.memory_space<vmem>>
        %dma_start3A_1558 = tpu.memref_squeeze %dma_start3A_1557 : memref<1x16x64xf32, #tpu.memory_space<vmem>> -> memref<16x64xf32, #tpu.memory_space<vmem>>
        %dma_start3A_1559 = arith.constant 0 : i32
        %dma_start3A_1560 = arith.constant 0 : i32
        %dma_start3A_1561 = tpu.memref_slice %arg4[%dma_start3A_1559, %dma_start3A_1560] : memref<1000000x64xf32, #tpu.memory_space<hbm>> -> memref<1000000x64xf32, #tpu.memory_space<hbm>>
        %dma_start3A_1562 = tpu.memref_slice %arg11[%dma_start3A_1554] : memref<4x!tpu.dma_semaphore, #tpu.memory_space<semaphore_mem>> -> memref<1x!tpu.dma_semaphore, #tpu.memory_space<semaphore_mem>>
        %dma_start3A_1563 = tpu.memref_squeeze %dma_start3A_1562 : memref<1x!tpu.dma_semaphore, #tpu.memory_space<semaphore_mem>> -> memref<!tpu.dma_semaphore, #tpu.memory_space<semaphore_mem>>
        tpu.enqueue_indirect_dma source(%dma_start3A_1561 : memref<1000000x64xf32, #tpu.memory_space<hbm>>) target(%dma_start3A_1558 : memref<16x64xf32, #tpu.memory_space<vmem>>) offsets(%get3A_1552 : vector<16xi32>) semaphore(%dma_start3A_1563 : memref<!tpu.dma_semaphore, #tpu.memory_space<semaphore_mem>>)
        %get3A_1564 = arith.constant 0 : i32
        %get3A_1565 = arith.index_cast %add3A_1427 : i32 to index
        %get3A_1566 = arith.index_cast %get3A_1564 : i32 to index
        %get3A_1567 = arith.constant 128 : index
        %get3A_1568 = tpu.vector_load %arg6[%get3A_1565, %get3A_1566, %get3A_1567] {strides = array<i32>} : memref<100x1x256xi32, #tpu.memory_space<vmem>>, vector<1x1x16xi32>,
        %get3A_1569 = vector.shape_cast %get3A_1568 : vector<1x1x16xi32> to vector<16xi32>
        %dma_start3A_1570 = arith.constant 0 : i32
        %dma_start3A_1571 = arith.constant 0 : i32
        %dma_start3A_1572 = arith.constant 128 : i32
        %dma_start3A_1573 = arith.constant 0 : i32
        %dma_start3A_1574 = tpu.memref_slice %arg8[%dma_start3A_1570, %dma_start3A_1572, %dma_start3A_1573] : memref<4x256x64xf32, #tpu.memory_space<vmem>> -> memref<1x16x64xf32, #tpu.memory_space<vmem>>
        %dma_start3A_1575 = tpu.memref_squeeze %dma_start3A_1574 : memref<1x16x64xf32, #tpu.memory_space<vmem>> -> memref<16x64xf32, #tpu.memory_space<vmem>>
        %dma_start3A_1576 = arith.constant 0 : i32
        %dma_start3A_1577 = arith.constant 0 : i32
        %dma_start3A_1578 = tpu.memref_slice %arg4[%dma_start3A_1576, %dma_start3A_1577] : memref<1000000x64xf32, #tpu.memory_space<hbm>> -> memref<1000000x64xf32, #tpu.memory_space<hbm>>
        %dma_start3A_1579 = tpu.memref_slice %arg11[%dma_start3A_1571] : memref<4x!tpu.dma_semaphore, #tpu.memory_space<semaphore_mem>> -> memref<1x!tpu.dma_semaphore, #tpu.memory_space<semaphore_mem>>
        %dma_start3A_1580 = tpu.memref_squeeze %dma_start3A_1579 : memref<1x!tpu.dma_semaphore, #tpu.memory_space<semaphore_mem>> -> memref<!tpu.dma_semaphore, #tpu.memory_space<semaphore_mem>>
        tpu.enqueue_indirect_dma source(%dma_start3A_1578 : memref<1000000x64xf32, #tpu.memory_space<hbm>>) target(%dma_start3A_1575 : memref<16x64xf32, #tpu.memory_space<vmem>>) offsets(%get3A_1569 : vector<16xi32>) semaphore(%dma_start3A_1580 : memref<!tpu.dma_semaphore, #tpu.memory_space<semaphore_mem>>)
        %get3A_1581 = arith.constant 0 : i32
        %get3A_1582 = arith.index_cast %add3A_1427 : i32 to index
        %get3A_1583 = arith.index_cast %get3A_1581 : i32 to index
        %get3A_1584 = arith.constant 144 : index
        %get3A_1585 = tpu.vector_load %arg6[%get3A_1582, %get3A_1583, %get3A_1584] {strides = array<i32>} : memref<100x1x256xi32, #tpu.memory_space<vmem>>, vector<1x1x16xi32>,
        %get3A_1586 = vector.shape_cast %get3A_1585 : vector<1x1x16xi32> to vector<16xi32>
        %dma_start3A_1587 = arith.constant 0 : i32
        %dma_start3A_1588 = arith.constant 0 : i32
        %dma_start3A_1589 = arith.constant 144 : i32
        %dma_start3A_1590 = arith.constant 0 : i32
        %dma_start3A_1591 = tpu.memref_slice %arg8[%dma_start3A_1587, %dma_start3A_1589, %dma_start3A_1590] : memref<4x256x64xf32, #tpu.memory_space<vmem>> -> memref<1x16x64xf32, #tpu.memory_space<vmem>>
        %dma_start3A_1592 = tpu.memref_squeeze %dma_start3A_1591 : memref<1x16x64xf32, #tpu.memory_space<vmem>> -> memref<16x64xf32, #tpu.memory_space<vmem>>
        %dma_start3A_1593 = arith.constant 0 : i32
        %dma_start3A_1594 = arith.constant 0 : i32
        %dma_start3A_1595 = tpu.memref_slice %arg4[%dma_start3A_1593, %dma_start3A_1594] : memref<1000000x64xf32, #tpu.memory_space<hbm>> -> memref<1000000x64xf32, #tpu.memory_space<hbm>>
        %dma_start3A_1596 = tpu.memref_slice %arg11[%dma_start3A_1588] : memref<4x!tpu.dma_semaphore, #tpu.memory_space<semaphore_mem>> -> memref<1x!tpu.dma_semaphore, #tpu.memory_space<semaphore_mem>>
        %dma_start3A_1597 = tpu.memref_squeeze %dma_start3A_1596 : memref<1x!tpu.dma_semaphore, #tpu.memory_space<semaphore_mem>> -> memref<!tpu.dma_semaphore, #tpu.memory_space<semaphore_mem>>
        tpu.enqueue_indirect_dma source(%dma_start3A_1595 : memref<1000000x64xf32, #tpu.memory_space<hbm>>) target(%dma_start3A_1592 : memref<16x64xf32, #tpu.memory_space<vmem>>) offsets(%get3A_1586 : vector<16xi32>) semaphore(%dma_start3A_1597 : memref<!tpu.dma_semaphore, #tpu.memory_space<semaphore_mem>>)
        %get3A_1598 = arith.constant 0 : i32
        %get3A_1599 = arith.index_cast %add3A_1427 : i32 to index
        %get3A_1600 = arith.index_cast %get3A_1598 : i32 to index
        %get3A_1601 = arith.constant 160 : index
        %get3A_1602 = tpu.vector_load %arg6[%get3A_1599, %get3A_1600, %get3A_1601] {strides = array<i32>} : memref<100x1x256xi32, #tpu.memory_space<vmem>>, vector<1x1x16xi32>,
        %get3A_1603 = vector.shape_cast %get3A_1602 : vector<1x1x16xi32> to vector<16xi32>
        %dma_start3A_1604 = arith.constant 0 : i32
        %dma_start3A_1605 = arith.constant 0 : i32
        %dma_start3A_1606 = arith.constant 160 : i32
        %dma_start3A_1607 = arith.constant 0 : i32
        %dma_start3A_1608 = tpu.memref_slice %arg8[%dma_start3A_1604, %dma_start3A_1606, %dma_start3A_1607] : memref<4x256x64xf32, #tpu.memory_space<vmem>> -> memref<1x16x64xf32, #tpu.memory_space<vmem>>
        %dma_start3A_1609 = tpu.memref_squeeze %dma_start3A_1608 : memref<1x16x64xf32, #tpu.memory_space<vmem>> -> memref<16x64xf32, #tpu.memory_space<vmem>>
        %dma_start3A_1610 = arith.constant 0 : i32
        %dma_start3A_1611 = arith.constant 0 : i32
        %dma_start3A_1612 = tpu.memref_slice %arg4[%dma_start3A_1610, %dma_start3A_1611] : memref<1000000x64xf32, #tpu.memory_space<hbm>> -> memref<1000000x64xf32, #tpu.memory_space<hbm>>
        %dma_start3A_1613 = tpu.memref_slice %arg11[%dma_start3A_1605] : memref<4x!tpu.dma_semaphore, #tpu.memory_space<semaphore_mem>> -> memref<1x!tpu.dma_semaphore, #tpu.memory_space<semaphore_mem>>
        %dma_start3A_1614 = tpu.memref_squeeze %dma_start3A_1613 : memref<1x!tpu.dma_semaphore, #tpu.memory_space<semaphore_mem>> -> memref<!tpu.dma_semaphore, #tpu.memory_space<semaphore_mem>>
        tpu.enqueue_indirect_dma source(%dma_start3A_1612 : memref<1000000x64xf32, #tpu.memory_space<hbm>>) target(%dma_start3A_1609 : memref<16x64xf32, #tpu.memory_space<vmem>>) offsets(%get3A_1603 : vector<16xi32>) semaphore(%dma_start3A_1614 : memref<!tpu.dma_semaphore, #tpu.memory_space<semaphore_mem>>)
        %get3A_1615 = arith.constant 0 : i32
        %get3A_1616 = arith.index_cast %add3A_1427 : i32 to index
        %get3A_1617 = arith.index_cast %get3A_1615 : i32 to index
        %get3A_1618 = arith.constant 176 : index
        %get3A_1619 = tpu.vector_load %arg6[%get3A_1616, %get3A_1617, %get3A_1618] {strides = array<i32>} : memref<100x1x256xi32, #tpu.memory_space<vmem>>, vector<1x1x16xi32>,
        %get3A_1620 = vector.shape_cast %get3A_1619 : vector<1x1x16xi32> to vector<16xi32>
        %dma_start3A_1621 = arith.constant 0 : i32
        %dma_start3A_1622 = arith.constant 0 : i32
        %dma_start3A_1623 = arith.constant 176 : i32
        %dma_start3A_1624 = arith.constant 0 : i32
        %dma_start3A_1625 = tpu.memref_slice %arg8[%dma_start3A_1621, %dma_start3A_1623, %dma_start3A_1624] : memref<4x256x64xf32, #tpu.memory_space<vmem>> -> memref<1x16x64xf32, #tpu.memory_space<vmem>>
        %dma_start3A_1626 = tpu.memref_squeeze %dma_start3A_1625 : memref<1x16x64xf32, #tpu.memory_space<vmem>> -> memref<16x64xf32, #tpu.memory_space<vmem>>
        %dma_start3A_1627 = arith.constant 0 : i32
        %dma_start3A_1628 = arith.constant 0 : i32
        %dma_start3A_1629 = tpu.memref_slice %arg4[%dma_start3A_1627, %dma_start3A_1628] : memref<1000000x64xf32, #tpu.memory_space<hbm>> -> memref<1000000x64xf32, #tpu.memory_space<hbm>>
        %dma_start3A_1630 = tpu.memref_slice %arg11[%dma_start3A_1622] : memref<4x!tpu.dma_semaphore, #tpu.memory_space<semaphore_mem>> -> memref<1x!tpu.dma_semaphore, #tpu.memory_space<semaphore_mem>>
        %dma_start3A_1631 = tpu.memref_squeeze %dma_start3A_1630 : memref<1x!tpu.dma_semaphore, #tpu.memory_space<semaphore_mem>> -> memref<!tpu.dma_semaphore, #tpu.memory_space<semaphore_mem>>
        tpu.enqueue_indirect_dma source(%dma_start3A_1629 : memref<1000000x64xf32, #tpu.memory_space<hbm>>) target(%dma_start3A_1626 : memref<16x64xf32, #tpu.memory_space<vmem>>) offsets(%get3A_1620 : vector<16xi32>) semaphore(%dma_start3A_1631 : memref<!tpu.dma_semaphore, #tpu.memory_space<semaphore_mem>>)
        %get3A_1632 = arith.constant 0 : i32
        %get3A_1633 = arith.index_cast %add3A_1427 : i32 to index
        %get3A_1634 = arith.index_cast %get3A_1632 : i32 to index
        %get3A_1635 = arith.constant 192 : index
        %get3A_1636 = tpu.vector_load %arg6[%get3A_1633, %get3A_1634, %get3A_1635] {strides = array<i32>} : memref<100x1x256xi32, #tpu.memory_space<vmem>>, vector<1x1x16xi32>,
        %get3A_1637 = vector.shape_cast %get3A_1636 : vector<1x1x16xi32> to vector<16xi32>
        %dma_start3A_1638 = arith.constant 0 : i32
        %dma_start3A_1639 = arith.constant 0 : i32
        %dma_start3A_1640 = arith.constant 192 : i32
        %dma_start3A_1641 = arith.constant 0 : i32
        %dma_start3A_1642 = tpu.memref_slice %arg8[%dma_start3A_1638, %dma_start3A_1640, %dma_start3A_1641] : memref<4x256x64xf32, #tpu.memory_space<vmem>> -> memref<1x16x64xf32, #tpu.memory_space<vmem>>
        %dma_start3A_1643 = tpu.memref_squeeze %dma_start3A_1642 : memref<1x16x64xf32, #tpu.memory_space<vmem>> -> memref<16x64xf32, #tpu.memory_space<vmem>>
        %dma_start3A_1644 = arith.constant 0 : i32
        %dma_start3A_1645 = arith.constant 0 : i32
        %dma_start3A_1646 = tpu.memref_slice %arg4[%dma_start3A_1644, %dma_start3A_1645] : memref<1000000x64xf32, #tpu.memory_space<hbm>> -> memref<1000000x64xf32, #tpu.memory_space<hbm>>
        %dma_start3A_1647 = tpu.memref_slice %arg11[%dma_start3A_1639] : memref<4x!tpu.dma_semaphore, #tpu.memory_space<semaphore_mem>> -> memref<1x!tpu.dma_semaphore, #tpu.memory_space<semaphore_mem>>
        %dma_start3A_1648 = tpu.memref_squeeze %dma_start3A_1647 : memref<1x!tpu.dma_semaphore, #tpu.memory_space<semaphore_mem>> -> memref<!tpu.dma_semaphore, #tpu.memory_space<semaphore_mem>>
        tpu.enqueue_indirect_dma source(%dma_start3A_1646 : memref<1000000x64xf32, #tpu.memory_space<hbm>>) target(%dma_start3A_1643 : memref<16x64xf32, #tpu.memory_space<vmem>>) offsets(%get3A_1637 : vector<16xi32>) semaphore(%dma_start3A_1648 : memref<!tpu.dma_semaphore, #tpu.memory_space<semaphore_mem>>)
        %get3A_1649 = arith.constant 0 : i32
        %get3A_1650 = arith.index_cast %add3A_1427 : i32 to index
        %get3A_1651 = arith.index_cast %get3A_1649 : i32 to index
        %get3A_1652 = arith.constant 208 : index
        %get3A_1653 = tpu.vector_load %arg6[%get3A_1650, %get3A_1651, %get3A_1652] {strides = array<i32>} : memref<100x1x256xi32, #tpu.memory_space<vmem>>, vector<1x1x16xi32>,
        %get3A_1654 = vector.shape_cast %get3A_1653 : vector<1x1x16xi32> to vector<16xi32>
        %dma_start3A_1655 = arith.constant 0 : i32
        %dma_start3A_1656 = arith.constant 0 : i32
        %dma_start3A_1657 = arith.constant 208 : i32
        %dma_start3A_1658 = arith.constant 0 : i32
        %dma_start3A_1659 = tpu.memref_slice %arg8[%dma_start3A_1655, %dma_start3A_1657, %dma_start3A_1658] : memref<4x256x64xf32, #tpu.memory_space<vmem>> -> memref<1x16x64xf32, #tpu.memory_space<vmem>>
        %dma_start3A_1660 = tpu.memref_squeeze %dma_start3A_1659 : memref<1x16x64xf32, #tpu.memory_space<vmem>> -> memref<16x64xf32, #tpu.memory_space<vmem>>
        %dma_start3A_1661 = arith.constant 0 : i32
        %dma_start3A_1662 = arith.constant 0 : i32
        %dma_start3A_1663 = tpu.memref_slice %arg4[%dma_start3A_1661, %dma_start3A_1662] : memref<1000000x64xf32, #tpu.memory_space<hbm>> -> memref<1000000x64xf32, #tpu.memory_space<hbm>>
        %dma_start3A_1664 = tpu.memref_slice %arg11[%dma_start3A_1656] : memref<4x!tpu.dma_semaphore, #tpu.memory_space<semaphore_mem>> -> memref<1x!tpu.dma_semaphore, #tpu.memory_space<semaphore_mem>>
        %dma_start3A_1665 = tpu.memref_squeeze %dma_start3A_1664 : memref<1x!tpu.dma_semaphore, #tpu.memory_space<semaphore_mem>> -> memref<!tpu.dma_semaphore, #tpu.memory_space<semaphore_mem>>
        tpu.enqueue_indirect_dma source(%dma_start3A_1663 : memref<1000000x64xf32, #tpu.memory_space<hbm>>) target(%dma_start3A_1660 : memref<16x64xf32, #tpu.memory_space<vmem>>) offsets(%get3A_1654 : vector<16xi32>) semaphore(%dma_start3A_1665 : memref<!tpu.dma_semaphore, #tpu.memory_space<semaphore_mem>>)
        %get3A_1666 = arith.constant 0 : i32
        %get3A_1667 = arith.index_cast %add3A_1427 : i32 to index
        %get3A_1668 = arith.index_cast %get3A_1666 : i32 to index
        %get3A_1669 = arith.constant 224 : index
        %get3A_1670 = tpu.vector_load %arg6[%get3A_1667, %get3A_1668, %get3A_1669] {strides = array<i32>} : memref<100x1x256xi32, #tpu.memory_space<vmem>>, vector<1x1x16xi32>,
        %get3A_1671 = vector.shape_cast %get3A_1670 : vector<1x1x16xi32> to vector<16xi32>
        %dma_start3A_1672 = arith.constant 0 : i32
        %dma_start3A_1673 = arith.constant 0 : i32
        %dma_start3A_1674 = arith.constant 224 : i32
        %dma_start3A_1675 = arith.constant 0 : i32
        %dma_start3A_1676 = tpu.memref_slice %arg8[%dma_start3A_1672, %dma_start3A_1674, %dma_start3A_1675] : memref<4x256x64xf32, #tpu.memory_space<vmem>> -> memref<1x16x64xf32, #tpu.memory_space<vmem>>
        %dma_start3A_1677 = tpu.memref_squeeze %dma_start3A_1676 : memref<1x16x64xf32, #tpu.memory_space<vmem>> -> memref<16x64xf32, #tpu.memory_space<vmem>>
        %dma_start3A_1678 = arith.constant 0 : i32
        %dma_start3A_1679 = arith.constant 0 : i32
        %dma_start3A_1680 = tpu.memref_slice %arg4[%dma_start3A_1678, %dma_start3A_1679] : memref<1000000x64xf32, #tpu.memory_space<hbm>> -> memref<1000000x64xf32, #tpu.memory_space<hbm>>
        %dma_start3A_1681 = tpu.memref_slice %arg11[%dma_start3A_1673] : memref<4x!tpu.dma_semaphore, #tpu.memory_space<semaphore_mem>> -> memref<1x!tpu.dma_semaphore, #tpu.memory_space<semaphore_mem>>
        %dma_start3A_1682 = tpu.memref_squeeze %dma_start3A_1681 : memref<1x!tpu.dma_semaphore, #tpu.memory_space<semaphore_mem>> -> memref<!tpu.dma_semaphore, #tpu.memory_space<semaphore_mem>>
        tpu.enqueue_indirect_dma source(%dma_start3A_1680 : memref<1000000x64xf32, #tpu.memory_space<hbm>>) target(%dma_start3A_1677 : memref<16x64xf32, #tpu.memory_space<vmem>>) offsets(%get3A_1671 : vector<16xi32>) semaphore(%dma_start3A_1682 : memref<!tpu.dma_semaphore, #tpu.memory_space<semaphore_mem>>)
        %get3A_1683 = arith.constant 0 : i32
        %get3A_1684 = arith.index_cast %add3A_1427 : i32 to index
        %get3A_1685 = arith.index_cast %get3A_1683 : i32 to index
        %get3A_1686 = arith.constant 240 : index
        %get3A_1687 = tpu.vector_load %arg6[%get3A_1684, %get3A_1685, %get3A_1686] {strides = array<i32>} : memref<100x1x256xi32, #tpu.memory_space<vmem>>, vector<1x1x16xi32>,
        %get3A_1688 = vector.shape_cast %get3A_1687 : vector<1x1x16xi32> to vector<16xi32>
        %dma_start3A_1689 = arith.constant 0 : i32
        %dma_start3A_1690 = arith.constant 0 : i32
        %dma_start3A_1691 = arith.constant 240 : i32
        %dma_start3A_1692 = arith.constant 0 : i32
        %dma_start3A_1693 = tpu.memref_slice %arg8[%dma_start3A_1689, %dma_start3A_1691, %dma_start3A_1692] : memref<4x256x64xf32, #tpu.memory_space<vmem>> -> memref<1x16x64xf32, #tpu.memory_space<vmem>>
        %dma_start3A_1694 = tpu.memref_squeeze %dma_start3A_1693 : memref<1x16x64xf32, #tpu.memory_space<vmem>> -> memref<16x64xf32, #tpu.memory_space<vmem>>
        %dma_start3A_1695 = arith.constant 0 : i32
        %dma_start3A_1696 = arith.constant 0 : i32
        %dma_start3A_1697 = tpu.memref_slice %arg4[%dma_start3A_1695, %dma_start3A_1696] : memref<1000000x64xf32, #tpu.memory_space<hbm>> -> memref<1000000x64xf32, #tpu.memory_space<hbm>>
        %dma_start3A_1698 = tpu.memref_slice %arg11[%dma_start3A_1690] : memref<4x!tpu.dma_semaphore, #tpu.memory_space<semaphore_mem>> -> memref<1x!tpu.dma_semaphore, #tpu.memory_space<semaphore_mem>>
        %dma_start3A_1699 = tpu.memref_squeeze %dma_start3A_1698 : memref<1x!tpu.dma_semaphore, #tpu.memory_space<semaphore_mem>> -> memref<!tpu.dma_semaphore, #tpu.memory_space<semaphore_mem>>
        tpu.enqueue_indirect_dma source(%dma_start3A_1697 : memref<1000000x64xf32, #tpu.memory_space<hbm>>) target(%dma_start3A_1694 : memref<16x64xf32, #tpu.memory_space<vmem>>) offsets(%get3A_1688 : vector<16xi32>) semaphore(%dma_start3A_1699 : memref<!tpu.dma_semaphore, #tpu.memory_space<semaphore_mem>>)
      } else {
      }
      %dma_wait3A_1361 = arith.constant 1 : i32
      %dma_wait3A_1362 = arith.constant 0 : i32
      %dma_wait3A_1363 = arith.constant 0 : i32
      %dma_wait3A_1364 = arith.constant 1 : i32
      %dma_wait3A_1365 = arith.constant 0 : i32
      %dma_wait3A_1366 = arith.constant 0 : i32
      %dma_wait3A_1367 = tpu.memref_slice %arg8[%dma_wait3A_1361, %dma_wait3A_1365, %dma_wait3A_1366] : memref<4x256x64xf32, #tpu.memory_space<vmem>> -> memref<1x256x64xf32, #tpu.memory_space<vmem>>
      %dma_wait3A_1368 = tpu.memref_squeeze %dma_wait3A_1367 : memref<1x256x64xf32, #tpu.memory_space<vmem>> -> memref<256x64xf32, #tpu.memory_space<vmem>>
      %dma_wait3A_1369 = arith.constant 0 : i32
      %dma_wait3A_1370 = tpu.memref_slice %arg7[%dma_wait3A_1362, %dma_wait3A_1363, %dma_wait3A_1369] : memref<1x1x256xi32, #tpu.memory_space<vmem>> -> memref<1x1x256xi32, #tpu.memory_space<vmem>>
      %dma_wait3A_1371 = tpu.memref_squeeze %dma_wait3A_1370 : memref<1x1x256xi32, #tpu.memory_space<vmem>> -> memref<256xi32, #tpu.memory_space<vmem>>
      %dma_wait3A_1372 = arith.constant 0 : i32
      %dma_wait3A_1373 = arith.constant 0 : i32
      %dma_wait3A_1374 = tpu.memref_slice %arg10[%dma_wait3A_1372, %dma_wait3A_1373] : memref<2048x64xf32, #tpu.memory_space<vmem_shared>> -> memref<2048x64xf32, #tpu.memory_space<vmem_shared>>
      %dma_wait3A_1375 = tpu.memref_slice %arg12[%dma_wait3A_1364] : memref<4x!tpu.dma_semaphore, #tpu.memory_space<semaphore_mem>> -> memref<1x!tpu.dma_semaphore, #tpu.memory_space<semaphore_mem>>
      %dma_wait3A_1376 = tpu.memref_squeeze %dma_wait3A_1375 : memref<1x!tpu.dma_semaphore, #tpu.memory_space<semaphore_mem>> -> memref<!tpu.dma_semaphore, #tpu.memory_space<semaphore_mem>>
      tpu.wait_indirect_dma semaphore(%dma_wait3A_1376 : memref<!tpu.dma_semaphore, #tpu.memory_space<semaphore_mem>>) src(%dma_wait3A_1368 : memref<256x64xf32, #tpu.memory_space<vmem>>) dst(%dma_wait3A_1374 : memref<2048x64xf32, #tpu.memory_space<vmem_shared>>)
      %lt3A_1377 = arith.constant 24 : i32
      %lt3A_1378 = arith.cmpi slt, %scan3A_1208, %lt3A_1377 : i32
      %convert_element_type3A_1379 = arith.extui %lt3A_1378 : i1 to i32
      %cond3A_1380 = arith.constant 0 : i32
      %cond3A_1381 = arith.cmpi ne, %convert_element_type3A_1379, %cond3A_1380 : i32
      scf.if %cond3A_1381 {
        %add3A_1424 = arith.constant 4 : i32
        %add3A_1425 = arith.addi %mul3A_1210, %add3A_1424 : i32
        %add3A_1426 = arith.constant 1 : i32
        %add3A_1427 = arith.addi %add3A_1425, %add3A_1426 : i32
        %get3A_1428 = arith.constant 0 : i32
        %get3A_1429 = arith.index_cast %add3A_1427 : i32 to index
        %get3A_1430 = arith.index_cast %get3A_1428 : i32 to index
        %get3A_1431 = arith.constant 0 : index
        %get3A_1432 = tpu.vector_load %arg6[%get3A_1429, %get3A_1430, %get3A_1431] {strides = array<i32>} : memref<100x1x256xi32, #tpu.memory_space<vmem>>, vector<1x1x16xi32>,
        %get3A_1433 = vector.shape_cast %get3A_1432 : vector<1x1x16xi32> to vector<16xi32>
        %dma_start3A_1434 = arith.constant 1 : i32
        %dma_start3A_1435 = arith.constant 1 : i32
        %dma_start3A_1436 = arith.constant 0 : i32
        %dma_start3A_1437 = arith.constant 0 : i32
        %dma_start3A_1438 = tpu.memref_slice %arg8[%dma_start3A_1434, %dma_start3A_1436, %dma_start3A_1437] : memref<4x256x64xf32, #tpu.memory_space<vmem>> -> memref<1x16x64xf32, #tpu.memory_space<vmem>>
        %dma_start3A_1439 = tpu.memref_squeeze %dma_start3A_1438 : memref<1x16x64xf32, #tpu.memory_space<vmem>> -> memref<16x64xf32, #tpu.memory_space<vmem>>
        %dma_start3A_1440 = arith.constant 0 : i32
        %dma_start3A_1441 = arith.constant 0 : i32
        %dma_start3A_1442 = tpu.memref_slice %arg4[%dma_start3A_1440, %dma_start3A_1441] : memref<1000000x64xf32, #tpu.memory_space<hbm>> -> memref<1000000x64xf32, #tpu.memory_space<hbm>>
        %dma_start3A_1443 = tpu.memref_slice %arg11[%dma_start3A_1435] : memref<4x!tpu.dma_semaphore, #tpu.memory_space<semaphore_mem>> -> memref<1x!tpu.dma_semaphore, #tpu.memory_space<semaphore_mem>>
        %dma_start3A_1444 = tpu.memref_squeeze %dma_start3A_1443 : memref<1x!tpu.dma_semaphore, #tpu.memory_space<semaphore_mem>> -> memref<!tpu.dma_semaphore, #tpu.memory_space<semaphore_mem>>
        tpu.enqueue_indirect_dma source(%dma_start3A_1442 : memref<1000000x64xf32, #tpu.memory_space<hbm>>) target(%dma_start3A_1439 : memref<16x64xf32, #tpu.memory_space<vmem>>) offsets(%get3A_1433 : vector<16xi32>) semaphore(%dma_start3A_1444 : memref<!tpu.dma_semaphore, #tpu.memory_space<semaphore_mem>>)
        %get3A_1445 = arith.constant 0 : i32
        %get3A_1446 = arith.index_cast %add3A_1427 : i32 to index
        %get3A_1447 = arith.index_cast %get3A_1445 : i32 to index
        %get3A_1448 = arith.constant 16 : index
        %get3A_1449 = tpu.vector_load %arg6[%get3A_1446, %get3A_1447, %get3A_1448] {strides = array<i32>} : memref<100x1x256xi32, #tpu.memory_space<vmem>>, vector<1x1x16xi32>,
        %get3A_1450 = vector.shape_cast %get3A_1449 : vector<1x1x16xi32> to vector<16xi32>
        %dma_start3A_1451 = arith.constant 1 : i32
        %dma_start3A_1452 = arith.constant 1 : i32
        %dma_start3A_1453 = arith.constant 16 : i32
        %dma_start3A_1454 = arith.constant 0 : i32
        %dma_start3A_1455 = tpu.memref_slice %arg8[%dma_start3A_1451, %dma_start3A_1453, %dma_start3A_1454] : memref<4x256x64xf32, #tpu.memory_space<vmem>> -> memref<1x16x64xf32, #tpu.memory_space<vmem>>
        %dma_start3A_1456 = tpu.memref_squeeze %dma_start3A_1455 : memref<1x16x64xf32, #tpu.memory_space<vmem>> -> memref<16x64xf32, #tpu.memory_space<vmem>>
        %dma_start3A_1457 = arith.constant 0 : i32
        %dma_start3A_1458 = arith.constant 0 : i32
        %dma_start3A_1459 = tpu.memref_slice %arg4[%dma_start3A_1457, %dma_start3A_1458] : memref<1000000x64xf32, #tpu.memory_space<hbm>> -> memref<1000000x64xf32, #tpu.memory_space<hbm>>
        %dma_start3A_1460 = tpu.memref_slice %arg11[%dma_start3A_1452] : memref<4x!tpu.dma_semaphore, #tpu.memory_space<semaphore_mem>> -> memref<1x!tpu.dma_semaphore, #tpu.memory_space<semaphore_mem>>
        %dma_start3A_1461 = tpu.memref_squeeze %dma_start3A_1460 : memref<1x!tpu.dma_semaphore, #tpu.memory_space<semaphore_mem>> -> memref<!tpu.dma_semaphore, #tpu.memory_space<semaphore_mem>>
        tpu.enqueue_indirect_dma source(%dma_start3A_1459 : memref<1000000x64xf32, #tpu.memory_space<hbm>>) target(%dma_start3A_1456 : memref<16x64xf32, #tpu.memory_space<vmem>>) offsets(%get3A_1450 : vector<16xi32>) semaphore(%dma_start3A_1461 : memref<!tpu.dma_semaphore, #tpu.memory_space<semaphore_mem>>)
        %get3A_1462 = arith.constant 0 : i32
        %get3A_1463 = arith.index_cast %add3A_1427 : i32 to index
        %get3A_1464 = arith.index_cast %get3A_1462 : i32 to index
        %get3A_1465 = arith.constant 32 : index
        %get3A_1466 = tpu.vector_load %arg6[%get3A_1463, %get3A_1464, %get3A_1465] {strides = array<i32>} : memref<100x1x256xi32, #tpu.memory_space<vmem>>, vector<1x1x16xi32>,
        %get3A_1467 = vector.shape_cast %get3A_1466 : vector<1x1x16xi32> to vector<16xi32>
        %dma_start3A_1468 = arith.constant 1 : i32
        %dma_start3A_1469 = arith.constant 1 : i32
        %dma_start3A_1470 = arith.constant 32 : i32
        %dma_start3A_1471 = arith.constant 0 : i32
        %dma_start3A_1472 = tpu.memref_slice %arg8[%dma_start3A_1468, %dma_start3A_1470, %dma_start3A_1471] : memref<4x256x64xf32, #tpu.memory_space<vmem>> -> memref<1x16x64xf32, #tpu.memory_space<vmem>>
        %dma_start3A_1473 = tpu.memref_squeeze %dma_start3A_1472 : memref<1x16x64xf32, #tpu.memory_space<vmem>> -> memref<16x64xf32, #tpu.memory_space<vmem>>
        %dma_start3A_1474 = arith.constant 0 : i32
        %dma_start3A_1475 = arith.constant 0 : i32
        %dma_start3A_1476 = tpu.memref_slice %arg4[%dma_start3A_1474, %dma_start3A_1475] : memref<1000000x64xf32, #tpu.memory_space<hbm>> -> memref<1000000x64xf32, #tpu.memory_space<hbm>>
        %dma_start3A_1477 = tpu.memref_slice %arg11[%dma_start3A_1469] : memref<4x!tpu.dma_semaphore, #tpu.memory_space<semaphore_mem>> -> memref<1x!tpu.dma_semaphore, #tpu.memory_space<semaphore_mem>>
        %dma_start3A_1478 = tpu.memref_squeeze %dma_start3A_1477 : memref<1x!tpu.dma_semaphore, #tpu.memory_space<semaphore_mem>> -> memref<!tpu.dma_semaphore, #tpu.memory_space<semaphore_mem>>
        tpu.enqueue_indirect_dma source(%dma_start3A_1476 : memref<1000000x64xf32, #tpu.memory_space<hbm>>) target(%dma_start3A_1473 : memref<16x64xf32, #tpu.memory_space<vmem>>) offsets(%get3A_1467 : vector<16xi32>) semaphore(%dma_start3A_1478 : memref<!tpu.dma_semaphore, #tpu.memory_space<semaphore_mem>>)
        %get3A_1479 = arith.constant 0 : i32
        %get3A_1480 = arith.index_cast %add3A_1427 : i32 to index
        %get3A_1481 = arith.index_cast %get3A_1479 : i32 to index
        %get3A_1482 = arith.constant 48 : index
        %get3A_1483 = tpu.vector_load %arg6[%get3A_1480, %get3A_1481, %get3A_1482] {strides = array<i32>} : memref<100x1x256xi32, #tpu.memory_space<vmem>>, vector<1x1x16xi32>,
        %get3A_1484 = vector.shape_cast %get3A_1483 : vector<1x1x16xi32> to vector<16xi32>
        %dma_start3A_1485 = arith.constant 1 : i32
        %dma_start3A_1486 = arith.constant 1 : i32
        %dma_start3A_1487 = arith.constant 48 : i32
        %dma_start3A_1488 = arith.constant 0 : i32
        %dma_start3A_1489 = tpu.memref_slice %arg8[%dma_start3A_1485, %dma_start3A_1487, %dma_start3A_1488] : memref<4x256x64xf32, #tpu.memory_space<vmem>> -> memref<1x16x64xf32, #tpu.memory_space<vmem>>
        %dma_start3A_1490 = tpu.memref_squeeze %dma_start3A_1489 : memref<1x16x64xf32, #tpu.memory_space<vmem>> -> memref<16x64xf32, #tpu.memory_space<vmem>>
        %dma_start3A_1491 = arith.constant 0 : i32
        %dma_start3A_1492 = arith.constant 0 : i32
        %dma_start3A_1493 = tpu.memref_slice %arg4[%dma_start3A_1491, %dma_start3A_1492] : memref<1000000x64xf32, #tpu.memory_space<hbm>> -> memref<1000000x64xf32, #tpu.memory_space<hbm>>
        %dma_start3A_1494 = tpu.memref_slice %arg11[%dma_start3A_1486] : memref<4x!tpu.dma_semaphore, #tpu.memory_space<semaphore_mem>> -> memref<1x!tpu.dma_semaphore, #tpu.memory_space<semaphore_mem>>
        %dma_start3A_1495 = tpu.memref_squeeze %dma_start3A_1494 : memref<1x!tpu.dma_semaphore, #tpu.memory_space<semaphore_mem>> -> memref<!tpu.dma_semaphore, #tpu.memory_space<semaphore_mem>>
        tpu.enqueue_indirect_dma source(%dma_start3A_1493 : memref<1000000x64xf32, #tpu.memory_space<hbm>>) target(%dma_start3A_1490 : memref<16x64xf32, #tpu.memory_space<vmem>>) offsets(%get3A_1484 : vector<16xi32>) semaphore(%dma_start3A_1495 : memref<!tpu.dma_semaphore, #tpu.memory_space<semaphore_mem>>)
        %get3A_1496 = arith.constant 0 : i32
        %get3A_1497 = arith.index_cast %add3A_1427 : i32 to index
        %get3A_1498 = arith.index_cast %get3A_1496 : i32 to index
        %get3A_1499 = arith.constant 64 : index
        %get3A_1500 = tpu.vector_load %arg6[%get3A_1497, %get3A_1498, %get3A_1499] {strides = array<i32>} : memref<100x1x256xi32, #tpu.memory_space<vmem>>, vector<1x1x16xi32>,
        %get3A_1501 = vector.shape_cast %get3A_1500 : vector<1x1x16xi32> to vector<16xi32>
        %dma_start3A_1502 = arith.constant 1 : i32
        %dma_start3A_1503 = arith.constant 1 : i32
        %dma_start3A_1504 = arith.constant 64 : i32
        %dma_start3A_1505 = arith.constant 0 : i32
        %dma_start3A_1506 = tpu.memref_slice %arg8[%dma_start3A_1502, %dma_start3A_1504, %dma_start3A_1505] : memref<4x256x64xf32, #tpu.memory_space<vmem>> -> memref<1x16x64xf32, #tpu.memory_space<vmem>>
        %dma_start3A_1507 = tpu.memref_squeeze %dma_start3A_1506 : memref<1x16x64xf32, #tpu.memory_space<vmem>> -> memref<16x64xf32, #tpu.memory_space<vmem>>
        %dma_start3A_1508 = arith.constant 0 : i32
        %dma_start3A_1509 = arith.constant 0 : i32
        %dma_start3A_1510 = tpu.memref_slice %arg4[%dma_start3A_1508, %dma_start3A_1509] : memref<1000000x64xf32, #tpu.memory_space<hbm>> -> memref<1000000x64xf32, #tpu.memory_space<hbm>>
        %dma_start3A_1511 = tpu.memref_slice %arg11[%dma_start3A_1503] : memref<4x!tpu.dma_semaphore, #tpu.memory_space<semaphore_mem>> -> memref<1x!tpu.dma_semaphore, #tpu.memory_space<semaphore_mem>>
        %dma_start3A_1512 = tpu.memref_squeeze %dma_start3A_1511 : memref<1x!tpu.dma_semaphore, #tpu.memory_space<semaphore_mem>> -> memref<!tpu.dma_semaphore, #tpu.memory_space<semaphore_mem>>
        tpu.enqueue_indirect_dma source(%dma_start3A_1510 : memref<1000000x64xf32, #tpu.memory_space<hbm>>) target(%dma_start3A_1507 : memref<16x64xf32, #tpu.memory_space<vmem>>) offsets(%get3A_1501 : vector<16xi32>) semaphore(%dma_start3A_1512 : memref<!tpu.dma_semaphore, #tpu.memory_space<semaphore_mem>>)
        %get3A_1513 = arith.constant 0 : i32
        %get3A_1514 = arith.index_cast %add3A_1427 : i32 to index
        %get3A_1515 = arith.index_cast %get3A_1513 : i32 to index
        %get3A_1516 = arith.constant 80 : index
        %get3A_1517 = tpu.vector_load %arg6[%get3A_1514, %get3A_1515, %get3A_1516] {strides = array<i32>} : memref<100x1x256xi32, #tpu.memory_space<vmem>>, vector<1x1x16xi32>,
        %get3A_1518 = vector.shape_cast %get3A_1517 : vector<1x1x16xi32> to vector<16xi32>
        %dma_start3A_1519 = arith.constant 1 : i32
        %dma_start3A_1520 = arith.constant 1 : i32
        %dma_start3A_1521 = arith.constant 80 : i32
        %dma_start3A_1522 = arith.constant 0 : i32
        %dma_start3A_1523 = tpu.memref_slice %arg8[%dma_start3A_1519, %dma_start3A_1521, %dma_start3A_1522] : memref<4x256x64xf32, #tpu.memory_space<vmem>> -> memref<1x16x64xf32, #tpu.memory_space<vmem>>
        %dma_start3A_1524 = tpu.memref_squeeze %dma_start3A_1523 : memref<1x16x64xf32, #tpu.memory_space<vmem>> -> memref<16x64xf32, #tpu.memory_space<vmem>>
        %dma_start3A_1525 = arith.constant 0 : i32
        %dma_start3A_1526 = arith.constant 0 : i32
        %dma_start3A_1527 = tpu.memref_slice %arg4[%dma_start3A_1525, %dma_start3A_1526] : memref<1000000x64xf32, #tpu.memory_space<hbm>> -> memref<1000000x64xf32, #tpu.memory_space<hbm>>
        %dma_start3A_1528 = tpu.memref_slice %arg11[%dma_start3A_1520] : memref<4x!tpu.dma_semaphore, #tpu.memory_space<semaphore_mem>> -> memref<1x!tpu.dma_semaphore, #tpu.memory_space<semaphore_mem>>
        %dma_start3A_1529 = tpu.memref_squeeze %dma_start3A_1528 : memref<1x!tpu.dma_semaphore, #tpu.memory_space<semaphore_mem>> -> memref<!tpu.dma_semaphore, #tpu.memory_space<semaphore_mem>>
        tpu.enqueue_indirect_dma source(%dma_start3A_1527 : memref<1000000x64xf32, #tpu.memory_space<hbm>>) target(%dma_start3A_1524 : memref<16x64xf32, #tpu.memory_space<vmem>>) offsets(%get3A_1518 : vector<16xi32>) semaphore(%dma_start3A_1529 : memref<!tpu.dma_semaphore, #tpu.memory_space<semaphore_mem>>)
        %get3A_1530 = arith.constant 0 : i32
        %get3A_1531 = arith.index_cast %add3A_1427 : i32 to index
        %get3A_1532 = arith.index_cast %get3A_1530 : i32 to index
        %get3A_1533 = arith.constant 96 : index
        %get3A_1534 = tpu.vector_load %arg6[%get3A_1531, %get3A_1532, %get3A_1533] {strides = array<i32>} : memref<100x1x256xi32, #tpu.memory_space<vmem>>, vector<1x1x16xi32>,
        %get3A_1535 = vector.shape_cast %get3A_1534 : vector<1x1x16xi32> to vector<16xi32>
        %dma_start3A_1536 = arith.constant 1 : i32
        %dma_start3A_1537 = arith.constant 1 : i32
        %dma_start3A_1538 = arith.constant 96 : i32
        %dma_start3A_1539 = arith.constant 0 : i32
        %dma_start3A_1540 = tpu.memref_slice %arg8[%dma_start3A_1536, %dma_start3A_1538, %dma_start3A_1539] : memref<4x256x64xf32, #tpu.memory_space<vmem>> -> memref<1x16x64xf32, #tpu.memory_space<vmem>>
        %dma_start3A_1541 = tpu.memref_squeeze %dma_start3A_1540 : memref<1x16x64xf32, #tpu.memory_space<vmem>> -> memref<16x64xf32, #tpu.memory_space<vmem>>
        %dma_start3A_1542 = arith.constant 0 : i32
        %dma_start3A_1543 = arith.constant 0 : i32
        %dma_start3A_1544 = tpu.memref_slice %arg4[%dma_start3A_1542, %dma_start3A_1543] : memref<1000000x64xf32, #tpu.memory_space<hbm>> -> memref<1000000x64xf32, #tpu.memory_space<hbm>>
        %dma_start3A_1545 = tpu.memref_slice %arg11[%dma_start3A_1537] : memref<4x!tpu.dma_semaphore, #tpu.memory_space<semaphore_mem>> -> memref<1x!tpu.dma_semaphore, #tpu.memory_space<semaphore_mem>>
        %dma_start3A_1546 = tpu.memref_squeeze %dma_start3A_1545 : memref<1x!tpu.dma_semaphore, #tpu.memory_space<semaphore_mem>> -> memref<!tpu.dma_semaphore, #tpu.memory_space<semaphore_mem>>
        tpu.enqueue_indirect_dma source(%dma_start3A_1544 : memref<1000000x64xf32, #tpu.memory_space<hbm>>) target(%dma_start3A_1541 : memref<16x64xf32, #tpu.memory_space<vmem>>) offsets(%get3A_1535 : vector<16xi32>) semaphore(%dma_start3A_1546 : memref<!tpu.dma_semaphore, #tpu.memory_space<semaphore_mem>>)
        %get3A_1547 = arith.constant 0 : i32
        %get3A_1548 = arith.index_cast %add3A_1427 : i32 to index
        %get3A_1549 = arith.index_cast %get3A_1547 : i32 to index
        %get3A_1550 = arith.constant 112 : index
        %get3A_1551 = tpu.vector_load %arg6[%get3A_1548, %get3A_1549, %get3A_1550] {strides = array<i32>} : memref<100x1x256xi32, #tpu.memory_space<vmem>>, vector<1x1x16xi32>,
        %get3A_1552 = vector.shape_cast %get3A_1551 : vector<1x1x16xi32> to vector<16xi32>
        %dma_start3A_1553 = arith.constant 1 : i32
        %dma_start3A_1554 = arith.constant 1 : i32
        %dma_start3A_1555 = arith.constant 112 : i32
        %dma_start3A_1556 = arith.constant 0 : i32
        %dma_start3A_1557 = tpu.memref_slice %arg8[%dma_start3A_1553, %dma_start3A_1555, %dma_start3A_1556] : memref<4x256x64xf32, #tpu.memory_space<vmem>> -> memref<1x16x64xf32, #tpu.memory_space<vmem>>
        %dma_start3A_1558 = tpu.memref_squeeze %dma_start3A_1557 : memref<1x16x64xf32, #tpu.memory_space<vmem>> -> memref<16x64xf32, #tpu.memory_space<vmem>>
        %dma_start3A_1559 = arith.constant 0 : i32
        %dma_start3A_1560 = arith.constant 0 : i32
        %dma_start3A_1561 = tpu.memref_slice %arg4[%dma_start3A_1559, %dma_start3A_1560] : memref<1000000x64xf32, #tpu.memory_space<hbm>> -> memref<1000000x64xf32, #tpu.memory_space<hbm>>
        %dma_start3A_1562 = tpu.memref_slice %arg11[%dma_start3A_1554] : memref<4x!tpu.dma_semaphore, #tpu.memory_space<semaphore_mem>> -> memref<1x!tpu.dma_semaphore, #tpu.memory_space<semaphore_mem>>
        %dma_start3A_1563 = tpu.memref_squeeze %dma_start3A_1562 : memref<1x!tpu.dma_semaphore, #tpu.memory_space<semaphore_mem>> -> memref<!tpu.dma_semaphore, #tpu.memory_space<semaphore_mem>>
        tpu.enqueue_indirect_dma source(%dma_start3A_1561 : memref<1000000x64xf32, #tpu.memory_space<hbm>>) target(%dma_start3A_1558 : memref<16x64xf32, #tpu.memory_space<vmem>>) offsets(%get3A_1552 : vector<16xi32>) semaphore(%dma_start3A_1563 : memref<!tpu.dma_semaphore, #tpu.memory_space<semaphore_mem>>)
        %get3A_1564 = arith.constant 0 : i32
        %get3A_1565 = arith.index_cast %add3A_1427 : i32 to index
        %get3A_1566 = arith.index_cast %get3A_1564 : i32 to index
        %get3A_1567 = arith.constant 128 : index
        %get3A_1568 = tpu.vector_load %arg6[%get3A_1565, %get3A_1566, %get3A_1567] {strides = array<i32>} : memref<100x1x256xi32, #tpu.memory_space<vmem>>, vector<1x1x16xi32>,
        %get3A_1569 = vector.shape_cast %get3A_1568 : vector<1x1x16xi32> to vector<16xi32>
        %dma_start3A_1570 = arith.constant 1 : i32
        %dma_start3A_1571 = arith.constant 1 : i32
        %dma_start3A_1572 = arith.constant 128 : i32
        %dma_start3A_1573 = arith.constant 0 : i32
        %dma_start3A_1574 = tpu.memref_slice %arg8[%dma_start3A_1570, %dma_start3A_1572, %dma_start3A_1573] : memref<4x256x64xf32, #tpu.memory_space<vmem>> -> memref<1x16x64xf32, #tpu.memory_space<vmem>>
        %dma_start3A_1575 = tpu.memref_squeeze %dma_start3A_1574 : memref<1x16x64xf32, #tpu.memory_space<vmem>> -> memref<16x64xf32, #tpu.memory_space<vmem>>
        %dma_start3A_1576 = arith.constant 0 : i32
        %dma_start3A_1577 = arith.constant 0 : i32
        %dma_start3A_1578 = tpu.memref_slice %arg4[%dma_start3A_1576, %dma_start3A_1577] : memref<1000000x64xf32, #tpu.memory_space<hbm>> -> memref<1000000x64xf32, #tpu.memory_space<hbm>>
        %dma_start3A_1579 = tpu.memref_slice %arg11[%dma_start3A_1571] : memref<4x!tpu.dma_semaphore, #tpu.memory_space<semaphore_mem>> -> memref<1x!tpu.dma_semaphore, #tpu.memory_space<semaphore_mem>>
        %dma_start3A_1580 = tpu.memref_squeeze %dma_start3A_1579 : memref<1x!tpu.dma_semaphore, #tpu.memory_space<semaphore_mem>> -> memref<!tpu.dma_semaphore, #tpu.memory_space<semaphore_mem>>
        tpu.enqueue_indirect_dma source(%dma_start3A_1578 : memref<1000000x64xf32, #tpu.memory_space<hbm>>) target(%dma_start3A_1575 : memref<16x64xf32, #tpu.memory_space<vmem>>) offsets(%get3A_1569 : vector<16xi32>) semaphore(%dma_start3A_1580 : memref<!tpu.dma_semaphore, #tpu.memory_space<semaphore_mem>>)
        %get3A_1581 = arith.constant 0 : i32
        %get3A_1582 = arith.index_cast %add3A_1427 : i32 to index
        %get3A_1583 = arith.index_cast %get3A_1581 : i32 to index
        %get3A_1584 = arith.constant 144 : index
        %get3A_1585 = tpu.vector_load %arg6[%get3A_1582, %get3A_1583, %get3A_1584] {strides = array<i32>} : memref<100x1x256xi32, #tpu.memory_space<vmem>>, vector<1x1x16xi32>,
        %get3A_1586 = vector.shape_cast %get3A_1585 : vector<1x1x16xi32> to vector<16xi32>
        %dma_start3A_1587 = arith.constant 1 : i32
        %dma_start3A_1588 = arith.constant 1 : i32
        %dma_start3A_1589 = arith.constant 144 : i32
        %dma_start3A_1590 = arith.constant 0 : i32
        %dma_start3A_1591 = tpu.memref_slice %arg8[%dma_start3A_1587, %dma_start3A_1589, %dma_start3A_1590] : memref<4x256x64xf32, #tpu.memory_space<vmem>> -> memref<1x16x64xf32, #tpu.memory_space<vmem>>
        %dma_start3A_1592 = tpu.memref_squeeze %dma_start3A_1591 : memref<1x16x64xf32, #tpu.memory_space<vmem>> -> memref<16x64xf32, #tpu.memory_space<vmem>>
        %dma_start3A_1593 = arith.constant 0 : i32
        %dma_start3A_1594 = arith.constant 0 : i32
        %dma_start3A_1595 = tpu.memref_slice %arg4[%dma_start3A_1593, %dma_start3A_1594] : memref<1000000x64xf32, #tpu.memory_space<hbm>> -> memref<1000000x64xf32, #tpu.memory_space<hbm>>
        %dma_start3A_1596 = tpu.memref_slice %arg11[%dma_start3A_1588] : memref<4x!tpu.dma_semaphore, #tpu.memory_space<semaphore_mem>> -> memref<1x!tpu.dma_semaphore, #tpu.memory_space<semaphore_mem>>
        %dma_start3A_1597 = tpu.memref_squeeze %dma_start3A_1596 : memref<1x!tpu.dma_semaphore, #tpu.memory_space<semaphore_mem>> -> memref<!tpu.dma_semaphore, #tpu.memory_space<semaphore_mem>>
        tpu.enqueue_indirect_dma source(%dma_start3A_1595 : memref<1000000x64xf32, #tpu.memory_space<hbm>>) target(%dma_start3A_1592 : memref<16x64xf32, #tpu.memory_space<vmem>>) offsets(%get3A_1586 : vector<16xi32>) semaphore(%dma_start3A_1597 : memref<!tpu.dma_semaphore, #tpu.memory_space<semaphore_mem>>)
        %get3A_1598 = arith.constant 0 : i32
        %get3A_1599 = arith.index_cast %add3A_1427 : i32 to index
        %get3A_1600 = arith.index_cast %get3A_1598 : i32 to index
        %get3A_1601 = arith.constant 160 : index
        %get3A_1602 = tpu.vector_load %arg6[%get3A_1599, %get3A_1600, %get3A_1601] {strides = array<i32>} : memref<100x1x256xi32, #tpu.memory_space<vmem>>, vector<1x1x16xi32>,
        %get3A_1603 = vector.shape_cast %get3A_1602 : vector<1x1x16xi32> to vector<16xi32>
        %dma_start3A_1604 = arith.constant 1 : i32
        %dma_start3A_1605 = arith.constant 1 : i32
        %dma_start3A_1606 = arith.constant 160 : i32
        %dma_start3A_1607 = arith.constant 0 : i32
        %dma_start3A_1608 = tpu.memref_slice %arg8[%dma_start3A_1604, %dma_start3A_1606, %dma_start3A_1607] : memref<4x256x64xf32, #tpu.memory_space<vmem>> -> memref<1x16x64xf32, #tpu.memory_space<vmem>>
        %dma_start3A_1609 = tpu.memref_squeeze %dma_start3A_1608 : memref<1x16x64xf32, #tpu.memory_space<vmem>> -> memref<16x64xf32, #tpu.memory_space<vmem>>
        %dma_start3A_1610 = arith.constant 0 : i32
        %dma_start3A_1611 = arith.constant 0 : i32
        %dma_start3A_1612 = tpu.memref_slice %arg4[%dma_start3A_1610, %dma_start3A_1611] : memref<1000000x64xf32, #tpu.memory_space<hbm>> -> memref<1000000x64xf32, #tpu.memory_space<hbm>>
        %dma_start3A_1613 = tpu.memref_slice %arg11[%dma_start3A_1605] : memref<4x!tpu.dma_semaphore, #tpu.memory_space<semaphore_mem>> -> memref<1x!tpu.dma_semaphore, #tpu.memory_space<semaphore_mem>>
        %dma_start3A_1614 = tpu.memref_squeeze %dma_start3A_1613 : memref<1x!tpu.dma_semaphore, #tpu.memory_space<semaphore_mem>> -> memref<!tpu.dma_semaphore, #tpu.memory_space<semaphore_mem>>
        tpu.enqueue_indirect_dma source(%dma_start3A_1612 : memref<1000000x64xf32, #tpu.memory_space<hbm>>) target(%dma_start3A_1609 : memref<16x64xf32, #tpu.memory_space<vmem>>) offsets(%get3A_1603 : vector<16xi32>) semaphore(%dma_start3A_1614 : memref<!tpu.dma_semaphore, #tpu.memory_space<semaphore_mem>>)
        %get3A_1615 = arith.constant 0 : i32
        %get3A_1616 = arith.index_cast %add3A_1427 : i32 to index
        %get3A_1617 = arith.index_cast %get3A_1615 : i32 to index
        %get3A_1618 = arith.constant 176 : index
        %get3A_1619 = tpu.vector_load %arg6[%get3A_1616, %get3A_1617, %get3A_1618] {strides = array<i32>} : memref<100x1x256xi32, #tpu.memory_space<vmem>>, vector<1x1x16xi32>,
        %get3A_1620 = vector.shape_cast %get3A_1619 : vector<1x1x16xi32> to vector<16xi32>
        %dma_start3A_1621 = arith.constant 1 : i32
        %dma_start3A_1622 = arith.constant 1 : i32
        %dma_start3A_1623 = arith.constant 176 : i32
        %dma_start3A_1624 = arith.constant 0 : i32
        %dma_start3A_1625 = tpu.memref_slice %arg8[%dma_start3A_1621, %dma_start3A_1623, %dma_start3A_1624] : memref<4x256x64xf32, #tpu.memory_space<vmem>> -> memref<1x16x64xf32, #tpu.memory_space<vmem>>
        %dma_start3A_1626 = tpu.memref_squeeze %dma_start3A_1625 : memref<1x16x64xf32, #tpu.memory_space<vmem>> -> memref<16x64xf32, #tpu.memory_space<vmem>>
        %dma_start3A_1627 = arith.constant 0 : i32
        %dma_start3A_1628 = arith.constant 0 : i32
        %dma_start3A_1629 = tpu.memref_slice %arg4[%dma_start3A_1627, %dma_start3A_1628] : memref<1000000x64xf32, #tpu.memory_space<hbm>> -> memref<1000000x64xf32, #tpu.memory_space<hbm>>
        %dma_start3A_1630 = tpu.memref_slice %arg11[%dma_start3A_1622] : memref<4x!tpu.dma_semaphore, #tpu.memory_space<semaphore_mem>> -> memref<1x!tpu.dma_semaphore, #tpu.memory_space<semaphore_mem>>
        %dma_start3A_1631 = tpu.memref_squeeze %dma_start3A_1630 : memref<1x!tpu.dma_semaphore, #tpu.memory_space<semaphore_mem>> -> memref<!tpu.dma_semaphore, #tpu.memory_space<semaphore_mem>>
        tpu.enqueue_indirect_dma source(%dma_start3A_1629 : memref<1000000x64xf32, #tpu.memory_space<hbm>>) target(%dma_start3A_1626 : memref<16x64xf32, #tpu.memory_space<vmem>>) offsets(%get3A_1620 : vector<16xi32>) semaphore(%dma_start3A_1631 : memref<!tpu.dma_semaphore, #tpu.memory_space<semaphore_mem>>)
        %get3A_1632 = arith.constant 0 : i32
        %get3A_1633 = arith.index_cast %add3A_1427 : i32 to index
        %get3A_1634 = arith.index_cast %get3A_1632 : i32 to index
        %get3A_1635 = arith.constant 192 : index
        %get3A_1636 = tpu.vector_load %arg6[%get3A_1633, %get3A_1634, %get3A_1635] {strides = array<i32>} : memref<100x1x256xi32, #tpu.memory_space<vmem>>, vector<1x1x16xi32>,
        %get3A_1637 = vector.shape_cast %get3A_1636 : vector<1x1x16xi32> to vector<16xi32>
        %dma_start3A_1638 = arith.constant 1 : i32
        %dma_start3A_1639 = arith.constant 1 : i32
        %dma_start3A_1640 = arith.constant 192 : i32
        %dma_start3A_1641 = arith.constant 0 : i32
        %dma_start3A_1642 = tpu.memref_slice %arg8[%dma_start3A_1638, %dma_start3A_1640, %dma_start3A_1641] : memref<4x256x64xf32, #tpu.memory_space<vmem>> -> memref<1x16x64xf32, #tpu.memory_space<vmem>>
        %dma_start3A_1643 = tpu.memref_squeeze %dma_start3A_1642 : memref<1x16x64xf32, #tpu.memory_space<vmem>> -> memref<16x64xf32, #tpu.memory_space<vmem>>
        %dma_start3A_1644 = arith.constant 0 : i32
        %dma_start3A_1645 = arith.constant 0 : i32
        %dma_start3A_1646 = tpu.memref_slice %arg4[%dma_start3A_1644, %dma_start3A_1645] : memref<1000000x64xf32, #tpu.memory_space<hbm>> -> memref<1000000x64xf32, #tpu.memory_space<hbm>>
        %dma_start3A_1647 = tpu.memref_slice %arg11[%dma_start3A_1639] : memref<4x!tpu.dma_semaphore, #tpu.memory_space<semaphore_mem>> -> memref<1x!tpu.dma_semaphore, #tpu.memory_space<semaphore_mem>>
        %dma_start3A_1648 = tpu.memref_squeeze %dma_start3A_1647 : memref<1x!tpu.dma_semaphore, #tpu.memory_space<semaphore_mem>> -> memref<!tpu.dma_semaphore, #tpu.memory_space<semaphore_mem>>
        tpu.enqueue_indirect_dma source(%dma_start3A_1646 : memref<1000000x64xf32, #tpu.memory_space<hbm>>) target(%dma_start3A_1643 : memref<16x64xf32, #tpu.memory_space<vmem>>) offsets(%get3A_1637 : vector<16xi32>) semaphore(%dma_start3A_1648 : memref<!tpu.dma_semaphore, #tpu.memory_space<semaphore_mem>>)
        %get3A_1649 = arith.constant 0 : i32
        %get3A_1650 = arith.index_cast %add3A_1427 : i32 to index
        %get3A_1651 = arith.index_cast %get3A_1649 : i32 to index
        %get3A_1652 = arith.constant 208 : index
        %get3A_1653 = tpu.vector_load %arg6[%get3A_1650, %get3A_1651, %get3A_1652] {strides = array<i32>} : memref<100x1x256xi32, #tpu.memory_space<vmem>>, vector<1x1x16xi32>,
        %get3A_1654 = vector.shape_cast %get3A_1653 : vector<1x1x16xi32> to vector<16xi32>
        %dma_start3A_1655 = arith.constant 1 : i32
        %dma_start3A_1656 = arith.constant 1 : i32
        %dma_start3A_1657 = arith.constant 208 : i32
        %dma_start3A_1658 = arith.constant 0 : i32
        %dma_start3A_1659 = tpu.memref_slice %arg8[%dma_start3A_1655, %dma_start3A_1657, %dma_start3A_1658] : memref<4x256x64xf32, #tpu.memory_space<vmem>> -> memref<1x16x64xf32, #tpu.memory_space<vmem>>
        %dma_start3A_1660 = tpu.memref_squeeze %dma_start3A_1659 : memref<1x16x64xf32, #tpu.memory_space<vmem>> -> memref<16x64xf32, #tpu.memory_space<vmem>>
        %dma_start3A_1661 = arith.constant 0 : i32
        %dma_start3A_1662 = arith.constant 0 : i32
        %dma_start3A_1663 = tpu.memref_slice %arg4[%dma_start3A_1661, %dma_start3A_1662] : memref<1000000x64xf32, #tpu.memory_space<hbm>> -> memref<1000000x64xf32, #tpu.memory_space<hbm>>
        %dma_start3A_1664 = tpu.memref_slice %arg11[%dma_start3A_1656] : memref<4x!tpu.dma_semaphore, #tpu.memory_space<semaphore_mem>> -> memref<1x!tpu.dma_semaphore, #tpu.memory_space<semaphore_mem>>
        %dma_start3A_1665 = tpu.memref_squeeze %dma_start3A_1664 : memref<1x!tpu.dma_semaphore, #tpu.memory_space<semaphore_mem>> -> memref<!tpu.dma_semaphore, #tpu.memory_space<semaphore_mem>>
        tpu.enqueue_indirect_dma source(%dma_start3A_1663 : memref<1000000x64xf32, #tpu.memory_space<hbm>>) target(%dma_start3A_1660 : memref<16x64xf32, #tpu.memory_space<vmem>>) offsets(%get3A_1654 : vector<16xi32>) semaphore(%dma_start3A_1665 : memref<!tpu.dma_semaphore, #tpu.memory_space<semaphore_mem>>)
        %get3A_1666 = arith.constant 0 : i32
        %get3A_1667 = arith.index_cast %add3A_1427 : i32 to index
        %get3A_1668 = arith.index_cast %get3A_1666 : i32 to index
        %get3A_1669 = arith.constant 224 : index
        %get3A_1670 = tpu.vector_load %arg6[%get3A_1667, %get3A_1668, %get3A_1669] {strides = array<i32>} : memref<100x1x256xi32, #tpu.memory_space<vmem>>, vector<1x1x16xi32>,
        %get3A_1671 = vector.shape_cast %get3A_1670 : vector<1x1x16xi32> to vector<16xi32>
        %dma_start3A_1672 = arith.constant 1 : i32
        %dma_start3A_1673 = arith.constant 1 : i32
        %dma_start3A_1674 = arith.constant 224 : i32
        %dma_start3A_1675 = arith.constant 0 : i32
        %dma_start3A_1676 = tpu.memref_slice %arg8[%dma_start3A_1672, %dma_start3A_1674, %dma_start3A_1675] : memref<4x256x64xf32, #tpu.memory_space<vmem>> -> memref<1x16x64xf32, #tpu.memory_space<vmem>>
        %dma_start3A_1677 = tpu.memref_squeeze %dma_start3A_1676 : memref<1x16x64xf32, #tpu.memory_space<vmem>> -> memref<16x64xf32, #tpu.memory_space<vmem>>
        %dma_start3A_1678 = arith.constant 0 : i32
        %dma_start3A_1679 = arith.constant 0 : i32
        %dma_start3A_1680 = tpu.memref_slice %arg4[%dma_start3A_1678, %dma_start3A_1679] : memref<1000000x64xf32, #tpu.memory_space<hbm>> -> memref<1000000x64xf32, #tpu.memory_space<hbm>>
        %dma_start3A_1681 = tpu.memref_slice %arg11[%dma_start3A_1673] : memref<4x!tpu.dma_semaphore, #tpu.memory_space<semaphore_mem>> -> memref<1x!tpu.dma_semaphore, #tpu.memory_space<semaphore_mem>>
        %dma_start3A_1682 = tpu.memref_squeeze %dma_start3A_1681 : memref<1x!tpu.dma_semaphore, #tpu.memory_space<semaphore_mem>> -> memref<!tpu.dma_semaphore, #tpu.memory_space<semaphore_mem>>
        tpu.enqueue_indirect_dma source(%dma_start3A_1680 : memref<1000000x64xf32, #tpu.memory_space<hbm>>) target(%dma_start3A_1677 : memref<16x64xf32, #tpu.memory_space<vmem>>) offsets(%get3A_1671 : vector<16xi32>) semaphore(%dma_start3A_1682 : memref<!tpu.dma_semaphore, #tpu.memory_space<semaphore_mem>>)
        %get3A_1683 = arith.constant 0 : i32
        %get3A_1684 = arith.index_cast %add3A_1427 : i32 to index
        %get3A_1685 = arith.index_cast %get3A_1683 : i32 to index
        %get3A_1686 = arith.constant 240 : index
        %get3A_1687 = tpu.vector_load %arg6[%get3A_1684, %get3A_1685, %get3A_1686] {strides = array<i32>} : memref<100x1x256xi32, #tpu.memory_space<vmem>>, vector<1x1x16xi32>,
        %get3A_1688 = vector.shape_cast %get3A_1687 : vector<1x1x16xi32> to vector<16xi32>
        %dma_start3A_1689 = arith.constant 1 : i32
        %dma_start3A_1690 = arith.constant 1 : i32
        %dma_start3A_1691 = arith.constant 240 : i32
        %dma_start3A_1692 = arith.constant 0 : i32
        %dma_start3A_1693 = tpu.memref_slice %arg8[%dma_start3A_1689, %dma_start3A_1691, %dma_start3A_1692] : memref<4x256x64xf32, #tpu.memory_space<vmem>> -> memref<1x16x64xf32, #tpu.memory_space<vmem>>
        %dma_start3A_1694 = tpu.memref_squeeze %dma_start3A_1693 : memref<1x16x64xf32, #tpu.memory_space<vmem>> -> memref<16x64xf32, #tpu.memory_space<vmem>>
        %dma_start3A_1695 = arith.constant 0 : i32
        %dma_start3A_1696 = arith.constant 0 : i32
        %dma_start3A_1697 = tpu.memref_slice %arg4[%dma_start3A_1695, %dma_start3A_1696] : memref<1000000x64xf32, #tpu.memory_space<hbm>> -> memref<1000000x64xf32, #tpu.memory_space<hbm>>
        %dma_start3A_1698 = tpu.memref_slice %arg11[%dma_start3A_1690] : memref<4x!tpu.dma_semaphore, #tpu.memory_space<semaphore_mem>> -> memref<1x!tpu.dma_semaphore, #tpu.memory_space<semaphore_mem>>
        %dma_start3A_1699 = tpu.memref_squeeze %dma_start3A_1698 : memref<1x!tpu.dma_semaphore, #tpu.memory_space<semaphore_mem>> -> memref<!tpu.dma_semaphore, #tpu.memory_space<semaphore_mem>>
        tpu.enqueue_indirect_dma source(%dma_start3A_1697 : memref<1000000x64xf32, #tpu.memory_space<hbm>>) target(%dma_start3A_1694 : memref<16x64xf32, #tpu.memory_space<vmem>>) offsets(%get3A_1688 : vector<16xi32>) semaphore(%dma_start3A_1699 : memref<!tpu.dma_semaphore, #tpu.memory_space<semaphore_mem>>)
      } else {
      }
      %dma_wait3A_1382 = arith.constant 2 : i32
      %dma_wait3A_1383 = arith.constant 0 : i32
      %dma_wait3A_1384 = arith.constant 0 : i32
      %dma_wait3A_1385 = arith.constant 2 : i32
      %dma_wait3A_1386 = arith.constant 0 : i32
      %dma_wait3A_1387 = arith.constant 0 : i32
      %dma_wait3A_1388 = tpu.memref_slice %arg8[%dma_wait3A_1382, %dma_wait3A_1386, %dma_wait3A_1387] : memref<4x256x64xf32, #tpu.memory_space<vmem>> -> memref<1x256x64xf32, #tpu.memory_space<vmem>>
      %dma_wait3A_1389 = tpu.memref_squeeze %dma_wait3A_1388 : memref<1x256x64xf32, #tpu.memory_space<vmem>> -> memref<256x64xf32, #tpu.memory_space<vmem>>
      %dma_wait3A_1390 = arith.constant 0 : i32
      %dma_wait3A_1391 = tpu.memref_slice %arg7[%dma_wait3A_1383, %dma_wait3A_1384, %dma_wait3A_1390] : memref<1x1x256xi32, #tpu.memory_space<vmem>> -> memref<1x1x256xi32, #tpu.memory_space<vmem>>
      %dma_wait3A_1392 = tpu.memref_squeeze %dma_wait3A_1391 : memref<1x1x256xi32, #tpu.memory_space<vmem>> -> memref<256xi32, #tpu.memory_space<vmem>>
      %dma_wait3A_1393 = arith.constant 0 : i32
      %dma_wait3A_1394 = arith.constant 0 : i32
      %dma_wait3A_1395 = tpu.memref_slice %arg10[%dma_wait3A_1393, %dma_wait3A_1394] : memref<2048x64xf32, #tpu.memory_space<vmem_shared>> -> memref<2048x64xf32, #tpu.memory_space<vmem_shared>>
      %dma_wait3A_1396 = tpu.memref_slice %arg12[%dma_wait3A_1385] : memref<4x!tpu.dma_semaphore, #tpu.memory_space<semaphore_mem>> -> memref<1x!tpu.dma_semaphore, #tpu.memory_space<semaphore_mem>>
      %dma_wait3A_1397 = tpu.memref_squeeze %dma_wait3A_1396 : memref<1x!tpu.dma_semaphore, #tpu.memory_space<semaphore_mem>> -> memref<!tpu.dma_semaphore, #tpu.memory_space<semaphore_mem>>
      tpu.wait_indirect_dma semaphore(%dma_wait3A_1397 : memref<!tpu.dma_semaphore, #tpu.memory_space<semaphore_mem>>) src(%dma_wait3A_1389 : memref<256x64xf32, #tpu.memory_space<vmem>>) dst(%dma_wait3A_1395 : memref<2048x64xf32, #tpu.memory_space<vmem_shared>>)
      %lt3A_1398 = arith.constant 24 : i32
      %lt3A_1399 = arith.cmpi slt, %scan3A_1208, %lt3A_1398 : i32
      %convert_element_type3A_1400 = arith.extui %lt3A_1399 : i1 to i32
      %cond3A_1401 = arith.constant 0 : i32
      %cond3A_1402 = arith.cmpi ne, %convert_element_type3A_1400, %cond3A_1401 : i32
      scf.if %cond3A_1402 {
        %add3A_1424 = arith.constant 4 : i32
        %add3A_1425 = arith.addi %mul3A_1210, %add3A_1424 : i32
        %add3A_1426 = arith.constant 2 : i32
        %add3A_1427 = arith.addi %add3A_1425, %add3A_1426 : i32
        %get3A_1428 = arith.constant 0 : i32
        %get3A_1429 = arith.index_cast %add3A_1427 : i32 to index
        %get3A_1430 = arith.index_cast %get3A_1428 : i32 to index
        %get3A_1431 = arith.constant 0 : index
        %get3A_1432 = tpu.vector_load %arg6[%get3A_1429, %get3A_1430, %get3A_1431] {strides = array<i32>} : memref<100x1x256xi32, #tpu.memory_space<vmem>>, vector<1x1x16xi32>,
        %get3A_1433 = vector.shape_cast %get3A_1432 : vector<1x1x16xi32> to vector<16xi32>
        %dma_start3A_1434 = arith.constant 2 : i32
        %dma_start3A_1435 = arith.constant 2 : i32
        %dma_start3A_1436 = arith.constant 0 : i32
        %dma_start3A_1437 = arith.constant 0 : i32
        %dma_start3A_1438 = tpu.memref_slice %arg8[%dma_start3A_1434, %dma_start3A_1436, %dma_start3A_1437] : memref<4x256x64xf32, #tpu.memory_space<vmem>> -> memref<1x16x64xf32, #tpu.memory_space<vmem>>
        %dma_start3A_1439 = tpu.memref_squeeze %dma_start3A_1438 : memref<1x16x64xf32, #tpu.memory_space<vmem>> -> memref<16x64xf32, #tpu.memory_space<vmem>>
        %dma_start3A_1440 = arith.constant 0 : i32
        %dma_start3A_1441 = arith.constant 0 : i32
        %dma_start3A_1442 = tpu.memref_slice %arg4[%dma_start3A_1440, %dma_start3A_1441] : memref<1000000x64xf32, #tpu.memory_space<hbm>> -> memref<1000000x64xf32, #tpu.memory_space<hbm>>
        %dma_start3A_1443 = tpu.memref_slice %arg11[%dma_start3A_1435] : memref<4x!tpu.dma_semaphore, #tpu.memory_space<semaphore_mem>> -> memref<1x!tpu.dma_semaphore, #tpu.memory_space<semaphore_mem>>
        %dma_start3A_1444 = tpu.memref_squeeze %dma_start3A_1443 : memref<1x!tpu.dma_semaphore, #tpu.memory_space<semaphore_mem>> -> memref<!tpu.dma_semaphore, #tpu.memory_space<semaphore_mem>>
        tpu.enqueue_indirect_dma source(%dma_start3A_1442 : memref<1000000x64xf32, #tpu.memory_space<hbm>>) target(%dma_start3A_1439 : memref<16x64xf32, #tpu.memory_space<vmem>>) offsets(%get3A_1433 : vector<16xi32>) semaphore(%dma_start3A_1444 : memref<!tpu.dma_semaphore, #tpu.memory_space<semaphore_mem>>)
        %get3A_1445 = arith.constant 0 : i32
        %get3A_1446 = arith.index_cast %add3A_1427 : i32 to index
        %get3A_1447 = arith.index_cast %get3A_1445 : i32 to index
        %get3A_1448 = arith.constant 16 : index
        %get3A_1449 = tpu.vector_load %arg6[%get3A_1446, %get3A_1447, %get3A_1448] {strides = array<i32>} : memref<100x1x256xi32, #tpu.memory_space<vmem>>, vector<1x1x16xi32>,
        %get3A_1450 = vector.shape_cast %get3A_1449 : vector<1x1x16xi32> to vector<16xi32>
        %dma_start3A_1451 = arith.constant 2 : i32
        %dma_start3A_1452 = arith.constant 2 : i32
        %dma_start3A_1453 = arith.constant 16 : i32
        %dma_start3A_1454 = arith.constant 0 : i32
        %dma_start3A_1455 = tpu.memref_slice %arg8[%dma_start3A_1451, %dma_start3A_1453, %dma_start3A_1454] : memref<4x256x64xf32, #tpu.memory_space<vmem>> -> memref<1x16x64xf32, #tpu.memory_space<vmem>>
        %dma_start3A_1456 = tpu.memref_squeeze %dma_start3A_1455 : memref<1x16x64xf32, #tpu.memory_space<vmem>> -> memref<16x64xf32, #tpu.memory_space<vmem>>
        %dma_start3A_1457 = arith.constant 0 : i32
        %dma_start3A_1458 = arith.constant 0 : i32
        %dma_start3A_1459 = tpu.memref_slice %arg4[%dma_start3A_1457, %dma_start3A_1458] : memref<1000000x64xf32, #tpu.memory_space<hbm>> -> memref<1000000x64xf32, #tpu.memory_space<hbm>>
        %dma_start3A_1460 = tpu.memref_slice %arg11[%dma_start3A_1452] : memref<4x!tpu.dma_semaphore, #tpu.memory_space<semaphore_mem>> -> memref<1x!tpu.dma_semaphore, #tpu.memory_space<semaphore_mem>>
        %dma_start3A_1461 = tpu.memref_squeeze %dma_start3A_1460 : memref<1x!tpu.dma_semaphore, #tpu.memory_space<semaphore_mem>> -> memref<!tpu.dma_semaphore, #tpu.memory_space<semaphore_mem>>
        tpu.enqueue_indirect_dma source(%dma_start3A_1459 : memref<1000000x64xf32, #tpu.memory_space<hbm>>) target(%dma_start3A_1456 : memref<16x64xf32, #tpu.memory_space<vmem>>) offsets(%get3A_1450 : vector<16xi32>) semaphore(%dma_start3A_1461 : memref<!tpu.dma_semaphore, #tpu.memory_space<semaphore_mem>>)
        %get3A_1462 = arith.constant 0 : i32
        %get3A_1463 = arith.index_cast %add3A_1427 : i32 to index
        %get3A_1464 = arith.index_cast %get3A_1462 : i32 to index
        %get3A_1465 = arith.constant 32 : index
        %get3A_1466 = tpu.vector_load %arg6[%get3A_1463, %get3A_1464, %get3A_1465] {strides = array<i32>} : memref<100x1x256xi32, #tpu.memory_space<vmem>>, vector<1x1x16xi32>,
        %get3A_1467 = vector.shape_cast %get3A_1466 : vector<1x1x16xi32> to vector<16xi32>
        %dma_start3A_1468 = arith.constant 2 : i32
        %dma_start3A_1469 = arith.constant 2 : i32
        %dma_start3A_1470 = arith.constant 32 : i32
        %dma_start3A_1471 = arith.constant 0 : i32
        %dma_start3A_1472 = tpu.memref_slice %arg8[%dma_start3A_1468, %dma_start3A_1470, %dma_start3A_1471] : memref<4x256x64xf32, #tpu.memory_space<vmem>> -> memref<1x16x64xf32, #tpu.memory_space<vmem>>
        %dma_start3A_1473 = tpu.memref_squeeze %dma_start3A_1472 : memref<1x16x64xf32, #tpu.memory_space<vmem>> -> memref<16x64xf32, #tpu.memory_space<vmem>>
        %dma_start3A_1474 = arith.constant 0 : i32
        %dma_start3A_1475 = arith.constant 0 : i32
        %dma_start3A_1476 = tpu.memref_slice %arg4[%dma_start3A_1474, %dma_start3A_1475] : memref<1000000x64xf32, #tpu.memory_space<hbm>> -> memref<1000000x64xf32, #tpu.memory_space<hbm>>
        %dma_start3A_1477 = tpu.memref_slice %arg11[%dma_start3A_1469] : memref<4x!tpu.dma_semaphore, #tpu.memory_space<semaphore_mem>> -> memref<1x!tpu.dma_semaphore, #tpu.memory_space<semaphore_mem>>
        %dma_start3A_1478 = tpu.memref_squeeze %dma_start3A_1477 : memref<1x!tpu.dma_semaphore, #tpu.memory_space<semaphore_mem>> -> memref<!tpu.dma_semaphore, #tpu.memory_space<semaphore_mem>>
        tpu.enqueue_indirect_dma source(%dma_start3A_1476 : memref<1000000x64xf32, #tpu.memory_space<hbm>>) target(%dma_start3A_1473 : memref<16x64xf32, #tpu.memory_space<vmem>>) offsets(%get3A_1467 : vector<16xi32>) semaphore(%dma_start3A_1478 : memref<!tpu.dma_semaphore, #tpu.memory_space<semaphore_mem>>)
        %get3A_1479 = arith.constant 0 : i32
        %get3A_1480 = arith.index_cast %add3A_1427 : i32 to index
        %get3A_1481 = arith.index_cast %get3A_1479 : i32 to index
        %get3A_1482 = arith.constant 48 : index
        %get3A_1483 = tpu.vector_load %arg6[%get3A_1480, %get3A_1481, %get3A_1482] {strides = array<i32>} : memref<100x1x256xi32, #tpu.memory_space<vmem>>, vector<1x1x16xi32>,
        %get3A_1484 = vector.shape_cast %get3A_1483 : vector<1x1x16xi32> to vector<16xi32>
        %dma_start3A_1485 = arith.constant 2 : i32
        %dma_start3A_1486 = arith.constant 2 : i32
        %dma_start3A_1487 = arith.constant 48 : i32
        %dma_start3A_1488 = arith.constant 0 : i32
        %dma_start3A_1489 = tpu.memref_slice %arg8[%dma_start3A_1485, %dma_start3A_1487, %dma_start3A_1488] : memref<4x256x64xf32, #tpu.memory_space<vmem>> -> memref<1x16x64xf32, #tpu.memory_space<vmem>>
        %dma_start3A_1490 = tpu.memref_squeeze %dma_start3A_1489 : memref<1x16x64xf32, #tpu.memory_space<vmem>> -> memref<16x64xf32, #tpu.memory_space<vmem>>
        %dma_start3A_1491 = arith.constant 0 : i32
        %dma_start3A_1492 = arith.constant 0 : i32
        %dma_start3A_1493 = tpu.memref_slice %arg4[%dma_start3A_1491, %dma_start3A_1492] : memref<1000000x64xf32, #tpu.memory_space<hbm>> -> memref<1000000x64xf32, #tpu.memory_space<hbm>>
        %dma_start3A_1494 = tpu.memref_slice %arg11[%dma_start3A_1486] : memref<4x!tpu.dma_semaphore, #tpu.memory_space<semaphore_mem>> -> memref<1x!tpu.dma_semaphore, #tpu.memory_space<semaphore_mem>>
        %dma_start3A_1495 = tpu.memref_squeeze %dma_start3A_1494 : memref<1x!tpu.dma_semaphore, #tpu.memory_space<semaphore_mem>> -> memref<!tpu.dma_semaphore, #tpu.memory_space<semaphore_mem>>
        tpu.enqueue_indirect_dma source(%dma_start3A_1493 : memref<1000000x64xf32, #tpu.memory_space<hbm>>) target(%dma_start3A_1490 : memref<16x64xf32, #tpu.memory_space<vmem>>) offsets(%get3A_1484 : vector<16xi32>) semaphore(%dma_start3A_1495 : memref<!tpu.dma_semaphore, #tpu.memory_space<semaphore_mem>>)
        %get3A_1496 = arith.constant 0 : i32
        %get3A_1497 = arith.index_cast %add3A_1427 : i32 to index
        %get3A_1498 = arith.index_cast %get3A_1496 : i32 to index
        %get3A_1499 = arith.constant 64 : index
        %get3A_1500 = tpu.vector_load %arg6[%get3A_1497, %get3A_1498, %get3A_1499] {strides = array<i32>} : memref<100x1x256xi32, #tpu.memory_space<vmem>>, vector<1x1x16xi32>,
        %get3A_1501 = vector.shape_cast %get3A_1500 : vector<1x1x16xi32> to vector<16xi32>
        %dma_start3A_1502 = arith.constant 2 : i32
        %dma_start3A_1503 = arith.constant 2 : i32
        %dma_start3A_1504 = arith.constant 64 : i32
        %dma_start3A_1505 = arith.constant 0 : i32
        %dma_start3A_1506 = tpu.memref_slice %arg8[%dma_start3A_1502, %dma_start3A_1504, %dma_start3A_1505] : memref<4x256x64xf32, #tpu.memory_space<vmem>> -> memref<1x16x64xf32, #tpu.memory_space<vmem>>
        %dma_start3A_1507 = tpu.memref_squeeze %dma_start3A_1506 : memref<1x16x64xf32, #tpu.memory_space<vmem>> -> memref<16x64xf32, #tpu.memory_space<vmem>>
        %dma_start3A_1508 = arith.constant 0 : i32
        %dma_start3A_1509 = arith.constant 0 : i32
        %dma_start3A_1510 = tpu.memref_slice %arg4[%dma_start3A_1508, %dma_start3A_1509] : memref<1000000x64xf32, #tpu.memory_space<hbm>> -> memref<1000000x64xf32, #tpu.memory_space<hbm>>
        %dma_start3A_1511 = tpu.memref_slice %arg11[%dma_start3A_1503] : memref<4x!tpu.dma_semaphore, #tpu.memory_space<semaphore_mem>> -> memref<1x!tpu.dma_semaphore, #tpu.memory_space<semaphore_mem>>
        %dma_start3A_1512 = tpu.memref_squeeze %dma_start3A_1511 : memref<1x!tpu.dma_semaphore, #tpu.memory_space<semaphore_mem>> -> memref<!tpu.dma_semaphore, #tpu.memory_space<semaphore_mem>>
        tpu.enqueue_indirect_dma source(%dma_start3A_1510 : memref<1000000x64xf32, #tpu.memory_space<hbm>>) target(%dma_start3A_1507 : memref<16x64xf32, #tpu.memory_space<vmem>>) offsets(%get3A_1501 : vector<16xi32>) semaphore(%dma_start3A_1512 : memref<!tpu.dma_semaphore, #tpu.memory_space<semaphore_mem>>)
        %get3A_1513 = arith.constant 0 : i32
        %get3A_1514 = arith.index_cast %add3A_1427 : i32 to index
        %get3A_1515 = arith.index_cast %get3A_1513 : i32 to index
        %get3A_1516 = arith.constant 80 : index
        %get3A_1517 = tpu.vector_load %arg6[%get3A_1514, %get3A_1515, %get3A_1516] {strides = array<i32>} : memref<100x1x256xi32, #tpu.memory_space<vmem>>, vector<1x1x16xi32>,
        %get3A_1518 = vector.shape_cast %get3A_1517 : vector<1x1x16xi32> to vector<16xi32>
        %dma_start3A_1519 = arith.constant 2 : i32
        %dma_start3A_1520 = arith.constant 2 : i32
        %dma_start3A_1521 = arith.constant 80 : i32
        %dma_start3A_1522 = arith.constant 0 : i32
        %dma_start3A_1523 = tpu.memref_slice %arg8[%dma_start3A_1519, %dma_start3A_1521, %dma_start3A_1522] : memref<4x256x64xf32, #tpu.memory_space<vmem>> -> memref<1x16x64xf32, #tpu.memory_space<vmem>>
        %dma_start3A_1524 = tpu.memref_squeeze %dma_start3A_1523 : memref<1x16x64xf32, #tpu.memory_space<vmem>> -> memref<16x64xf32, #tpu.memory_space<vmem>>
        %dma_start3A_1525 = arith.constant 0 : i32
        %dma_start3A_1526 = arith.constant 0 : i32
        %dma_start3A_1527 = tpu.memref_slice %arg4[%dma_start3A_1525, %dma_start3A_1526] : memref<1000000x64xf32, #tpu.memory_space<hbm>> -> memref<1000000x64xf32, #tpu.memory_space<hbm>>
        %dma_start3A_1528 = tpu.memref_slice %arg11[%dma_start3A_1520] : memref<4x!tpu.dma_semaphore, #tpu.memory_space<semaphore_mem>> -> memref<1x!tpu.dma_semaphore, #tpu.memory_space<semaphore_mem>>
        %dma_start3A_1529 = tpu.memref_squeeze %dma_start3A_1528 : memref<1x!tpu.dma_semaphore, #tpu.memory_space<semaphore_mem>> -> memref<!tpu.dma_semaphore, #tpu.memory_space<semaphore_mem>>
        tpu.enqueue_indirect_dma source(%dma_start3A_1527 : memref<1000000x64xf32, #tpu.memory_space<hbm>>) target(%dma_start3A_1524 : memref<16x64xf32, #tpu.memory_space<vmem>>) offsets(%get3A_1518 : vector<16xi32>) semaphore(%dma_start3A_1529 : memref<!tpu.dma_semaphore, #tpu.memory_space<semaphore_mem>>)
        %get3A_1530 = arith.constant 0 : i32
        %get3A_1531 = arith.index_cast %add3A_1427 : i32 to index
        %get3A_1532 = arith.index_cast %get3A_1530 : i32 to index
        %get3A_1533 = arith.constant 96 : index
        %get3A_1534 = tpu.vector_load %arg6[%get3A_1531, %get3A_1532, %get3A_1533] {strides = array<i32>} : memref<100x1x256xi32, #tpu.memory_space<vmem>>, vector<1x1x16xi32>,
        %get3A_1535 = vector.shape_cast %get3A_1534 : vector<1x1x16xi32> to vector<16xi32>
        %dma_start3A_1536 = arith.constant 2 : i32
        %dma_start3A_1537 = arith.constant 2 : i32
        %dma_start3A_1538 = arith.constant 96 : i32
        %dma_start3A_1539 = arith.constant 0 : i32
        %dma_start3A_1540 = tpu.memref_slice %arg8[%dma_start3A_1536, %dma_start3A_1538, %dma_start3A_1539] : memref<4x256x64xf32, #tpu.memory_space<vmem>> -> memref<1x16x64xf32, #tpu.memory_space<vmem>>
        %dma_start3A_1541 = tpu.memref_squeeze %dma_start3A_1540 : memref<1x16x64xf32, #tpu.memory_space<vmem>> -> memref<16x64xf32, #tpu.memory_space<vmem>>
        %dma_start3A_1542 = arith.constant 0 : i32
        %dma_start3A_1543 = arith.constant 0 : i32
        %dma_start3A_1544 = tpu.memref_slice %arg4[%dma_start3A_1542, %dma_start3A_1543] : memref<1000000x64xf32, #tpu.memory_space<hbm>> -> memref<1000000x64xf32, #tpu.memory_space<hbm>>
        %dma_start3A_1545 = tpu.memref_slice %arg11[%dma_start3A_1537] : memref<4x!tpu.dma_semaphore, #tpu.memory_space<semaphore_mem>> -> memref<1x!tpu.dma_semaphore, #tpu.memory_space<semaphore_mem>>
        %dma_start3A_1546 = tpu.memref_squeeze %dma_start3A_1545 : memref<1x!tpu.dma_semaphore, #tpu.memory_space<semaphore_mem>> -> memref<!tpu.dma_semaphore, #tpu.memory_space<semaphore_mem>>
        tpu.enqueue_indirect_dma source(%dma_start3A_1544 : memref<1000000x64xf32, #tpu.memory_space<hbm>>) target(%dma_start3A_1541 : memref<16x64xf32, #tpu.memory_space<vmem>>) offsets(%get3A_1535 : vector<16xi32>) semaphore(%dma_start3A_1546 : memref<!tpu.dma_semaphore, #tpu.memory_space<semaphore_mem>>)
        %get3A_1547 = arith.constant 0 : i32
        %get3A_1548 = arith.index_cast %add3A_1427 : i32 to index
        %get3A_1549 = arith.index_cast %get3A_1547 : i32 to index
        %get3A_1550 = arith.constant 112 : index
        %get3A_1551 = tpu.vector_load %arg6[%get3A_1548, %get3A_1549, %get3A_1550] {strides = array<i32>} : memref<100x1x256xi32, #tpu.memory_space<vmem>>, vector<1x1x16xi32>,
        %get3A_1552 = vector.shape_cast %get3A_1551 : vector<1x1x16xi32> to vector<16xi32>
        %dma_start3A_1553 = arith.constant 2 : i32
        %dma_start3A_1554 = arith.constant 2 : i32
        %dma_start3A_1555 = arith.constant 112 : i32
        %dma_start3A_1556 = arith.constant 0 : i32
        %dma_start3A_1557 = tpu.memref_slice %arg8[%dma_start3A_1553, %dma_start3A_1555, %dma_start3A_1556] : memref<4x256x64xf32, #tpu.memory_space<vmem>> -> memref<1x16x64xf32, #tpu.memory_space<vmem>>
        %dma_start3A_1558 = tpu.memref_squeeze %dma_start3A_1557 : memref<1x16x64xf32, #tpu.memory_space<vmem>> -> memref<16x64xf32, #tpu.memory_space<vmem>>
        %dma_start3A_1559 = arith.constant 0 : i32
        %dma_start3A_1560 = arith.constant 0 : i32
        %dma_start3A_1561 = tpu.memref_slice %arg4[%dma_start3A_1559, %dma_start3A_1560] : memref<1000000x64xf32, #tpu.memory_space<hbm>> -> memref<1000000x64xf32, #tpu.memory_space<hbm>>
        %dma_start3A_1562 = tpu.memref_slice %arg11[%dma_start3A_1554] : memref<4x!tpu.dma_semaphore, #tpu.memory_space<semaphore_mem>> -> memref<1x!tpu.dma_semaphore, #tpu.memory_space<semaphore_mem>>
        %dma_start3A_1563 = tpu.memref_squeeze %dma_start3A_1562 : memref<1x!tpu.dma_semaphore, #tpu.memory_space<semaphore_mem>> -> memref<!tpu.dma_semaphore, #tpu.memory_space<semaphore_mem>>
        tpu.enqueue_indirect_dma source(%dma_start3A_1561 : memref<1000000x64xf32, #tpu.memory_space<hbm>>) target(%dma_start3A_1558 : memref<16x64xf32, #tpu.memory_space<vmem>>) offsets(%get3A_1552 : vector<16xi32>) semaphore(%dma_start3A_1563 : memref<!tpu.dma_semaphore, #tpu.memory_space<semaphore_mem>>)
        %get3A_1564 = arith.constant 0 : i32
        %get3A_1565 = arith.index_cast %add3A_1427 : i32 to index
        %get3A_1566 = arith.index_cast %get3A_1564 : i32 to index
        %get3A_1567 = arith.constant 128 : index
        %get3A_1568 = tpu.vector_load %arg6[%get3A_1565, %get3A_1566, %get3A_1567] {strides = array<i32>} : memref<100x1x256xi32, #tpu.memory_space<vmem>>, vector<1x1x16xi32>,
        %get3A_1569 = vector.shape_cast %get3A_1568 : vector<1x1x16xi32> to vector<16xi32>
        %dma_start3A_1570 = arith.constant 2 : i32
        %dma_start3A_1571 = arith.constant 2 : i32
        %dma_start3A_1572 = arith.constant 128 : i32
        %dma_start3A_1573 = arith.constant 0 : i32
        %dma_start3A_1574 = tpu.memref_slice %arg8[%dma_start3A_1570, %dma_start3A_1572, %dma_start3A_1573] : memref<4x256x64xf32, #tpu.memory_space<vmem>> -> memref<1x16x64xf32, #tpu.memory_space<vmem>>
        %dma_start3A_1575 = tpu.memref_squeeze %dma_start3A_1574 : memref<1x16x64xf32, #tpu.memory_space<vmem>> -> memref<16x64xf32, #tpu.memory_space<vmem>>
        %dma_start3A_1576 = arith.constant 0 : i32
        %dma_start3A_1577 = arith.constant 0 : i32
        %dma_start3A_1578 = tpu.memref_slice %arg4[%dma_start3A_1576, %dma_start3A_1577] : memref<1000000x64xf32, #tpu.memory_space<hbm>> -> memref<1000000x64xf32, #tpu.memory_space<hbm>>
        %dma_start3A_1579 = tpu.memref_slice %arg11[%dma_start3A_1571] : memref<4x!tpu.dma_semaphore, #tpu.memory_space<semaphore_mem>> -> memref<1x!tpu.dma_semaphore, #tpu.memory_space<semaphore_mem>>
        %dma_start3A_1580 = tpu.memref_squeeze %dma_start3A_1579 : memref<1x!tpu.dma_semaphore, #tpu.memory_space<semaphore_mem>> -> memref<!tpu.dma_semaphore, #tpu.memory_space<semaphore_mem>>
        tpu.enqueue_indirect_dma source(%dma_start3A_1578 : memref<1000000x64xf32, #tpu.memory_space<hbm>>) target(%dma_start3A_1575 : memref<16x64xf32, #tpu.memory_space<vmem>>) offsets(%get3A_1569 : vector<16xi32>) semaphore(%dma_start3A_1580 : memref<!tpu.dma_semaphore, #tpu.memory_space<semaphore_mem>>)
        %get3A_1581 = arith.constant 0 : i32
        %get3A_1582 = arith.index_cast %add3A_1427 : i32 to index
        %get3A_1583 = arith.index_cast %get3A_1581 : i32 to index
        %get3A_1584 = arith.constant 144 : index
        %get3A_1585 = tpu.vector_load %arg6[%get3A_1582, %get3A_1583, %get3A_1584] {strides = array<i32>} : memref<100x1x256xi32, #tpu.memory_space<vmem>>, vector<1x1x16xi32>,
        %get3A_1586 = vector.shape_cast %get3A_1585 : vector<1x1x16xi32> to vector<16xi32>
        %dma_start3A_1587 = arith.constant 2 : i32
        %dma_start3A_1588 = arith.constant 2 : i32
        %dma_start3A_1589 = arith.constant 144 : i32
        %dma_start3A_1590 = arith.constant 0 : i32
        %dma_start3A_1591 = tpu.memref_slice %arg8[%dma_start3A_1587, %dma_start3A_1589, %dma_start3A_1590] : memref<4x256x64xf32, #tpu.memory_space<vmem>> -> memref<1x16x64xf32, #tpu.memory_space<vmem>>
        %dma_start3A_1592 = tpu.memref_squeeze %dma_start3A_1591 : memref<1x16x64xf32, #tpu.memory_space<vmem>> -> memref<16x64xf32, #tpu.memory_space<vmem>>
        %dma_start3A_1593 = arith.constant 0 : i32
        %dma_start3A_1594 = arith.constant 0 : i32
        %dma_start3A_1595 = tpu.memref_slice %arg4[%dma_start3A_1593, %dma_start3A_1594] : memref<1000000x64xf32, #tpu.memory_space<hbm>> -> memref<1000000x64xf32, #tpu.memory_space<hbm>>
        %dma_start3A_1596 = tpu.memref_slice %arg11[%dma_start3A_1588] : memref<4x!tpu.dma_semaphore, #tpu.memory_space<semaphore_mem>> -> memref<1x!tpu.dma_semaphore, #tpu.memory_space<semaphore_mem>>
        %dma_start3A_1597 = tpu.memref_squeeze %dma_start3A_1596 : memref<1x!tpu.dma_semaphore, #tpu.memory_space<semaphore_mem>> -> memref<!tpu.dma_semaphore, #tpu.memory_space<semaphore_mem>>
        tpu.enqueue_indirect_dma source(%dma_start3A_1595 : memref<1000000x64xf32, #tpu.memory_space<hbm>>) target(%dma_start3A_1592 : memref<16x64xf32, #tpu.memory_space<vmem>>) offsets(%get3A_1586 : vector<16xi32>) semaphore(%dma_start3A_1597 : memref<!tpu.dma_semaphore, #tpu.memory_space<semaphore_mem>>)
        %get3A_1598 = arith.constant 0 : i32
        %get3A_1599 = arith.index_cast %add3A_1427 : i32 to index
        %get3A_1600 = arith.index_cast %get3A_1598 : i32 to index
        %get3A_1601 = arith.constant 160 : index
        %get3A_1602 = tpu.vector_load %arg6[%get3A_1599, %get3A_1600, %get3A_1601] {strides = array<i32>} : memref<100x1x256xi32, #tpu.memory_space<vmem>>, vector<1x1x16xi32>,
        %get3A_1603 = vector.shape_cast %get3A_1602 : vector<1x1x16xi32> to vector<16xi32>
        %dma_start3A_1604 = arith.constant 2 : i32
        %dma_start3A_1605 = arith.constant 2 : i32
        %dma_start3A_1606 = arith.constant 160 : i32
        %dma_start3A_1607 = arith.constant 0 : i32
        %dma_start3A_1608 = tpu.memref_slice %arg8[%dma_start3A_1604, %dma_start3A_1606, %dma_start3A_1607] : memref<4x256x64xf32, #tpu.memory_space<vmem>> -> memref<1x16x64xf32, #tpu.memory_space<vmem>>
        %dma_start3A_1609 = tpu.memref_squeeze %dma_start3A_1608 : memref<1x16x64xf32, #tpu.memory_space<vmem>> -> memref<16x64xf32, #tpu.memory_space<vmem>>
        %dma_start3A_1610 = arith.constant 0 : i32
        %dma_start3A_1611 = arith.constant 0 : i32
        %dma_start3A_1612 = tpu.memref_slice %arg4[%dma_start3A_1610, %dma_start3A_1611] : memref<1000000x64xf32, #tpu.memory_space<hbm>> -> memref<1000000x64xf32, #tpu.memory_space<hbm>>
        %dma_start3A_1613 = tpu.memref_slice %arg11[%dma_start3A_1605] : memref<4x!tpu.dma_semaphore, #tpu.memory_space<semaphore_mem>> -> memref<1x!tpu.dma_semaphore, #tpu.memory_space<semaphore_mem>>
        %dma_start3A_1614 = tpu.memref_squeeze %dma_start3A_1613 : memref<1x!tpu.dma_semaphore, #tpu.memory_space<semaphore_mem>> -> memref<!tpu.dma_semaphore, #tpu.memory_space<semaphore_mem>>
        tpu.enqueue_indirect_dma source(%dma_start3A_1612 : memref<1000000x64xf32, #tpu.memory_space<hbm>>) target(%dma_start3A_1609 : memref<16x64xf32, #tpu.memory_space<vmem>>) offsets(%get3A_1603 : vector<16xi32>) semaphore(%dma_start3A_1614 : memref<!tpu.dma_semaphore, #tpu.memory_space<semaphore_mem>>)
        %get3A_1615 = arith.constant 0 : i32
        %get3A_1616 = arith.index_cast %add3A_1427 : i32 to index
        %get3A_1617 = arith.index_cast %get3A_1615 : i32 to index
        %get3A_1618 = arith.constant 176 : index
        %get3A_1619 = tpu.vector_load %arg6[%get3A_1616, %get3A_1617, %get3A_1618] {strides = array<i32>} : memref<100x1x256xi32, #tpu.memory_space<vmem>>, vector<1x1x16xi32>,
        %get3A_1620 = vector.shape_cast %get3A_1619 : vector<1x1x16xi32> to vector<16xi32>
        %dma_start3A_1621 = arith.constant 2 : i32
        %dma_start3A_1622 = arith.constant 2 : i32
        %dma_start3A_1623 = arith.constant 176 : i32
        %dma_start3A_1624 = arith.constant 0 : i32
        %dma_start3A_1625 = tpu.memref_slice %arg8[%dma_start3A_1621, %dma_start3A_1623, %dma_start3A_1624] : memref<4x256x64xf32, #tpu.memory_space<vmem>> -> memref<1x16x64xf32, #tpu.memory_space<vmem>>
        %dma_start3A_1626 = tpu.memref_squeeze %dma_start3A_1625 : memref<1x16x64xf32, #tpu.memory_space<vmem>> -> memref<16x64xf32, #tpu.memory_space<vmem>>
        %dma_start3A_1627 = arith.constant 0 : i32
        %dma_start3A_1628 = arith.constant 0 : i32
        %dma_start3A_1629 = tpu.memref_slice %arg4[%dma_start3A_1627, %dma_start3A_1628] : memref<1000000x64xf32, #tpu.memory_space<hbm>> -> memref<1000000x64xf32, #tpu.memory_space<hbm>>
        %dma_start3A_1630 = tpu.memref_slice %arg11[%dma_start3A_1622] : memref<4x!tpu.dma_semaphore, #tpu.memory_space<semaphore_mem>> -> memref<1x!tpu.dma_semaphore, #tpu.memory_space<semaphore_mem>>
        %dma_start3A_1631 = tpu.memref_squeeze %dma_start3A_1630 : memref<1x!tpu.dma_semaphore, #tpu.memory_space<semaphore_mem>> -> memref<!tpu.dma_semaphore, #tpu.memory_space<semaphore_mem>>
        tpu.enqueue_indirect_dma source(%dma_start3A_1629 : memref<1000000x64xf32, #tpu.memory_space<hbm>>) target(%dma_start3A_1626 : memref<16x64xf32, #tpu.memory_space<vmem>>) offsets(%get3A_1620 : vector<16xi32>) semaphore(%dma_start3A_1631 : memref<!tpu.dma_semaphore, #tpu.memory_space<semaphore_mem>>)
        %get3A_1632 = arith.constant 0 : i32
        %get3A_1633 = arith.index_cast %add3A_1427 : i32 to index
        %get3A_1634 = arith.index_cast %get3A_1632 : i32 to index
        %get3A_1635 = arith.constant 192 : index
        %get3A_1636 = tpu.vector_load %arg6[%get3A_1633, %get3A_1634, %get3A_1635] {strides = array<i32>} : memref<100x1x256xi32, #tpu.memory_space<vmem>>, vector<1x1x16xi32>,
        %get3A_1637 = vector.shape_cast %get3A_1636 : vector<1x1x16xi32> to vector<16xi32>
        %dma_start3A_1638 = arith.constant 2 : i32
        %dma_start3A_1639 = arith.constant 2 : i32
        %dma_start3A_1640 = arith.constant 192 : i32
        %dma_start3A_1641 = arith.constant 0 : i32
        %dma_start3A_1642 = tpu.memref_slice %arg8[%dma_start3A_1638, %dma_start3A_1640, %dma_start3A_1641] : memref<4x256x64xf32, #tpu.memory_space<vmem>> -> memref<1x16x64xf32, #tpu.memory_space<vmem>>
        %dma_start3A_1643 = tpu.memref_squeeze %dma_start3A_1642 : memref<1x16x64xf32, #tpu.memory_space<vmem>> -> memref<16x64xf32, #tpu.memory_space<vmem>>
        %dma_start3A_1644 = arith.constant 0 : i32
        %dma_start3A_1645 = arith.constant 0 : i32
        %dma_start3A_1646 = tpu.memref_slice %arg4[%dma_start3A_1644, %dma_start3A_1645] : memref<1000000x64xf32, #tpu.memory_space<hbm>> -> memref<1000000x64xf32, #tpu.memory_space<hbm>>
        %dma_start3A_1647 = tpu.memref_slice %arg11[%dma_start3A_1639] : memref<4x!tpu.dma_semaphore, #tpu.memory_space<semaphore_mem>> -> memref<1x!tpu.dma_semaphore, #tpu.memory_space<semaphore_mem>>
        %dma_start3A_1648 = tpu.memref_squeeze %dma_start3A_1647 : memref<1x!tpu.dma_semaphore, #tpu.memory_space<semaphore_mem>> -> memref<!tpu.dma_semaphore, #tpu.memory_space<semaphore_mem>>
        tpu.enqueue_indirect_dma source(%dma_start3A_1646 : memref<1000000x64xf32, #tpu.memory_space<hbm>>) target(%dma_start3A_1643 : memref<16x64xf32, #tpu.memory_space<vmem>>) offsets(%get3A_1637 : vector<16xi32>) semaphore(%dma_start3A_1648 : memref<!tpu.dma_semaphore, #tpu.memory_space<semaphore_mem>>)
        %get3A_1649 = arith.constant 0 : i32
        %get3A_1650 = arith.index_cast %add3A_1427 : i32 to index
        %get3A_1651 = arith.index_cast %get3A_1649 : i32 to index
        %get3A_1652 = arith.constant 208 : index
        %get3A_1653 = tpu.vector_load %arg6[%get3A_1650, %get3A_1651, %get3A_1652] {strides = array<i32>} : memref<100x1x256xi32, #tpu.memory_space<vmem>>, vector<1x1x16xi32>,
        %get3A_1654 = vector.shape_cast %get3A_1653 : vector<1x1x16xi32> to vector<16xi32>
        %dma_start3A_1655 = arith.constant 2 : i32
        %dma_start3A_1656 = arith.constant 2 : i32
        %dma_start3A_1657 = arith.constant 208 : i32
        %dma_start3A_1658 = arith.constant 0 : i32
        %dma_start3A_1659 = tpu.memref_slice %arg8[%dma_start3A_1655, %dma_start3A_1657, %dma_start3A_1658] : memref<4x256x64xf32, #tpu.memory_space<vmem>> -> memref<1x16x64xf32, #tpu.memory_space<vmem>>
        %dma_start3A_1660 = tpu.memref_squeeze %dma_start3A_1659 : memref<1x16x64xf32, #tpu.memory_space<vmem>> -> memref<16x64xf32, #tpu.memory_space<vmem>>
        %dma_start3A_1661 = arith.constant 0 : i32
        %dma_start3A_1662 = arith.constant 0 : i32
        %dma_start3A_1663 = tpu.memref_slice %arg4[%dma_start3A_1661, %dma_start3A_1662] : memref<1000000x64xf32, #tpu.memory_space<hbm>> -> memref<1000000x64xf32, #tpu.memory_space<hbm>>
        %dma_start3A_1664 = tpu.memref_slice %arg11[%dma_start3A_1656] : memref<4x!tpu.dma_semaphore, #tpu.memory_space<semaphore_mem>> -> memref<1x!tpu.dma_semaphore, #tpu.memory_space<semaphore_mem>>
        %dma_start3A_1665 = tpu.memref_squeeze %dma_start3A_1664 : memref<1x!tpu.dma_semaphore, #tpu.memory_space<semaphore_mem>> -> memref<!tpu.dma_semaphore, #tpu.memory_space<semaphore_mem>>
        tpu.enqueue_indirect_dma source(%dma_start3A_1663 : memref<1000000x64xf32, #tpu.memory_space<hbm>>) target(%dma_start3A_1660 : memref<16x64xf32, #tpu.memory_space<vmem>>) offsets(%get3A_1654 : vector<16xi32>) semaphore(%dma_start3A_1665 : memref<!tpu.dma_semaphore, #tpu.memory_space<semaphore_mem>>)
        %get3A_1666 = arith.constant 0 : i32
        %get3A_1667 = arith.index_cast %add3A_1427 : i32 to index
        %get3A_1668 = arith.index_cast %get3A_1666 : i32 to index
        %get3A_1669 = arith.constant 224 : index
        %get3A_1670 = tpu.vector_load %arg6[%get3A_1667, %get3A_1668, %get3A_1669] {strides = array<i32>} : memref<100x1x256xi32, #tpu.memory_space<vmem>>, vector<1x1x16xi32>,
        %get3A_1671 = vector.shape_cast %get3A_1670 : vector<1x1x16xi32> to vector<16xi32>
        %dma_start3A_1672 = arith.constant 2 : i32
        %dma_start3A_1673 = arith.constant 2 : i32
        %dma_start3A_1674 = arith.constant 224 : i32
        %dma_start3A_1675 = arith.constant 0 : i32
        %dma_start3A_1676 = tpu.memref_slice %arg8[%dma_start3A_1672, %dma_start3A_1674, %dma_start3A_1675] : memref<4x256x64xf32, #tpu.memory_space<vmem>> -> memref<1x16x64xf32, #tpu.memory_space<vmem>>
        %dma_start3A_1677 = tpu.memref_squeeze %dma_start3A_1676 : memref<1x16x64xf32, #tpu.memory_space<vmem>> -> memref<16x64xf32, #tpu.memory_space<vmem>>
        %dma_start3A_1678 = arith.constant 0 : i32
        %dma_start3A_1679 = arith.constant 0 : i32
        %dma_start3A_1680 = tpu.memref_slice %arg4[%dma_start3A_1678, %dma_start3A_1679] : memref<1000000x64xf32, #tpu.memory_space<hbm>> -> memref<1000000x64xf32, #tpu.memory_space<hbm>>
        %dma_start3A_1681 = tpu.memref_slice %arg11[%dma_start3A_1673] : memref<4x!tpu.dma_semaphore, #tpu.memory_space<semaphore_mem>> -> memref<1x!tpu.dma_semaphore, #tpu.memory_space<semaphore_mem>>
        %dma_start3A_1682 = tpu.memref_squeeze %dma_start3A_1681 : memref<1x!tpu.dma_semaphore, #tpu.memory_space<semaphore_mem>> -> memref<!tpu.dma_semaphore, #tpu.memory_space<semaphore_mem>>
        tpu.enqueue_indirect_dma source(%dma_start3A_1680 : memref<1000000x64xf32, #tpu.memory_space<hbm>>) target(%dma_start3A_1677 : memref<16x64xf32, #tpu.memory_space<vmem>>) offsets(%get3A_1671 : vector<16xi32>) semaphore(%dma_start3A_1682 : memref<!tpu.dma_semaphore, #tpu.memory_space<semaphore_mem>>)
        %get3A_1683 = arith.constant 0 : i32
        %get3A_1684 = arith.index_cast %add3A_1427 : i32 to index
        %get3A_1685 = arith.index_cast %get3A_1683 : i32 to index
        %get3A_1686 = arith.constant 240 : index
        %get3A_1687 = tpu.vector_load %arg6[%get3A_1684, %get3A_1685, %get3A_1686] {strides = array<i32>} : memref<100x1x256xi32, #tpu.memory_space<vmem>>, vector<1x1x16xi32>,
        %get3A_1688 = vector.shape_cast %get3A_1687 : vector<1x1x16xi32> to vector<16xi32>
        %dma_start3A_1689 = arith.constant 2 : i32
        %dma_start3A_1690 = arith.constant 2 : i32
        %dma_start3A_1691 = arith.constant 240 : i32
        %dma_start3A_1692 = arith.constant 0 : i32
        %dma_start3A_1693 = tpu.memref_slice %arg8[%dma_start3A_1689, %dma_start3A_1691, %dma_start3A_1692] : memref<4x256x64xf32, #tpu.memory_space<vmem>> -> memref<1x16x64xf32, #tpu.memory_space<vmem>>
        %dma_start3A_1694 = tpu.memref_squeeze %dma_start3A_1693 : memref<1x16x64xf32, #tpu.memory_space<vmem>> -> memref<16x64xf32, #tpu.memory_space<vmem>>
        %dma_start3A_1695 = arith.constant 0 : i32
        %dma_start3A_1696 = arith.constant 0 : i32
        %dma_start3A_1697 = tpu.memref_slice %arg4[%dma_start3A_1695, %dma_start3A_1696] : memref<1000000x64xf32, #tpu.memory_space<hbm>> -> memref<1000000x64xf32, #tpu.memory_space<hbm>>
        %dma_start3A_1698 = tpu.memref_slice %arg11[%dma_start3A_1690] : memref<4x!tpu.dma_semaphore, #tpu.memory_space<semaphore_mem>> -> memref<1x!tpu.dma_semaphore, #tpu.memory_space<semaphore_mem>>
        %dma_start3A_1699 = tpu.memref_squeeze %dma_start3A_1698 : memref<1x!tpu.dma_semaphore, #tpu.memory_space<semaphore_mem>> -> memref<!tpu.dma_semaphore, #tpu.memory_space<semaphore_mem>>
        tpu.enqueue_indirect_dma source(%dma_start3A_1697 : memref<1000000x64xf32, #tpu.memory_space<hbm>>) target(%dma_start3A_1694 : memref<16x64xf32, #tpu.memory_space<vmem>>) offsets(%get3A_1688 : vector<16xi32>) semaphore(%dma_start3A_1699 : memref<!tpu.dma_semaphore, #tpu.memory_space<semaphore_mem>>)
      } else {
      }
      %dma_wait3A_1403 = arith.constant 3 : i32
      %dma_wait3A_1404 = arith.constant 0 : i32
      %dma_wait3A_1405 = arith.constant 0 : i32
      %dma_wait3A_1406 = arith.constant 3 : i32
      %dma_wait3A_1407 = arith.constant 0 : i32
      %dma_wait3A_1408 = arith.constant 0 : i32
      %dma_wait3A_1409 = tpu.memref_slice %arg8[%dma_wait3A_1403, %dma_wait3A_1407, %dma_wait3A_1408] : memref<4x256x64xf32, #tpu.memory_space<vmem>> -> memref<1x256x64xf32, #tpu.memory_space<vmem>>
      %dma_wait3A_1410 = tpu.memref_squeeze %dma_wait3A_1409 : memref<1x256x64xf32, #tpu.memory_space<vmem>> -> memref<256x64xf32, #tpu.memory_space<vmem>>
      %dma_wait3A_1411 = arith.constant 0 : i32
      %dma_wait3A_1412 = tpu.memref_slice %arg7[%dma_wait3A_1404, %dma_wait3A_1405, %dma_wait3A_1411] : memref<1x1x256xi32, #tpu.memory_space<vmem>> -> memref<1x1x256xi32, #tpu.memory_space<vmem>>
      %dma_wait3A_1413 = tpu.memref_squeeze %dma_wait3A_1412 : memref<1x1x256xi32, #tpu.memory_space<vmem>> -> memref<256xi32, #tpu.memory_space<vmem>>
      %dma_wait3A_1414 = arith.constant 0 : i32
      %dma_wait3A_1415 = arith.constant 0 : i32
      %dma_wait3A_1416 = tpu.memref_slice %arg10[%dma_wait3A_1414, %dma_wait3A_1415] : memref<2048x64xf32, #tpu.memory_space<vmem_shared>> -> memref<2048x64xf32, #tpu.memory_space<vmem_shared>>
      %dma_wait3A_1417 = tpu.memref_slice %arg12[%dma_wait3A_1406] : memref<4x!tpu.dma_semaphore, #tpu.memory_space<semaphore_mem>> -> memref<1x!tpu.dma_semaphore, #tpu.memory_space<semaphore_mem>>
      %dma_wait3A_1418 = tpu.memref_squeeze %dma_wait3A_1417 : memref<1x!tpu.dma_semaphore, #tpu.memory_space<semaphore_mem>> -> memref<!tpu.dma_semaphore, #tpu.memory_space<semaphore_mem>>
      tpu.wait_indirect_dma semaphore(%dma_wait3A_1418 : memref<!tpu.dma_semaphore, #tpu.memory_space<semaphore_mem>>) src(%dma_wait3A_1410 : memref<256x64xf32, #tpu.memory_space<vmem>>) dst(%dma_wait3A_1416 : memref<2048x64xf32, #tpu.memory_space<vmem_shared>>)
      %lt3A_1419 = arith.constant 24 : i32
      %lt3A_1420 = arith.cmpi slt, %scan3A_1208, %lt3A_1419 : i32
      %convert_element_type3A_1421 = arith.extui %lt3A_1420 : i1 to i32
      %cond3A_1422 = arith.constant 0 : i32
      %cond3A_1423 = arith.cmpi ne, %convert_element_type3A_1421, %cond3A_1422 : i32
      scf.if %cond3A_1423 {
        %add3A_1424 = arith.constant 4 : i32
        %add3A_1425 = arith.addi %mul3A_1210, %add3A_1424 : i32
        %add3A_1426 = arith.constant 3 : i32
        %add3A_1427 = arith.addi %add3A_1425, %add3A_1426 : i32
        %get3A_1428 = arith.constant 0 : i32
        %get3A_1429 = arith.index_cast %add3A_1427 : i32 to index
        %get3A_1430 = arith.index_cast %get3A_1428 : i32 to index
        %get3A_1431 = arith.constant 0 : index
        %get3A_1432 = tpu.vector_load %arg6[%get3A_1429, %get3A_1430, %get3A_1431] {strides = array<i32>} : memref<100x1x256xi32, #tpu.memory_space<vmem>>, vector<1x1x16xi32>,
        %get3A_1433 = vector.shape_cast %get3A_1432 : vector<1x1x16xi32> to vector<16xi32>
        %dma_start3A_1434 = arith.constant 3 : i32
        %dma_start3A_1435 = arith.constant 3 : i32
        %dma_start3A_1436 = arith.constant 0 : i32
        %dma_start3A_1437 = arith.constant 0 : i32
        %dma_start3A_1438 = tpu.memref_slice %arg8[%dma_start3A_1434, %dma_start3A_1436, %dma_start3A_1437] : memref<4x256x64xf32, #tpu.memory_space<vmem>> -> memref<1x16x64xf32, #tpu.memory_space<vmem>>
        %dma_start3A_1439 = tpu.memref_squeeze %dma_start3A_1438 : memref<1x16x64xf32, #tpu.memory_space<vmem>> -> memref<16x64xf32, #tpu.memory_space<vmem>>
        %dma_start3A_1440 = arith.constant 0 : i32
        %dma_start3A_1441 = arith.constant 0 : i32
        %dma_start3A_1442 = tpu.memref_slice %arg4[%dma_start3A_1440, %dma_start3A_1441] : memref<1000000x64xf32, #tpu.memory_space<hbm>> -> memref<1000000x64xf32, #tpu.memory_space<hbm>>
        %dma_start3A_1443 = tpu.memref_slice %arg11[%dma_start3A_1435] : memref<4x!tpu.dma_semaphore, #tpu.memory_space<semaphore_mem>> -> memref<1x!tpu.dma_semaphore, #tpu.memory_space<semaphore_mem>>
        %dma_start3A_1444 = tpu.memref_squeeze %dma_start3A_1443 : memref<1x!tpu.dma_semaphore, #tpu.memory_space<semaphore_mem>> -> memref<!tpu.dma_semaphore, #tpu.memory_space<semaphore_mem>>
        tpu.enqueue_indirect_dma source(%dma_start3A_1442 : memref<1000000x64xf32, #tpu.memory_space<hbm>>) target(%dma_start3A_1439 : memref<16x64xf32, #tpu.memory_space<vmem>>) offsets(%get3A_1433 : vector<16xi32>) semaphore(%dma_start3A_1444 : memref<!tpu.dma_semaphore, #tpu.memory_space<semaphore_mem>>)
        %get3A_1445 = arith.constant 0 : i32
        %get3A_1446 = arith.index_cast %add3A_1427 : i32 to index
        %get3A_1447 = arith.index_cast %get3A_1445 : i32 to index
        %get3A_1448 = arith.constant 16 : index
        %get3A_1449 = tpu.vector_load %arg6[%get3A_1446, %get3A_1447, %get3A_1448] {strides = array<i32>} : memref<100x1x256xi32, #tpu.memory_space<vmem>>, vector<1x1x16xi32>,
        %get3A_1450 = vector.shape_cast %get3A_1449 : vector<1x1x16xi32> to vector<16xi32>
        %dma_start3A_1451 = arith.constant 3 : i32
        %dma_start3A_1452 = arith.constant 3 : i32
        %dma_start3A_1453 = arith.constant 16 : i32
        %dma_start3A_1454 = arith.constant 0 : i32
        %dma_start3A_1455 = tpu.memref_slice %arg8[%dma_start3A_1451, %dma_start3A_1453, %dma_start3A_1454] : memref<4x256x64xf32, #tpu.memory_space<vmem>> -> memref<1x16x64xf32, #tpu.memory_space<vmem>>
        %dma_start3A_1456 = tpu.memref_squeeze %dma_start3A_1455 : memref<1x16x64xf32, #tpu.memory_space<vmem>> -> memref<16x64xf32, #tpu.memory_space<vmem>>
        %dma_start3A_1457 = arith.constant 0 : i32
        %dma_start3A_1458 = arith.constant 0 : i32
        %dma_start3A_1459 = tpu.memref_slice %arg4[%dma_start3A_1457, %dma_start3A_1458] : memref<1000000x64xf32, #tpu.memory_space<hbm>> -> memref<1000000x64xf32, #tpu.memory_space<hbm>>
        %dma_start3A_1460 = tpu.memref_slice %arg11[%dma_start3A_1452] : memref<4x!tpu.dma_semaphore, #tpu.memory_space<semaphore_mem>> -> memref<1x!tpu.dma_semaphore, #tpu.memory_space<semaphore_mem>>
        %dma_start3A_1461 = tpu.memref_squeeze %dma_start3A_1460 : memref<1x!tpu.dma_semaphore, #tpu.memory_space<semaphore_mem>> -> memref<!tpu.dma_semaphore, #tpu.memory_space<semaphore_mem>>
        tpu.enqueue_indirect_dma source(%dma_start3A_1459 : memref<1000000x64xf32, #tpu.memory_space<hbm>>) target(%dma_start3A_1456 : memref<16x64xf32, #tpu.memory_space<vmem>>) offsets(%get3A_1450 : vector<16xi32>) semaphore(%dma_start3A_1461 : memref<!tpu.dma_semaphore, #tpu.memory_space<semaphore_mem>>)
        %get3A_1462 = arith.constant 0 : i32
        %get3A_1463 = arith.index_cast %add3A_1427 : i32 to index
        %get3A_1464 = arith.index_cast %get3A_1462 : i32 to index
        %get3A_1465 = arith.constant 32 : index
        %get3A_1466 = tpu.vector_load %arg6[%get3A_1463, %get3A_1464, %get3A_1465] {strides = array<i32>} : memref<100x1x256xi32, #tpu.memory_space<vmem>>, vector<1x1x16xi32>,
        %get3A_1467 = vector.shape_cast %get3A_1466 : vector<1x1x16xi32> to vector<16xi32>
        %dma_start3A_1468 = arith.constant 3 : i32
        %dma_start3A_1469 = arith.constant 3 : i32
        %dma_start3A_1470 = arith.constant 32 : i32
        %dma_start3A_1471 = arith.constant 0 : i32
        %dma_start3A_1472 = tpu.memref_slice %arg8[%dma_start3A_1468, %dma_start3A_1470, %dma_start3A_1471] : memref<4x256x64xf32, #tpu.memory_space<vmem>> -> memref<1x16x64xf32, #tpu.memory_space<vmem>>
        %dma_start3A_1473 = tpu.memref_squeeze %dma_start3A_1472 : memref<1x16x64xf32, #tpu.memory_space<vmem>> -> memref<16x64xf32, #tpu.memory_space<vmem>>
        %dma_start3A_1474 = arith.constant 0 : i32
        %dma_start3A_1475 = arith.constant 0 : i32
        %dma_start3A_1476 = tpu.memref_slice %arg4[%dma_start3A_1474, %dma_start3A_1475] : memref<1000000x64xf32, #tpu.memory_space<hbm>> -> memref<1000000x64xf32, #tpu.memory_space<hbm>>
        %dma_start3A_1477 = tpu.memref_slice %arg11[%dma_start3A_1469] : memref<4x!tpu.dma_semaphore, #tpu.memory_space<semaphore_mem>> -> memref<1x!tpu.dma_semaphore, #tpu.memory_space<semaphore_mem>>
        %dma_start3A_1478 = tpu.memref_squeeze %dma_start3A_1477 : memref<1x!tpu.dma_semaphore, #tpu.memory_space<semaphore_mem>> -> memref<!tpu.dma_semaphore, #tpu.memory_space<semaphore_mem>>
        tpu.enqueue_indirect_dma source(%dma_start3A_1476 : memref<1000000x64xf32, #tpu.memory_space<hbm>>) target(%dma_start3A_1473 : memref<16x64xf32, #tpu.memory_space<vmem>>) offsets(%get3A_1467 : vector<16xi32>) semaphore(%dma_start3A_1478 : memref<!tpu.dma_semaphore, #tpu.memory_space<semaphore_mem>>)
        %get3A_1479 = arith.constant 0 : i32
        %get3A_1480 = arith.index_cast %add3A_1427 : i32 to index
        %get3A_1481 = arith.index_cast %get3A_1479 : i32 to index
        %get3A_1482 = arith.constant 48 : index
        %get3A_1483 = tpu.vector_load %arg6[%get3A_1480, %get3A_1481, %get3A_1482] {strides = array<i32>} : memref<100x1x256xi32, #tpu.memory_space<vmem>>, vector<1x1x16xi32>,
        %get3A_1484 = vector.shape_cast %get3A_1483 : vector<1x1x16xi32> to vector<16xi32>
        %dma_start3A_1485 = arith.constant 3 : i32
        %dma_start3A_1486 = arith.constant 3 : i32
        %dma_start3A_1487 = arith.constant 48 : i32
        %dma_start3A_1488 = arith.constant 0 : i32
        %dma_start3A_1489 = tpu.memref_slice %arg8[%dma_start3A_1485, %dma_start3A_1487, %dma_start3A_1488] : memref<4x256x64xf32, #tpu.memory_space<vmem>> -> memref<1x16x64xf32, #tpu.memory_space<vmem>>
        %dma_start3A_1490 = tpu.memref_squeeze %dma_start3A_1489 : memref<1x16x64xf32, #tpu.memory_space<vmem>> -> memref<16x64xf32, #tpu.memory_space<vmem>>
        %dma_start3A_1491 = arith.constant 0 : i32
        %dma_start3A_1492 = arith.constant 0 : i32
        %dma_start3A_1493 = tpu.memref_slice %arg4[%dma_start3A_1491, %dma_start3A_1492] : memref<1000000x64xf32, #tpu.memory_space<hbm>> -> memref<1000000x64xf32, #tpu.memory_space<hbm>>
        %dma_start3A_1494 = tpu.memref_slice %arg11[%dma_start3A_1486] : memref<4x!tpu.dma_semaphore, #tpu.memory_space<semaphore_mem>> -> memref<1x!tpu.dma_semaphore, #tpu.memory_space<semaphore_mem>>
        %dma_start3A_1495 = tpu.memref_squeeze %dma_start3A_1494 : memref<1x!tpu.dma_semaphore, #tpu.memory_space<semaphore_mem>> -> memref<!tpu.dma_semaphore, #tpu.memory_space<semaphore_mem>>
        tpu.enqueue_indirect_dma source(%dma_start3A_1493 : memref<1000000x64xf32, #tpu.memory_space<hbm>>) target(%dma_start3A_1490 : memref<16x64xf32, #tpu.memory_space<vmem>>) offsets(%get3A_1484 : vector<16xi32>) semaphore(%dma_start3A_1495 : memref<!tpu.dma_semaphore, #tpu.memory_space<semaphore_mem>>)
        %get3A_1496 = arith.constant 0 : i32
        %get3A_1497 = arith.index_cast %add3A_1427 : i32 to index
        %get3A_1498 = arith.index_cast %get3A_1496 : i32 to index
        %get3A_1499 = arith.constant 64 : index
        %get3A_1500 = tpu.vector_load %arg6[%get3A_1497, %get3A_1498, %get3A_1499] {strides = array<i32>} : memref<100x1x256xi32, #tpu.memory_space<vmem>>, vector<1x1x16xi32>,
        %get3A_1501 = vector.shape_cast %get3A_1500 : vector<1x1x16xi32> to vector<16xi32>
        %dma_start3A_1502 = arith.constant 3 : i32
        %dma_start3A_1503 = arith.constant 3 : i32
        %dma_start3A_1504 = arith.constant 64 : i32
        %dma_start3A_1505 = arith.constant 0 : i32
        %dma_start3A_1506 = tpu.memref_slice %arg8[%dma_start3A_1502, %dma_start3A_1504, %dma_start3A_1505] : memref<4x256x64xf32, #tpu.memory_space<vmem>> -> memref<1x16x64xf32, #tpu.memory_space<vmem>>
        %dma_start3A_1507 = tpu.memref_squeeze %dma_start3A_1506 : memref<1x16x64xf32, #tpu.memory_space<vmem>> -> memref<16x64xf32, #tpu.memory_space<vmem>>
        %dma_start3A_1508 = arith.constant 0 : i32
        %dma_start3A_1509 = arith.constant 0 : i32
        %dma_start3A_1510 = tpu.memref_slice %arg4[%dma_start3A_1508, %dma_start3A_1509] : memref<1000000x64xf32, #tpu.memory_space<hbm>> -> memref<1000000x64xf32, #tpu.memory_space<hbm>>
        %dma_start3A_1511 = tpu.memref_slice %arg11[%dma_start3A_1503] : memref<4x!tpu.dma_semaphore, #tpu.memory_space<semaphore_mem>> -> memref<1x!tpu.dma_semaphore, #tpu.memory_space<semaphore_mem>>
        %dma_start3A_1512 = tpu.memref_squeeze %dma_start3A_1511 : memref<1x!tpu.dma_semaphore, #tpu.memory_space<semaphore_mem>> -> memref<!tpu.dma_semaphore, #tpu.memory_space<semaphore_mem>>
        tpu.enqueue_indirect_dma source(%dma_start3A_1510 : memref<1000000x64xf32, #tpu.memory_space<hbm>>) target(%dma_start3A_1507 : memref<16x64xf32, #tpu.memory_space<vmem>>) offsets(%get3A_1501 : vector<16xi32>) semaphore(%dma_start3A_1512 : memref<!tpu.dma_semaphore, #tpu.memory_space<semaphore_mem>>)
        %get3A_1513 = arith.constant 0 : i32
        %get3A_1514 = arith.index_cast %add3A_1427 : i32 to index
        %get3A_1515 = arith.index_cast %get3A_1513 : i32 to index
        %get3A_1516 = arith.constant 80 : index
        %get3A_1517 = tpu.vector_load %arg6[%get3A_1514, %get3A_1515, %get3A_1516] {strides = array<i32>} : memref<100x1x256xi32, #tpu.memory_space<vmem>>, vector<1x1x16xi32>,
        %get3A_1518 = vector.shape_cast %get3A_1517 : vector<1x1x16xi32> to vector<16xi32>
        %dma_start3A_1519 = arith.constant 3 : i32
        %dma_start3A_1520 = arith.constant 3 : i32
        %dma_start3A_1521 = arith.constant 80 : i32
        %dma_start3A_1522 = arith.constant 0 : i32
        %dma_start3A_1523 = tpu.memref_slice %arg8[%dma_start3A_1519, %dma_start3A_1521, %dma_start3A_1522] : memref<4x256x64xf32, #tpu.memory_space<vmem>> -> memref<1x16x64xf32, #tpu.memory_space<vmem>>
        %dma_start3A_1524 = tpu.memref_squeeze %dma_start3A_1523 : memref<1x16x64xf32, #tpu.memory_space<vmem>> -> memref<16x64xf32, #tpu.memory_space<vmem>>
        %dma_start3A_1525 = arith.constant 0 : i32
        %dma_start3A_1526 = arith.constant 0 : i32
        %dma_start3A_1527 = tpu.memref_slice %arg4[%dma_start3A_1525, %dma_start3A_1526] : memref<1000000x64xf32, #tpu.memory_space<hbm>> -> memref<1000000x64xf32, #tpu.memory_space<hbm>>
        %dma_start3A_1528 = tpu.memref_slice %arg11[%dma_start3A_1520] : memref<4x!tpu.dma_semaphore, #tpu.memory_space<semaphore_mem>> -> memref<1x!tpu.dma_semaphore, #tpu.memory_space<semaphore_mem>>
        %dma_start3A_1529 = tpu.memref_squeeze %dma_start3A_1528 : memref<1x!tpu.dma_semaphore, #tpu.memory_space<semaphore_mem>> -> memref<!tpu.dma_semaphore, #tpu.memory_space<semaphore_mem>>
        tpu.enqueue_indirect_dma source(%dma_start3A_1527 : memref<1000000x64xf32, #tpu.memory_space<hbm>>) target(%dma_start3A_1524 : memref<16x64xf32, #tpu.memory_space<vmem>>) offsets(%get3A_1518 : vector<16xi32>) semaphore(%dma_start3A_1529 : memref<!tpu.dma_semaphore, #tpu.memory_space<semaphore_mem>>)
        %get3A_1530 = arith.constant 0 : i32
        %get3A_1531 = arith.index_cast %add3A_1427 : i32 to index
        %get3A_1532 = arith.index_cast %get3A_1530 : i32 to index
        %get3A_1533 = arith.constant 96 : index
        %get3A_1534 = tpu.vector_load %arg6[%get3A_1531, %get3A_1532, %get3A_1533] {strides = array<i32>} : memref<100x1x256xi32, #tpu.memory_space<vmem>>, vector<1x1x16xi32>,
        %get3A_1535 = vector.shape_cast %get3A_1534 : vector<1x1x16xi32> to vector<16xi32>
        %dma_start3A_1536 = arith.constant 3 : i32
        %dma_start3A_1537 = arith.constant 3 : i32
        %dma_start3A_1538 = arith.constant 96 : i32
        %dma_start3A_1539 = arith.constant 0 : i32
        %dma_start3A_1540 = tpu.memref_slice %arg8[%dma_start3A_1536, %dma_start3A_1538, %dma_start3A_1539] : memref<4x256x64xf32, #tpu.memory_space<vmem>> -> memref<1x16x64xf32, #tpu.memory_space<vmem>>
        %dma_start3A_1541 = tpu.memref_squeeze %dma_start3A_1540 : memref<1x16x64xf32, #tpu.memory_space<vmem>> -> memref<16x64xf32, #tpu.memory_space<vmem>>
        %dma_start3A_1542 = arith.constant 0 : i32
        %dma_start3A_1543 = arith.constant 0 : i32
        %dma_start3A_1544 = tpu.memref_slice %arg4[%dma_start3A_1542, %dma_start3A_1543] : memref<1000000x64xf32, #tpu.memory_space<hbm>> -> memref<1000000x64xf32, #tpu.memory_space<hbm>>
        %dma_start3A_1545 = tpu.memref_slice %arg11[%dma_start3A_1537] : memref<4x!tpu.dma_semaphore, #tpu.memory_space<semaphore_mem>> -> memref<1x!tpu.dma_semaphore, #tpu.memory_space<semaphore_mem>>
        %dma_start3A_1546 = tpu.memref_squeeze %dma_start3A_1545 : memref<1x!tpu.dma_semaphore, #tpu.memory_space<semaphore_mem>> -> memref<!tpu.dma_semaphore, #tpu.memory_space<semaphore_mem>>
        tpu.enqueue_indirect_dma source(%dma_start3A_1544 : memref<1000000x64xf32, #tpu.memory_space<hbm>>) target(%dma_start3A_1541 : memref<16x64xf32, #tpu.memory_space<vmem>>) offsets(%get3A_1535 : vector<16xi32>) semaphore(%dma_start3A_1546 : memref<!tpu.dma_semaphore, #tpu.memory_space<semaphore_mem>>)
        %get3A_1547 = arith.constant 0 : i32
        %get3A_1548 = arith.index_cast %add3A_1427 : i32 to index
        %get3A_1549 = arith.index_cast %get3A_1547 : i32 to index
        %get3A_1550 = arith.constant 112 : index
        %get3A_1551 = tpu.vector_load %arg6[%get3A_1548, %get3A_1549, %get3A_1550] {strides = array<i32>} : memref<100x1x256xi32, #tpu.memory_space<vmem>>, vector<1x1x16xi32>,
        %get3A_1552 = vector.shape_cast %get3A_1551 : vector<1x1x16xi32> to vector<16xi32>
        %dma_start3A_1553 = arith.constant 3 : i32
        %dma_start3A_1554 = arith.constant 3 : i32
        %dma_start3A_1555 = arith.constant 112 : i32
        %dma_start3A_1556 = arith.constant 0 : i32
        %dma_start3A_1557 = tpu.memref_slice %arg8[%dma_start3A_1553, %dma_start3A_1555, %dma_start3A_1556] : memref<4x256x64xf32, #tpu.memory_space<vmem>> -> memref<1x16x64xf32, #tpu.memory_space<vmem>>
        %dma_start3A_1558 = tpu.memref_squeeze %dma_start3A_1557 : memref<1x16x64xf32, #tpu.memory_space<vmem>> -> memref<16x64xf32, #tpu.memory_space<vmem>>
        %dma_start3A_1559 = arith.constant 0 : i32
        %dma_start3A_1560 = arith.constant 0 : i32
        %dma_start3A_1561 = tpu.memref_slice %arg4[%dma_start3A_1559, %dma_start3A_1560] : memref<1000000x64xf32, #tpu.memory_space<hbm>> -> memref<1000000x64xf32, #tpu.memory_space<hbm>>
        %dma_start3A_1562 = tpu.memref_slice %arg11[%dma_start3A_1554] : memref<4x!tpu.dma_semaphore, #tpu.memory_space<semaphore_mem>> -> memref<1x!tpu.dma_semaphore, #tpu.memory_space<semaphore_mem>>
        %dma_start3A_1563 = tpu.memref_squeeze %dma_start3A_1562 : memref<1x!tpu.dma_semaphore, #tpu.memory_space<semaphore_mem>> -> memref<!tpu.dma_semaphore, #tpu.memory_space<semaphore_mem>>
        tpu.enqueue_indirect_dma source(%dma_start3A_1561 : memref<1000000x64xf32, #tpu.memory_space<hbm>>) target(%dma_start3A_1558 : memref<16x64xf32, #tpu.memory_space<vmem>>) offsets(%get3A_1552 : vector<16xi32>) semaphore(%dma_start3A_1563 : memref<!tpu.dma_semaphore, #tpu.memory_space<semaphore_mem>>)
        %get3A_1564 = arith.constant 0 : i32
        %get3A_1565 = arith.index_cast %add3A_1427 : i32 to index
        %get3A_1566 = arith.index_cast %get3A_1564 : i32 to index
        %get3A_1567 = arith.constant 128 : index
        %get3A_1568 = tpu.vector_load %arg6[%get3A_1565, %get3A_1566, %get3A_1567] {strides = array<i32>} : memref<100x1x256xi32, #tpu.memory_space<vmem>>, vector<1x1x16xi32>,
        %get3A_1569 = vector.shape_cast %get3A_1568 : vector<1x1x16xi32> to vector<16xi32>
        %dma_start3A_1570 = arith.constant 3 : i32
        %dma_start3A_1571 = arith.constant 3 : i32
        %dma_start3A_1572 = arith.constant 128 : i32
        %dma_start3A_1573 = arith.constant 0 : i32
        %dma_start3A_1574 = tpu.memref_slice %arg8[%dma_start3A_1570, %dma_start3A_1572, %dma_start3A_1573] : memref<4x256x64xf32, #tpu.memory_space<vmem>> -> memref<1x16x64xf32, #tpu.memory_space<vmem>>
        %dma_start3A_1575 = tpu.memref_squeeze %dma_start3A_1574 : memref<1x16x64xf32, #tpu.memory_space<vmem>> -> memref<16x64xf32, #tpu.memory_space<vmem>>
        %dma_start3A_1576 = arith.constant 0 : i32
        %dma_start3A_1577 = arith.constant 0 : i32
        %dma_start3A_1578 = tpu.memref_slice %arg4[%dma_start3A_1576, %dma_start3A_1577] : memref<1000000x64xf32, #tpu.memory_space<hbm>> -> memref<1000000x64xf32, #tpu.memory_space<hbm>>
        %dma_start3A_1579 = tpu.memref_slice %arg11[%dma_start3A_1571] : memref<4x!tpu.dma_semaphore, #tpu.memory_space<semaphore_mem>> -> memref<1x!tpu.dma_semaphore, #tpu.memory_space<semaphore_mem>>
        %dma_start3A_1580 = tpu.memref_squeeze %dma_start3A_1579 : memref<1x!tpu.dma_semaphore, #tpu.memory_space<semaphore_mem>> -> memref<!tpu.dma_semaphore, #tpu.memory_space<semaphore_mem>>
        tpu.enqueue_indirect_dma source(%dma_start3A_1578 : memref<1000000x64xf32, #tpu.memory_space<hbm>>) target(%dma_start3A_1575 : memref<16x64xf32, #tpu.memory_space<vmem>>) offsets(%get3A_1569 : vector<16xi32>) semaphore(%dma_start3A_1580 : memref<!tpu.dma_semaphore, #tpu.memory_space<semaphore_mem>>)
        %get3A_1581 = arith.constant 0 : i32
        %get3A_1582 = arith.index_cast %add3A_1427 : i32 to index
        %get3A_1583 = arith.index_cast %get3A_1581 : i32 to index
        %get3A_1584 = arith.constant 144 : index
        %get3A_1585 = tpu.vector_load %arg6[%get3A_1582, %get3A_1583, %get3A_1584] {strides = array<i32>} : memref<100x1x256xi32, #tpu.memory_space<vmem>>, vector<1x1x16xi32>,
        %get3A_1586 = vector.shape_cast %get3A_1585 : vector<1x1x16xi32> to vector<16xi32>
        %dma_start3A_1587 = arith.constant 3 : i32
        %dma_start3A_1588 = arith.constant 3 : i32
        %dma_start3A_1589 = arith.constant 144 : i32
        %dma_start3A_1590 = arith.constant 0 : i32
        %dma_start3A_1591 = tpu.memref_slice %arg8[%dma_start3A_1587, %dma_start3A_1589, %dma_start3A_1590] : memref<4x256x64xf32, #tpu.memory_space<vmem>> -> memref<1x16x64xf32, #tpu.memory_space<vmem>>
        %dma_start3A_1592 = tpu.memref_squeeze %dma_start3A_1591 : memref<1x16x64xf32, #tpu.memory_space<vmem>> -> memref<16x64xf32, #tpu.memory_space<vmem>>
        %dma_start3A_1593 = arith.constant 0 : i32
        %dma_start3A_1594 = arith.constant 0 : i32
        %dma_start3A_1595 = tpu.memref_slice %arg4[%dma_start3A_1593, %dma_start3A_1594] : memref<1000000x64xf32, #tpu.memory_space<hbm>> -> memref<1000000x64xf32, #tpu.memory_space<hbm>>
        %dma_start3A_1596 = tpu.memref_slice %arg11[%dma_start3A_1588] : memref<4x!tpu.dma_semaphore, #tpu.memory_space<semaphore_mem>> -> memref<1x!tpu.dma_semaphore, #tpu.memory_space<semaphore_mem>>
        %dma_start3A_1597 = tpu.memref_squeeze %dma_start3A_1596 : memref<1x!tpu.dma_semaphore, #tpu.memory_space<semaphore_mem>> -> memref<!tpu.dma_semaphore, #tpu.memory_space<semaphore_mem>>
        tpu.enqueue_indirect_dma source(%dma_start3A_1595 : memref<1000000x64xf32, #tpu.memory_space<hbm>>) target(%dma_start3A_1592 : memref<16x64xf32, #tpu.memory_space<vmem>>) offsets(%get3A_1586 : vector<16xi32>) semaphore(%dma_start3A_1597 : memref<!tpu.dma_semaphore, #tpu.memory_space<semaphore_mem>>)
        %get3A_1598 = arith.constant 0 : i32
        %get3A_1599 = arith.index_cast %add3A_1427 : i32 to index
        %get3A_1600 = arith.index_cast %get3A_1598 : i32 to index
        %get3A_1601 = arith.constant 160 : index
        %get3A_1602 = tpu.vector_load %arg6[%get3A_1599, %get3A_1600, %get3A_1601] {strides = array<i32>} : memref<100x1x256xi32, #tpu.memory_space<vmem>>, vector<1x1x16xi32>,
        %get3A_1603 = vector.shape_cast %get3A_1602 : vector<1x1x16xi32> to vector<16xi32>
        %dma_start3A_1604 = arith.constant 3 : i32
        %dma_start3A_1605 = arith.constant 3 : i32
        %dma_start3A_1606 = arith.constant 160 : i32
        %dma_start3A_1607 = arith.constant 0 : i32
        %dma_start3A_1608 = tpu.memref_slice %arg8[%dma_start3A_1604, %dma_start3A_1606, %dma_start3A_1607] : memref<4x256x64xf32, #tpu.memory_space<vmem>> -> memref<1x16x64xf32, #tpu.memory_space<vmem>>
        %dma_start3A_1609 = tpu.memref_squeeze %dma_start3A_1608 : memref<1x16x64xf32, #tpu.memory_space<vmem>> -> memref<16x64xf32, #tpu.memory_space<vmem>>
        %dma_start3A_1610 = arith.constant 0 : i32
        %dma_start3A_1611 = arith.constant 0 : i32
        %dma_start3A_1612 = tpu.memref_slice %arg4[%dma_start3A_1610, %dma_start3A_1611] : memref<1000000x64xf32, #tpu.memory_space<hbm>> -> memref<1000000x64xf32, #tpu.memory_space<hbm>>
        %dma_start3A_1613 = tpu.memref_slice %arg11[%dma_start3A_1605] : memref<4x!tpu.dma_semaphore, #tpu.memory_space<semaphore_mem>> -> memref<1x!tpu.dma_semaphore, #tpu.memory_space<semaphore_mem>>
        %dma_start3A_1614 = tpu.memref_squeeze %dma_start3A_1613 : memref<1x!tpu.dma_semaphore, #tpu.memory_space<semaphore_mem>> -> memref<!tpu.dma_semaphore, #tpu.memory_space<semaphore_mem>>
        tpu.enqueue_indirect_dma source(%dma_start3A_1612 : memref<1000000x64xf32, #tpu.memory_space<hbm>>) target(%dma_start3A_1609 : memref<16x64xf32, #tpu.memory_space<vmem>>) offsets(%get3A_1603 : vector<16xi32>) semaphore(%dma_start3A_1614 : memref<!tpu.dma_semaphore, #tpu.memory_space<semaphore_mem>>)
        %get3A_1615 = arith.constant 0 : i32
        %get3A_1616 = arith.index_cast %add3A_1427 : i32 to index
        %get3A_1617 = arith.index_cast %get3A_1615 : i32 to index
        %get3A_1618 = arith.constant 176 : index
        %get3A_1619 = tpu.vector_load %arg6[%get3A_1616, %get3A_1617, %get3A_1618] {strides = array<i32>} : memref<100x1x256xi32, #tpu.memory_space<vmem>>, vector<1x1x16xi32>,
        %get3A_1620 = vector.shape_cast %get3A_1619 : vector<1x1x16xi32> to vector<16xi32>
        %dma_start3A_1621 = arith.constant 3 : i32
        %dma_start3A_1622 = arith.constant 3 : i32
        %dma_start3A_1623 = arith.constant 176 : i32
        %dma_start3A_1624 = arith.constant 0 : i32
        %dma_start3A_1625 = tpu.memref_slice %arg8[%dma_start3A_1621, %dma_start3A_1623, %dma_start3A_1624] : memref<4x256x64xf32, #tpu.memory_space<vmem>> -> memref<1x16x64xf32, #tpu.memory_space<vmem>>
        %dma_start3A_1626 = tpu.memref_squeeze %dma_start3A_1625 : memref<1x16x64xf32, #tpu.memory_space<vmem>> -> memref<16x64xf32, #tpu.memory_space<vmem>>
        %dma_start3A_1627 = arith.constant 0 : i32
        %dma_start3A_1628 = arith.constant 0 : i32
        %dma_start3A_1629 = tpu.memref_slice %arg4[%dma_start3A_1627, %dma_start3A_1628] : memref<1000000x64xf32, #tpu.memory_space<hbm>> -> memref<1000000x64xf32, #tpu.memory_space<hbm>>
        %dma_start3A_1630 = tpu.memref_slice %arg11[%dma_start3A_1622] : memref<4x!tpu.dma_semaphore, #tpu.memory_space<semaphore_mem>> -> memref<1x!tpu.dma_semaphore, #tpu.memory_space<semaphore_mem>>
        %dma_start3A_1631 = tpu.memref_squeeze %dma_start3A_1630 : memref<1x!tpu.dma_semaphore, #tpu.memory_space<semaphore_mem>> -> memref<!tpu.dma_semaphore, #tpu.memory_space<semaphore_mem>>
        tpu.enqueue_indirect_dma source(%dma_start3A_1629 : memref<1000000x64xf32, #tpu.memory_space<hbm>>) target(%dma_start3A_1626 : memref<16x64xf32, #tpu.memory_space<vmem>>) offsets(%get3A_1620 : vector<16xi32>) semaphore(%dma_start3A_1631 : memref<!tpu.dma_semaphore, #tpu.memory_space<semaphore_mem>>)
        %get3A_1632 = arith.constant 0 : i32
        %get3A_1633 = arith.index_cast %add3A_1427 : i32 to index
        %get3A_1634 = arith.index_cast %get3A_1632 : i32 to index
        %get3A_1635 = arith.constant 192 : index
        %get3A_1636 = tpu.vector_load %arg6[%get3A_1633, %get3A_1634, %get3A_1635] {strides = array<i32>} : memref<100x1x256xi32, #tpu.memory_space<vmem>>, vector<1x1x16xi32>,
        %get3A_1637 = vector.shape_cast %get3A_1636 : vector<1x1x16xi32> to vector<16xi32>
        %dma_start3A_1638 = arith.constant 3 : i32
        %dma_start3A_1639 = arith.constant 3 : i32
        %dma_start3A_1640 = arith.constant 192 : i32
        %dma_start3A_1641 = arith.constant 0 : i32
        %dma_start3A_1642 = tpu.memref_slice %arg8[%dma_start3A_1638, %dma_start3A_1640, %dma_start3A_1641] : memref<4x256x64xf32, #tpu.memory_space<vmem>> -> memref<1x16x64xf32, #tpu.memory_space<vmem>>
        %dma_start3A_1643 = tpu.memref_squeeze %dma_start3A_1642 : memref<1x16x64xf32, #tpu.memory_space<vmem>> -> memref<16x64xf32, #tpu.memory_space<vmem>>
        %dma_start3A_1644 = arith.constant 0 : i32
        %dma_start3A_1645 = arith.constant 0 : i32
        %dma_start3A_1646 = tpu.memref_slice %arg4[%dma_start3A_1644, %dma_start3A_1645] : memref<1000000x64xf32, #tpu.memory_space<hbm>> -> memref<1000000x64xf32, #tpu.memory_space<hbm>>
        %dma_start3A_1647 = tpu.memref_slice %arg11[%dma_start3A_1639] : memref<4x!tpu.dma_semaphore, #tpu.memory_space<semaphore_mem>> -> memref<1x!tpu.dma_semaphore, #tpu.memory_space<semaphore_mem>>
        %dma_start3A_1648 = tpu.memref_squeeze %dma_start3A_1647 : memref<1x!tpu.dma_semaphore, #tpu.memory_space<semaphore_mem>> -> memref<!tpu.dma_semaphore, #tpu.memory_space<semaphore_mem>>
        tpu.enqueue_indirect_dma source(%dma_start3A_1646 : memref<1000000x64xf32, #tpu.memory_space<hbm>>) target(%dma_start3A_1643 : memref<16x64xf32, #tpu.memory_space<vmem>>) offsets(%get3A_1637 : vector<16xi32>) semaphore(%dma_start3A_1648 : memref<!tpu.dma_semaphore, #tpu.memory_space<semaphore_mem>>)
        %get3A_1649 = arith.constant 0 : i32
        %get3A_1650 = arith.index_cast %add3A_1427 : i32 to index
        %get3A_1651 = arith.index_cast %get3A_1649 : i32 to index
        %get3A_1652 = arith.constant 208 : index
        %get3A_1653 = tpu.vector_load %arg6[%get3A_1650, %get3A_1651, %get3A_1652] {strides = array<i32>} : memref<100x1x256xi32, #tpu.memory_space<vmem>>, vector<1x1x16xi32>,
        %get3A_1654 = vector.shape_cast %get3A_1653 : vector<1x1x16xi32> to vector<16xi32>
        %dma_start3A_1655 = arith.constant 3 : i32
        %dma_start3A_1656 = arith.constant 3 : i32
        %dma_start3A_1657 = arith.constant 208 : i32
        %dma_start3A_1658 = arith.constant 0 : i32
        %dma_start3A_1659 = tpu.memref_slice %arg8[%dma_start3A_1655, %dma_start3A_1657, %dma_start3A_1658] : memref<4x256x64xf32, #tpu.memory_space<vmem>> -> memref<1x16x64xf32, #tpu.memory_space<vmem>>
        %dma_start3A_1660 = tpu.memref_squeeze %dma_start3A_1659 : memref<1x16x64xf32, #tpu.memory_space<vmem>> -> memref<16x64xf32, #tpu.memory_space<vmem>>
        %dma_start3A_1661 = arith.constant 0 : i32
        %dma_start3A_1662 = arith.constant 0 : i32
        %dma_start3A_1663 = tpu.memref_slice %arg4[%dma_start3A_1661, %dma_start3A_1662] : memref<1000000x64xf32, #tpu.memory_space<hbm>> -> memref<1000000x64xf32, #tpu.memory_space<hbm>>
        %dma_start3A_1664 = tpu.memref_slice %arg11[%dma_start3A_1656] : memref<4x!tpu.dma_semaphore, #tpu.memory_space<semaphore_mem>> -> memref<1x!tpu.dma_semaphore, #tpu.memory_space<semaphore_mem>>
        %dma_start3A_1665 = tpu.memref_squeeze %dma_start3A_1664 : memref<1x!tpu.dma_semaphore, #tpu.memory_space<semaphore_mem>> -> memref<!tpu.dma_semaphore, #tpu.memory_space<semaphore_mem>>
        tpu.enqueue_indirect_dma source(%dma_start3A_1663 : memref<1000000x64xf32, #tpu.memory_space<hbm>>) target(%dma_start3A_1660 : memref<16x64xf32, #tpu.memory_space<vmem>>) offsets(%get3A_1654 : vector<16xi32>) semaphore(%dma_start3A_1665 : memref<!tpu.dma_semaphore, #tpu.memory_space<semaphore_mem>>)
        %get3A_1666 = arith.constant 0 : i32
        %get3A_1667 = arith.index_cast %add3A_1427 : i32 to index
        %get3A_1668 = arith.index_cast %get3A_1666 : i32 to index
        %get3A_1669 = arith.constant 224 : index
        %get3A_1670 = tpu.vector_load %arg6[%get3A_1667, %get3A_1668, %get3A_1669] {strides = array<i32>} : memref<100x1x256xi32, #tpu.memory_space<vmem>>, vector<1x1x16xi32>,
        %get3A_1671 = vector.shape_cast %get3A_1670 : vector<1x1x16xi32> to vector<16xi32>
        %dma_start3A_1672 = arith.constant 3 : i32
        %dma_start3A_1673 = arith.constant 3 : i32
        %dma_start3A_1674 = arith.constant 224 : i32
        %dma_start3A_1675 = arith.constant 0 : i32
        %dma_start3A_1676 = tpu.memref_slice %arg8[%dma_start3A_1672, %dma_start3A_1674, %dma_start3A_1675] : memref<4x256x64xf32, #tpu.memory_space<vmem>> -> memref<1x16x64xf32, #tpu.memory_space<vmem>>
        %dma_start3A_1677 = tpu.memref_squeeze %dma_start3A_1676 : memref<1x16x64xf32, #tpu.memory_space<vmem>> -> memref<16x64xf32, #tpu.memory_space<vmem>>
        %dma_start3A_1678 = arith.constant 0 : i32
        %dma_start3A_1679 = arith.constant 0 : i32
        %dma_start3A_1680 = tpu.memref_slice %arg4[%dma_start3A_1678, %dma_start3A_1679] : memref<1000000x64xf32, #tpu.memory_space<hbm>> -> memref<1000000x64xf32, #tpu.memory_space<hbm>>
        %dma_start3A_1681 = tpu.memref_slice %arg11[%dma_start3A_1673] : memref<4x!tpu.dma_semaphore, #tpu.memory_space<semaphore_mem>> -> memref<1x!tpu.dma_semaphore, #tpu.memory_space<semaphore_mem>>
        %dma_start3A_1682 = tpu.memref_squeeze %dma_start3A_1681 : memref<1x!tpu.dma_semaphore, #tpu.memory_space<semaphore_mem>> -> memref<!tpu.dma_semaphore, #tpu.memory_space<semaphore_mem>>
        tpu.enqueue_indirect_dma source(%dma_start3A_1680 : memref<1000000x64xf32, #tpu.memory_space<hbm>>) target(%dma_start3A_1677 : memref<16x64xf32, #tpu.memory_space<vmem>>) offsets(%get3A_1671 : vector<16xi32>) semaphore(%dma_start3A_1682 : memref<!tpu.dma_semaphore, #tpu.memory_space<semaphore_mem>>)
        %get3A_1683 = arith.constant 0 : i32
        %get3A_1684 = arith.index_cast %add3A_1427 : i32 to index
        %get3A_1685 = arith.index_cast %get3A_1683 : i32 to index
        %get3A_1686 = arith.constant 240 : index
        %get3A_1687 = tpu.vector_load %arg6[%get3A_1684, %get3A_1685, %get3A_1686] {strides = array<i32>} : memref<100x1x256xi32, #tpu.memory_space<vmem>>, vector<1x1x16xi32>,
        %get3A_1688 = vector.shape_cast %get3A_1687 : vector<1x1x16xi32> to vector<16xi32>
        %dma_start3A_1689 = arith.constant 3 : i32
        %dma_start3A_1690 = arith.constant 3 : i32
        %dma_start3A_1691 = arith.constant 240 : i32
        %dma_start3A_1692 = arith.constant 0 : i32
        %dma_start3A_1693 = tpu.memref_slice %arg8[%dma_start3A_1689, %dma_start3A_1691, %dma_start3A_1692] : memref<4x256x64xf32, #tpu.memory_space<vmem>> -> memref<1x16x64xf32, #tpu.memory_space<vmem>>
        %dma_start3A_1694 = tpu.memref_squeeze %dma_start3A_1693 : memref<1x16x64xf32, #tpu.memory_space<vmem>> -> memref<16x64xf32, #tpu.memory_space<vmem>>
        %dma_start3A_1695 = arith.constant 0 : i32
        %dma_start3A_1696 = arith.constant 0 : i32
        %dma_start3A_1697 = tpu.memref_slice %arg4[%dma_start3A_1695, %dma_start3A_1696] : memref<1000000x64xf32, #tpu.memory_space<hbm>> -> memref<1000000x64xf32, #tpu.memory_space<hbm>>
        %dma_start3A_1698 = tpu.memref_slice %arg11[%dma_start3A_1690] : memref<4x!tpu.dma_semaphore, #tpu.memory_space<semaphore_mem>> -> memref<1x!tpu.dma_semaphore, #tpu.memory_space<semaphore_mem>>
        %dma_start3A_1699 = tpu.memref_squeeze %dma_start3A_1698 : memref<1x!tpu.dma_semaphore, #tpu.memory_space<semaphore_mem>> -> memref<!tpu.dma_semaphore, #tpu.memory_space<semaphore_mem>>
        tpu.enqueue_indirect_dma source(%dma_start3A_1697 : memref<1000000x64xf32, #tpu.memory_space<hbm>>) target(%dma_start3A_1694 : memref<16x64xf32, #tpu.memory_space<vmem>>) offsets(%get3A_1688 : vector<16xi32>) semaphore(%dma_start3A_1699 : memref<!tpu.dma_semaphore, #tpu.memory_space<semaphore_mem>>)
      } else {
      }
    }
    %scan3A_1203 = arith.constant 25 : i32
    %mul3A_1204 = arith.constant 128 : i32
    %mul3A_1205 = arith.muli %arg1, %mul3A_1204 : i32
    %mul3A_1206 = arith.constant 128 : i32
    %mul3A_1207 = arith.muli %add3A, %mul3A_1206 : i32
    "tpu.region"() ({
      %run_scoped3A = tpu.sem_alloc : memref<!tpu.dma_semaphore, #tpu.memory_space<semaphore_mem>>
      %dma_start3A_1208 = arith.constant 0 : i32
      %dma_start3A_1209 = tpu.memref_slice %arg5[%mul3A_1207, %dma_start3A_1208] : memref<4096x64xf32, #tpu.memory_space<hbm>> -> memref<128x64xf32, #tpu.memory_space<hbm>>
      %dma_start3A_1210 = arith.constant 0 : i32
      %dma_start3A_1211 = tpu.memref_slice %arg10[%mul3A_1205, %dma_start3A_1210] : memref<2048x64xf32, #tpu.memory_space<vmem_shared>> -> memref<128x64xf32, #tpu.memory_space<vmem_shared>>
      tpu.enqueue_dma source(%dma_start3A_1211 : memref<128x64xf32, #tpu.memory_space<vmem_shared>>) target(%dma_start3A_1209 : memref<128x64xf32, #tpu.memory_space<hbm>>) target_semaphore(%run_scoped3A : memref<!tpu.dma_semaphore, #tpu.memory_space<semaphore_mem>>)
      %dma_wait3A_1212 = arith.constant 0 : i32
      %dma_wait3A_1213 = tpu.memref_slice %arg5[%mul3A_1207, %dma_wait3A_1212] : memref<4096x64xf32, #tpu.memory_space<hbm>> -> memref<128x64xf32, #tpu.memory_space<hbm>>
      %dma_wait3A_1214 = arith.constant 0 : i32
      %dma_wait3A_1215 = tpu.memref_slice %arg10[%mul3A_1205, %dma_wait3A_1214] : memref<2048x64xf32, #tpu.memory_space<vmem_shared>> -> memref<128x64xf32, #tpu.memory_space<vmem_shared>>
      tpu.wait_dma2 semaphore(%run_scoped3A : memref<!tpu.dma_semaphore, #tpu.memory_space<semaphore_mem>>) src(%dma_wait3A_1215 : memref<128x64xf32, #tpu.memory_space<vmem_shared>>) dst(%dma_wait3A_1213 : memref<128x64xf32, #tpu.memory_space<hbm>>)
      tpu.yield
    }) : () -> ()
    return
  }
}

module attributes {stable_mosaic.version = 14 : i64} {
  func.func @body(%arg0: memref<4096x64xf32, #tpu.memory_space<vmem>>, %arg1: memref<64x2xf32, #tpu.memory_space<vmem>>, %arg2: memref<1x2xf32, #tpu.memory_space<vmem>>, %arg3: memref<4096x2xf32, #tpu.memory_space<vmem>>) attributes {dimension_semantics = [], scalar_prefetch = 0 : i64, scratch_operands = 0 : i64, tpu.core_type = #tpu.core_type<tc>} {
    %get3A = arith.constant 0 : index
    %get3A_0 = arith.constant 0 : index
    %get3A_1 = vector.load %arg0[%get3A, %get3A_0] : memref<4096x64xf32, #tpu.memory_space<vmem>>, vector<4096x64xf32>
    %mul3A = arith.constant 5.000000e-03 : f32
    %mul3A_2 = vector.broadcast %mul3A : f32 to vector<4096x64xf32>
    %mul3A_3 = arith.mulf %get3A_1, %mul3A_2 : vector<4096x64xf32>
    %max3A = arith.constant 0.000000e+00 : f32
    %max3A_4 = vector.broadcast %max3A : f32 to vector<4096x64xf32>
    %max3A_5 = arith.maximumf %mul3A_3, %max3A_4 : vector<4096x64xf32>
    %get3A_6 = arith.constant 0 : index
    %get3A_7 = arith.constant 0 : index
    %get3A_8 = vector.load %arg1[%get3A_6, %get3A_7] : memref<64x2xf32, #tpu.memory_space<vmem>>, vector<64x2xf32>
    %dot_general3A = arith.constant dense<0.000000e+00> : vector<4096x2xf32>
    %dot_general3A_9 = tpu.matmul %max3A_5, %get3A_8, %dot_general3A {dimension_numbers = #tpu.dot_dimension_numbers<[1], [0], [0], [1], [0, 0, 1, 1], [], []>, transpose_lhs_hint = false} : vector<4096x64xf32>, vector<64x2xf32>, vector<4096x2xf32> -> vector<4096x2xf32>
    %get3A_10 = arith.constant 0 : index
    %get3A_11 = arith.constant 0 : index
    %get3A_12 = vector.load %arg2[%get3A_10, %get3A_11] : memref<1x2xf32, #tpu.memory_space<vmem>>, vector<1x2xf32>
    %add3A = vector.broadcast %get3A_12 : vector<1x2xf32> to vector<4096x2xf32>
    %add3A_13 = arith.addf %dot_general3A_9, %add3A : vector<4096x2xf32>
    %swap3A = arith.constant 0 : index
    %swap3A_14 = arith.constant 0 : index
    %swap3A_15 = vector.load %arg3[%swap3A, %swap3A_14] : memref<4096x2xf32, #tpu.memory_space<vmem>>, vector<4096x2xf32>
    tpu.vector_store %arg3[%swap3A, %swap3A_14], %add3A_13 {strides = array<i32>} : memref<4096x2xf32, #tpu.memory_space<vmem>>, vector<4096x2xf32>,
    return
  }
}

</mosaic_0001>

<sc_bundles>
// kernel: kernel.4.cloned.1.call-start
scs
__scs_entry_jumppad:
0x0: {  	(pc) =	sbr.rel $0x88, $3  }
0x1: {  	(tag) =	ssettag $0x0;
	lr =	simm.s32 $0x1  }
0x2: {  	[smem:$0x3F9D] =	sst lr;
	_ =	strace $0xD0000000  }
0x3: {  	_ = 	snop  }
0x4: {  	_ = 	snop  }
0x5: {  	_ = 	snop  }
0x6: {  	_ = 	snop  }
0x7: {  	_ = 	snop  }
__scs_overlays_trampoline_lowered:
0x8: {  	[smem:$0x3FAC] =	sst s0  }
0x9: {  	[smem:$0x3FAD] =	sst s1  }
0xa: {  	[smem:$0x3FAE] =	sst s2  }
0xb: {  	[smem:$0x3FAF] =	sst s3  }
0xc: {  	[smem:$0x3FB0] =	sst s4  }
0xd: {  	[smem:$0x3FB1] =	sst s5  }
0xe: {  	[smem:$0x3FB2] =	sst s6  }
0xf: {  	[smem:$0x3FB3] =	sst s7  }
0x10: {  	[smem:$0x3FB4] =	sst s8  }
0x11: {  	[smem:$0x3FB5] =	sst s9;
	s0 =	simm.s32 @!p0 $0x0  }
0x12: {  	s1 =	sld [smem:$0x3F9B];
	s0 =	simm.s32 @p0 $0x1  }
0x13: {  	[smem:$0x3FB6] =	sst s0;
	s0 =	simm.s32 @!p1 $0x0  }
0x14: {  	s2 =	sld [smem:$0x3F9A];
	s0 =	simm.s32 @p1 $0x1  }
0x15: {  	[smem:$0x3FB7] =	sst s0;
	s0 =	simm.s32 @!p2 $0x0  }
0x16: {  	s3 =	sld [smem:$0x3FDB];
	s0 =	simm.s32 @p2 $0x1  }
0x17: {  	s4 =	simm.s32 $0x1BF5;
	[smem:$0x3FB9] =	sst s0  }
0x18: {  	s0 =	sld [smem:$0x3F9C];
	_ =	swait.ge [sflag:s4], $0x0  }
0x19: {  	s7 =	sld [smem:$0x3F9D]  }
0x1a: {  	s8 =	sadd.s32 $0xFFFFE003, lr  }
0x1b: {  	s9 =	sadd.s32 $0xFFFFFEF7, lr;
	s5 =	simm.s32 $0xFFFFFFFF;
	p2 =	slt.u32 s8, $0xFFFFF086  }
0x1c: {  	p1 =	slt.u32 s9, $0xF7A;
	s5 =	simm.s32 @!p2 $0x0  }
0x1d: {  	s5 =	simm.s32 @p1 $0x1;
	p0 =	seq.s32 s7, s2  }
0x1e: {  	s7 =	smul.u32 @!p0 $0xF7A, s2;
	p2 =	seq.s32 @!p0 s5, $0x0  }
0x1f: {  	s9 =	smul.u32 $0xF7A, s1;
	s8 =	simm.s32 @!p0 $0x1BF5;
	p2 =	por !p2, p0  }
0x20: {  	[sflag:s8] =	ssyncset.s32 @!p0 $0xFFFFF086;
	s6 =	sadd.s32 @!p0 s3, s7;
	s7 =	simm.s32 @!p0 $0x108  }
0x21: {  	s3 =	sadd.s32 s3, s9;
	s6 =	sadd.s32 @!p0 $0x88, s6;
	s7 =	simm.s32 @p2 $0x1082  }
0x22: {  	[simem:s7], [sflag:s8] =	dma.local @!p0 [hbm:s6], $0xF7A  }
0x23: {  	s9 =	sor.u32 $0xD0000000, s2;
	s6 =	simm.s32 $0x108;
	_ =	swait.ge @!p0 [sflag:s8], $0x0  }
0x24: {  	s3 =	sadd.s32 $0x88, s3;
	s6 =	simm.s32 @!p1 $0x1082;
	[sflag:s4] =	ssyncset.s32 $0xFFFFF086  }
0x25: {  	[simem:s6], [sflag:s4] =	dma.local [hbm:s3], $0xF7A  }
0x26: {  	[smem:$0x3F9D] =	sst s1;
	(tag) =	ssettag s2;
	_ =	strace s9  }
0x27: {  	s1 =	sld [smem:$0x3FAD]  }
0x28: {  	s2 =	sld [smem:$0x3FAE]  }
0x29: {  	s4 =	sld [smem:$0x3FB0]  }
0x2a: {  	p0 =	seq.s32 s5, $0x0;
	s5 =	sld [smem:$0x3FB1]  }
0x2b: {  	s6 =	sld [smem:$0x3FB2]  }
0x2c: {  	s7 =	sld [smem:$0x3FB3]  }
0x2d: {  	s3 =	simm.s32 $0x108;
	s8 =	sld [smem:$0x3FB4]  }
0x2e: {  	s3 =	simm.s32 @!p0 $0x1082;
	s9 =	sld [smem:$0x3FB5]  }
0x2f: {  	lr =	sadd.s32 s0, s3;
	s0 =	sld [smem:$0x3FAC]  }
0x30: {  	s3 =	sld [smem:$0x3FAF]  }
0x31: {  	[smem:$0x3FB8] =	sst s10  }
0x32: {  	s10 =	sld [smem:$0x3FB6];
	_ =	sdelay $0x3  }
0x33: {  	p0 =	seq.s32 s10, $0x1;
	s10 =	sld [smem:$0x3FB8];
	_ =	sdelay $0x3  }
0x34: {  	[smem:$0x3FB8] =	sst s10  }
0x35: {  	s10 =	sld [smem:$0x3FB7];
	_ =	sdelay $0x3  }
0x36: {  	p1 =	seq.s32 s10, $0x1;
	s10 =	sld [smem:$0x3FB8];
	_ =	sdelay $0x3  }
0x37: {  	[smem:$0x3FB8] =	sst s10  }
0x38: {  	s10 =	sld [smem:$0x3FB9]  }
0x39: {  	_ = 	snop;
	(pc) =	sbr.ind lr, $3  }
0x3a: {  	_ = 	snop  }
0x3b: {  	_ = 	snop  }
0x3c: {  	p2 =	seq.s32 s10, $0x1;
	s10 =	sld [smem:$0x3FB8]  }
0x3d: {  	_ =	shalt  }
0x3e: {  	_ =	shalt  }
0x3f: {  	_ =	shalt  }
0x40: {  	_ =	shalt  }
0x41: {  	_ =	shalt  }
0x42: {  	_ =	shalt  }
0x43: {  	_ =	shalt  }
0x44: {  	_ =	shalt  }
0x45: {  	_ =	shalt  }
0x46: {  	_ =	shalt  }
0x47: {  	_ =	shalt  }
0x48: {  	_ =	shalt  }
0x49: {  	_ =	shalt  }
0x4a: {  	_ =	shalt  }
0x4b: {  	_ =	shalt  }
0x4c: {  	_ =	shalt  }
0x4d: {  	_ =	shalt  }
0x4e: {  	_ =	shalt  }
0x4f: {  	_ =	shalt  }
0x50: {  	_ =	shalt  }
0x51: {  	_ =	shalt  }
0x52: {  	_ =	shalt  }
0x53: {  	_ =	shalt  }
0x54: {  	_ =	shalt  }
0x55: {  	_ =	shalt  }
0x56: {  	_ =	shalt  }
0x57: {  	_ =	shalt  }
0x58: {  	_ =	shalt  }
0x59: {  	_ =	shalt  }
0x5a: {  	_ =	shalt  }
0x5b: {  	_ =	shalt  }
0x5c: {  	_ =	shalt  }
0x5d: {  	_ =	shalt  }
0x5e: {  	_ =	shalt  }
0x5f: {  	_ =	shalt  }
0x60: {  	_ =	shalt  }
0x61: {  	_ =	shalt  }
0x62: {  	_ =	shalt  }
0x63: {  	_ =	shalt  }
0x64: {  	_ =	shalt  }
0x65: {  	_ =	shalt  }
0x66: {  	_ =	shalt  }
0x67: {  	_ =	shalt  }
0x68: {  	_ =	shalt  }
0x69: {  	_ =	shalt  }
0x6a: {  	_ =	shalt  }
0x6b: {  	_ =	shalt  }
0x6c: {  	_ =	shalt  }
0x6d: {  	_ =	shalt  }
0x6e: {  	_ =	shalt  }
0x6f: {  	_ =	shalt  }
0x70: {  	_ =	shalt  }
0x71: {  	_ =	shalt  }
0x72: {  	_ =	shalt  }
0x73: {  	_ =	shalt  }
0x74: {  	_ =	shalt  }
0x75: {  	_ =	shalt  }
0x76: {  	_ =	shalt  }
0x77: {  	_ =	shalt  }
0x78: {  	_ =	shalt  }
0x79: {  	_ =	shalt  }
0x7a: {  	_ =	shalt  }
0x7b: {  	_ =	shalt  }
0x7c: {  	_ =	shalt  }
0x7d: {  	_ =	shalt  }
0x7e: {  	_ =	shalt  }
0x7f: {  	_ =	shalt  }
0x80: {  	_ =	shalt  }
0x81: {  	_ =	shalt  }
0x82: {  	_ =	shalt  }
0x83: {  	_ =	shalt  }
0x84: {  	_ =	shalt  }
0x85: {  	_ =	shalt  }
0x86: {  	_ =	shalt  }
0x87: {  	_ =	shalt  }
.Lfunc_end0:
.L_simem_size_0:
called_computation_lowered:
.L_overlay_start_0:
0x88: {  	s2 =	sld [smem:$0x3FD9]  }
0x89: {  	s3 =	sld [smem:$0x3FFE];
	_ =	sdelay $0x1  }
0x8a: {  	s1 =	srdreg.scid  }
0x8b: {  	s0 =	sand.u32 $0x1, s1  }
0x8c: {  	s17 =	sshll.u32 s0, $0xA;
	s2 =	sadd.s32 s3, s2  }
0x8d: {  	s2 =	sadd.s32 s2, s17  }
0x8e: {  	[smem:$0x3FC4] =	sst s2  }
0x8f: {  	_ = 	snop  }
0x90: {  	s2 =	sld [smem:$0x3FD0];
	(tm) =	ssettm $0x1  }
0x91: {  	s18 =	sld [smem:$0x3FFB];
	_ =	sdelay $0x3  }
0x92: {  	_ =	strace s18  }
0x93: {  	s3 =	sld [smem:$0x3FFC];
	_ =	sdelay $0x3  }
0x94: {  	_ =	strace s3  }
0x95: {  	s3 =	sld [smem:$0x3FFD];
	_ =	sdelay $0x3  }
0x96: {  	_ =	strace s3  }
0x97: {  	_ =	strace $0x8FFFFFFF  }
0x98: {  	s19 =	sld [smem:$0x3FDB];
	_ =	sdelay $0x1  }
0x99: {  	s4 =	simm.s32 $_scs_section_size  }
0x9a: {  	s5 =	simm.s32 $_size__tile_overlayer_lowered;
	s6 =	simm.s32 $_tile_overlayer_lowered  }
0x9b: {  	s22 =	simm.s32 $0x1BFF;
	s21 =	sshll.u32 s6, $0x1;
	s3 =	sadd.s32 s4, s19  }
0x9c: {  	s7 =	simm.s32 $0x0;
	s20 =	sshll.u32 s5, $0x1;
	s5 =	sadd.s32 s21, s3  }
0x9d: {  	[timem:s7], [sflag:s22] =	dma.local [hbm:s5], s20  }
0x9e: {  	_ =	swait.ge [sflag:s22], s20  }
0x9f: {  	s4 =	ssub.s32 $0x0, s20;
	[sflag:s22] =	ssyncset.done $0x0  }
0xa0: {  	[sflag:s22] =	ssyncadd.s32 s4;
	_ =	sdelay $0x1  }
0xa1: {  	s23 =	simm.s32 $0x1B8B  }
0xa2: {  	_ =	swait.ge [sflag:s23], $0x1  }
0xa3: {  	[sflag:s23] =	ssyncset.done $0x0  }
0xa4: {  	s25 =	simm.s32 $0x1B8E;
	s24 =	sld [smem:$0x3FFE];
	[sflag:s23] =	ssyncadd.s32 $0xFFFFFFFF  }
0xa5: {  	s26 =	simm.s32 $execute0_lowered;
	[smem:$0x3FD2] =	sst s25  }
0xa6: {  	s5 =	sshll.u32 s26, $0x1;
	_ =	strace $0x80000046;
	[dreg:$0x1] =	wrdreg $0xFFFFFFFF  }
0xa7: {  	s28 =	simm.s32 $_size_execute0_lowered;
	s3 =	sadd.s32 s3, s5;
	[dreg:$0x0] =	wrdreg $0x0  }
0xa8: {  	s5 =	sshll.u32 s28, $0x1;
	[dreg:$0x2] =	wrdreg s3  }
0xa9: {  	[dreg:$0x3] =	wrdreg s5  }
0xaa: {  	[dreg:$0x4] =	wrdreg $0xC0  }
0xab: {  	_ =	task [dreg:s7], $0x5FFFF  }
0xac: {  	[dreg:$0x1] =	wrdreg $0xFFFFFFFF  }
0xad: {  	[dreg:$0x0] =	wrdreg $0x60  }
0xae: {  	[dreg:$0x2] =	wrdreg s24  }
0xaf: {  	[dreg:$0x3] =	wrdreg s2  }
0xb0: {  	[dreg:$0x4] =	wrdreg $0x185000  }
0xb1: {  	[dreg:$0x5] =	wrdreg $0x9  }
0xb2: {  	_ =	task.clear_ibuf [dreg:s7], $0x6FFFF;
	_ =	strace $0x90000046  }
0xb3: {  	s29 =	simm.s32 $0x9;
	_ =	strace $0x80000048  }
0xb4: {  	_ =	swait.ge [sflag:s29], $0x1  }
0xb5: {  	[sflag:s29] =	ssyncadd.s32 $0xFFFFFFFF  }
0xb6: {  	_ =	strace $0x90000048  }
0xb7: {  	_ =	sfence  }
0xb8: {  	s30 =	sld [smem:$0x0];
	_ =	sdelay $0x2  }
0xb9: {  	s31 =	sshll.u32 s1, $0xD;
	s1 =	sshrl.u32 s1, $0x2  }
0xba: {  	s3 =	sand.u32 $0x4000, s31;
	s1 =	sadd.s32 s1, s30  }
0xbb: {  	s0 =	sor.u32 s3, s0;
	s1 =	sshll.u32 s1, $0x11  }
0xbc: {  	s0 =	sor.u32 s1, s0  }
0xbd: {  	s0 =	sadd.s32 $0x8F2B, s0  }
0xbe: {  	[sflag:s0] =	ssyncadd.remote.s32 $0x1  }
0xbf: {  	_ =	sfence.sel $0xFFFF  }
0xc0: {  	[dreg:$0x0] =	wrdreg $0xFFFFFFFF;
	(pc) =	sbr.abs _section_cstart, $3  }
0xc1: {  	[dreg:$0x1] =	wrdreg $0xFFFFFFFF  }
0xc2: {  	_ =	task.clear_ibuf [dreg:s7], $0x2FFFF;
	_ =	strace $0x9FFFFFFF  }
0xc3: {  	(tm) =	ssettm $0x7FFFFFFF  }
tec
execute0_lowered:
.L_overlay_start_1:
0x0: {  	(tag) =	ssettag $0x1  }
0x1: {  	s0 =	rddreg [dreg:$0x0]  }
0x2: {  	s1 =	srdreg.scid;
	s5 =	rddreg [dreg:$0x1]  }
0x3: {  	s9 =	stileid.u32;
	s2 =	rddreg [dreg:$0x2];
	s10 =	simm.s32 $0x6400  }
0x4: {  	s14 =	simm.s32 $0x6500;
	s31 =	simm.s32 $0xA500;
	s20 =	simm.s32 $0xE500  }
0x5: {  	s17 =	simm.s32 $0x13D00;
	s18 =	simm.s32 $0x14100;
	s19 =	simm.s32 $0x14500  }
0x6: {  	s21 =	simm.s32 $0x14900;
	s22 =	simm.s32 $0x14D00;
	s23 =	simm.s32 $0x15100  }
0x7: {  	s28 =	simm.s32 $0x16100;
	s29 =	simm.s32 $0x1;
	s30 =	simm.s32 $0x100  }
0x8: {  	s11 =	simm.s32 $0x3;
	s15 =	simm.s32 $0x0;
	s1 =	sand.u32 $0x1, s1  }
0x9: {  	s3 =	sshll.u32 s9, $0x1;
	s24 =	sshll.u32 s9, $0x5;
	s25 =	sshll.u32 s9, $0xD  }
0xa: {  	s9 =	simm.s32 $0x12500;
	s6 =	sor.u32 s1, s3;
	s3 =	simm.s32 $0x0  }
0xb: {  	s1 =	ssub.s32 $0x2, s1;
	s5 =	sadd.s32 s5, s24;
	s12 =	sadd.s32 s25, s2  }
0xc: {  	s24 =	simm.s32 $0x15500;
	s25 =	simm.s32 $0x15900;
	s4 =	smul.u32 $0xC80, s6  }
0xd: {  	[smem:$0x7FF] =	sst s3;
	s6 =	sshll.u32 s6, $0xA;
	s8 =	sshrl.u32 s1, $0x1  }
0xe: {  	_ =	strace $0x80000047;
	s1 =	ssub.s32 s1, s8;
	[dreg:$0x5] =	wrdreg s5  }
0xf: {  	s5 =	simm.s32 $0x5;
	s8 =	simm.s32 $0x7;
	[dreg:$0x6] =	wrdreg s12  }
.Ltmp0:
0x10: {  	s7 =	sadd.s32 s4, s0;
	s4 =	sadd.s32 $0xF43400, s0;
	(pc) =	sbr.rel .LBB2_1-.Ltmp0, $4  }
0x11: {  	s0 =	sadd.s32 s6, s0;
	s26 =	smax.u32 s1, $0x1;
	s1 =	simm.s32 $0x2  }
0x12: {  	s6 =	simm.s32 $0x6;
	s7 =	sadd.s32 $0x1000, s7;
	[dreg:$0x8] =	wrdreg s26  }
0x13: {  	s0 =	sadd.s32 $0x1A000, s0;
	s26 =	simm.s32 $0x15D00;
	[dreg:$0x4] =	wrdreg s7  }
0x14: {  	v0 =	vimm.f32 $0.0e+00;
	vm0 =	vmmov $0xffff;
	[dreg:$0x7] =	wrdreg s0;
	s0 =	simm.s32 $0x4;
	s7 =	simm.s32 $0x8  }
.LBB2_6:
0x15: {  	_ =	swait.ge [sflag:s6], $0x4000  }
0x16: {  	[sflag:s6] =	ssyncset.done $0x0  }
0x17: {  	[sflag:s6] =	ssyncadd.s32 $0xFFFFC000  }
0x18: {  	_ =	swait.ge [sflag:s8], $0x4000  }
0x19: {  	[sflag:s8] =	ssyncset.done $0x0  }
0x1a: {  	s12 =	stileid.u32;
	[sflag:s8] =	ssyncadd.s32 $0xFFFFC000  }
0x1b: {  	s12 =	sshll.u32 s12, $0x6;
	_ =	swait.ge [sflag:s7], $0x4000  }
0x1c: {  	s12 =	sor.u32 $0x1C0A, s12;
	[sflag:s7] =	ssyncset.done $0x0;
	s16 =	rddreg [dreg:$0x6]  }
0x1d: {  	s15 =	rddreg [dreg:$0x7];
	[sflag:s7] =	ssyncadd.s32 $0xFFFFC000;
	s13 =	sshrl.u32 s16, $0x3  }
0x1e: {  	[hbm:s15], [sflag:s12] =	dma.local [spmem:s13], $0x400  }
0x1f: {  	s13 =	simm.s32 $0xA  }
0x20: {  	_ =	swait.ge [sflag:s13], $0x400  }
0x21: {  	s12 =	rddreg [dreg:$0x9]  }
0x22: {  	s16 =	rddreg [dreg:$0x8];
	s15 =	sadd.s32 $0x1, s12  }
0x23: {  	p0 =	sne.s32 s15, s16  }
.Ltmp1:
0x24: {  	_ = 	snop;
	(pc) =	sbr.rel @!p0 .LBB2_7-.Ltmp1, $3  }
0x25: {  	_ =	sdelay $0x1  }
0x26: {  	[sflag:s13] =	ssyncset.done $0x0  }
0x27: {  	[sflag:s13] =	ssyncadd.s32 $0xFFFFFC00  }
.LBB2_1:
0x28: {  	[dreg:$0x9] =	wrdreg s15  }
0x29: {  	s12 =	rddreg [dreg:$0x4]  }
0x2a: {  	[tilespmem:s3], [sflag:$0x9] =	stream.linear.gather [hbm4b:s12+s3], $0x6400, $0x38;
	[tilespmem:$0x1A500] =	vst v63  }
0x2b: {  	s16 =	rddreg [dreg:$0x5];
	s13 =	simm.s32 $0x100;
	s12 =	simm.s32 $0x0  }
0x2c: {  	[tilespmem:s10], [sflag:$0x9] =	stream.linear.gather [hbm4b:s16+s3], $0x100, $0x38;
	[tilespmem:$0x1A500] =	vst v63  }
.LBB2_2:
0x2d: {  	p0 =	sne.s32 s13, $0x7F00;
	[tilespmem:s12+$0x16530] =	vst v0;
	s15 =	smov.u32 s13;
	s13 =	sadd.s32 $0x100, s13  }
.Ltmp2:
0x2e: {  	[tilespmem:s12+$0x16520] =	vst v0;
	(pc) =	sbr.rel @p0 .LBB2_2-.Ltmp2, $3  }
0x2f: {  	[tilespmem:s12+$0x16500] =	vst v0  }
0x30: {  	[tilespmem:s12+$0x16510] =	vst v0;
	_ =	sdelay $0x1  }
0x31: {  	s12 =	sshra.s32 s15, $0x2  }
0x32: {  	[tilespmem:s12+$0x16530] =	vst v0  }
0x33: {  	[tilespmem:s12+$0x16520] =	vst v0  }
0x34: {  	[tilespmem:s12+$0x16500] =	vst v0  }
0x35: {  	[tilespmem:s12+$0x16510] =	vst v0;
	s13 =	rddreg [dreg:$0x6];
	s16 =	simm.s32 $0x16500  }
0x36: {  	[spmem:s13] =	stream.linear.scatter [tilespmem:s16], [sflag:$0xA], $0x2000, $0x38;
	[tilespmem:$0x1A500] =	vst v63  }
0x37: {  	s13 =	simm.s32 $0xA  }
0x38: {  	_ =	swait.ge [sflag:s13], $0x2000  }
0x39: {  	[sflag:s13] =	ssyncset.done $0x0  }
0x3a: {  	s15 =	simm.s32 $0x9;
	[sflag:s13] =	ssyncadd.s32 $0xFFFFE000  }
0x3b: {  	_ =	swait.ge [sflag:s15], $0x6400  }
0x3c: {  	[sflag:s15] =	ssyncset.done $0x0  }
0x3d: {  	[sflag:s15] =	ssyncadd.s32 $0xFFFF9C00  }
0x3e: {  	_ =	swait.ge [sflag:s15], $0x100  }
0x3f: {  	[sflag:s15] =	ssyncset.done $0x0  }
0x40: {  	[sflag:s15] =	ssyncadd.s32 $0xFFFFFF00  }
0x41: {  	v1 =	vld [tilespmem:$0x0];
	_ =	sdelay $0x7  }
0x42: {  	[tilespmem:s14], [sflag:$0x1] =	stream.indirect_vreg.gather [hbm4b:s4+s3], $0x40, v1, vm0, $0xb8;
	[tilespmem:$0x1A500] =	vst v63  }
0x43: {  	v1 =	vld [tilespmem:$0x10];
	_ =	sdelay $0x6  }
0x44: {  	s15 =	simm.s32 $0x6900  }
0x45: {  	[tilespmem:s15], [sflag:$0x1] =	stream.indirect_vreg.gather [hbm4b:s4+s3], $0x40, v1, vm0, $0xb8;
	[tilespmem:$0x1A500] =	vst v63  }
0x46: {  	v1 =	vld [tilespmem:$0x20];
	_ =	sdelay $0x6  }
0x47: {  	s16 =	simm.s32 $0x6D00  }
0x48: {  	[tilespmem:s16], [sflag:$0x1] =	stream.indirect_vreg.gather [hbm4b:s4+s3], $0x40, v1, vm0, $0xb8;
	[tilespmem:$0x1A500] =	vst v63  }
0x49: {  	v1 =	vld [tilespmem:$0x30];
	_ =	sdelay $0x6  }
0x4a: {  	s13 =	simm.s32 $0x7100  }
0x4b: {  	[tilespmem:s13], [sflag:$0x1] =	stream.indirect_vreg.gather [hbm4b:s4+s3], $0x40, v1, vm0, $0xb8;
	[tilespmem:$0x1A500] =	vst v63  }
0x4c: {  	v1 =	vld [tilespmem:$0x40];
	_ =	sdelay $0x6  }
0x4d: {  	s16 =	simm.s32 $0x7500  }
0x4e: {  	[tilespmem:s16], [sflag:$0x1] =	stream.indirect_vreg.gather [hbm4b:s4+s3], $0x40, v1, vm0, $0xb8;
	[tilespmem:$0x1A500] =	vst v63  }
0x4f: {  	v1 =	vld [tilespmem:$0x50];
	_ =	sdelay $0x6  }
0x50: {  	s13 =	simm.s32 $0x7900  }
0x51: {  	[tilespmem:s13], [sflag:$0x1] =	stream.indirect_vreg.gather [hbm4b:s4+s3], $0x40, v1, vm0, $0xb8;
	[tilespmem:$0x1A500] =	vst v63  }
0x52: {  	v1 =	vld [tilespmem:$0x60];
	_ =	sdelay $0x6  }
0x53: {  	s16 =	simm.s32 $0x7D00  }
0x54: {  	[tilespmem:s16], [sflag:$0x1] =	stream.indirect_vreg.gather [hbm4b:s4+s3], $0x40, v1, vm0, $0xb8;
	[tilespmem:$0x1A500] =	vst v63  }
0x55: {  	v1 =	vld [tilespmem:$0x70];
	_ =	sdelay $0x6  }
0x56: {  	s13 =	simm.s32 $0x8100  }
0x57: {  	[tilespmem:s13], [sflag:$0x1] =	stream.indirect_vreg.gather [hbm4b:s4+s3], $0x40, v1, vm0, $0xb8;
	[tilespmem:$0x1A500] =	vst v63  }
0x58: {  	v1 =	vld [tilespmem:$0x80];
	_ =	sdelay $0x6  }
0x59: {  	s16 =	simm.s32 $0x8500  }
0x5a: {  	[tilespmem:s16], [sflag:$0x1] =	stream.indirect_vreg.gather [hbm4b:s4+s3], $0x40, v1, vm0, $0xb8;
	[tilespmem:$0x1A500] =	vst v63  }
0x5b: {  	v1 =	vld [tilespmem:$0x90];
	_ =	sdelay $0x6  }
0x5c: {  	s13 =	simm.s32 $0x8900  }
0x5d: {  	[tilespmem:s13], [sflag:$0x1] =	stream.indirect_vreg.gather [hbm4b:s4+s3], $0x40, v1, vm0, $0xb8;
	[tilespmem:$0x1A500] =	vst v63  }
0x5e: {  	v1 =	vld [tilespmem:$0xA0];
	_ =	sdelay $0x6  }
0x5f: {  	s16 =	simm.s32 $0x8D00  }
0x60: {  	[tilespmem:s16], [sflag:$0x1] =	stream.indirect_vreg.gather [hbm4b:s4+s3], $0x40, v1, vm0, $0xb8;
	[tilespmem:$0x1A500] =	vst v63  }
0x61: {  	v1 =	vld [tilespmem:$0xB0];
	_ =	sdelay $0x6  }
0x62: {  	s13 =	simm.s32 $0x9100  }
0x63: {  	[tilespmem:s13], [sflag:$0x1] =	stream.indirect_vreg.gather [hbm4b:s4+s3], $0x40, v1, vm0, $0xb8;
	[tilespmem:$0x1A500] =	vst v63  }
0x64: {  	v1 =	vld [tilespmem:$0xC0];
	_ =	sdelay $0x6  }
0x65: {  	s16 =	simm.s32 $0x9500  }
0x66: {  	[tilespmem:s16], [sflag:$0x1] =	stream.indirect_vreg.gather [hbm4b:s4+s3], $0x40, v1, vm0, $0xb8;
	[tilespmem:$0x1A500] =	vst v63  }
0x67: {  	v1 =	vld [tilespmem:$0xD0];
	_ =	sdelay $0x6  }
0x68: {  	s13 =	simm.s32 $0x9900  }
0x69: {  	[tilespmem:s13], [sflag:$0x1] =	stream.indirect_vreg.gather [hbm4b:s4+s3], $0x40, v1, vm0, $0xb8;
	[tilespmem:$0x1A500] =	vst v63  }
0x6a: {  	v1 =	vld [tilespmem:$0xE0];
	_ =	sdelay $0x6  }
0x6b: {  	s16 =	simm.s32 $0x9D00  }
0x6c: {  	[tilespmem:s16], [sflag:$0x1] =	stream.indirect_vreg.gather [hbm4b:s4+s3], $0x40, v1, vm0, $0xb8;
	[tilespmem:$0x1A500] =	vst v63  }
0x6d: {  	v1 =	vld [tilespmem:$0xF0];
	_ =	sdelay $0x6  }
0x6e: {  	s13 =	simm.s32 $0xA100  }
0x6f: {  	[tilespmem:s13], [sflag:$0x1] =	stream.indirect_vreg.gather [hbm4b:s4+s3], $0x40, v1, vm0, $0xb8;
	[tilespmem:$0x1A500] =	vst v63  }
0x70: {  	v1 =	vld [tilespmem:$0x100];
	_ =	sdelay $0x7  }
0x71: {  	[tilespmem:s31], [sflag:$0x2] =	stream.indirect_vreg.gather [hbm4b:s4+s3], $0x40, v1, vm0, $0xb8;
	[tilespmem:$0x1A500] =	vst v63  }
0x72: {  	v1 =	vld [tilespmem:$0x110];
	_ =	sdelay $0x6  }
0x73: {  	s16 =	simm.s32 $0xA900  }
0x74: {  	[tilespmem:s16], [sflag:$0x2] =	stream.indirect_vreg.gather [hbm4b:s4+s3], $0x40, v1, vm0, $0xb8;
	[tilespmem:$0x1A500] =	vst v63  }
0x75: {  	v1 =	vld [tilespmem:$0x120];
	_ =	sdelay $0x6  }
0x76: {  	s13 =	simm.s32 $0xAD00  }
0x77: {  	[tilespmem:s13], [sflag:$0x2] =	stream.indirect_vreg.gather [hbm4b:s4+s3], $0x40, v1, vm0, $0xb8;
	[tilespmem:$0x1A500] =	vst v63  }
0x78: {  	v1 =	vld [tilespmem:$0x130];
	_ =	sdelay $0x6  }
0x79: {  	s16 =	simm.s32 $0xB100  }
0x7a: {  	[tilespmem:s16], [sflag:$0x2] =	stream.indirect_vreg.gather [hbm4b:s4+s3], $0x40, v1, vm0, $0xb8;
	[tilespmem:$0x1A500] =	vst v63  }
0x7b: {  	v1 =	vld [tilespmem:$0x140];
	_ =	sdelay $0x6  }
0x7c: {  	s13 =	simm.s32 $0xB500  }
0x7d: {  	[tilespmem:s13], [sflag:$0x2] =	stream.indirect_vreg.gather [hbm4b:s4+s3], $0x40, v1, vm0, $0xb8;
	[tilespmem:$0x1A500] =	vst v63  }
0x7e: {  	v1 =	vld [tilespmem:$0x150];
	_ =	sdelay $0x6  }
0x7f: {  	s16 =	simm.s32 $0xB900  }
0x80: {  	[tilespmem:s16], [sflag:$0x2] =	stream.indirect_vreg.gather [hbm4b:s4+s3], $0x40, v1, vm0, $0xb8;
	[tilespmem:$0x1A500] =	vst v63  }
0x81: {  	v1 =	vld [tilespmem:$0x160];
	_ =	sdelay $0x6  }
0x82: {  	s13 =	simm.s32 $0xBD00  }
0x83: {  	[tilespmem:s13], [sflag:$0x2] =	stream.indirect_vreg.gather [hbm4b:s4+s3], $0x40, v1, vm0, $0xb8;
	[tilespmem:$0x1A500] =	vst v63  }
0x84: {  	v1 =	vld [tilespmem:$0x170];
	_ =	sdelay $0x6  }
0x85: {  	s16 =	simm.s32 $0xC100  }
0x86: {  	[tilespmem:s16], [sflag:$0x2] =	stream.indirect_vreg.gather [hbm4b:s4+s3], $0x40, v1, vm0, $0xb8;
	[tilespmem:$0x1A500] =	vst v63  }
0x87: {  	v1 =	vld [tilespmem:$0x180];
	_ =	sdelay $0x6  }
0x88: {  	s13 =	simm.s32 $0xC500  }
0x89: {  	[tilespmem:s13], [sflag:$0x2] =	stream.indirect_vreg.gather [hbm4b:s4+s3], $0x40, v1, vm0, $0xb8;
	[tilespmem:$0x1A500] =	vst v63  }
0x8a: {  	v1 =	vld [tilespmem:$0x190];
	_ =	sdelay $0x6  }
0x8b: {  	s16 =	simm.s32 $0xC900  }
0x8c: {  	[tilespmem:s16], [sflag:$0x2] =	stream.indirect_vreg.gather [hbm4b:s4+s3], $0x40, v1, vm0, $0xb8;
	[tilespmem:$0x1A500] =	vst v63  }
0x8d: {  	v1 =	vld [tilespmem:$0x1A0];
	_ =	sdelay $0x6  }
0x8e: {  	s13 =	simm.s32 $0xCD00  }
0x8f: {  	[tilespmem:s13], [sflag:$0x2] =	stream.indirect_vreg.gather [hbm4b:s4+s3], $0x40, v1, vm0, $0xb8;
	[tilespmem:$0x1A500] =	vst v63  }
0x90: {  	v1 =	vld [tilespmem:$0x1B0];
	_ =	sdelay $0x6  }
0x91: {  	s16 =	simm.s32 $0xD100  }
0x92: {  	[tilespmem:s16], [sflag:$0x2] =	stream.indirect_vreg.gather [hbm4b:s4+s3], $0x40, v1, vm0, $0xb8;
	[tilespmem:$0x1A500] =	vst v63  }
0x93: {  	v1 =	vld [tilespmem:$0x1C0];
	_ =	sdelay $0x6  }
0x94: {  	s13 =	simm.s32 $0xD500  }
0x95: {  	[tilespmem:s13], [sflag:$0x2] =	stream.indirect_vreg.gather [hbm4b:s4+s3], $0x40, v1, vm0, $0xb8;
	[tilespmem:$0x1A500] =	vst v63  }
0x96: {  	v1 =	vld [tilespmem:$0x1D0];
	_ =	sdelay $0x6  }
0x97: {  	s16 =	simm.s32 $0xD900  }
0x98: {  	[tilespmem:s16], [sflag:$0x2] =	stream.indirect_vreg.gather [hbm4b:s4+s3], $0x40, v1, vm0, $0xb8;
	[tilespmem:$0x1A500] =	vst v63  }
0x99: {  	v1 =	vld [tilespmem:$0x1E0];
	_ =	sdelay $0x6  }
0x9a: {  	s13 =	simm.s32 $0xDD00  }
0x9b: {  	[tilespmem:s13], [sflag:$0x2] =	stream.indirect_vreg.gather [hbm4b:s4+s3], $0x40, v1, vm0, $0xb8;
	[tilespmem:$0x1A500] =	vst v63  }
0x9c: {  	v1 =	vld [tilespmem:$0x1F0];
	_ =	sdelay $0x6  }
0x9d: {  	s16 =	simm.s32 $0xE100  }
0x9e: {  	[tilespmem:s16], [sflag:$0x2] =	stream.indirect_vreg.gather [hbm4b:s4+s3], $0x40, v1, vm0, $0xb8;
	[tilespmem:$0x1A500] =	vst v63  }
0x9f: {  	v1 =	vld [tilespmem:$0x200];
	_ =	sdelay $0x7  }
0xa0: {  	[tilespmem:s20], [sflag:$0x3] =	stream.indirect_vreg.gather [hbm4b:s4+s3], $0x40, v1, vm0, $0xb8;
	[tilespmem:$0x1A500] =	vst v63  }
0xa1: {  	v1 =	vld [tilespmem:$0x210];
	_ =	sdelay $0x6  }
0xa2: {  	s13 =	simm.s32 $0xE900  }
0xa3: {  	[tilespmem:s13], [sflag:$0x3] =	stream.indirect_vreg.gather [hbm4b:s4+s3], $0x40, v1, vm0, $0xb8;
	[tilespmem:$0x1A500] =	vst v63  }
0xa4: {  	v1 =	vld [tilespmem:$0x220];
	_ =	sdelay $0x6  }
0xa5: {  	s16 =	simm.s32 $0xED00  }
0xa6: {  	[tilespmem:s16], [sflag:$0x3] =	stream.indirect_vreg.gather [hbm4b:s4+s3], $0x40, v1, vm0, $0xb8;
	[tilespmem:$0x1A500] =	vst v63  }
0xa7: {  	v1 =	vld [tilespmem:$0x230];
	_ =	sdelay $0x6  }
0xa8: {  	s13 =	simm.s32 $0xF100  }
0xa9: {  	[tilespmem:s13], [sflag:$0x3] =	stream.indirect_vreg.gather [hbm4b:s4+s3], $0x40, v1, vm0, $0xb8;
	[tilespmem:$0x1A500] =	vst v63  }
0xaa: {  	v1 =	vld [tilespmem:$0x240];
	_ =	sdelay $0x6  }
0xab: {  	s16 =	simm.s32 $0xF500  }
0xac: {  	[tilespmem:s16], [sflag:$0x3] =	stream.indirect_vreg.gather [hbm4b:s4+s3], $0x40, v1, vm0, $0xb8;
	[tilespmem:$0x1A500] =	vst v63  }
0xad: {  	v1 =	vld [tilespmem:$0x250];
	_ =	sdelay $0x6  }
0xae: {  	s13 =	simm.s32 $0xF900  }
0xaf: {  	[tilespmem:s13], [sflag:$0x3] =	stream.indirect_vreg.gather [hbm4b:s4+s3], $0x40, v1, vm0, $0xb8;
	[tilespmem:$0x1A500] =	vst v63  }
0xb0: {  	v1 =	vld [tilespmem:$0x260];
	_ =	sdelay $0x6  }
0xb1: {  	s16 =	simm.s32 $0xFD00  }
0xb2: {  	[tilespmem:s16], [sflag:$0x3] =	stream.indirect_vreg.gather [hbm4b:s4+s3], $0x40, v1, vm0, $0xb8;
	[tilespmem:$0x1A500] =	vst v63  }
0xb3: {  	v1 =	vld [tilespmem:$0x270];
	_ =	sdelay $0x6  }
0xb4: {  	s13 =	simm.s32 $0x10100  }
0xb5: {  	[tilespmem:s13], [sflag:$0x3] =	stream.indirect_vreg.gather [hbm4b:s4+s3], $0x40, v1, vm0, $0xb8;
	[tilespmem:$0x1A500] =	vst v63  }
0xb6: {  	v1 =	vld [tilespmem:$0x280];
	_ =	sdelay $0x6  }
0xb7: {  	s16 =	simm.s32 $0x10500  }
0xb8: {  	[tilespmem:s16], [sflag:$0x3] =	stream.indirect_vreg.gather [hbm4b:s4+s3], $0x40, v1, vm0, $0xb8;
	[tilespmem:$0x1A500] =	vst v63  }
0xb9: {  	v1 =	vld [tilespmem:$0x290];
	_ =	sdelay $0x6  }
0xba: {  	s13 =	simm.s32 $0x10900  }
0xbb: {  	[tilespmem:s13], [sflag:$0x3] =	stream.indirect_vreg.gather [hbm4b:s4+s3], $0x40, v1, vm0, $0xb8;
	[tilespmem:$0x1A500] =	vst v63  }
0xbc: {  	v1 =	vld [tilespmem:$0x2A0];
	_ =	sdelay $0x6  }
0xbd: {  	s16 =	simm.s32 $0x10D00  }
0xbe: {  	[tilespmem:s16], [sflag:$0x3] =	stream.indirect_vreg.gather [hbm4b:s4+s3], $0x40, v1, vm0, $0xb8;
	[tilespmem:$0x1A500] =	vst v63  }
0xbf: {  	v1 =	vld [tilespmem:$0x2B0];
	_ =	sdelay $0x6  }
0xc0: {  	s13 =	simm.s32 $0x11100  }
0xc1: {  	[tilespmem:s13], [sflag:$0x3] =	stream.indirect_vreg.gather [hbm4b:s4+s3], $0x40, v1, vm0, $0xb8;
	[tilespmem:$0x1A500] =	vst v63  }
0xc2: {  	v1 =	vld [tilespmem:$0x2C0];
	_ =	sdelay $0x6  }
0xc3: {  	s16 =	simm.s32 $0x11500  }
0xc4: {  	[tilespmem:s16], [sflag:$0x3] =	stream.indirect_vreg.gather [hbm4b:s4+s3], $0x40, v1, vm0, $0xb8;
	[tilespmem:$0x1A500] =	vst v63  }
0xc5: {  	v1 =	vld [tilespmem:$0x2D0];
	_ =	sdelay $0x6  }
0xc6: {  	s13 =	simm.s32 $0x11900  }
0xc7: {  	[tilespmem:s13], [sflag:$0x3] =	stream.indirect_vreg.gather [hbm4b:s4+s3], $0x40, v1, vm0, $0xb8;
	[tilespmem:$0x1A500] =	vst v63  }
0xc8: {  	v1 =	vld [tilespmem:$0x2E0];
	_ =	sdelay $0x6  }
0xc9: {  	s16 =	simm.s32 $0x11D00  }
0xca: {  	[tilespmem:s16], [sflag:$0x3] =	stream.indirect_vreg.gather [hbm4b:s4+s3], $0x40, v1, vm0, $0xb8;
	[tilespmem:$0x1A500] =	vst v63  }
0xcb: {  	v1 =	vld [tilespmem:$0x2F0];
	_ =	sdelay $0x6  }
0xcc: {  	s13 =	simm.s32 $0x12100  }
0xcd: {  	[tilespmem:s13], [sflag:$0x3] =	stream.indirect_vreg.gather [hbm4b:s4+s3], $0x40, v1, vm0, $0xb8;
	[tilespmem:$0x1A500] =	vst v63  }
0xce: {  	v1 =	vld [tilespmem:$0x300];
	_ =	sdelay $0x7  }
0xcf: {  	[tilespmem:s9], [sflag:$0x4] =	stream.indirect_vreg.gather [hbm4b:s4+s3], $0x40, v1, vm0, $0xb8;
	[tilespmem:$0x1A500] =	vst v63  }
0xd0: {  	v1 =	vld [tilespmem:$0x310];
	_ =	sdelay $0x6  }
0xd1: {  	s16 =	simm.s32 $0x12900  }
0xd2: {  	[tilespmem:s16], [sflag:$0x4] =	stream.indirect_vreg.gather [hbm4b:s4+s3], $0x40, v1, vm0, $0xb8;
	[tilespmem:$0x1A500] =	vst v63  }
0xd3: {  	v1 =	vld [tilespmem:$0x320];
	_ =	sdelay $0x6  }
0xd4: {  	s13 =	simm.s32 $0x12D00  }
0xd5: {  	[tilespmem:s13], [sflag:$0x4] =	stream.indirect_vreg.gather [hbm4b:s4+s3], $0x40, v1, vm0, $0xb8;
	[tilespmem:$0x1A500] =	vst v63  }
0xd6: {  	v1 =	vld [tilespmem:$0x330];
	_ =	sdelay $0x6  }
0xd7: {  	s16 =	simm.s32 $0x13100  }
0xd8: {  	[tilespmem:s16], [sflag:$0x4] =	stream.indirect_vreg.gather [hbm4b:s4+s3], $0x40, v1, vm0, $0xb8;
	[tilespmem:$0x1A500] =	vst v63  }
0xd9: {  	v1 =	vld [tilespmem:$0x340];
	_ =	sdelay $0x6  }
0xda: {  	s13 =	simm.s32 $0x13500  }
0xdb: {  	[tilespmem:s13], [sflag:$0x4] =	stream.indirect_vreg.gather [hbm4b:s4+s3], $0x40, v1, vm0, $0xb8;
	[tilespmem:$0x1A500] =	vst v63  }
0xdc: {  	v1 =	vld [tilespmem:$0x350];
	_ =	sdelay $0x6  }
0xdd: {  	s16 =	simm.s32 $0x13900  }
0xde: {  	[tilespmem:s16], [sflag:$0x4] =	stream.indirect_vreg.gather [hbm4b:s4+s3], $0x40, v1, vm0, $0xb8;
	[tilespmem:$0x1A500] =	vst v63  }
0xdf: {  	v1 =	vld [tilespmem:$0x360];
	_ =	sdelay $0x7  }
0xe0: {  	[tilespmem:s17], [sflag:$0x4] =	stream.indirect_vreg.gather [hbm4b:s4+s3], $0x40, v1, vm0, $0xb8;
	[tilespmem:$0x1A500] =	vst v63  }
0xe1: {  	v1 =	vld [tilespmem:$0x370];
	_ =	sdelay $0x7  }
0xe2: {  	[tilespmem:s18], [sflag:$0x4] =	stream.indirect_vreg.gather [hbm4b:s4+s3], $0x40, v1, vm0, $0xb8;
	[tilespmem:$0x1A500] =	vst v63  }
0xe3: {  	v1 =	vld [tilespmem:$0x380];
	_ =	sdelay $0x7  }
0xe4: {  	[tilespmem:s19], [sflag:$0x4] =	stream.indirect_vreg.gather [hbm4b:s4+s3], $0x40, v1, vm0, $0xb8;
	[tilespmem:$0x1A500] =	vst v63  }
0xe5: {  	v1 =	vld [tilespmem:$0x390];
	_ =	sdelay $0x7  }
0xe6: {  	[tilespmem:s21], [sflag:$0x4] =	stream.indirect_vreg.gather [hbm4b:s4+s3], $0x40, v1, vm0, $0xb8;
	[tilespmem:$0x1A500] =	vst v63  }
0xe7: {  	v1 =	vld [tilespmem:$0x3A0];
	_ =	sdelay $0x7  }
0xe8: {  	[tilespmem:s22], [sflag:$0x4] =	stream.indirect_vreg.gather [hbm4b:s4+s3], $0x40, v1, vm0, $0xb8;
	[tilespmem:$0x1A500] =	vst v63  }
0xe9: {  	v1 =	vld [tilespmem:$0x3B0];
	_ =	sdelay $0x7  }
0xea: {  	[tilespmem:s23], [sflag:$0x4] =	stream.indirect_vreg.gather [hbm4b:s4+s3], $0x40, v1, vm0, $0xb8;
	[tilespmem:$0x1A500] =	vst v63  }
0xeb: {  	v1 =	vld [tilespmem:$0x3C0];
	_ =	sdelay $0x7  }
0xec: {  	[tilespmem:s24], [sflag:$0x4] =	stream.indirect_vreg.gather [hbm4b:s4+s3], $0x40, v1, vm0, $0xb8;
	[tilespmem:$0x1A500] =	vst v63  }
0xed: {  	v1 =	vld [tilespmem:$0x3D0];
	_ =	sdelay $0x7  }
0xee: {  	[tilespmem:s25], [sflag:$0x4] =	stream.indirect_vreg.gather [hbm4b:s4+s3], $0x40, v1, vm0, $0xb8;
	[tilespmem:$0x1A500] =	vst v63  }
0xef: {  	v1 =	vld [tilespmem:$0x3E0];
	_ =	sdelay $0x7  }
0xf0: {  	[tilespmem:s26], [sflag:$0x4] =	stream.indirect_vreg.gather [hbm4b:s4+s3], $0x40, v1, vm0, $0xb8;
	[tilespmem:$0x1A500] =	vst v63  }
0xf1: {  	v1 =	vld [tilespmem:$0x3F0];
	_ =	sdelay $0x6  }
0xf2: {  	s12 =	simm.s32 $0x1FC0  }
0xf3: {  	[tilespmem:s28], [sflag:$0x4] =	stream.indirect_vreg.gather [hbm4b:s4+s3], $0x40, v1, vm0, $0xb8;
	[tilespmem:$0x1A500] =	vst v63  }
.LBB2_4:
0xf4: {  	_ =	swait.ge [sflag:s29], $0x4000  }
0xf5: {  	[sflag:s29] =	ssyncset.done $0x0  }
0xf6: {  	[sflag:s29] =	ssyncadd.s32 $0xFFFFC000  }
0xf7: {  	[spmem:s2] =	stream.indirect.scatter.add.f32 [tilespmem:s14], [sflag:$0x5], $0x40, s10, s30, $0xb8;
	[tilespmem:$0x1A500] =	vst v63  }
0xf8: {  	_ =	swait.ge [sflag:s1], $0x4000  }
0xf9: {  	[sflag:s1] =	ssyncset.done $0x0  }
0xfa: {  	[sflag:s1] =	ssyncadd.s32 $0xFFFFC000  }
0xfb: {  	[spmem:s2] =	stream.indirect.scatter.add.f32 [tilespmem:s31], [sflag:$0x6], $0x40, s10, s30, $0xb8;
	[tilespmem:$0x1A500] =	vst v63  }
0xfc: {  	_ =	swait.ge [sflag:s11], $0x4000  }
0xfd: {  	[sflag:s11] =	ssyncset.done $0x0  }
0xfe: {  	[sflag:s11] =	ssyncadd.s32 $0xFFFFC000  }
0xff: {  	[spmem:s2] =	stream.indirect.scatter.add.f32 [tilespmem:s20], [sflag:$0x7], $0x40, s10, s30, $0xb8;
	[tilespmem:$0x1A500] =	vst v63  }
0x100: {  	_ =	swait.ge [sflag:s0], $0x4000  }
0x101: {  	p0 =	seq.s32 s12, $0x19FC0;
	[sflag:s0] =	ssyncset.done $0x0  }
.Ltmp3:
0x102: {  	[sflag:s0] =	ssyncadd.s32 $0xFFFFC000;
	(pc) =	sbr.rel @p0 .LBB2_6-.Ltmp3, $4  }
0x103: {  	[spmem:s2] =	stream.indirect.scatter.add.f32 [tilespmem:s9], [sflag:$0x8], $0x40, s10, s30, $0xb8;
	[tilespmem:$0x1A500] =	vst v63  }
0x104: {  	_ =	swait.ge [sflag:s5], $0x4000  }
0x105: {  	[sflag:s5] =	ssyncset.done $0x0  }
0x106: {  	[sflag:s5] =	ssyncadd.s32 $0xFFFFC000  }
0x107: {  	s13 =	sshra.s32 s12, $0x2  }
0x108: {  	v1 =	vld [tilespmem:s13+$0xFFFFFC10];
	_ =	sdelay $0x7  }
0x109: {  	[tilespmem:s14], [sflag:$0x1] =	stream.indirect_vreg.gather [hbm4b:s4+s3], $0x40, v1, vm0, $0xb8;
	[tilespmem:$0x1A500] =	vst v63  }
0x10a: {  	v1 =	vld [tilespmem:s13+$0xFFFFFC20];
	_ =	sdelay $0x7  }
0x10b: {  	[tilespmem:s15], [sflag:$0x1] =	stream.indirect_vreg.gather [hbm4b:s4+s3], $0x40, v1, vm0, $0xb8;
	[tilespmem:$0x1A500] =	vst v63  }
0x10c: {  	v1 =	vld [tilespmem:s13+$0xFFFFFC30];
	_ =	sdelay $0x6  }
0x10d: {  	s16 =	simm.s32 $0x6D00  }
0x10e: {  	[tilespmem:s16], [sflag:$0x1] =	stream.indirect_vreg.gather [hbm4b:s4+s3], $0x40, v1, vm0, $0xb8;
	[tilespmem:$0x1A500] =	vst v63  }
0x10f: {  	v1 =	vld [tilespmem:s13+$0xFFFFFC40];
	_ =	sdelay $0x6  }
0x110: {  	s16 =	simm.s32 $0x7100  }
0x111: {  	[tilespmem:s16], [sflag:$0x1] =	stream.indirect_vreg.gather [hbm4b:s4+s3], $0x40, v1, vm0, $0xb8;
	[tilespmem:$0x1A500] =	vst v63  }
0x112: {  	v1 =	vld [tilespmem:s13+$0xFFFFFC50];
	_ =	sdelay $0x6  }
0x113: {  	s16 =	simm.s32 $0x7500  }
0x114: {  	[tilespmem:s16], [sflag:$0x1] =	stream.indirect_vreg.gather [hbm4b:s4+s3], $0x40, v1, vm0, $0xb8;
	[tilespmem:$0x1A500] =	vst v63  }
0x115: {  	v1 =	vld [tilespmem:s13+$0xFFFFFC60];
	_ =	sdelay $0x6  }
0x116: {  	s16 =	simm.s32 $0x7900  }
0x117: {  	[tilespmem:s16], [sflag:$0x1] =	stream.indirect_vreg.gather [hbm4b:s4+s3], $0x40, v1, vm0, $0xb8;
	[tilespmem:$0x1A500] =	vst v63  }
0x118: {  	v1 =	vld [tilespmem:s13+$0xFFFFFC70];
	_ =	sdelay $0x6  }
0x119: {  	s16 =	simm.s32 $0x7D00  }
0x11a: {  	[tilespmem:s16], [sflag:$0x1] =	stream.indirect_vreg.gather [hbm4b:s4+s3], $0x40, v1, vm0, $0xb8;
	[tilespmem:$0x1A500] =	vst v63  }
0x11b: {  	v1 =	vld [tilespmem:s13+$0xFFFFFC80];
	_ =	sdelay $0x6  }
0x11c: {  	s16 =	simm.s32 $0x8100  }
0x11d: {  	[tilespmem:s16], [sflag:$0x1] =	stream.indirect_vreg.gather [hbm4b:s4+s3], $0x40, v1, vm0, $0xb8;
	[tilespmem:$0x1A500] =	vst v63  }
0x11e: {  	v1 =	vld [tilespmem:s13+$0xFFFFFC90];
	_ =	sdelay $0x6  }
0x11f: {  	s16 =	simm.s32 $0x8500  }
0x120: {  	[tilespmem:s16], [sflag:$0x1] =	stream.indirect_vreg.gather [hbm4b:s4+s3], $0x40, v1, vm0, $0xb8;
	[tilespmem:$0x1A500] =	vst v63  }
0x121: {  	v1 =	vld [tilespmem:s13+$0xFFFFFCA0];
	_ =	sdelay $0x6  }
0x122: {  	s16 =	simm.s32 $0x8900  }
0x123: {  	[tilespmem:s16], [sflag:$0x1] =	stream.indirect_vreg.gather [hbm4b:s4+s3], $0x40, v1, vm0, $0xb8;
	[tilespmem:$0x1A500] =	vst v63  }
0x124: {  	v1 =	vld [tilespmem:s13+$0xFFFFFCB0];
	_ =	sdelay $0x6  }
0x125: {  	s16 =	simm.s32 $0x8D00  }
0x126: {  	[tilespmem:s16], [sflag:$0x1] =	stream.indirect_vreg.gather [hbm4b:s4+s3], $0x40, v1, vm0, $0xb8;
	[tilespmem:$0x1A500] =	vst v63  }
0x127: {  	v1 =	vld [tilespmem:s13+$0xFFFFFCC0];
	_ =	sdelay $0x6  }
0x128: {  	s16 =	simm.s32 $0x9100  }
0x129: {  	[tilespmem:s16], [sflag:$0x1] =	stream.indirect_vreg.gather [hbm4b:s4+s3], $0x40, v1, vm0, $0xb8;
	[tilespmem:$0x1A500] =	vst v63  }
0x12a: {  	v1 =	vld [tilespmem:s13+$0xFFFFFCD0];
	_ =	sdelay $0x6  }
0x12b: {  	s16 =	simm.s32 $0x9500  }
0x12c: {  	[tilespmem:s16], [sflag:$0x1] =	stream.indirect_vreg.gather [hbm4b:s4+s3], $0x40, v1, vm0, $0xb8;
	[tilespmem:$0x1A500] =	vst v63  }
0x12d: {  	v1 =	vld [tilespmem:s13+$0xFFFFFCE0];
	_ =	sdelay $0x6  }
0x12e: {  	s16 =	simm.s32 $0x9900  }
0x12f: {  	[tilespmem:s16], [sflag:$0x1] =	stream.indirect_vreg.gather [hbm4b:s4+s3], $0x40, v1, vm0, $0xb8;
	[tilespmem:$0x1A500] =	vst v63  }
0x130: {  	v1 =	vld [tilespmem:s13+$0xFFFFFCF0];
	_ =	sdelay $0x6  }
0x131: {  	s16 =	simm.s32 $0x9D00  }
0x132: {  	[tilespmem:s16], [sflag:$0x1] =	stream.indirect_vreg.gather [hbm4b:s4+s3], $0x40, v1, vm0, $0xb8;
	[tilespmem:$0x1A500] =	vst v63  }
0x133: {  	v1 =	vld [tilespmem:s13+$0xFFFFFD00];
	_ =	sdelay $0x6  }
0x134: {  	s16 =	simm.s32 $0xA100  }
0x135: {  	[tilespmem:s16], [sflag:$0x1] =	stream.indirect_vreg.gather [hbm4b:s4+s3], $0x40, v1, vm0, $0xb8;
	[tilespmem:$0x1A500] =	vst v63  }
0x136: {  	_ =	swait.ge [sflag:s6], $0x4000  }
0x137: {  	[sflag:s6] =	ssyncset.done $0x0  }
0x138: {  	[sflag:s6] =	ssyncadd.s32 $0xFFFFC000  }
0x139: {  	v1 =	vld [tilespmem:s13+$0xFFFFFD10];
	_ =	sdelay $0x7  }
0x13a: {  	[tilespmem:s31], [sflag:$0x2] =	stream.indirect_vreg.gather [hbm4b:s4+s3], $0x40, v1, vm0, $0xb8;
	[tilespmem:$0x1A500] =	vst v63  }
0x13b: {  	v1 =	vld [tilespmem:s13+$0xFFFFFD20];
	_ =	sdelay $0x6  }
0x13c: {  	s16 =	simm.s32 $0xA900  }
0x13d: {  	[tilespmem:s16], [sflag:$0x2] =	stream.indirect_vreg.gather [hbm4b:s4+s3], $0x40, v1, vm0, $0xb8;
	[tilespmem:$0x1A500] =	vst v63  }
0x13e: {  	v1 =	vld [tilespmem:s13+$0xFFFFFD30];
	_ =	sdelay $0x6  }
0x13f: {  	s16 =	simm.s32 $0xAD00  }
0x140: {  	[tilespmem:s16], [sflag:$0x2] =	stream.indirect_vreg.gather [hbm4b:s4+s3], $0x40, v1, vm0, $0xb8;
	[tilespmem:$0x1A500] =	vst v63  }
0x141: {  	v1 =	vld [tilespmem:s13+$0xFFFFFD40];
	_ =	sdelay $0x6  }
0x142: {  	s16 =	simm.s32 $0xB100  }
0x143: {  	[tilespmem:s16], [sflag:$0x2] =	stream.indirect_vreg.gather [hbm4b:s4+s3], $0x40, v1, vm0, $0xb8;
	[tilespmem:$0x1A500] =	vst v63  }
0x144: {  	v1 =	vld [tilespmem:s13+$0xFFFFFD50];
	_ =	sdelay $0x6  }
0x145: {  	s16 =	simm.s32 $0xB500  }
0x146: {  	[tilespmem:s16], [sflag:$0x2] =	stream.indirect_vreg.gather [hbm4b:s4+s3], $0x40, v1, vm0, $0xb8;
	[tilespmem:$0x1A500] =	vst v63  }
0x147: {  	v1 =	vld [tilespmem:s13+$0xFFFFFD60];
	_ =	sdelay $0x6  }
0x148: {  	s16 =	simm.s32 $0xB900  }
0x149: {  	[tilespmem:s16], [sflag:$0x2] =	stream.indirect_vreg.gather [hbm4b:s4+s3], $0x40, v1, vm0, $0xb8;
	[tilespmem:$0x1A500] =	vst v63  }
0x14a: {  	v1 =	vld [tilespmem:s13+$0xFFFFFD70];
	_ =	sdelay $0x6  }
0x14b: {  	s16 =	simm.s32 $0xBD00  }
0x14c: {  	[tilespmem:s16], [sflag:$0x2] =	stream.indirect_vreg.gather [hbm4b:s4+s3], $0x40, v1, vm0, $0xb8;
	[tilespmem:$0x1A500] =	vst v63  }
0x14d: {  	v1 =	vld [tilespmem:s13+$0xFFFFFD80];
	_ =	sdelay $0x6  }
0x14e: {  	s16 =	simm.s32 $0xC100  }
0x14f: {  	[tilespmem:s16], [sflag:$0x2] =	stream.indirect_vreg.gather [hbm4b:s4+s3], $0x40, v1, vm0, $0xb8;
	[tilespmem:$0x1A500] =	vst v63  }
0x150: {  	v1 =	vld [tilespmem:s13+$0xFFFFFD90];
	_ =	sdelay $0x6  }
0x151: {  	s16 =	simm.s32 $0xC500  }
0x152: {  	[tilespmem:s16], [sflag:$0x2] =	stream.indirect_vreg.gather [hbm4b:s4+s3], $0x40, v1, vm0, $0xb8;
	[tilespmem:$0x1A500] =	vst v63  }
0x153: {  	v1 =	vld [tilespmem:s13+$0xFFFFFDA0];
	_ =	sdelay $0x6  }
0x154: {  	s16 =	simm.s32 $0xC900  }
0x155: {  	[tilespmem:s16], [sflag:$0x2] =	stream.indirect_vreg.gather [hbm4b:s4+s3], $0x40, v1, vm0, $0xb8;
	[tilespmem:$0x1A500] =	vst v63  }
0x156: {  	v1 =	vld [tilespmem:s13+$0xFFFFFDB0];
	_ =	sdelay $0x6  }
0x157: {  	s16 =	simm.s32 $0xCD00  }
0x158: {  	[tilespmem:s16], [sflag:$0x2] =	stream.indirect_vreg.gather [hbm4b:s4+s3], $0x40, v1, vm0, $0xb8;
	[tilespmem:$0x1A500] =	vst v63  }
0x159: {  	v1 =	vld [tilespmem:s13+$0xFFFFFDC0];
	_ =	sdelay $0x6  }
0x15a: {  	s16 =	simm.s32 $0xD100  }
0x15b: {  	[tilespmem:s16], [sflag:$0x2] =	stream.indirect_vreg.gather [hbm4b:s4+s3], $0x40, v1, vm0, $0xb8;
	[tilespmem:$0x1A500] =	vst v63  }
0x15c: {  	v1 =	vld [tilespmem:s13+$0xFFFFFDD0];
	_ =	sdelay $0x6  }
0x15d: {  	s16 =	simm.s32 $0xD500  }
0x15e: {  	[tilespmem:s16], [sflag:$0x2] =	stream.indirect_vreg.gather [hbm4b:s4+s3], $0x40, v1, vm0, $0xb8;
	[tilespmem:$0x1A500] =	vst v63  }
0x15f: {  	v1 =	vld [tilespmem:s13+$0xFFFFFDE0];
	_ =	sdelay $0x6  }
0x160: {  	s16 =	simm.s32 $0xD900  }
0x161: {  	[tilespmem:s16], [sflag:$0x2] =	stream.indirect_vreg.gather [hbm4b:s4+s3], $0x40, v1, vm0, $0xb8;
	[tilespmem:$0x1A500] =	vst v63  }
0x162: {  	v1 =	vld [tilespmem:s13+$0xFFFFFDF0];
	_ =	sdelay $0x6  }
0x163: {  	s16 =	simm.s32 $0xDD00  }
0x164: {  	[tilespmem:s16], [sflag:$0x2] =	stream.indirect_vreg.gather [hbm4b:s4+s3], $0x40, v1, vm0, $0xb8;
	[tilespmem:$0x1A500] =	vst v63  }
0x165: {  	v1 =	vld [tilespmem:s13+$0xFFFFFE00];
	_ =	sdelay $0x6  }
0x166: {  	s16 =	simm.s32 $0xE100  }
0x167: {  	[tilespmem:s16], [sflag:$0x2] =	stream.indirect_vreg.gather [hbm4b:s4+s3], $0x40, v1, vm0, $0xb8;
	[tilespmem:$0x1A500] =	vst v63  }
0x168: {  	_ =	swait.ge [sflag:s8], $0x4000  }
0x169: {  	[sflag:s8] =	ssyncset.done $0x0  }
0x16a: {  	[sflag:s8] =	ssyncadd.s32 $0xFFFFC000  }
0x16b: {  	v1 =	vld [tilespmem:s13+$0xFFFFFE10];
	_ =	sdelay $0x7  }
0x16c: {  	[tilespmem:s20], [sflag:$0x3] =	stream.indirect_vreg.gather [hbm4b:s4+s3], $0x40, v1, vm0, $0xb8;
	[tilespmem:$0x1A500] =	vst v63  }
0x16d: {  	v1 =	vld [tilespmem:s13+$0xFFFFFE20];
	_ =	sdelay $0x6  }
0x16e: {  	s16 =	simm.s32 $0xE900  }
0x16f: {  	[tilespmem:s16], [sflag:$0x3] =	stream.indirect_vreg.gather [hbm4b:s4+s3], $0x40, v1, vm0, $0xb8;
	[tilespmem:$0x1A500] =	vst v63  }
0x170: {  	v1 =	vld [tilespmem:s13+$0xFFFFFE30];
	_ =	sdelay $0x6  }
0x171: {  	s16 =	simm.s32 $0xED00  }
0x172: {  	[tilespmem:s16], [sflag:$0x3] =	stream.indirect_vreg.gather [hbm4b:s4+s3], $0x40, v1, vm0, $0xb8;
	[tilespmem:$0x1A500] =	vst v63  }
0x173: {  	v1 =	vld [tilespmem:s13+$0xFFFFFE40];
	_ =	sdelay $0x6  }
0x174: {  	s16 =	simm.s32 $0xF100  }
0x175: {  	[tilespmem:s16], [sflag:$0x3] =	stream.indirect_vreg.gather [hbm4b:s4+s3], $0x40, v1, vm0, $0xb8;
	[tilespmem:$0x1A500] =	vst v63  }
0x176: {  	v1 =	vld [tilespmem:s13+$0xFFFFFE50];
	_ =	sdelay $0x6  }
0x177: {  	s16 =	simm.s32 $0xF500  }
0x178: {  	[tilespmem:s16], [sflag:$0x3] =	stream.indirect_vreg.gather [hbm4b:s4+s3], $0x40, v1, vm0, $0xb8;
	[tilespmem:$0x1A500] =	vst v63  }
0x179: {  	v1 =	vld [tilespmem:s13+$0xFFFFFE60];
	_ =	sdelay $0x6  }
0x17a: {  	s16 =	simm.s32 $0xF900  }
0x17b: {  	[tilespmem:s16], [sflag:$0x3] =	stream.indirect_vreg.gather [hbm4b:s4+s3], $0x40, v1, vm0, $0xb8;
	[tilespmem:$0x1A500] =	vst v63  }
0x17c: {  	v1 =	vld [tilespmem:s13+$0xFFFFFE70];
	_ =	sdelay $0x6  }
0x17d: {  	s16 =	simm.s32 $0xFD00  }
0x17e: {  	[tilespmem:s16], [sflag:$0x3] =	stream.indirect_vreg.gather [hbm4b:s4+s3], $0x40, v1, vm0, $0xb8;
	[tilespmem:$0x1A500] =	vst v63  }
0x17f: {  	v1 =	vld [tilespmem:s13+$0xFFFFFE80];
	_ =	sdelay $0x6  }
0x180: {  	s16 =	simm.s32 $0x10100  }
0x181: {  	[tilespmem:s16], [sflag:$0x3] =	stream.indirect_vreg.gather [hbm4b:s4+s3], $0x40, v1, vm0, $0xb8;
	[tilespmem:$0x1A500] =	vst v63  }
0x182: {  	v1 =	vld [tilespmem:s13+$0xFFFFFE90];
	_ =	sdelay $0x6  }
0x183: {  	s16 =	simm.s32 $0x10500  }
0x184: {  	[tilespmem:s16], [sflag:$0x3] =	stream.indirect_vreg.gather [hbm4b:s4+s3], $0x40, v1, vm0, $0xb8;
	[tilespmem:$0x1A500] =	vst v63  }
0x185: {  	v1 =	vld [tilespmem:s13+$0xFFFFFEA0];
	_ =	sdelay $0x6  }
0x186: {  	s16 =	simm.s32 $0x10900  }
0x187: {  	[tilespmem:s16], [sflag:$0x3] =	stream.indirect_vreg.gather [hbm4b:s4+s3], $0x40, v1, vm0, $0xb8;
	[tilespmem:$0x1A500] =	vst v63  }
0x188: {  	v1 =	vld [tilespmem:s13+$0xFFFFFEB0];
	_ =	sdelay $0x6  }
0x189: {  	s16 =	simm.s32 $0x10D00  }
0x18a: {  	[tilespmem:s16], [sflag:$0x3] =	stream.indirect_vreg.gather [hbm4b:s4+s3], $0x40, v1, vm0, $0xb8;
	[tilespmem:$0x1A500] =	vst v63  }
0x18b: {  	v1 =	vld [tilespmem:s13+$0xFFFFFEC0];
	_ =	sdelay $0x6  }
0x18c: {  	s16 =	simm.s32 $0x11100  }
0x18d: {  	[tilespmem:s16], [sflag:$0x3] =	stream.indirect_vreg.gather [hbm4b:s4+s3], $0x40, v1, vm0, $0xb8;
	[tilespmem:$0x1A500] =	vst v63  }
0x18e: {  	v1 =	vld [tilespmem:s13+$0xFFFFFED0];
	_ =	sdelay $0x6  }
0x18f: {  	s16 =	simm.s32 $0x11500  }
0x190: {  	[tilespmem:s16], [sflag:$0x3] =	stream.indirect_vreg.gather [hbm4b:s4+s3], $0x40, v1, vm0, $0xb8;
	[tilespmem:$0x1A500] =	vst v63  }
0x191: {  	v1 =	vld [tilespmem:s13+$0xFFFFFEE0];
	_ =	sdelay $0x6  }
0x192: {  	s16 =	simm.s32 $0x11900  }
0x193: {  	[tilespmem:s16], [sflag:$0x3] =	stream.indirect_vreg.gather [hbm4b:s4+s3], $0x40, v1, vm0, $0xb8;
	[tilespmem:$0x1A500] =	vst v63  }
0x194: {  	v1 =	vld [tilespmem:s13+$0xFFFFFEF0];
	_ =	sdelay $0x6  }
0x195: {  	s16 =	simm.s32 $0x11D00  }
0x196: {  	[tilespmem:s16], [sflag:$0x3] =	stream.indirect_vreg.gather [hbm4b:s4+s3], $0x40, v1, vm0, $0xb8;
	[tilespmem:$0x1A500] =	vst v63  }
0x197: {  	v1 =	vld [tilespmem:s13+$0xFFFFFF00];
	_ =	sdelay $0x6  }
0x198: {  	s16 =	simm.s32 $0x12100  }
0x199: {  	[tilespmem:s16], [sflag:$0x3] =	stream.indirect_vreg.gather [hbm4b:s4+s3], $0x40, v1, vm0, $0xb8;
	[tilespmem:$0x1A500] =	vst v63  }
0x19a: {  	_ =	swait.ge [sflag:s7], $0x4000  }
0x19b: {  	[sflag:s7] =	ssyncset.done $0x0  }
0x19c: {  	[sflag:s7] =	ssyncadd.s32 $0xFFFFC000  }
0x19d: {  	v1 =	vld [tilespmem:s13+$0xFFFFFF10];
	_ =	sdelay $0x7  }
0x19e: {  	[tilespmem:s9], [sflag:$0x4] =	stream.indirect_vreg.gather [hbm4b:s4+s3], $0x40, v1, vm0, $0xb8;
	[tilespmem:$0x1A500] =	vst v63  }
0x19f: {  	v1 =	vld [tilespmem:s13+$0xFFFFFF20];
	_ =	sdelay $0x6  }
0x1a0: {  	s16 =	simm.s32 $0x12900  }
0x1a1: {  	[tilespmem:s16], [sflag:$0x4] =	stream.indirect_vreg.gather [hbm4b:s4+s3], $0x40, v1, vm0, $0xb8;
	[tilespmem:$0x1A500] =	vst v63  }
0x1a2: {  	v1 =	vld [tilespmem:s13+$0xFFFFFF30];
	_ =	sdelay $0x6  }
0x1a3: {  	s16 =	simm.s32 $0x12D00  }
0x1a4: {  	[tilespmem:s16], [sflag:$0x4] =	stream.indirect_vreg.gather [hbm4b:s4+s3], $0x40, v1, vm0, $0xb8;
	[tilespmem:$0x1A500] =	vst v63  }
0x1a5: {  	v1 =	vld [tilespmem:s13+$0xFFFFFF40];
	_ =	sdelay $0x6  }
0x1a6: {  	s16 =	simm.s32 $0x13100  }
0x1a7: {  	[tilespmem:s16], [sflag:$0x4] =	stream.indirect_vreg.gather [hbm4b:s4+s3], $0x40, v1, vm0, $0xb8;
	[tilespmem:$0x1A500] =	vst v63  }
0x1a8: {  	v1 =	vld [tilespmem:s13+$0xFFFFFF50];
	_ =	sdelay $0x6  }
0x1a9: {  	s16 =	simm.s32 $0x13500  }
0x1aa: {  	[tilespmem:s16], [sflag:$0x4] =	stream.indirect_vreg.gather [hbm4b:s4+s3], $0x40, v1, vm0, $0xb8;
	[tilespmem:$0x1A500] =	vst v63  }
0x1ab: {  	v1 =	vld [tilespmem:s13+$0xFFFFFF60];
	_ =	sdelay $0x6  }
0x1ac: {  	s16 =	simm.s32 $0x13900  }
0x1ad: {  	[tilespmem:s16], [sflag:$0x4] =	stream.indirect_vreg.gather [hbm4b:s4+s3], $0x40, v1, vm0, $0xb8;
	[tilespmem:$0x1A500] =	vst v63  }
0x1ae: {  	v1 =	vld [tilespmem:s13+$0xFFFFFF70];
	_ =	sdelay $0x7  }
0x1af: {  	[tilespmem:s17], [sflag:$0x4] =	stream.indirect_vreg.gather [hbm4b:s4+s3], $0x40, v1, vm0, $0xb8;
	[tilespmem:$0x1A500] =	vst v63  }
0x1b0: {  	v1 =	vld [tilespmem:s13+$0xFFFFFF80];
	_ =	sdelay $0x7  }
0x1b1: {  	[tilespmem:s18], [sflag:$0x4] =	stream.indirect_vreg.gather [hbm4b:s4+s3], $0x40, v1, vm0, $0xb8;
	[tilespmem:$0x1A500] =	vst v63  }
0x1b2: {  	v1 =	vld [tilespmem:s13+$0xFFFFFF90];
	_ =	sdelay $0x7  }
0x1b3: {  	[tilespmem:s19], [sflag:$0x4] =	stream.indirect_vreg.gather [hbm4b:s4+s3], $0x40, v1, vm0, $0xb8;
	[tilespmem:$0x1A500] =	vst v63  }
0x1b4: {  	v1 =	vld [tilespmem:s13+$0xFFFFFFA0];
	_ =	sdelay $0x7  }
0x1b5: {  	[tilespmem:s21], [sflag:$0x4] =	stream.indirect_vreg.gather [hbm4b:s4+s3], $0x40, v1, vm0, $0xb8;
	[tilespmem:$0x1A500] =	vst v63  }
0x1b6: {  	v1 =	vld [tilespmem:s13+$0xFFFFFFB0];
	_ =	sdelay $0x7  }
0x1b7: {  	[tilespmem:s22], [sflag:$0x4] =	stream.indirect_vreg.gather [hbm4b:s4+s3], $0x40, v1, vm0, $0xb8;
	[tilespmem:$0x1A500] =	vst v63  }
0x1b8: {  	v1 =	vld [tilespmem:s13+$0xFFFFFFC0];
	_ =	sdelay $0x7  }
0x1b9: {  	[tilespmem:s23], [sflag:$0x4] =	stream.indirect_vreg.gather [hbm4b:s4+s3], $0x40, v1, vm0, $0xb8;
	[tilespmem:$0x1A500] =	vst v63  }
0x1ba: {  	v1 =	vld [tilespmem:s13+$0xFFFFFFD0];
	_ =	sdelay $0x7  }
0x1bb: {  	[tilespmem:s24], [sflag:$0x4] =	stream.indirect_vreg.gather [hbm4b:s4+s3], $0x40, v1, vm0, $0xb8;
	[tilespmem:$0x1A500] =	vst v63  }
0x1bc: {  	v1 =	vld [tilespmem:s13+$0xFFFFFFE0];
	_ =	sdelay $0x7  }
0x1bd: {  	[tilespmem:s25], [sflag:$0x4] =	stream.indirect_vreg.gather [hbm4b:s4+s3], $0x40, v1, vm0, $0xb8;
	[tilespmem:$0x1A500] =	vst v63  }
0x1be: {  	v1 =	vld [tilespmem:s13+$0xFFFFFFF0];
	_ =	sdelay $0x7  }
0x1bf: {  	[tilespmem:s26], [sflag:$0x4] =	stream.indirect_vreg.gather [hbm4b:s4+s3], $0x40, v1, vm0, $0xb8;
	[tilespmem:$0x1A500] =	vst v63  }
0x1c0: {  	v1 =	vld [tilespmem:s13+$0x0];
	_ =	sdelay $0x3  }
.Ltmp4:
0x1c1: {  	_ = 	snop;
	(pc) =	sbr.rel .LBB2_4-.Ltmp4, $3  }
0x1c2: {  	_ =	sdelay $0x1  }
0x1c3: {  	s12 =	sadd.s32 $0x1000, s12  }
0x1c4: {  	[tilespmem:s28], [sflag:$0x4] =	stream.indirect_vreg.gather [hbm4b:s4+s3], $0x40, v1, vm0, $0xb8;
	[tilespmem:$0x1A500] =	vst v63  }
.LBB2_7:
0x1c5: {  	_ =	sfence.sel $0x180000  }
0x1c6: {  	[bflag:$0x0] =	sbarrier.arrive $0xFFFF  }
0x1c7: {  	_ =	strace $0x90000047  }
0x1c8: {  	s0 =	stileid.u32;
	[bflag:$0x2] =	sbarrier.arrive $0xFFFF  }
0x1c9: {  	p0 =	sne.s32 s0, $0x0;
	s0 =	rddreg [dreg:$0x3]  }
0x1ca: {  	s0 =	sadd.s32 @!p0 $0x100000, s0  }
0x1cb: {  	[sflag:s0] =	ssyncadd.tile.s32 @!p0 $0x1;
	_ =	shalt  }
.Lfunc_end2:
_tile_overlayer_lowered:
.L_overlay_start_2:
0x1cc: {  	(tag) =	ssettag $0x2  }
0x1cd: {  	s0 =	rddreg [dreg:$0x0];
	s2 =	stileid.u32  }
0x1ce: {  	s1 =	rddreg [dreg:$0x1];
	p0 =	sne.s32 s2, $0x0  }
0x1cf: {  	s3 =	rddreg [dreg:$0x2];
	[bflag:$0x3] =	sbarrier.arrive $0xFFFF;
	s2 =	simm.s32 @!p0 $0x1C0A  }
0x1d0: {  	[timem:s3], [sflag:s2] =	dma.local @!p0 [hbm:s0], s1  }
0x1d1: {  	s0 =	simm.s32 @!p0 $0xA  }
0x1d2: {  	_ =	swait.ge @!p0 [sflag:s0], s1  }
0x1d3: {  	s1 =	ssub.s32 @!p0 $0x0, s1;
	[sflag:s0] =	ssyncset.done @!p0 $0x0  }
0x1d4: {  	[sflag:s0] =	ssyncadd.s32 @!p0 s1  }
0x1d5: {  	[bflag:$0x3] =	sbarrier.arrive $0xFFFF  }
0x1d6: {  	_ =	shalt  }

</sc_bundles>
